<compile_context>
chip_gen: v7x
topology: tpu7x:2x2x1
jax: 0.10.2.dev20260603
libtpu: 0.0.44.dev20260713+nightly
codegen_flags: <defaults>
</compile_context>

<pallas_src>
import jax
import jax.numpy as jnp
from jax import lax
from jax.experimental import pallas as pl
from jax.experimental.pallas import tpu as pltpu
from jax.experimental.pallas import tpu_sc as plsc

_B = 8192
_E = 16
_D = 2048
_NC = 2
_NS = 16
_NW = _NC * _NS
_BPW = _B // _NW
_GRP = _BPW // 16
_DP = _D // 2
_U = 2
_CH = 2
_TE = 2048


def _sc_body(in_hbm, out_hbm,
             table_v, iw_v, wf_v, i0_v, i1_v, wn0_v, wn1_v,
             outbuf_a, outbuf_b, outbuf_c, sem_a, sem_b, sem_c):
    wid = lax.axis_index("s") * _NC + lax.axis_index("c")
    base = wid * _BPW
    lane = lax.iota(jnp.int32, 16)

    cp_t = pltpu.async_copy(in_hbm.at[pl.ds(4 * _B, _E * _DP)], table_v,
                            sem_a)
    cp_i = pltpu.async_copy(in_hbm.at[pl.ds(base * 2, _BPW * 2)], iw_v,
                            sem_b)
    cp_w = pltpu.async_copy(in_hbm.at[pl.ds(2 * _B + base * 2, _BPW * 2)],
                            wf_v, sem_b)
    cp_i.wait()
    cp_w.wait()
    cp_t.wait()

    for gg in range(_GRP):
        pair = lane * 2 + gg * 32
        i0 = plsc.load_gather(iw_v, [pair])
        i1 = plsc.load_gather(iw_v, [pair + 1])
        w0 = plsc.bitcast(plsc.load_gather(wf_v, [pair]), jnp.float32)
        w1 = plsc.bitcast(plsc.load_gather(wf_v, [pair + 1]), jnp.float32)
        total = w0 + w1
        denom = jnp.where(total > 0.0, total, 1.0)
        i0_v[pl.ds(gg * 16, 16)] = i0 * _DP
        i1_v[pl.ds(gg * 16, 16)] = i1 * _DP
        wn0_v[pl.ds(gg * 16, 16)] = w0 / denom
        wn1_v[pl.ds(gg * 16, 16)] = w1 / denom

    bufs = (outbuf_a, outbuf_b, outbuf_c)
    sems = (sem_a, sem_b, sem_c)
    pending = [None, None, None]
    for g in range(_GRP):
        slot = g % 3
        outbuf_v = bufs[slot]
        if pending[slot] is not None:
            pending[slot].wait()

        def token_body(tl, carry, outbuf_v=outbuf_v, g=g):
            t = g * 16 + tl
            wn0s = wn0_v[pl.ds(t, 16)][0]
            wn1s = wn1_v[pl.ds(t, 16)][0]
            b0 = i0_v[pl.ds(t, 16)][0]
            b1 = i1_v[pl.ds(t, 16)][0]

            @plsc.parallel_loop(0, _DP, _CH * 16, unroll=_U)
            def _(m):
                for j in range(_CH):
                    mj = m + j * 16
                    p0 = plsc.bitcast(table_v[pl.ds(b0 + mj, 16)],
                                      jnp.bfloat16)
                    p1 = plsc.bitcast(table_v[pl.ds(b1 + mj, 16)],
                                      jnp.bfloat16)
                    a0, h0 = plsc.unpack(p0, format=plsc.PackFormat.INTERLEAVED)
                    a1, h1 = plsc.unpack(p1, format=plsc.PackFormat.INTERLEAVED)
                    c = mj * 2
                    outbuf_v[tl, pl.ds(c, 16)] = a0 * wn0s + a1 * wn1s
                    outbuf_v[tl, pl.ds(c + 16, 16)] = h0 * wn0s + h1 * wn1s

            return carry

        lax.fori_loop(0, 16, token_body, 0)
        pending[slot] = pltpu.async_copy(
            outbuf_v, out_hbm.at[pl.ds(base + g * 16, 16)],
            sems[slot])

    for p in pending:
        if p is not None:
            p.wait()


def _eff_body(idx_ref, w_ref, v_ref, eff_ref):
    i = pl.program_id(0)
    v = v_ref[...]
    gram = lax.dot_general(v, v, (((1,), (1,)), ((), ())),
                           preferred_element_type=jnp.float32)
    idx = idx_ref[...]
    w = w_ref[...]
    total = w[:, 0:1] + w[:, 1:2]
    denom = jnp.where(total > 0.0, total, 1.0)
    wn = w / denom
    e = lax.broadcasted_iota(jnp.int32, (idx.shape[0], _E), 1)
    oh0 = jnp.where(idx[:, 0:1] == e, 1.0, 0.0)
    oh1 = jnp.where(idx[:, 1:2] == e, 1.0, 0.0)
    r0 = jnp.dot(oh0, gram, preferred_element_type=jnp.float32)
    g00 = jnp.sum(r0 * oh0, axis=1)
    g01 = jnp.sum(r0 * oh1, axis=1)
    r1 = jnp.dot(oh1, gram, preferred_element_type=jnp.float32)
    g11 = jnp.sum(r1 * oh1, axis=1)
    wn0 = wn[:, 0]
    wn1 = wn[:, 1]
    nsq = wn0 * wn0 * g00 + 2.0 * wn0 * wn1 * g01 + wn1 * wn1 * g11
    s = jnp.reshape(jnp.sum(jnp.sqrt(jnp.maximum(nsq, 0.0))), (1, 1))

    @pl.when(i == 0)
    def _():
        eff_ref[...] = s

    @pl.when(i > 0)
    def _():
        eff_ref[...] += s


def _pack_table(vertices):
    vr = vertices.reshape(_E, _D // 32, 2, 16).astype(jnp.bfloat16)
    bits = lax.bitcast_convert_type(vr, jnp.uint16).astype(jnp.uint32)
    packed = bits[:, :, 0, :] | (bits[:, :, 1, :] << 16)
    return lax.bitcast_convert_type(packed, jnp.int32).reshape(-1)


def kernel(expert_indices, expert_weights, vertices):
    sc_f = pl.kernel(
        _sc_body,
        out_type=jax.ShapeDtypeStruct((_B, _D), jnp.float32),
        mesh=plsc.VectorSubcoreMesh(core_axis_name="c", subcore_axis_name="s"),
        compiler_params=pltpu.CompilerParams(needs_layout_passes=False),
        scratch_types=[
            pltpu.VMEM((_E * _DP,), jnp.int32),
            pltpu.VMEM((_BPW * 2,), jnp.int32),
            pltpu.VMEM((_BPW * 2,), jnp.int32),
            pltpu.VMEM((_BPW + 16,), jnp.int32),
            pltpu.VMEM((_BPW + 16,), jnp.int32),
            pltpu.VMEM((_BPW + 16,), jnp.float32),
            pltpu.VMEM((_BPW + 16,), jnp.float32),
            pltpu.VMEM((16, _D), jnp.float32),
            pltpu.VMEM((16, _D), jnp.float32),
            pltpu.VMEM((16, _D), jnp.float32),
            pltpu.SemaphoreType.DMA,
            pltpu.SemaphoreType.DMA,
            pltpu.SemaphoreType.DMA,
        ],
    )
    packed_in = jnp.concatenate([
        expert_indices.reshape(-1),
        lax.bitcast_convert_type(expert_weights, jnp.int32).reshape(-1),
        _pack_table(vertices),
    ])
    path = sc_f(packed_in)

    effsum = pl.pallas_call(
        _eff_body,
        grid=(_B // _TE,),
        in_specs=[
            pl.BlockSpec((_TE, 2), lambda i: (i, 0)),
            pl.BlockSpec((_TE, 2), lambda i: (i, 0)),
            pl.BlockSpec((_E, _D), lambda i: (0, 0)),
        ],
        out_specs=pl.BlockSpec((1, 1), lambda i: (0, 0)),
        out_shape=jax.ShapeDtypeStruct((1, 1), jnp.float32),
    )(expert_indices, expert_weights, vertices)

    return path, effsum[0, 0] * (1.0 / _B)

# --- scband reference (transcript-rebuilt; emitter-appended) ---
"""Pipeline reference for scband-amplituedro-90177133347655 (READ-ONLY COPY).

The authoritative reference and input builder live on the scoring server;
editing this copy changes nothing except your own understanding.
"""

import jax, jax.numpy as jnp
import numpy as np

NUM_EXPERTS = 16
D_MODEL = 2048
BATCH = 8192
TOP_K = 2

def setup_inputs(seed: int = 0) -> dict:
    key = jax.random.key(seed)
    k1, k2, k3 = jax.random.split(key, 3)
    expert_indices = jax.random.randint(k1, (BATCH, TOP_K), 0, NUM_EXPERTS, dtype=jnp.int64 if jax.config.jax_enable_x64 else jnp.int32).astype(jnp.int32)
    expert_weights = jax.random.uniform(k2, (BATCH, TOP_K), dtype=jnp.float32)
    vertices = jax.random.normal(k3, (NUM_EXPERTS, D_MODEL), dtype=jnp.float32)
    return {"expert_indices": expert_indices, "expert_weights": expert_weights, "vertices": vertices}

def reference(expert_indices, expert_weights, vertices):
    num_experts = vertices.shape[0]
    # mask out-of-range experts (faithful to `if idx < self.num_experts`)
    mask = (expert_indices < num_experts).astype(expert_weights.dtype)
    wm = expert_weights * mask
    # gather expert vertices: [B, K, d]
    idx = jnp.clip(expert_indices, 0, num_experts - 1)
    gathered = jnp.take(vertices, idx, axis=0)
    # weighted sum over selected experts -> path [B, d]
    path = jnp.einsum('bk,bkd->bd', wm, gathered)
    total_weight = jnp.sum(wm, axis=1, keepdims=True)
    path = jnp.where(total_weight > 0, path / jnp.where(total_weight > 0, total_weight, 1.0), path)
    efficiency = jnp.mean(jnp.linalg.norm(path, axis=-1))
    return (path, efficiency)

if __name__ == "__main__":
    import jax
    _d = setup_inputs()
    print(jax.jit(kernel)(*tuple(_d.values())))

</pallas_src>

<mosaic_0001>
#map = affine_map<(d0, d1) -> (0)>
#map1 = affine_map<(d0, d1) -> (0, 0)>
module attributes {stable_mosaic.version = 14 : i64} {
  func.func @_sc_body(%arg0: i32, %arg1: i32, %arg2: memref<49152xi32, #tpu.memory_space<hbm>>, %arg3: memref<8192x2048xf32, #tpu.memory_space<hbm>>, %arg4: memref<16384xi32, #tpu.memory_space<vmem>>, %arg5: memref<512xi32, #tpu.memory_space<vmem>>, %arg6: memref<512xi32, #tpu.memory_space<vmem>>, %arg7: memref<272xi32, #tpu.memory_space<vmem>>, %arg8: memref<272xi32, #tpu.memory_space<vmem>>, %arg9: memref<272xf32, #tpu.memory_space<vmem>>, %arg10: memref<272xf32, #tpu.memory_space<vmem>>, %arg11: memref<16x2048xf32, #tpu.memory_space<vmem>>, %arg12: memref<16x2048xf32, #tpu.memory_space<vmem>>, %arg13: memref<16x2048xf32, #tpu.memory_space<vmem>>, %arg14: memref<!tpu.dma_semaphore, #tpu.memory_space<semaphore_mem>>, %arg15: memref<!tpu.dma_semaphore, #tpu.memory_space<semaphore_mem>>, %arg16: memref<!tpu.dma_semaphore, #tpu.memory_space<semaphore_mem>>) attributes {dimension_semantics = [#tpu.dimension_semantics<core_parallel>, #tpu.dimension_semantics<subcore_parallel>], iteration_bounds = array<i64: 2, 16>, scalar_prefetch = 0 : i64, scratch_operands = 13 : i64, tpu.core_type = #tpu.core_type<sc_vector_subcore>, window_params = [{transform_indices = #map}, {transform_indices = #map1}]} {
    %mul3A = arith.constant 2 : i32
    %mul3A_0 = arith.muli %arg1, %mul3A : i32
    %add3A = arith.addi %mul3A_0, %arg0 : i32
    %mul3A_1 = arith.constant 256 : i32
    %mul3A_2 = arith.muli %add3A, %mul3A_1 : i32
    %iota3A = tpu.iota {dimensions = array<i32: 0>} : vector<16xi32>
    %dma_start3A = arith.constant 32768 : i32
    %dma_start3A_3 = tpu.memref_slice %arg2[%dma_start3A] : memref<49152xi32, #tpu.memory_space<hbm>> -> memref<16384xi32, #tpu.memory_space<hbm>>
    %dma_start3A_4 = arith.constant 32768 : i32
    %dma_start3A_5 = tpu.memref_slice %arg2[%dma_start3A_4] : memref<49152xi32, #tpu.memory_space<hbm>> -> memref<16384xi32, #tpu.memory_space<hbm>>
    tpu.enqueue_dma source(%dma_start3A_5 : memref<16384xi32, #tpu.memory_space<hbm>>) target(%arg4 : memref<16384xi32, #tpu.memory_space<vmem>>) target_semaphore(%arg14 : memref<!tpu.dma_semaphore, #tpu.memory_space<semaphore_mem>>)
    %mul3A_6 = arith.constant 2 : i32
    %mul3A_7 = arith.muli %mul3A_2, %mul3A_6 : i32
    %dma_start3A_8 = tpu.memref_slice %arg2[%mul3A_7] : memref<49152xi32, #tpu.memory_space<hbm>> -> memref<512xi32, #tpu.memory_space<hbm>>
    %dma_start3A_9 = tpu.memref_slice %arg2[%mul3A_7] : memref<49152xi32, #tpu.memory_space<hbm>> -> memref<512xi32, #tpu.memory_space<hbm>>
    tpu.enqueue_dma source(%dma_start3A_9 : memref<512xi32, #tpu.memory_space<hbm>>) target(%arg5 : memref<512xi32, #tpu.memory_space<vmem>>) target_semaphore(%arg15 : memref<!tpu.dma_semaphore, #tpu.memory_space<semaphore_mem>>)
    %mul3A_10 = arith.constant 2 : i32
    %mul3A_11 = arith.muli %mul3A_2, %mul3A_10 : i32
    %add3A_12 = arith.constant 16384 : i32
    %add3A_13 = arith.addi %add3A_12, %mul3A_11 : i32
    %dma_start3A_14 = tpu.memref_slice %arg2[%add3A_13] : memref<49152xi32, #tpu.memory_space<hbm>> -> memref<512xi32, #tpu.memory_space<hbm>>
    %dma_start3A_15 = tpu.memref_slice %arg2[%add3A_13] : memref<49152xi32, #tpu.memory_space<hbm>> -> memref<512xi32, #tpu.memory_space<hbm>>
    tpu.enqueue_dma source(%dma_start3A_15 : memref<512xi32, #tpu.memory_space<hbm>>) target(%arg6 : memref<512xi32, #tpu.memory_space<vmem>>) target_semaphore(%arg15 : memref<!tpu.dma_semaphore, #tpu.memory_space<semaphore_mem>>)
    %dma_wait3A = tpu.memref_slice %arg2[%mul3A_7] : memref<49152xi32, #tpu.memory_space<hbm>> -> memref<512xi32, #tpu.memory_space<hbm>>
    %dma_wait3A_16 = tpu.memref_slice %arg2[%mul3A_7] : memref<49152xi32, #tpu.memory_space<hbm>> -> memref<512xi32, #tpu.memory_space<hbm>>
    tpu.wait_dma2 semaphore(%arg15 : memref<!tpu.dma_semaphore, #tpu.memory_space<semaphore_mem>>) src(%dma_wait3A_16 : memref<512xi32, #tpu.memory_space<hbm>>) dst(%arg5 : memref<512xi32, #tpu.memory_space<vmem>>)
    %dma_wait3A_17 = tpu.memref_slice %arg2[%add3A_13] : memref<49152xi32, #tpu.memory_space<hbm>> -> memref<512xi32, #tpu.memory_space<hbm>>
    %dma_wait3A_18 = tpu.memref_slice %arg2[%add3A_13] : memref<49152xi32, #tpu.memory_space<hbm>> -> memref<512xi32, #tpu.memory_space<hbm>>
    tpu.wait_dma2 semaphore(%arg15 : memref<!tpu.dma_semaphore, #tpu.memory_space<semaphore_mem>>) src(%dma_wait3A_18 : memref<512xi32, #tpu.memory_space<hbm>>) dst(%arg6 : memref<512xi32, #tpu.memory_space<vmem>>)
    %dma_wait3A_19 = arith.constant 32768 : i32
    %dma_wait3A_20 = tpu.memref_slice %arg2[%dma_wait3A_19] : memref<49152xi32, #tpu.memory_space<hbm>> -> memref<16384xi32, #tpu.memory_space<hbm>>
    %dma_wait3A_21 = arith.constant 32768 : i32
    %dma_wait3A_22 = tpu.memref_slice %arg2[%dma_wait3A_21] : memref<49152xi32, #tpu.memory_space<hbm>> -> memref<16384xi32, #tpu.memory_space<hbm>>
    tpu.wait_dma2 semaphore(%arg14 : memref<!tpu.dma_semaphore, #tpu.memory_space<semaphore_mem>>) src(%dma_wait3A_22 : memref<16384xi32, #tpu.memory_space<hbm>>) dst(%arg4 : memref<16384xi32, #tpu.memory_space<vmem>>)
    %mul3A_23 = arith.constant 2 : i32
    %mul3A_24 = vector.broadcast %mul3A_23 : i32 to vector<16xi32>
    %mul3A_25 = arith.muli %iota3A, %mul3A_24 : vector<16xi32>
    %add3A_26 = arith.constant 0 : i32
    %add3A_27 = vector.broadcast %add3A_26 : i32 to vector<16xi32>
    %add3A_28 = arith.addi %mul3A_25, %add3A_27 : vector<16xi32>
    %gather3A = tpu.vector_load_idx %arg5[%add3A_28] : memref<512xi32, #tpu.memory_space<vmem>>[vector<16xi32>], vector<16xi32>,
    %add3A_29 = arith.constant 1 : i32
    %add3A_30 = vector.broadcast %add3A_29 : i32 to vector<16xi32>
    %add3A_31 = arith.addi %add3A_28, %add3A_30 : vector<16xi32>
    %gather3A_32 = tpu.vector_load_idx %arg5[%add3A_31] : memref<512xi32, #tpu.memory_space<vmem>>[vector<16xi32>], vector<16xi32>,
    %gather3A_33 = tpu.vector_load_idx %arg6[%add3A_28] : memref<512xi32, #tpu.memory_space<vmem>>[vector<16xi32>], vector<16xi32>,
    %bitcast3A = vector.bitcast %gather3A_33 : vector<16xi32> to vector<16xf32>
    %add3A_34 = arith.constant 1 : i32
    %add3A_35 = vector.broadcast %add3A_34 : i32 to vector<16xi32>
    %add3A_36 = arith.addi %add3A_28, %add3A_35 : vector<16xi32>
    %gather3A_37 = tpu.vector_load_idx %arg6[%add3A_36] : memref<512xi32, #tpu.memory_space<vmem>>[vector<16xi32>], vector<16xi32>,
    %bitcast3A_38 = vector.bitcast %gather3A_37 : vector<16xi32> to vector<16xf32>
    %add3A_39 = arith.addf %bitcast3A, %bitcast3A_38 : vector<16xf32>
    %gt3A = arith.constant 0.000000e+00 : f32
    %gt3A_40 = vector.broadcast %gt3A : f32 to vector<16xf32>
    %gt3A_41 = arith.cmpf ogt, %add3A_39, %gt3A_40 : vector<16xf32>
    %jit3A = arith.constant 1.000000e+00 : f32
    %broadcast_in_dim3A = vector.broadcast %jit3A : f32 to vector<16xf32>
    %select_n3A = arith.select %gt3A_41, %add3A_39, %broadcast_in_dim3A : vector<16xi1>, vector<16xf32>
    %mul3A_42 = arith.constant 1024 : i32
    %mul3A_43 = vector.broadcast %mul3A_42 : i32 to vector<16xi32>
    %mul3A_44 = arith.muli %gather3A, %mul3A_43 : vector<16xi32>
    %swap3A = arith.constant 0 : index
    %swap3A_45 = tpu.vector_load %arg7[%swap3A] {strides = array<i32>} : memref<272xi32, #tpu.memory_space<vmem>>, vector<16xi32>,
    tpu.vector_store %arg7[%swap3A], %mul3A_44 {strides = array<i32>} : memref<272xi32, #tpu.memory_space<vmem>>, vector<16xi32>,
    %mul3A_46 = arith.constant 1024 : i32
    %mul3A_47 = vector.broadcast %mul3A_46 : i32 to vector<16xi32>
    %mul3A_48 = arith.muli %gather3A_32, %mul3A_47 : vector<16xi32>
    %swap3A_49 = arith.constant 0 : index
    %swap3A_50 = tpu.vector_load %arg8[%swap3A_49] {strides = array<i32>} : memref<272xi32, #tpu.memory_space<vmem>>, vector<16xi32>,
    tpu.vector_store %arg8[%swap3A_49], %mul3A_48 {strides = array<i32>} : memref<272xi32, #tpu.memory_space<vmem>>, vector<16xi32>,
    %div3A = arith.divf %bitcast3A, %select_n3A : vector<16xf32>
    %swap3A_51 = arith.constant 0 : index
    %swap3A_52 = tpu.vector_load %arg9[%swap3A_51] {strides = array<i32>} : memref<272xf32, #tpu.memory_space<vmem>>, vector<16xf32>,
    tpu.vector_store %arg9[%swap3A_51], %div3A {strides = array<i32>} : memref<272xf32, #tpu.memory_space<vmem>>, vector<16xf32>,
    %div3A_53 = arith.divf %bitcast3A_38, %select_n3A : vector<16xf32>
    %swap3A_54 = arith.constant 0 : index
    %swap3A_55 = tpu.vector_load %arg10[%swap3A_54] {strides = array<i32>} : memref<272xf32, #tpu.memory_space<vmem>>, vector<16xf32>,
    tpu.vector_store %arg10[%swap3A_54], %div3A_53 {strides = array<i32>} : memref<272xf32, #tpu.memory_space<vmem>>, vector<16xf32>,
    %mul3A_56 = arith.constant 2 : i32
    %mul3A_57 = vector.broadcast %mul3A_56 : i32 to vector<16xi32>
    %mul3A_58 = arith.muli %iota3A, %mul3A_57 : vector<16xi32>
    %add3A_59 = arith.constant 32 : i32
    %add3A_60 = vector.broadcast %add3A_59 : i32 to vector<16xi32>
    %add3A_61 = arith.addi %mul3A_58, %add3A_60 : vector<16xi32>
    %gather3A_62 = tpu.vector_load_idx %arg5[%add3A_61] : memref<512xi32, #tpu.memory_space<vmem>>[vector<16xi32>], vector<16xi32>,
    %add3A_63 = arith.constant 1 : i32
    %add3A_64 = vector.broadcast %add3A_63 : i32 to vector<16xi32>
    %add3A_65 = arith.addi %add3A_61, %add3A_64 : vector<16xi32>
    %gather3A_66 = tpu.vector_load_idx %arg5[%add3A_65] : memref<512xi32, #tpu.memory_space<vmem>>[vector<16xi32>], vector<16xi32>,
    %gather3A_67 = tpu.vector_load_idx %arg6[%add3A_61] : memref<512xi32, #tpu.memory_space<vmem>>[vector<16xi32>], vector<16xi32>,
    %bitcast3A_68 = vector.bitcast %gather3A_67 : vector<16xi32> to vector<16xf32>
    %add3A_69 = arith.constant 1 : i32
    %add3A_70 = vector.broadcast %add3A_69 : i32 to vector<16xi32>
    %add3A_71 = arith.addi %add3A_61, %add3A_70 : vector<16xi32>
    %gather3A_72 = tpu.vector_load_idx %arg6[%add3A_71] : memref<512xi32, #tpu.memory_space<vmem>>[vector<16xi32>], vector<16xi32>,
    %bitcast3A_73 = vector.bitcast %gather3A_72 : vector<16xi32> to vector<16xf32>
    %add3A_74 = arith.addf %bitcast3A_68, %bitcast3A_73 : vector<16xf32>
    %gt3A_75 = arith.constant 0.000000e+00 : f32
    %gt3A_76 = vector.broadcast %gt3A_75 : f32 to vector<16xf32>
    %gt3A_77 = arith.cmpf ogt, %add3A_74, %gt3A_76 : vector<16xf32>
    %jit3A_78 = arith.constant 1.000000e+00 : f32
    %broadcast_in_dim3A_79 = vector.broadcast %jit3A_78 : f32 to vector<16xf32>
    %select_n3A_80 = arith.select %gt3A_77, %add3A_74, %broadcast_in_dim3A_79 : vector<16xi1>, vector<16xf32>
    %mul3A_81 = arith.constant 1024 : i32
    %mul3A_82 = vector.broadcast %mul3A_81 : i32 to vector<16xi32>
    %mul3A_83 = arith.muli %gather3A_62, %mul3A_82 : vector<16xi32>
    %swap3A_84 = arith.constant 16 : index
    %swap3A_85 = tpu.vector_load %arg7[%swap3A_84] {strides = array<i32>} : memref<272xi32, #tpu.memory_space<vmem>>, vector<16xi32>,
    tpu.vector_store %arg7[%swap3A_84], %mul3A_83 {strides = array<i32>} : memref<272xi32, #tpu.memory_space<vmem>>, vector<16xi32>,
    %mul3A_86 = arith.constant 1024 : i32
    %mul3A_87 = vector.broadcast %mul3A_86 : i32 to vector<16xi32>
    %mul3A_88 = arith.muli %gather3A_66, %mul3A_87 : vector<16xi32>
    %swap3A_89 = arith.constant 16 : index
    %swap3A_90 = tpu.vector_load %arg8[%swap3A_89] {strides = array<i32>} : memref<272xi32, #tpu.memory_space<vmem>>, vector<16xi32>,
    tpu.vector_store %arg8[%swap3A_89], %mul3A_88 {strides = array<i32>} : memref<272xi32, #tpu.memory_space<vmem>>, vector<16xi32>,
    %div3A_91 = arith.divf %bitcast3A_68, %select_n3A_80 : vector<16xf32>
    %swap3A_92 = arith.constant 16 : index
    %swap3A_93 = tpu.vector_load %arg9[%swap3A_92] {strides = array<i32>} : memref<272xf32, #tpu.memory_space<vmem>>, vector<16xf32>,
    tpu.vector_store %arg9[%swap3A_92], %div3A_91 {strides = array<i32>} : memref<272xf32, #tpu.memory_space<vmem>>, vector<16xf32>,
    %div3A_94 = arith.divf %bitcast3A_73, %select_n3A_80 : vector<16xf32>
    %swap3A_95 = arith.constant 16 : index
    %swap3A_96 = tpu.vector_load %arg10[%swap3A_95] {strides = array<i32>} : memref<272xf32, #tpu.memory_space<vmem>>, vector<16xf32>,
    tpu.vector_store %arg10[%swap3A_95], %div3A_94 {strides = array<i32>} : memref<272xf32, #tpu.memory_space<vmem>>, vector<16xf32>,
    %mul3A_97 = arith.constant 2 : i32
    %mul3A_98 = vector.broadcast %mul3A_97 : i32 to vector<16xi32>
    %mul3A_99 = arith.muli %iota3A, %mul3A_98 : vector<16xi32>
    %add3A_100 = arith.constant 64 : i32
    %add3A_101 = vector.broadcast %add3A_100 : i32 to vector<16xi32>
    %add3A_102 = arith.addi %mul3A_99, %add3A_101 : vector<16xi32>
    %gather3A_103 = tpu.vector_load_idx %arg5[%add3A_102] : memref<512xi32, #tpu.memory_space<vmem>>[vector<16xi32>], vector<16xi32>,
    %add3A_104 = arith.constant 1 : i32
    %add3A_105 = vector.broadcast %add3A_104 : i32 to vector<16xi32>
    %add3A_106 = arith.addi %add3A_102, %add3A_105 : vector<16xi32>
    %gather3A_107 = tpu.vector_load_idx %arg5[%add3A_106] : memref<512xi32, #tpu.memory_space<vmem>>[vector<16xi32>], vector<16xi32>,
    %gather3A_108 = tpu.vector_load_idx %arg6[%add3A_102] : memref<512xi32, #tpu.memory_space<vmem>>[vector<16xi32>], vector<16xi32>,
    %bitcast3A_109 = vector.bitcast %gather3A_108 : vector<16xi32> to vector<16xf32>
    %add3A_110 = arith.constant 1 : i32
    %add3A_111 = vector.broadcast %add3A_110 : i32 to vector<16xi32>
    %add3A_112 = arith.addi %add3A_102, %add3A_111 : vector<16xi32>
    %gather3A_113 = tpu.vector_load_idx %arg6[%add3A_112] : memref<512xi32, #tpu.memory_space<vmem>>[vector<16xi32>], vector<16xi32>,
    %bitcast3A_114 = vector.bitcast %gather3A_113 : vector<16xi32> to vector<16xf32>
    %add3A_115 = arith.addf %bitcast3A_109, %bitcast3A_114 : vector<16xf32>
    %gt3A_116 = arith.constant 0.000000e+00 : f32
    %gt3A_117 = vector.broadcast %gt3A_116 : f32 to vector<16xf32>
    %gt3A_118 = arith.cmpf ogt, %add3A_115, %gt3A_117 : vector<16xf32>
    %jit3A_119 = arith.constant 1.000000e+00 : f32
    %broadcast_in_dim3A_120 = vector.broadcast %jit3A_119 : f32 to vector<16xf32>
    %select_n3A_121 = arith.select %gt3A_118, %add3A_115, %broadcast_in_dim3A_120 : vector<16xi1>, vector<16xf32>
    %mul3A_122 = arith.constant 1024 : i32
    %mul3A_123 = vector.broadcast %mul3A_122 : i32 to vector<16xi32>
    %mul3A_124 = arith.muli %gather3A_103, %mul3A_123 : vector<16xi32>
    %swap3A_125 = arith.constant 32 : index
    %swap3A_126 = tpu.vector_load %arg7[%swap3A_125] {strides = array<i32>} : memref<272xi32, #tpu.memory_space<vmem>>, vector<16xi32>,
    tpu.vector_store %arg7[%swap3A_125], %mul3A_124 {strides = array<i32>} : memref<272xi32, #tpu.memory_space<vmem>>, vector<16xi32>,
    %mul3A_127 = arith.constant 1024 : i32
    %mul3A_128 = vector.broadcast %mul3A_127 : i32 to vector<16xi32>
    %mul3A_129 = arith.muli %gather3A_107, %mul3A_128 : vector<16xi32>
    %swap3A_130 = arith.constant 32 : index
    %swap3A_131 = tpu.vector_load %arg8[%swap3A_130] {strides = array<i32>} : memref<272xi32, #tpu.memory_space<vmem>>, vector<16xi32>,
    tpu.vector_store %arg8[%swap3A_130], %mul3A_129 {strides = array<i32>} : memref<272xi32, #tpu.memory_space<vmem>>, vector<16xi32>,
    %div3A_132 = arith.divf %bitcast3A_109, %select_n3A_121 : vector<16xf32>
    %swap3A_133 = arith.constant 32 : index
    %swap3A_134 = tpu.vector_load %arg9[%swap3A_133] {strides = array<i32>} : memref<272xf32, #tpu.memory_space<vmem>>, vector<16xf32>,
    tpu.vector_store %arg9[%swap3A_133], %div3A_132 {strides = array<i32>} : memref<272xf32, #tpu.memory_space<vmem>>, vector<16xf32>,
    %div3A_135 = arith.divf %bitcast3A_114, %select_n3A_121 : vector<16xf32>
    %swap3A_136 = arith.constant 32 : index
    %swap3A_137 = tpu.vector_load %arg10[%swap3A_136] {strides = array<i32>} : memref<272xf32, #tpu.memory_space<vmem>>, vector<16xf32>,
    tpu.vector_store %arg10[%swap3A_136], %div3A_135 {strides = array<i32>} : memref<272xf32, #tpu.memory_space<vmem>>, vector<16xf32>,
    %mul3A_138 = arith.constant 2 : i32
    %mul3A_139 = vector.broadcast %mul3A_138 : i32 to vector<16xi32>
    %mul3A_140 = arith.muli %iota3A, %mul3A_139 : vector<16xi32>
    %add3A_141 = arith.constant 96 : i32
    %add3A_142 = vector.broadcast %add3A_141 : i32 to vector<16xi32>
    %add3A_143 = arith.addi %mul3A_140, %add3A_142 : vector<16xi32>
    %gather3A_144 = tpu.vector_load_idx %arg5[%add3A_143] : memref<512xi32, #tpu.memory_space<vmem>>[vector<16xi32>], vector<16xi32>,
    %add3A_145 = arith.constant 1 : i32
    %add3A_146 = vector.broadcast %add3A_145 : i32 to vector<16xi32>
    %add3A_147 = arith.addi %add3A_143, %add3A_146 : vector<16xi32>
    %gather3A_148 = tpu.vector_load_idx %arg5[%add3A_147] : memref<512xi32, #tpu.memory_space<vmem>>[vector<16xi32>], vector<16xi32>,
    %gather3A_149 = tpu.vector_load_idx %arg6[%add3A_143] : memref<512xi32, #tpu.memory_space<vmem>>[vector<16xi32>], vector<16xi32>,
    %bitcast3A_150 = vector.bitcast %gather3A_149 : vector<16xi32> to vector<16xf32>
    %add3A_151 = arith.constant 1 : i32
    %add3A_152 = vector.broadcast %add3A_151 : i32 to vector<16xi32>
    %add3A_153 = arith.addi %add3A_143, %add3A_152 : vector<16xi32>
    %gather3A_154 = tpu.vector_load_idx %arg6[%add3A_153] : memref<512xi32, #tpu.memory_space<vmem>>[vector<16xi32>], vector<16xi32>,
    %bitcast3A_155 = vector.bitcast %gather3A_154 : vector<16xi32> to vector<16xf32>
    %add3A_156 = arith.addf %bitcast3A_150, %bitcast3A_155 : vector<16xf32>
    %gt3A_157 = arith.constant 0.000000e+00 : f32
    %gt3A_158 = vector.broadcast %gt3A_157 : f32 to vector<16xf32>
    %gt3A_159 = arith.cmpf ogt, %add3A_156, %gt3A_158 : vector<16xf32>
    %jit3A_160 = arith.constant 1.000000e+00 : f32
    %broadcast_in_dim3A_161 = vector.broadcast %jit3A_160 : f32 to vector<16xf32>
    %select_n3A_162 = arith.select %gt3A_159, %add3A_156, %broadcast_in_dim3A_161 : vector<16xi1>, vector<16xf32>
    %mul3A_163 = arith.constant 1024 : i32
    %mul3A_164 = vector.broadcast %mul3A_163 : i32 to vector<16xi32>
    %mul3A_165 = arith.muli %gather3A_144, %mul3A_164 : vector<16xi32>
    %swap3A_166 = arith.constant 48 : index
    %swap3A_167 = tpu.vector_load %arg7[%swap3A_166] {strides = array<i32>} : memref<272xi32, #tpu.memory_space<vmem>>, vector<16xi32>,
    tpu.vector_store %arg7[%swap3A_166], %mul3A_165 {strides = array<i32>} : memref<272xi32, #tpu.memory_space<vmem>>, vector<16xi32>,
    %mul3A_168 = arith.constant 1024 : i32
    %mul3A_169 = vector.broadcast %mul3A_168 : i32 to vector<16xi32>
    %mul3A_170 = arith.muli %gather3A_148, %mul3A_169 : vector<16xi32>
    %swap3A_171 = arith.constant 48 : index
    %swap3A_172 = tpu.vector_load %arg8[%swap3A_171] {strides = array<i32>} : memref<272xi32, #tpu.memory_space<vmem>>, vector<16xi32>,
    tpu.vector_store %arg8[%swap3A_171], %mul3A_170 {strides = array<i32>} : memref<272xi32, #tpu.memory_space<vmem>>, vector<16xi32>,
    %div3A_173 = arith.divf %bitcast3A_150, %select_n3A_162 : vector<16xf32>
    %swap3A_174 = arith.constant 48 : index
    %swap3A_175 = tpu.vector_load %arg9[%swap3A_174] {strides = array<i32>} : memref<272xf32, #tpu.memory_space<vmem>>, vector<16xf32>,
    tpu.vector_store %arg9[%swap3A_174], %div3A_173 {strides = array<i32>} : memref<272xf32, #tpu.memory_space<vmem>>, vector<16xf32>,
    %div3A_176 = arith.divf %bitcast3A_155, %select_n3A_162 : vector<16xf32>
    %swap3A_177 = arith.constant 48 : index
    %swap3A_178 = tpu.vector_load %arg10[%swap3A_177] {strides = array<i32>} : memref<272xf32, #tpu.memory_space<vmem>>, vector<16xf32>,
    tpu.vector_store %arg10[%swap3A_177], %div3A_176 {strides = array<i32>} : memref<272xf32, #tpu.memory_space<vmem>>, vector<16xf32>,
    %mul3A_179 = arith.constant 2 : i32
    %mul3A_180 = vector.broadcast %mul3A_179 : i32 to vector<16xi32>
    %mul3A_181 = arith.muli %iota3A, %mul3A_180 : vector<16xi32>
    %add3A_182 = arith.constant 128 : i32
    %add3A_183 = vector.broadcast %add3A_182 : i32 to vector<16xi32>
    %add3A_184 = arith.addi %mul3A_181, %add3A_183 : vector<16xi32>
    %gather3A_185 = tpu.vector_load_idx %arg5[%add3A_184] : memref<512xi32, #tpu.memory_space<vmem>>[vector<16xi32>], vector<16xi32>,
    %add3A_186 = arith.constant 1 : i32
    %add3A_187 = vector.broadcast %add3A_186 : i32 to vector<16xi32>
    %add3A_188 = arith.addi %add3A_184, %add3A_187 : vector<16xi32>
    %gather3A_189 = tpu.vector_load_idx %arg5[%add3A_188] : memref<512xi32, #tpu.memory_space<vmem>>[vector<16xi32>], vector<16xi32>,
    %gather3A_190 = tpu.vector_load_idx %arg6[%add3A_184] : memref<512xi32, #tpu.memory_space<vmem>>[vector<16xi32>], vector<16xi32>,
    %bitcast3A_191 = vector.bitcast %gather3A_190 : vector<16xi32> to vector<16xf32>
    %add3A_192 = arith.constant 1 : i32
    %add3A_193 = vector.broadcast %add3A_192 : i32 to vector<16xi32>
    %add3A_194 = arith.addi %add3A_184, %add3A_193 : vector<16xi32>
    %gather3A_195 = tpu.vector_load_idx %arg6[%add3A_194] : memref<512xi32, #tpu.memory_space<vmem>>[vector<16xi32>], vector<16xi32>,
    %bitcast3A_196 = vector.bitcast %gather3A_195 : vector<16xi32> to vector<16xf32>
    %add3A_197 = arith.addf %bitcast3A_191, %bitcast3A_196 : vector<16xf32>
    %gt3A_198 = arith.constant 0.000000e+00 : f32
    %gt3A_199 = vector.broadcast %gt3A_198 : f32 to vector<16xf32>
    %gt3A_200 = arith.cmpf ogt, %add3A_197, %gt3A_199 : vector<16xf32>
    %jit3A_201 = arith.constant 1.000000e+00 : f32
    %broadcast_in_dim3A_202 = vector.broadcast %jit3A_201 : f32 to vector<16xf32>
    %select_n3A_203 = arith.select %gt3A_200, %add3A_197, %broadcast_in_dim3A_202 : vector<16xi1>, vector<16xf32>
    %mul3A_204 = arith.constant 1024 : i32
    %mul3A_205 = vector.broadcast %mul3A_204 : i32 to vector<16xi32>
    %mul3A_206 = arith.muli %gather3A_185, %mul3A_205 : vector<16xi32>
    %swap3A_207 = arith.constant 64 : index
    %swap3A_208 = tpu.vector_load %arg7[%swap3A_207] {strides = array<i32>} : memref<272xi32, #tpu.memory_space<vmem>>, vector<16xi32>,
    tpu.vector_store %arg7[%swap3A_207], %mul3A_206 {strides = array<i32>} : memref<272xi32, #tpu.memory_space<vmem>>, vector<16xi32>,
    %mul3A_209 = arith.constant 1024 : i32
    %mul3A_210 = vector.broadcast %mul3A_209 : i32 to vector<16xi32>
    %mul3A_211 = arith.muli %gather3A_189, %mul3A_210 : vector<16xi32>
    %swap3A_212 = arith.constant 64 : index
    %swap3A_213 = tpu.vector_load %arg8[%swap3A_212] {strides = array<i32>} : memref<272xi32, #tpu.memory_space<vmem>>, vector<16xi32>,
    tpu.vector_store %arg8[%swap3A_212], %mul3A_211 {strides = array<i32>} : memref<272xi32, #tpu.memory_space<vmem>>, vector<16xi32>,
    %div3A_214 = arith.divf %bitcast3A_191, %select_n3A_203 : vector<16xf32>
    %swap3A_215 = arith.constant 64 : index
    %swap3A_216 = tpu.vector_load %arg9[%swap3A_215] {strides = array<i32>} : memref<272xf32, #tpu.memory_space<vmem>>, vector<16xf32>,
    tpu.vector_store %arg9[%swap3A_215], %div3A_214 {strides = array<i32>} : memref<272xf32, #tpu.memory_space<vmem>>, vector<16xf32>,
    %div3A_217 = arith.divf %bitcast3A_196, %select_n3A_203 : vector<16xf32>
    %swap3A_218 = arith.constant 64 : index
    %swap3A_219 = tpu.vector_load %arg10[%swap3A_218] {strides = array<i32>} : memref<272xf32, #tpu.memory_space<vmem>>, vector<16xf32>,
    tpu.vector_store %arg10[%swap3A_218], %div3A_217 {strides = array<i32>} : memref<272xf32, #tpu.memory_space<vmem>>, vector<16xf32>,
    %mul3A_220 = arith.constant 2 : i32
    %mul3A_221 = vector.broadcast %mul3A_220 : i32 to vector<16xi32>
    %mul3A_222 = arith.muli %iota3A, %mul3A_221 : vector<16xi32>
    %add3A_223 = arith.constant 160 : i32
    %add3A_224 = vector.broadcast %add3A_223 : i32 to vector<16xi32>
    %add3A_225 = arith.addi %mul3A_222, %add3A_224 : vector<16xi32>
    %gather3A_226 = tpu.vector_load_idx %arg5[%add3A_225] : memref<512xi32, #tpu.memory_space<vmem>>[vector<16xi32>], vector<16xi32>,
    %add3A_227 = arith.constant 1 : i32
    %add3A_228 = vector.broadcast %add3A_227 : i32 to vector<16xi32>
    %add3A_229 = arith.addi %add3A_225, %add3A_228 : vector<16xi32>
    %gather3A_230 = tpu.vector_load_idx %arg5[%add3A_229] : memref<512xi32, #tpu.memory_space<vmem>>[vector<16xi32>], vector<16xi32>,
    %gather3A_231 = tpu.vector_load_idx %arg6[%add3A_225] : memref<512xi32, #tpu.memory_space<vmem>>[vector<16xi32>], vector<16xi32>,
    %bitcast3A_232 = vector.bitcast %gather3A_231 : vector<16xi32> to vector<16xf32>
    %add3A_233 = arith.constant 1 : i32
    %add3A_234 = vector.broadcast %add3A_233 : i32 to vector<16xi32>
    %add3A_235 = arith.addi %add3A_225, %add3A_234 : vector<16xi32>
    %gather3A_236 = tpu.vector_load_idx %arg6[%add3A_235] : memref<512xi32, #tpu.memory_space<vmem>>[vector<16xi32>], vector<16xi32>,
    %bitcast3A_237 = vector.bitcast %gather3A_236 : vector<16xi32> to vector<16xf32>
    %add3A_238 = arith.addf %bitcast3A_232, %bitcast3A_237 : vector<16xf32>
    %gt3A_239 = arith.constant 0.000000e+00 : f32
    %gt3A_240 = vector.broadcast %gt3A_239 : f32 to vector<16xf32>
    %gt3A_241 = arith.cmpf ogt, %add3A_238, %gt3A_240 : vector<16xf32>
    %jit3A_242 = arith.constant 1.000000e+00 : f32
    %broadcast_in_dim3A_243 = vector.broadcast %jit3A_242 : f32 to vector<16xf32>
    %select_n3A_244 = arith.select %gt3A_241, %add3A_238, %broadcast_in_dim3A_243 : vector<16xi1>, vector<16xf32>
    %mul3A_245 = arith.constant 1024 : i32
    %mul3A_246 = vector.broadcast %mul3A_245 : i32 to vector<16xi32>
    %mul3A_247 = arith.muli %gather3A_226, %mul3A_246 : vector<16xi32>
    %swap3A_248 = arith.constant 80 : index
    %swap3A_249 = tpu.vector_load %arg7[%swap3A_248] {strides = array<i32>} : memref<272xi32, #tpu.memory_space<vmem>>, vector<16xi32>,
    tpu.vector_store %arg7[%swap3A_248], %mul3A_247 {strides = array<i32>} : memref<272xi32, #tpu.memory_space<vmem>>, vector<16xi32>,
    %mul3A_250 = arith.constant 1024 : i32
    %mul3A_251 = vector.broadcast %mul3A_250 : i32 to vector<16xi32>
    %mul3A_252 = arith.muli %gather3A_230, %mul3A_251 : vector<16xi32>
    %swap3A_253 = arith.constant 80 : index
    %swap3A_254 = tpu.vector_load %arg8[%swap3A_253] {strides = array<i32>} : memref<272xi32, #tpu.memory_space<vmem>>, vector<16xi32>,
    tpu.vector_store %arg8[%swap3A_253], %mul3A_252 {strides = array<i32>} : memref<272xi32, #tpu.memory_space<vmem>>, vector<16xi32>,
    %div3A_255 = arith.divf %bitcast3A_232, %select_n3A_244 : vector<16xf32>
    %swap3A_256 = arith.constant 80 : index
    %swap3A_257 = tpu.vector_load %arg9[%swap3A_256] {strides = array<i32>} : memref<272xf32, #tpu.memory_space<vmem>>, vector<16xf32>,
    tpu.vector_store %arg9[%swap3A_256], %div3A_255 {strides = array<i32>} : memref<272xf32, #tpu.memory_space<vmem>>, vector<16xf32>,
    %div3A_258 = arith.divf %bitcast3A_237, %select_n3A_244 : vector<16xf32>
    %swap3A_259 = arith.constant 80 : index
    %swap3A_260 = tpu.vector_load %arg10[%swap3A_259] {strides = array<i32>} : memref<272xf32, #tpu.memory_space<vmem>>, vector<16xf32>,
    tpu.vector_store %arg10[%swap3A_259], %div3A_258 {strides = array<i32>} : memref<272xf32, #tpu.memory_space<vmem>>, vector<16xf32>,
    %mul3A_261 = arith.constant 2 : i32
    %mul3A_262 = vector.broadcast %mul3A_261 : i32 to vector<16xi32>
    %mul3A_263 = arith.muli %iota3A, %mul3A_262 : vector<16xi32>
    %add3A_264 = arith.constant 192 : i32
    %add3A_265 = vector.broadcast %add3A_264 : i32 to vector<16xi32>
    %add3A_266 = arith.addi %mul3A_263, %add3A_265 : vector<16xi32>
    %gather3A_267 = tpu.vector_load_idx %arg5[%add3A_266] : memref<512xi32, #tpu.memory_space<vmem>>[vector<16xi32>], vector<16xi32>,
    %add3A_268 = arith.constant 1 : i32
    %add3A_269 = vector.broadcast %add3A_268 : i32 to vector<16xi32>
    %add3A_270 = arith.addi %add3A_266, %add3A_269 : vector<16xi32>
    %gather3A_271 = tpu.vector_load_idx %arg5[%add3A_270] : memref<512xi32, #tpu.memory_space<vmem>>[vector<16xi32>], vector<16xi32>,
    %gather3A_272 = tpu.vector_load_idx %arg6[%add3A_266] : memref<512xi32, #tpu.memory_space<vmem>>[vector<16xi32>], vector<16xi32>,
    %bitcast3A_273 = vector.bitcast %gather3A_272 : vector<16xi32> to vector<16xf32>
    %add3A_274 = arith.constant 1 : i32
    %add3A_275 = vector.broadcast %add3A_274 : i32 to vector<16xi32>
    %add3A_276 = arith.addi %add3A_266, %add3A_275 : vector<16xi32>
    %gather3A_277 = tpu.vector_load_idx %arg6[%add3A_276] : memref<512xi32, #tpu.memory_space<vmem>>[vector<16xi32>], vector<16xi32>,
    %bitcast3A_278 = vector.bitcast %gather3A_277 : vector<16xi32> to vector<16xf32>
    %add3A_279 = arith.addf %bitcast3A_273, %bitcast3A_278 : vector<16xf32>
    %gt3A_280 = arith.constant 0.000000e+00 : f32
    %gt3A_281 = vector.broadcast %gt3A_280 : f32 to vector<16xf32>
    %gt3A_282 = arith.cmpf ogt, %add3A_279, %gt3A_281 : vector<16xf32>
    %jit3A_283 = arith.constant 1.000000e+00 : f32
    %broadcast_in_dim3A_284 = vector.broadcast %jit3A_283 : f32 to vector<16xf32>
    %select_n3A_285 = arith.select %gt3A_282, %add3A_279, %broadcast_in_dim3A_284 : vector<16xi1>, vector<16xf32>
    %mul3A_286 = arith.constant 1024 : i32
    %mul3A_287 = vector.broadcast %mul3A_286 : i32 to vector<16xi32>
    %mul3A_288 = arith.muli %gather3A_267, %mul3A_287 : vector<16xi32>
    %swap3A_289 = arith.constant 96 : index
    %swap3A_290 = tpu.vector_load %arg7[%swap3A_289] {strides = array<i32>} : memref<272xi32, #tpu.memory_space<vmem>>, vector<16xi32>,
    tpu.vector_store %arg7[%swap3A_289], %mul3A_288 {strides = array<i32>} : memref<272xi32, #tpu.memory_space<vmem>>, vector<16xi32>,
    %mul3A_291 = arith.constant 1024 : i32
    %mul3A_292 = vector.broadcast %mul3A_291 : i32 to vector<16xi32>
    %mul3A_293 = arith.muli %gather3A_271, %mul3A_292 : vector<16xi32>
    %swap3A_294 = arith.constant 96 : index
    %swap3A_295 = tpu.vector_load %arg8[%swap3A_294] {strides = array<i32>} : memref<272xi32, #tpu.memory_space<vmem>>, vector<16xi32>,
    tpu.vector_store %arg8[%swap3A_294], %mul3A_293 {strides = array<i32>} : memref<272xi32, #tpu.memory_space<vmem>>, vector<16xi32>,
    %div3A_296 = arith.divf %bitcast3A_273, %select_n3A_285 : vector<16xf32>
    %swap3A_297 = arith.constant 96 : index
    %swap3A_298 = tpu.vector_load %arg9[%swap3A_297] {strides = array<i32>} : memref<272xf32, #tpu.memory_space<vmem>>, vector<16xf32>,
    tpu.vector_store %arg9[%swap3A_297], %div3A_296 {strides = array<i32>} : memref<272xf32, #tpu.memory_space<vmem>>, vector<16xf32>,
    %div3A_299 = arith.divf %bitcast3A_278, %select_n3A_285 : vector<16xf32>
    %swap3A_300 = arith.constant 96 : index
    %swap3A_301 = tpu.vector_load %arg10[%swap3A_300] {strides = array<i32>} : memref<272xf32, #tpu.memory_space<vmem>>, vector<16xf32>,
    tpu.vector_store %arg10[%swap3A_300], %div3A_299 {strides = array<i32>} : memref<272xf32, #tpu.memory_space<vmem>>, vector<16xf32>,
    %mul3A_302 = arith.constant 2 : i32
    %mul3A_303 = vector.broadcast %mul3A_302 : i32 to vector<16xi32>
    %mul3A_304 = arith.muli %iota3A, %mul3A_303 : vector<16xi32>
    %add3A_305 = arith.constant 224 : i32
    %add3A_306 = vector.broadcast %add3A_305 : i32 to vector<16xi32>
    %add3A_307 = arith.addi %mul3A_304, %add3A_306 : vector<16xi32>
    %gather3A_308 = tpu.vector_load_idx %arg5[%add3A_307] : memref<512xi32, #tpu.memory_space<vmem>>[vector<16xi32>], vector<16xi32>,
    %add3A_309 = arith.constant 1 : i32
    %add3A_310 = vector.broadcast %add3A_309 : i32 to vector<16xi32>
    %add3A_311 = arith.addi %add3A_307, %add3A_310 : vector<16xi32>
    %gather3A_312 = tpu.vector_load_idx %arg5[%add3A_311] : memref<512xi32, #tpu.memory_space<vmem>>[vector<16xi32>], vector<16xi32>,
    %gather3A_313 = tpu.vector_load_idx %arg6[%add3A_307] : memref<512xi32, #tpu.memory_space<vmem>>[vector<16xi32>], vector<16xi32>,
    %bitcast3A_314 = vector.bitcast %gather3A_313 : vector<16xi32> to vector<16xf32>
    %add3A_315 = arith.constant 1 : i32
    %add3A_316 = vector.broadcast %add3A_315 : i32 to vector<16xi32>
    %add3A_317 = arith.addi %add3A_307, %add3A_316 : vector<16xi32>
    %gather3A_318 = tpu.vector_load_idx %arg6[%add3A_317] : memref<512xi32, #tpu.memory_space<vmem>>[vector<16xi32>], vector<16xi32>,
    %bitcast3A_319 = vector.bitcast %gather3A_318 : vector<16xi32> to vector<16xf32>
    %add3A_320 = arith.addf %bitcast3A_314, %bitcast3A_319 : vector<16xf32>
    %gt3A_321 = arith.constant 0.000000e+00 : f32
    %gt3A_322 = vector.broadcast %gt3A_321 : f32 to vector<16xf32>
    %gt3A_323 = arith.cmpf ogt, %add3A_320, %gt3A_322 : vector<16xf32>
    %jit3A_324 = arith.constant 1.000000e+00 : f32
    %broadcast_in_dim3A_325 = vector.broadcast %jit3A_324 : f32 to vector<16xf32>
    %select_n3A_326 = arith.select %gt3A_323, %add3A_320, %broadcast_in_dim3A_325 : vector<16xi1>, vector<16xf32>
    %mul3A_327 = arith.constant 1024 : i32
    %mul3A_328 = vector.broadcast %mul3A_327 : i32 to vector<16xi32>
    %mul3A_329 = arith.muli %gather3A_308, %mul3A_328 : vector<16xi32>
    %swap3A_330 = arith.constant 112 : index
    %swap3A_331 = tpu.vector_load %arg7[%swap3A_330] {strides = array<i32>} : memref<272xi32, #tpu.memory_space<vmem>>, vector<16xi32>,
    tpu.vector_store %arg7[%swap3A_330], %mul3A_329 {strides = array<i32>} : memref<272xi32, #tpu.memory_space<vmem>>, vector<16xi32>,
    %mul3A_332 = arith.constant 1024 : i32
    %mul3A_333 = vector.broadcast %mul3A_332 : i32 to vector<16xi32>
    %mul3A_334 = arith.muli %gather3A_312, %mul3A_333 : vector<16xi32>
    %swap3A_335 = arith.constant 112 : index
    %swap3A_336 = tpu.vector_load %arg8[%swap3A_335] {strides = array<i32>} : memref<272xi32, #tpu.memory_space<vmem>>, vector<16xi32>,
    tpu.vector_store %arg8[%swap3A_335], %mul3A_334 {strides = array<i32>} : memref<272xi32, #tpu.memory_space<vmem>>, vector<16xi32>,
    %div3A_337 = arith.divf %bitcast3A_314, %select_n3A_326 : vector<16xf32>
    %swap3A_338 = arith.constant 112 : index
    %swap3A_339 = tpu.vector_load %arg9[%swap3A_338] {strides = array<i32>} : memref<272xf32, #tpu.memory_space<vmem>>, vector<16xf32>,
    tpu.vector_store %arg9[%swap3A_338], %div3A_337 {strides = array<i32>} : memref<272xf32, #tpu.memory_space<vmem>>, vector<16xf32>,
    %div3A_340 = arith.divf %bitcast3A_319, %select_n3A_326 : vector<16xf32>
    %swap3A_341 = arith.constant 112 : index
    %swap3A_342 = tpu.vector_load %arg10[%swap3A_341] {strides = array<i32>} : memref<272xf32, #tpu.memory_space<vmem>>, vector<16xf32>,
    tpu.vector_store %arg10[%swap3A_341], %div3A_340 {strides = array<i32>} : memref<272xf32, #tpu.memory_space<vmem>>, vector<16xf32>,
    %mul3A_343 = arith.constant 2 : i32
    %mul3A_344 = vector.broadcast %mul3A_343 : i32 to vector<16xi32>
    %mul3A_345 = arith.muli %iota3A, %mul3A_344 : vector<16xi32>
    %add3A_346 = arith.constant 256 : i32
    %add3A_347 = vector.broadcast %add3A_346 : i32 to vector<16xi32>
    %add3A_348 = arith.addi %mul3A_345, %add3A_347 : vector<16xi32>
    %gather3A_349 = tpu.vector_load_idx %arg5[%add3A_348] : memref<512xi32, #tpu.memory_space<vmem>>[vector<16xi32>], vector<16xi32>,
    %add3A_350 = arith.constant 1 : i32
    %add3A_351 = vector.broadcast %add3A_350 : i32 to vector<16xi32>
    %add3A_352 = arith.addi %add3A_348, %add3A_351 : vector<16xi32>
    %gather3A_353 = tpu.vector_load_idx %arg5[%add3A_352] : memref<512xi32, #tpu.memory_space<vmem>>[vector<16xi32>], vector<16xi32>,
    %gather3A_354 = tpu.vector_load_idx %arg6[%add3A_348] : memref<512xi32, #tpu.memory_space<vmem>>[vector<16xi32>], vector<16xi32>,
    %bitcast3A_355 = vector.bitcast %gather3A_354 : vector<16xi32> to vector<16xf32>
    %add3A_356 = arith.constant 1 : i32
    %add3A_357 = vector.broadcast %add3A_356 : i32 to vector<16xi32>
    %add3A_358 = arith.addi %add3A_348, %add3A_357 : vector<16xi32>
    %gather3A_359 = tpu.vector_load_idx %arg6[%add3A_358] : memref<512xi32, #tpu.memory_space<vmem>>[vector<16xi32>], vector<16xi32>,
    %bitcast3A_360 = vector.bitcast %gather3A_359 : vector<16xi32> to vector<16xf32>
    %add3A_361 = arith.addf %bitcast3A_355, %bitcast3A_360 : vector<16xf32>
    %gt3A_362 = arith.constant 0.000000e+00 : f32
    %gt3A_363 = vector.broadcast %gt3A_362 : f32 to vector<16xf32>
    %gt3A_364 = arith.cmpf ogt, %add3A_361, %gt3A_363 : vector<16xf32>
    %jit3A_365 = arith.constant 1.000000e+00 : f32
    %broadcast_in_dim3A_366 = vector.broadcast %jit3A_365 : f32 to vector<16xf32>
    %select_n3A_367 = arith.select %gt3A_364, %add3A_361, %broadcast_in_dim3A_366 : vector<16xi1>, vector<16xf32>
    %mul3A_368 = arith.constant 1024 : i32
    %mul3A_369 = vector.broadcast %mul3A_368 : i32 to vector<16xi32>
    %mul3A_370 = arith.muli %gather3A_349, %mul3A_369 : vector<16xi32>
    %swap3A_371 = arith.constant 128 : index
    %swap3A_372 = tpu.vector_load %arg7[%swap3A_371] {strides = array<i32>} : memref<272xi32, #tpu.memory_space<vmem>>, vector<16xi32>,
    tpu.vector_store %arg7[%swap3A_371], %mul3A_370 {strides = array<i32>} : memref<272xi32, #tpu.memory_space<vmem>>, vector<16xi32>,
    %mul3A_373 = arith.constant 1024 : i32
    %mul3A_374 = vector.broadcast %mul3A_373 : i32 to vector<16xi32>
    %mul3A_375 = arith.muli %gather3A_353, %mul3A_374 : vector<16xi32>
    %swap3A_376 = arith.constant 128 : index
    %swap3A_377 = tpu.vector_load %arg8[%swap3A_376] {strides = array<i32>} : memref<272xi32, #tpu.memory_space<vmem>>, vector<16xi32>,
    tpu.vector_store %arg8[%swap3A_376], %mul3A_375 {strides = array<i32>} : memref<272xi32, #tpu.memory_space<vmem>>, vector<16xi32>,
    %div3A_378 = arith.divf %bitcast3A_355, %select_n3A_367 : vector<16xf32>
    %swap3A_379 = arith.constant 128 : index
    %swap3A_380 = tpu.vector_load %arg9[%swap3A_379] {strides = array<i32>} : memref<272xf32, #tpu.memory_space<vmem>>, vector<16xf32>,
    tpu.vector_store %arg9[%swap3A_379], %div3A_378 {strides = array<i32>} : memref<272xf32, #tpu.memory_space<vmem>>, vector<16xf32>,
    %div3A_381 = arith.divf %bitcast3A_360, %select_n3A_367 : vector<16xf32>
    %swap3A_382 = arith.constant 128 : index
    %swap3A_383 = tpu.vector_load %arg10[%swap3A_382] {strides = array<i32>} : memref<272xf32, #tpu.memory_space<vmem>>, vector<16xf32>,
    tpu.vector_store %arg10[%swap3A_382], %div3A_381 {strides = array<i32>} : memref<272xf32, #tpu.memory_space<vmem>>, vector<16xf32>,
    %mul3A_384 = arith.constant 2 : i32
    %mul3A_385 = vector.broadcast %mul3A_384 : i32 to vector<16xi32>
    %mul3A_386 = arith.muli %iota3A, %mul3A_385 : vector<16xi32>
    %add3A_387 = arith.constant 288 : i32
    %add3A_388 = vector.broadcast %add3A_387 : i32 to vector<16xi32>
    %add3A_389 = arith.addi %mul3A_386, %add3A_388 : vector<16xi32>
    %gather3A_390 = tpu.vector_load_idx %arg5[%add3A_389] : memref<512xi32, #tpu.memory_space<vmem>>[vector<16xi32>], vector<16xi32>,
    %add3A_391 = arith.constant 1 : i32
    %add3A_392 = vector.broadcast %add3A_391 : i32 to vector<16xi32>
    %add3A_393 = arith.addi %add3A_389, %add3A_392 : vector<16xi32>
    %gather3A_394 = tpu.vector_load_idx %arg5[%add3A_393] : memref<512xi32, #tpu.memory_space<vmem>>[vector<16xi32>], vector<16xi32>,
    %gather3A_395 = tpu.vector_load_idx %arg6[%add3A_389] : memref<512xi32, #tpu.memory_space<vmem>>[vector<16xi32>], vector<16xi32>,
    %bitcast3A_396 = vector.bitcast %gather3A_395 : vector<16xi32> to vector<16xf32>
    %add3A_397 = arith.constant 1 : i32
    %add3A_398 = vector.broadcast %add3A_397 : i32 to vector<16xi32>
    %add3A_399 = arith.addi %add3A_389, %add3A_398 : vector<16xi32>
    %gather3A_400 = tpu.vector_load_idx %arg6[%add3A_399] : memref<512xi32, #tpu.memory_space<vmem>>[vector<16xi32>], vector<16xi32>,
    %bitcast3A_401 = vector.bitcast %gather3A_400 : vector<16xi32> to vector<16xf32>
    %add3A_402 = arith.addf %bitcast3A_396, %bitcast3A_401 : vector<16xf32>
    %gt3A_403 = arith.constant 0.000000e+00 : f32
    %gt3A_404 = vector.broadcast %gt3A_403 : f32 to vector<16xf32>
    %gt3A_405 = arith.cmpf ogt, %add3A_402, %gt3A_404 : vector<16xf32>
    %jit3A_406 = arith.constant 1.000000e+00 : f32
    %broadcast_in_dim3A_407 = vector.broadcast %jit3A_406 : f32 to vector<16xf32>
    %select_n3A_408 = arith.select %gt3A_405, %add3A_402, %broadcast_in_dim3A_407 : vector<16xi1>, vector<16xf32>
    %mul3A_409 = arith.constant 1024 : i32
    %mul3A_410 = vector.broadcast %mul3A_409 : i32 to vector<16xi32>
    %mul3A_411 = arith.muli %gather3A_390, %mul3A_410 : vector<16xi32>
    %swap3A_412 = arith.constant 144 : index
    %swap3A_413 = tpu.vector_load %arg7[%swap3A_412] {strides = array<i32>} : memref<272xi32, #tpu.memory_space<vmem>>, vector<16xi32>,
    tpu.vector_store %arg7[%swap3A_412], %mul3A_411 {strides = array<i32>} : memref<272xi32, #tpu.memory_space<vmem>>, vector<16xi32>,
    %mul3A_414 = arith.constant 1024 : i32
    %mul3A_415 = vector.broadcast %mul3A_414 : i32 to vector<16xi32>
    %mul3A_416 = arith.muli %gather3A_394, %mul3A_415 : vector<16xi32>
    %swap3A_417 = arith.constant 144 : index
    %swap3A_418 = tpu.vector_load %arg8[%swap3A_417] {strides = array<i32>} : memref<272xi32, #tpu.memory_space<vmem>>, vector<16xi32>,
    tpu.vector_store %arg8[%swap3A_417], %mul3A_416 {strides = array<i32>} : memref<272xi32, #tpu.memory_space<vmem>>, vector<16xi32>,
    %div3A_419 = arith.divf %bitcast3A_396, %select_n3A_408 : vector<16xf32>
    %swap3A_420 = arith.constant 144 : index
    %swap3A_421 = tpu.vector_load %arg9[%swap3A_420] {strides = array<i32>} : memref<272xf32, #tpu.memory_space<vmem>>, vector<16xf32>,
    tpu.vector_store %arg9[%swap3A_420], %div3A_419 {strides = array<i32>} : memref<272xf32, #tpu.memory_space<vmem>>, vector<16xf32>,
    %div3A_422 = arith.divf %bitcast3A_401, %select_n3A_408 : vector<16xf32>
    %swap3A_423 = arith.constant 144 : index
    %swap3A_424 = tpu.vector_load %arg10[%swap3A_423] {strides = array<i32>} : memref<272xf32, #tpu.memory_space<vmem>>, vector<16xf32>,
    tpu.vector_store %arg10[%swap3A_423], %div3A_422 {strides = array<i32>} : memref<272xf32, #tpu.memory_space<vmem>>, vector<16xf32>,
    %mul3A_425 = arith.constant 2 : i32
    %mul3A_426 = vector.broadcast %mul3A_425 : i32 to vector<16xi32>
    %mul3A_427 = arith.muli %iota3A, %mul3A_426 : vector<16xi32>
    %add3A_428 = arith.constant 320 : i32
    %add3A_429 = vector.broadcast %add3A_428 : i32 to vector<16xi32>
    %add3A_430 = arith.addi %mul3A_427, %add3A_429 : vector<16xi32>
    %gather3A_431 = tpu.vector_load_idx %arg5[%add3A_430] : memref<512xi32, #tpu.memory_space<vmem>>[vector<16xi32>], vector<16xi32>,
    %add3A_432 = arith.constant 1 : i32
    %add3A_433 = vector.broadcast %add3A_432 : i32 to vector<16xi32>
    %add3A_434 = arith.addi %add3A_430, %add3A_433 : vector<16xi32>
    %gather3A_435 = tpu.vector_load_idx %arg5[%add3A_434] : memref<512xi32, #tpu.memory_space<vmem>>[vector<16xi32>], vector<16xi32>,
    %gather3A_436 = tpu.vector_load_idx %arg6[%add3A_430] : memref<512xi32, #tpu.memory_space<vmem>>[vector<16xi32>], vector<16xi32>,
    %bitcast3A_437 = vector.bitcast %gather3A_436 : vector<16xi32> to vector<16xf32>
    %add3A_438 = arith.constant 1 : i32
    %add3A_439 = vector.broadcast %add3A_438 : i32 to vector<16xi32>
    %add3A_440 = arith.addi %add3A_430, %add3A_439 : vector<16xi32>
    %gather3A_441 = tpu.vector_load_idx %arg6[%add3A_440] : memref<512xi32, #tpu.memory_space<vmem>>[vector<16xi32>], vector<16xi32>,
    %bitcast3A_442 = vector.bitcast %gather3A_441 : vector<16xi32> to vector<16xf32>
    %add3A_443 = arith.addf %bitcast3A_437, %bitcast3A_442 : vector<16xf32>
    %gt3A_444 = arith.constant 0.000000e+00 : f32
    %gt3A_445 = vector.broadcast %gt3A_444 : f32 to vector<16xf32>
    %gt3A_446 = arith.cmpf ogt, %add3A_443, %gt3A_445 : vector<16xf32>
    %jit3A_447 = arith.constant 1.000000e+00 : f32
    %broadcast_in_dim3A_448 = vector.broadcast %jit3A_447 : f32 to vector<16xf32>
    %select_n3A_449 = arith.select %gt3A_446, %add3A_443, %broadcast_in_dim3A_448 : vector<16xi1>, vector<16xf32>
    %mul3A_450 = arith.constant 1024 : i32
    %mul3A_451 = vector.broadcast %mul3A_450 : i32 to vector<16xi32>
    %mul3A_452 = arith.muli %gather3A_431, %mul3A_451 : vector<16xi32>
    %swap3A_453 = arith.constant 160 : index
    %swap3A_454 = tpu.vector_load %arg7[%swap3A_453] {strides = array<i32>} : memref<272xi32, #tpu.memory_space<vmem>>, vector<16xi32>,
    tpu.vector_store %arg7[%swap3A_453], %mul3A_452 {strides = array<i32>} : memref<272xi32, #tpu.memory_space<vmem>>, vector<16xi32>,
    %mul3A_455 = arith.constant 1024 : i32
    %mul3A_456 = vector.broadcast %mul3A_455 : i32 to vector<16xi32>
    %mul3A_457 = arith.muli %gather3A_435, %mul3A_456 : vector<16xi32>
    %swap3A_458 = arith.constant 160 : index
    %swap3A_459 = tpu.vector_load %arg8[%swap3A_458] {strides = array<i32>} : memref<272xi32, #tpu.memory_space<vmem>>, vector<16xi32>,
    tpu.vector_store %arg8[%swap3A_458], %mul3A_457 {strides = array<i32>} : memref<272xi32, #tpu.memory_space<vmem>>, vector<16xi32>,
    %div3A_460 = arith.divf %bitcast3A_437, %select_n3A_449 : vector<16xf32>
    %swap3A_461 = arith.constant 160 : index
    %swap3A_462 = tpu.vector_load %arg9[%swap3A_461] {strides = array<i32>} : memref<272xf32, #tpu.memory_space<vmem>>, vector<16xf32>,
    tpu.vector_store %arg9[%swap3A_461], %div3A_460 {strides = array<i32>} : memref<272xf32, #tpu.memory_space<vmem>>, vector<16xf32>,
    %div3A_463 = arith.divf %bitcast3A_442, %select_n3A_449 : vector<16xf32>
    %swap3A_464 = arith.constant 160 : index
    %swap3A_465 = tpu.vector_load %arg10[%swap3A_464] {strides = array<i32>} : memref<272xf32, #tpu.memory_space<vmem>>, vector<16xf32>,
    tpu.vector_store %arg10[%swap3A_464], %div3A_463 {strides = array<i32>} : memref<272xf32, #tpu.memory_space<vmem>>, vector<16xf32>,
    %mul3A_466 = arith.constant 2 : i32
    %mul3A_467 = vector.broadcast %mul3A_466 : i32 to vector<16xi32>
    %mul3A_468 = arith.muli %iota3A, %mul3A_467 : vector<16xi32>
    %add3A_469 = arith.constant 352 : i32
    %add3A_470 = vector.broadcast %add3A_469 : i32 to vector<16xi32>
    %add3A_471 = arith.addi %mul3A_468, %add3A_470 : vector<16xi32>
    %gather3A_472 = tpu.vector_load_idx %arg5[%add3A_471] : memref<512xi32, #tpu.memory_space<vmem>>[vector<16xi32>], vector<16xi32>,
    %add3A_473 = arith.constant 1 : i32
    %add3A_474 = vector.broadcast %add3A_473 : i32 to vector<16xi32>
    %add3A_475 = arith.addi %add3A_471, %add3A_474 : vector<16xi32>
    %gather3A_476 = tpu.vector_load_idx %arg5[%add3A_475] : memref<512xi32, #tpu.memory_space<vmem>>[vector<16xi32>], vector<16xi32>,
    %gather3A_477 = tpu.vector_load_idx %arg6[%add3A_471] : memref<512xi32, #tpu.memory_space<vmem>>[vector<16xi32>], vector<16xi32>,
    %bitcast3A_478 = vector.bitcast %gather3A_477 : vector<16xi32> to vector<16xf32>
    %add3A_479 = arith.constant 1 : i32
    %add3A_480 = vector.broadcast %add3A_479 : i32 to vector<16xi32>
    %add3A_481 = arith.addi %add3A_471, %add3A_480 : vector<16xi32>
    %gather3A_482 = tpu.vector_load_idx %arg6[%add3A_481] : memref<512xi32, #tpu.memory_space<vmem>>[vector<16xi32>], vector<16xi32>,
    %bitcast3A_483 = vector.bitcast %gather3A_482 : vector<16xi32> to vector<16xf32>
    %add3A_484 = arith.addf %bitcast3A_478, %bitcast3A_483 : vector<16xf32>
    %gt3A_485 = arith.constant 0.000000e+00 : f32
    %gt3A_486 = vector.broadcast %gt3A_485 : f32 to vector<16xf32>
    %gt3A_487 = arith.cmpf ogt, %add3A_484, %gt3A_486 : vector<16xf32>
    %jit3A_488 = arith.constant 1.000000e+00 : f32
    %broadcast_in_dim3A_489 = vector.broadcast %jit3A_488 : f32 to vector<16xf32>
    %select_n3A_490 = arith.select %gt3A_487, %add3A_484, %broadcast_in_dim3A_489 : vector<16xi1>, vector<16xf32>
    %mul3A_491 = arith.constant 1024 : i32
    %mul3A_492 = vector.broadcast %mul3A_491 : i32 to vector<16xi32>
    %mul3A_493 = arith.muli %gather3A_472, %mul3A_492 : vector<16xi32>
    %swap3A_494 = arith.constant 176 : index
    %swap3A_495 = tpu.vector_load %arg7[%swap3A_494] {strides = array<i32>} : memref<272xi32, #tpu.memory_space<vmem>>, vector<16xi32>,
    tpu.vector_store %arg7[%swap3A_494], %mul3A_493 {strides = array<i32>} : memref<272xi32, #tpu.memory_space<vmem>>, vector<16xi32>,
    %mul3A_496 = arith.constant 1024 : i32
    %mul3A_497 = vector.broadcast %mul3A_496 : i32 to vector<16xi32>
    %mul3A_498 = arith.muli %gather3A_476, %mul3A_497 : vector<16xi32>
    %swap3A_499 = arith.constant 176 : index
    %swap3A_500 = tpu.vector_load %arg8[%swap3A_499] {strides = array<i32>} : memref<272xi32, #tpu.memory_space<vmem>>, vector<16xi32>,
    tpu.vector_store %arg8[%swap3A_499], %mul3A_498 {strides = array<i32>} : memref<272xi32, #tpu.memory_space<vmem>>, vector<16xi32>,
    %div3A_501 = arith.divf %bitcast3A_478, %select_n3A_490 : vector<16xf32>
    %swap3A_502 = arith.constant 176 : index
    %swap3A_503 = tpu.vector_load %arg9[%swap3A_502] {strides = array<i32>} : memref<272xf32, #tpu.memory_space<vmem>>, vector<16xf32>,
    tpu.vector_store %arg9[%swap3A_502], %div3A_501 {strides = array<i32>} : memref<272xf32, #tpu.memory_space<vmem>>, vector<16xf32>,
    %div3A_504 = arith.divf %bitcast3A_483, %select_n3A_490 : vector<16xf32>
    %swap3A_505 = arith.constant 176 : index
    %swap3A_506 = tpu.vector_load %arg10[%swap3A_505] {strides = array<i32>} : memref<272xf32, #tpu.memory_space<vmem>>, vector<16xf32>,
    tpu.vector_store %arg10[%swap3A_505], %div3A_504 {strides = array<i32>} : memref<272xf32, #tpu.memory_space<vmem>>, vector<16xf32>,
    %mul3A_507 = arith.constant 2 : i32
    %mul3A_508 = vector.broadcast %mul3A_507 : i32 to vector<16xi32>
    %mul3A_509 = arith.muli %iota3A, %mul3A_508 : vector<16xi32>
    %add3A_510 = arith.constant 384 : i32
    %add3A_511 = vector.broadcast %add3A_510 : i32 to vector<16xi32>
    %add3A_512 = arith.addi %mul3A_509, %add3A_511 : vector<16xi32>
    %gather3A_513 = tpu.vector_load_idx %arg5[%add3A_512] : memref<512xi32, #tpu.memory_space<vmem>>[vector<16xi32>], vector<16xi32>,
    %add3A_514 = arith.constant 1 : i32
    %add3A_515 = vector.broadcast %add3A_514 : i32 to vector<16xi32>
    %add3A_516 = arith.addi %add3A_512, %add3A_515 : vector<16xi32>
    %gather3A_517 = tpu.vector_load_idx %arg5[%add3A_516] : memref<512xi32, #tpu.memory_space<vmem>>[vector<16xi32>], vector<16xi32>,
    %gather3A_518 = tpu.vector_load_idx %arg6[%add3A_512] : memref<512xi32, #tpu.memory_space<vmem>>[vector<16xi32>], vector<16xi32>,
    %bitcast3A_519 = vector.bitcast %gather3A_518 : vector<16xi32> to vector<16xf32>
    %add3A_520 = arith.constant 1 : i32
    %add3A_521 = vector.broadcast %add3A_520 : i32 to vector<16xi32>
    %add3A_522 = arith.addi %add3A_512, %add3A_521 : vector<16xi32>
    %gather3A_523 = tpu.vector_load_idx %arg6[%add3A_522] : memref<512xi32, #tpu.memory_space<vmem>>[vector<16xi32>], vector<16xi32>,
    %bitcast3A_524 = vector.bitcast %gather3A_523 : vector<16xi32> to vector<16xf32>
    %add3A_525 = arith.addf %bitcast3A_519, %bitcast3A_524 : vector<16xf32>
    %gt3A_526 = arith.constant 0.000000e+00 : f32
    %gt3A_527 = vector.broadcast %gt3A_526 : f32 to vector<16xf32>
    %gt3A_528 = arith.cmpf ogt, %add3A_525, %gt3A_527 : vector<16xf32>
    %jit3A_529 = arith.constant 1.000000e+00 : f32
    %broadcast_in_dim3A_530 = vector.broadcast %jit3A_529 : f32 to vector<16xf32>
    %select_n3A_531 = arith.select %gt3A_528, %add3A_525, %broadcast_in_dim3A_530 : vector<16xi1>, vector<16xf32>
    %mul3A_532 = arith.constant 1024 : i32
    %mul3A_533 = vector.broadcast %mul3A_532 : i32 to vector<16xi32>
    %mul3A_534 = arith.muli %gather3A_513, %mul3A_533 : vector<16xi32>
    %swap3A_535 = arith.constant 192 : index
    %swap3A_536 = tpu.vector_load %arg7[%swap3A_535] {strides = array<i32>} : memref<272xi32, #tpu.memory_space<vmem>>, vector<16xi32>,
    tpu.vector_store %arg7[%swap3A_535], %mul3A_534 {strides = array<i32>} : memref<272xi32, #tpu.memory_space<vmem>>, vector<16xi32>,
    %mul3A_537 = arith.constant 1024 : i32
    %mul3A_538 = vector.broadcast %mul3A_537 : i32 to vector<16xi32>
    %mul3A_539 = arith.muli %gather3A_517, %mul3A_538 : vector<16xi32>
    %swap3A_540 = arith.constant 192 : index
    %swap3A_541 = tpu.vector_load %arg8[%swap3A_540] {strides = array<i32>} : memref<272xi32, #tpu.memory_space<vmem>>, vector<16xi32>,
    tpu.vector_store %arg8[%swap3A_540], %mul3A_539 {strides = array<i32>} : memref<272xi32, #tpu.memory_space<vmem>>, vector<16xi32>,
    %div3A_542 = arith.divf %bitcast3A_519, %select_n3A_531 : vector<16xf32>
    %swap3A_543 = arith.constant 192 : index
    %swap3A_544 = tpu.vector_load %arg9[%swap3A_543] {strides = array<i32>} : memref<272xf32, #tpu.memory_space<vmem>>, vector<16xf32>,
    tpu.vector_store %arg9[%swap3A_543], %div3A_542 {strides = array<i32>} : memref<272xf32, #tpu.memory_space<vmem>>, vector<16xf32>,
    %div3A_545 = arith.divf %bitcast3A_524, %select_n3A_531 : vector<16xf32>
    %swap3A_546 = arith.constant 192 : index
    %swap3A_547 = tpu.vector_load %arg10[%swap3A_546] {strides = array<i32>} : memref<272xf32, #tpu.memory_space<vmem>>, vector<16xf32>,
    tpu.vector_store %arg10[%swap3A_546], %div3A_545 {strides = array<i32>} : memref<272xf32, #tpu.memory_space<vmem>>, vector<16xf32>,
    %mul3A_548 = arith.constant 2 : i32
    %mul3A_549 = vector.broadcast %mul3A_548 : i32 to vector<16xi32>
    %mul3A_550 = arith.muli %iota3A, %mul3A_549 : vector<16xi32>
    %add3A_551 = arith.constant 416 : i32
    %add3A_552 = vector.broadcast %add3A_551 : i32 to vector<16xi32>
    %add3A_553 = arith.addi %mul3A_550, %add3A_552 : vector<16xi32>
    %gather3A_554 = tpu.vector_load_idx %arg5[%add3A_553] : memref<512xi32, #tpu.memory_space<vmem>>[vector<16xi32>], vector<16xi32>,
    %add3A_555 = arith.constant 1 : i32
    %add3A_556 = vector.broadcast %add3A_555 : i32 to vector<16xi32>
    %add3A_557 = arith.addi %add3A_553, %add3A_556 : vector<16xi32>
    %gather3A_558 = tpu.vector_load_idx %arg5[%add3A_557] : memref<512xi32, #tpu.memory_space<vmem>>[vector<16xi32>], vector<16xi32>,
    %gather3A_559 = tpu.vector_load_idx %arg6[%add3A_553] : memref<512xi32, #tpu.memory_space<vmem>>[vector<16xi32>], vector<16xi32>,
    %bitcast3A_560 = vector.bitcast %gather3A_559 : vector<16xi32> to vector<16xf32>
    %add3A_561 = arith.constant 1 : i32
    %add3A_562 = vector.broadcast %add3A_561 : i32 to vector<16xi32>
    %add3A_563 = arith.addi %add3A_553, %add3A_562 : vector<16xi32>
    %gather3A_564 = tpu.vector_load_idx %arg6[%add3A_563] : memref<512xi32, #tpu.memory_space<vmem>>[vector<16xi32>], vector<16xi32>,
    %bitcast3A_565 = vector.bitcast %gather3A_564 : vector<16xi32> to vector<16xf32>
    %add3A_566 = arith.addf %bitcast3A_560, %bitcast3A_565 : vector<16xf32>
    %gt3A_567 = arith.constant 0.000000e+00 : f32
    %gt3A_568 = vector.broadcast %gt3A_567 : f32 to vector<16xf32>
    %gt3A_569 = arith.cmpf ogt, %add3A_566, %gt3A_568 : vector<16xf32>
    %jit3A_570 = arith.constant 1.000000e+00 : f32
    %broadcast_in_dim3A_571 = vector.broadcast %jit3A_570 : f32 to vector<16xf32>
    %select_n3A_572 = arith.select %gt3A_569, %add3A_566, %broadcast_in_dim3A_571 : vector<16xi1>, vector<16xf32>
    %mul3A_573 = arith.constant 1024 : i32
    %mul3A_574 = vector.broadcast %mul3A_573 : i32 to vector<16xi32>
    %mul3A_575 = arith.muli %gather3A_554, %mul3A_574 : vector<16xi32>
    %swap3A_576 = arith.constant 208 : index
    %swap3A_577 = tpu.vector_load %arg7[%swap3A_576] {strides = array<i32>} : memref<272xi32, #tpu.memory_space<vmem>>, vector<16xi32>,
    tpu.vector_store %arg7[%swap3A_576], %mul3A_575 {strides = array<i32>} : memref<272xi32, #tpu.memory_space<vmem>>, vector<16xi32>,
    %mul3A_578 = arith.constant 1024 : i32
    %mul3A_579 = vector.broadcast %mul3A_578 : i32 to vector<16xi32>
    %mul3A_580 = arith.muli %gather3A_558, %mul3A_579 : vector<16xi32>
    %swap3A_581 = arith.constant 208 : index
    %swap3A_582 = tpu.vector_load %arg8[%swap3A_581] {strides = array<i32>} : memref<272xi32, #tpu.memory_space<vmem>>, vector<16xi32>,
    tpu.vector_store %arg8[%swap3A_581], %mul3A_580 {strides = array<i32>} : memref<272xi32, #tpu.memory_space<vmem>>, vector<16xi32>,
    %div3A_583 = arith.divf %bitcast3A_560, %select_n3A_572 : vector<16xf32>
    %swap3A_584 = arith.constant 208 : index
    %swap3A_585 = tpu.vector_load %arg9[%swap3A_584] {strides = array<i32>} : memref<272xf32, #tpu.memory_space<vmem>>, vector<16xf32>,
    tpu.vector_store %arg9[%swap3A_584], %div3A_583 {strides = array<i32>} : memref<272xf32, #tpu.memory_space<vmem>>, vector<16xf32>,
    %div3A_586 = arith.divf %bitcast3A_565, %select_n3A_572 : vector<16xf32>
    %swap3A_587 = arith.constant 208 : index
    %swap3A_588 = tpu.vector_load %arg10[%swap3A_587] {strides = array<i32>} : memref<272xf32, #tpu.memory_space<vmem>>, vector<16xf32>,
    tpu.vector_store %arg10[%swap3A_587], %div3A_586 {strides = array<i32>} : memref<272xf32, #tpu.memory_space<vmem>>, vector<16xf32>,
    %mul3A_589 = arith.constant 2 : i32
    %mul3A_590 = vector.broadcast %mul3A_589 : i32 to vector<16xi32>
    %mul3A_591 = arith.muli %iota3A, %mul3A_590 : vector<16xi32>
    %add3A_592 = arith.constant 448 : i32
    %add3A_593 = vector.broadcast %add3A_592 : i32 to vector<16xi32>
    %add3A_594 = arith.addi %mul3A_591, %add3A_593 : vector<16xi32>
    %gather3A_595 = tpu.vector_load_idx %arg5[%add3A_594] : memref<512xi32, #tpu.memory_space<vmem>>[vector<16xi32>], vector<16xi32>,
    %add3A_596 = arith.constant 1 : i32
    %add3A_597 = vector.broadcast %add3A_596 : i32 to vector<16xi32>
    %add3A_598 = arith.addi %add3A_594, %add3A_597 : vector<16xi32>
    %gather3A_599 = tpu.vector_load_idx %arg5[%add3A_598] : memref<512xi32, #tpu.memory_space<vmem>>[vector<16xi32>], vector<16xi32>,
    %gather3A_600 = tpu.vector_load_idx %arg6[%add3A_594] : memref<512xi32, #tpu.memory_space<vmem>>[vector<16xi32>], vector<16xi32>,
    %bitcast3A_601 = vector.bitcast %gather3A_600 : vector<16xi32> to vector<16xf32>
    %add3A_602 = arith.constant 1 : i32
    %add3A_603 = vector.broadcast %add3A_602 : i32 to vector<16xi32>
    %add3A_604 = arith.addi %add3A_594, %add3A_603 : vector<16xi32>
    %gather3A_605 = tpu.vector_load_idx %arg6[%add3A_604] : memref<512xi32, #tpu.memory_space<vmem>>[vector<16xi32>], vector<16xi32>,
    %bitcast3A_606 = vector.bitcast %gather3A_605 : vector<16xi32> to vector<16xf32>
    %add3A_607 = arith.addf %bitcast3A_601, %bitcast3A_606 : vector<16xf32>
    %gt3A_608 = arith.constant 0.000000e+00 : f32
    %gt3A_609 = vector.broadcast %gt3A_608 : f32 to vector<16xf32>
    %gt3A_610 = arith.cmpf ogt, %add3A_607, %gt3A_609 : vector<16xf32>
    %jit3A_611 = arith.constant 1.000000e+00 : f32
    %broadcast_in_dim3A_612 = vector.broadcast %jit3A_611 : f32 to vector<16xf32>
    %select_n3A_613 = arith.select %gt3A_610, %add3A_607, %broadcast_in_dim3A_612 : vector<16xi1>, vector<16xf32>
    %mul3A_614 = arith.constant 1024 : i32
    %mul3A_615 = vector.broadcast %mul3A_614 : i32 to vector<16xi32>
    %mul3A_616 = arith.muli %gather3A_595, %mul3A_615 : vector<16xi32>
    %swap3A_617 = arith.constant 224 : index
    %swap3A_618 = tpu.vector_load %arg7[%swap3A_617] {strides = array<i32>} : memref<272xi32, #tpu.memory_space<vmem>>, vector<16xi32>,
    tpu.vector_store %arg7[%swap3A_617], %mul3A_616 {strides = array<i32>} : memref<272xi32, #tpu.memory_space<vmem>>, vector<16xi32>,
    %mul3A_619 = arith.constant 1024 : i32
    %mul3A_620 = vector.broadcast %mul3A_619 : i32 to vector<16xi32>
    %mul3A_621 = arith.muli %gather3A_599, %mul3A_620 : vector<16xi32>
    %swap3A_622 = arith.constant 224 : index
    %swap3A_623 = tpu.vector_load %arg8[%swap3A_622] {strides = array<i32>} : memref<272xi32, #tpu.memory_space<vmem>>, vector<16xi32>,
    tpu.vector_store %arg8[%swap3A_622], %mul3A_621 {strides = array<i32>} : memref<272xi32, #tpu.memory_space<vmem>>, vector<16xi32>,
    %div3A_624 = arith.divf %bitcast3A_601, %select_n3A_613 : vector<16xf32>
    %swap3A_625 = arith.constant 224 : index
    %swap3A_626 = tpu.vector_load %arg9[%swap3A_625] {strides = array<i32>} : memref<272xf32, #tpu.memory_space<vmem>>, vector<16xf32>,
    tpu.vector_store %arg9[%swap3A_625], %div3A_624 {strides = array<i32>} : memref<272xf32, #tpu.memory_space<vmem>>, vector<16xf32>,
    %div3A_627 = arith.divf %bitcast3A_606, %select_n3A_613 : vector<16xf32>
    %swap3A_628 = arith.constant 224 : index
    %swap3A_629 = tpu.vector_load %arg10[%swap3A_628] {strides = array<i32>} : memref<272xf32, #tpu.memory_space<vmem>>, vector<16xf32>,
    tpu.vector_store %arg10[%swap3A_628], %div3A_627 {strides = array<i32>} : memref<272xf32, #tpu.memory_space<vmem>>, vector<16xf32>,
    %mul3A_630 = arith.constant 2 : i32
    %mul3A_631 = vector.broadcast %mul3A_630 : i32 to vector<16xi32>
    %mul3A_632 = arith.muli %iota3A, %mul3A_631 : vector<16xi32>
    %add3A_633 = arith.constant 480 : i32
    %add3A_634 = vector.broadcast %add3A_633 : i32 to vector<16xi32>
    %add3A_635 = arith.addi %mul3A_632, %add3A_634 : vector<16xi32>
    %gather3A_636 = tpu.vector_load_idx %arg5[%add3A_635] : memref<512xi32, #tpu.memory_space<vmem>>[vector<16xi32>], vector<16xi32>,
    %add3A_637 = arith.constant 1 : i32
    %add3A_638 = vector.broadcast %add3A_637 : i32 to vector<16xi32>
    %add3A_639 = arith.addi %add3A_635, %add3A_638 : vector<16xi32>
    %gather3A_640 = tpu.vector_load_idx %arg5[%add3A_639] : memref<512xi32, #tpu.memory_space<vmem>>[vector<16xi32>], vector<16xi32>,
    %gather3A_641 = tpu.vector_load_idx %arg6[%add3A_635] : memref<512xi32, #tpu.memory_space<vmem>>[vector<16xi32>], vector<16xi32>,
    %bitcast3A_642 = vector.bitcast %gather3A_641 : vector<16xi32> to vector<16xf32>
    %add3A_643 = arith.constant 1 : i32
    %add3A_644 = vector.broadcast %add3A_643 : i32 to vector<16xi32>
    %add3A_645 = arith.addi %add3A_635, %add3A_644 : vector<16xi32>
    %gather3A_646 = tpu.vector_load_idx %arg6[%add3A_645] : memref<512xi32, #tpu.memory_space<vmem>>[vector<16xi32>], vector<16xi32>,
    %bitcast3A_647 = vector.bitcast %gather3A_646 : vector<16xi32> to vector<16xf32>
    %add3A_648 = arith.addf %bitcast3A_642, %bitcast3A_647 : vector<16xf32>
    %gt3A_649 = arith.constant 0.000000e+00 : f32
    %gt3A_650 = vector.broadcast %gt3A_649 : f32 to vector<16xf32>
    %gt3A_651 = arith.cmpf ogt, %add3A_648, %gt3A_650 : vector<16xf32>
    %jit3A_652 = arith.constant 1.000000e+00 : f32
    %broadcast_in_dim3A_653 = vector.broadcast %jit3A_652 : f32 to vector<16xf32>
    %select_n3A_654 = arith.select %gt3A_651, %add3A_648, %broadcast_in_dim3A_653 : vector<16xi1>, vector<16xf32>
    %mul3A_655 = arith.constant 1024 : i32
    %mul3A_656 = vector.broadcast %mul3A_655 : i32 to vector<16xi32>
    %mul3A_657 = arith.muli %gather3A_636, %mul3A_656 : vector<16xi32>
    %swap3A_658 = arith.constant 240 : index
    %swap3A_659 = tpu.vector_load %arg7[%swap3A_658] {strides = array<i32>} : memref<272xi32, #tpu.memory_space<vmem>>, vector<16xi32>,
    tpu.vector_store %arg7[%swap3A_658], %mul3A_657 {strides = array<i32>} : memref<272xi32, #tpu.memory_space<vmem>>, vector<16xi32>,
    %mul3A_660 = arith.constant 1024 : i32
    %mul3A_661 = vector.broadcast %mul3A_660 : i32 to vector<16xi32>
    %mul3A_662 = arith.muli %gather3A_640, %mul3A_661 : vector<16xi32>
    %swap3A_663 = arith.constant 240 : index
    %swap3A_664 = tpu.vector_load %arg8[%swap3A_663] {strides = array<i32>} : memref<272xi32, #tpu.memory_space<vmem>>, vector<16xi32>,
    tpu.vector_store %arg8[%swap3A_663], %mul3A_662 {strides = array<i32>} : memref<272xi32, #tpu.memory_space<vmem>>, vector<16xi32>,
    %div3A_665 = arith.divf %bitcast3A_642, %select_n3A_654 : vector<16xf32>
    %swap3A_666 = arith.constant 240 : index
    %swap3A_667 = tpu.vector_load %arg9[%swap3A_666] {strides = array<i32>} : memref<272xf32, #tpu.memory_space<vmem>>, vector<16xf32>,
    tpu.vector_store %arg9[%swap3A_666], %div3A_665 {strides = array<i32>} : memref<272xf32, #tpu.memory_space<vmem>>, vector<16xf32>,
    %div3A_668 = arith.divf %bitcast3A_647, %select_n3A_654 : vector<16xf32>
    %swap3A_669 = arith.constant 240 : index
    %swap3A_670 = tpu.vector_load %arg10[%swap3A_669] {strides = array<i32>} : memref<272xf32, #tpu.memory_space<vmem>>, vector<16xf32>,
    tpu.vector_store %arg10[%swap3A_669], %div3A_668 {strides = array<i32>} : memref<272xf32, #tpu.memory_space<vmem>>, vector<16xf32>,
    %scan3A = arith.constant 0 : i32
    %scan3A_671 = arith.constant 0 : i32
    %scan3A_672 = arith.constant 16 : i32
    %scan3A_673 = arith.addi %scan3A_671, %scan3A_672 : i32
    %scan3A_674 = arith.constant 1 : i32
    scf.for %scan3A_926 = %scan3A_671 to %scan3A_673 step %scan3A_674  : i32 {
      %add3A_927 = arith.constant 0 : i32
      %add3A_928 = arith.addi %add3A_927, %scan3A_926 : i32
      %get3A = arith.index_cast %add3A_928 : i32 to index
      %get3A_929 = tpu.vector_load %arg9[%get3A] {strides = array<i32>} : memref<272xf32, #tpu.memory_space<vmem>>, vector<16xf32>,
      %slice3A = vector.extract_strided_slice %get3A_929 {offsets = [0], sizes = [1], strides = [1]} : vector<16xf32> to vector<1xf32>
      %squeeze3A = vector.extract %slice3A[0] : f32 from vector<1xf32>
      %get3A_930 = arith.index_cast %add3A_928 : i32 to index
      %get3A_931 = tpu.vector_load %arg10[%get3A_930] {strides = array<i32>} : memref<272xf32, #tpu.memory_space<vmem>>, vector<16xf32>,
      %slice3A_932 = vector.extract_strided_slice %get3A_931 {offsets = [0], sizes = [1], strides = [1]} : vector<16xf32> to vector<1xf32>
      %squeeze3A_933 = vector.extract %slice3A_932[0] : f32 from vector<1xf32>
      %get3A_934 = arith.index_cast %add3A_928 : i32 to index
      %get3A_935 = tpu.vector_load %arg7[%get3A_934] {strides = array<i32>} : memref<272xi32, #tpu.memory_space<vmem>>, vector<16xi32>,
      %slice3A_936 = vector.extract_strided_slice %get3A_935 {offsets = [0], sizes = [1], strides = [1]} : vector<16xi32> to vector<1xi32>
      %squeeze3A_937 = vector.extract %slice3A_936[0] : i32 from vector<1xi32>
      %get3A_938 = arith.index_cast %add3A_928 : i32 to index
      %get3A_939 = tpu.vector_load %arg8[%get3A_938] {strides = array<i32>} : memref<272xi32, #tpu.memory_space<vmem>>, vector<16xi32>,
      %slice3A_940 = vector.extract_strided_slice %get3A_939 {offsets = [0], sizes = [1], strides = [1]} : vector<16xi32> to vector<1xi32>
      %squeeze3A_941 = vector.extract %slice3A_940[0] : i32 from vector<1xi32>
      %parallel_loop3A = arith.constant 0 : i32
      %parallel_loop3A_942 = arith.constant 1024 : i32
      %parallel_loop3A_943 = arith.constant 32 : i32
      scf.for %parallel_loop3A_944 = %parallel_loop3A to %parallel_loop3A_942 step %parallel_loop3A_943  : i32 {
        %parallel_loop3A_945 = arith.constant 0 : i32
        %parallel_loop3A_946 = arith.addi %parallel_loop3A_944, %parallel_loop3A_945 : i32
        %parallel_loop3A_947 = arith.addi %squeeze3A_937, %parallel_loop3A_946 : i32
        %parallel_loop3A_948 = arith.index_cast %parallel_loop3A_947 : i32 to index
        %parallel_loop3A_949 = tpu.vector_load %arg4[%parallel_loop3A_948] {strides = array<i32>} : memref<16384xi32, #tpu.memory_space<vmem>>, vector<16xi32>,
        %parallel_loop3A_950 = vector.bitcast %parallel_loop3A_949 : vector<16xi32> to vector<32xbf16>
        %parallel_loop3A_951 = arith.addi %squeeze3A_941, %parallel_loop3A_946 : i32
        %parallel_loop3A_952 = arith.index_cast %parallel_loop3A_951 : i32 to index
        %parallel_loop3A_953 = tpu.vector_load %arg4[%parallel_loop3A_952] {strides = array<i32>} : memref<16384xi32, #tpu.memory_space<vmem>>, vector<16xi32>,
        %parallel_loop3A_954 = vector.bitcast %parallel_loop3A_953 : vector<16xi32> to vector<32xbf16>
        %parallel_loop3A_955 = tpu.unpack_subelements %parallel_loop3A_950, 0 {pack_format = #tpu.pack_format<interleaved>} : vector<32xbf16> -> vector<16xf32>
        %parallel_loop3A_956 = tpu.unpack_subelements %parallel_loop3A_950, 1 {pack_format = #tpu.pack_format<interleaved>} : vector<32xbf16> -> vector<16xf32>
        %parallel_loop3A_957 = tpu.unpack_subelements %parallel_loop3A_954, 0 {pack_format = #tpu.pack_format<interleaved>} : vector<32xbf16> -> vector<16xf32>
        %parallel_loop3A_958 = tpu.unpack_subelements %parallel_loop3A_954, 1 {pack_format = #tpu.pack_format<interleaved>} : vector<32xbf16> -> vector<16xf32>
        %parallel_loop3A_959 = arith.constant 2 : i32
        %parallel_loop3A_960 = arith.muli %parallel_loop3A_946, %parallel_loop3A_959 : i32
        %parallel_loop3A_961 = vector.broadcast %squeeze3A : f32 to vector<16xf32>
        %parallel_loop3A_962 = arith.mulf %parallel_loop3A_955, %parallel_loop3A_961 : vector<16xf32>
        %parallel_loop3A_963 = vector.broadcast %squeeze3A_933 : f32 to vector<16xf32>
        %parallel_loop3A_964 = arith.mulf %parallel_loop3A_957, %parallel_loop3A_963 : vector<16xf32>
        %parallel_loop3A_965 = arith.addf %parallel_loop3A_962, %parallel_loop3A_964 : vector<16xf32>
        %parallel_loop3A_966 = arith.index_cast %scan3A_926 : i32 to index
        %parallel_loop3A_967 = arith.index_cast %parallel_loop3A_960 : i32 to index
        %parallel_loop3A_968 = tpu.vector_load %arg11[%parallel_loop3A_966, %parallel_loop3A_967] {strides = array<i32>} : memref<16x2048xf32, #tpu.memory_space<vmem>>, vector<16xf32>,
        tpu.vector_store %arg11[%parallel_loop3A_966, %parallel_loop3A_967], %parallel_loop3A_965 {strides = array<i32>} : memref<16x2048xf32, #tpu.memory_space<vmem>>, vector<16xf32>,
        %parallel_loop3A_969 = vector.broadcast %squeeze3A : f32 to vector<16xf32>
        %parallel_loop3A_970 = arith.mulf %parallel_loop3A_956, %parallel_loop3A_969 : vector<16xf32>
        %parallel_loop3A_971 = vector.broadcast %squeeze3A_933 : f32 to vector<16xf32>
        %parallel_loop3A_972 = arith.mulf %parallel_loop3A_958, %parallel_loop3A_971 : vector<16xf32>
        %parallel_loop3A_973 = arith.addf %parallel_loop3A_970, %parallel_loop3A_972 : vector<16xf32>
        %parallel_loop3A_974 = arith.constant 16 : i32
        %parallel_loop3A_975 = arith.addi %parallel_loop3A_960, %parallel_loop3A_974 : i32
        %parallel_loop3A_976 = arith.index_cast %scan3A_926 : i32 to index
        %parallel_loop3A_977 = arith.index_cast %parallel_loop3A_975 : i32 to index
        %parallel_loop3A_978 = tpu.vector_load %arg11[%parallel_loop3A_976, %parallel_loop3A_977] {strides = array<i32>} : memref<16x2048xf32, #tpu.memory_space<vmem>>, vector<16xf32>,
        tpu.vector_store %arg11[%parallel_loop3A_976, %parallel_loop3A_977], %parallel_loop3A_973 {strides = array<i32>} : memref<16x2048xf32, #tpu.memory_space<vmem>>, vector<16xf32>,
        %parallel_loop3A_979 = arith.constant 16 : i32
        %parallel_loop3A_980 = arith.addi %parallel_loop3A_944, %parallel_loop3A_979 : i32
        %parallel_loop3A_981 = arith.addi %squeeze3A_937, %parallel_loop3A_980 : i32
        %parallel_loop3A_982 = arith.index_cast %parallel_loop3A_981 : i32 to index
        %parallel_loop3A_983 = tpu.vector_load %arg4[%parallel_loop3A_982] {strides = array<i32>} : memref<16384xi32, #tpu.memory_space<vmem>>, vector<16xi32>,
        %parallel_loop3A_984 = vector.bitcast %parallel_loop3A_983 : vector<16xi32> to vector<32xbf16>
        %parallel_loop3A_985 = arith.addi %squeeze3A_941, %parallel_loop3A_980 : i32
        %parallel_loop3A_986 = arith.index_cast %parallel_loop3A_985 : i32 to index
        %parallel_loop3A_987 = tpu.vector_load %arg4[%parallel_loop3A_986] {strides = array<i32>} : memref<16384xi32, #tpu.memory_space<vmem>>, vector<16xi32>,
        %parallel_loop3A_988 = vector.bitcast %parallel_loop3A_987 : vector<16xi32> to vector<32xbf16>
        %parallel_loop3A_989 = tpu.unpack_subelements %parallel_loop3A_984, 0 {pack_format = #tpu.pack_format<interleaved>} : vector<32xbf16> -> vector<16xf32>
        %parallel_loop3A_990 = tpu.unpack_subelements %parallel_loop3A_984, 1 {pack_format = #tpu.pack_format<interleaved>} : vector<32xbf16> -> vector<16xf32>
        %parallel_loop3A_991 = tpu.unpack_subelements %parallel_loop3A_988, 0 {pack_format = #tpu.pack_format<interleaved>} : vector<32xbf16> -> vector<16xf32>
        %parallel_loop3A_992 = tpu.unpack_subelements %parallel_loop3A_988, 1 {pack_format = #tpu.pack_format<interleaved>} : vector<32xbf16> -> vector<16xf32>
        %parallel_loop3A_993 = arith.constant 2 : i32
        %parallel_loop3A_994 = arith.muli %parallel_loop3A_980, %parallel_loop3A_993 : i32
        %parallel_loop3A_995 = vector.broadcast %squeeze3A : f32 to vector<16xf32>
        %parallel_loop3A_996 = arith.mulf %parallel_loop3A_989, %parallel_loop3A_995 : vector<16xf32>
        %parallel_loop3A_997 = vector.broadcast %squeeze3A_933 : f32 to vector<16xf32>
        %parallel_loop3A_998 = arith.mulf %parallel_loop3A_991, %parallel_loop3A_997 : vector<16xf32>
        %parallel_loop3A_999 = arith.addf %parallel_loop3A_996, %parallel_loop3A_998 : vector<16xf32>
        %parallel_loop3A_1000 = arith.index_cast %scan3A_926 : i32 to index
        %parallel_loop3A_1001 = arith.index_cast %parallel_loop3A_994 : i32 to index
        %parallel_loop3A_1002 = tpu.vector_load %arg11[%parallel_loop3A_1000, %parallel_loop3A_1001] {strides = array<i32>} : memref<16x2048xf32, #tpu.memory_space<vmem>>, vector<16xf32>,
        tpu.vector_store %arg11[%parallel_loop3A_1000, %parallel_loop3A_1001], %parallel_loop3A_999 {strides = array<i32>} : memref<16x2048xf32, #tpu.memory_space<vmem>>, vector<16xf32>,
        %parallel_loop3A_1003 = vector.broadcast %squeeze3A : f32 to vector<16xf32>
        %parallel_loop3A_1004 = arith.mulf %parallel_loop3A_990, %parallel_loop3A_1003 : vector<16xf32>
        %parallel_loop3A_1005 = vector.broadcast %squeeze3A_933 : f32 to vector<16xf32>
        %parallel_loop3A_1006 = arith.mulf %parallel_loop3A_992, %parallel_loop3A_1005 : vector<16xf32>
        %parallel_loop3A_1007 = arith.addf %parallel_loop3A_1004, %parallel_loop3A_1006 : vector<16xf32>
        %parallel_loop3A_1008 = arith.constant 16 : i32
        %parallel_loop3A_1009 = arith.addi %parallel_loop3A_994, %parallel_loop3A_1008 : i32
        %parallel_loop3A_1010 = arith.index_cast %scan3A_926 : i32 to index
        %parallel_loop3A_1011 = arith.index_cast %parallel_loop3A_1009 : i32 to index
        %parallel_loop3A_1012 = tpu.vector_load %arg11[%parallel_loop3A_1010, %parallel_loop3A_1011] {strides = array<i32>} : memref<16x2048xf32, #tpu.memory_space<vmem>>, vector<16xf32>,
        tpu.vector_store %arg11[%parallel_loop3A_1010, %parallel_loop3A_1011], %parallel_loop3A_1007 {strides = array<i32>} : memref<16x2048xf32, #tpu.memory_space<vmem>>, vector<16xf32>,
      } {sc.loop_unroll_factor = 2 : i64, sc.parallel_access}
    }
    %scan3A_675 = arith.constant 16 : i32
    %add3A_676 = arith.constant 0 : i32
    %add3A_677 = arith.addi %mul3A_2, %add3A_676 : i32
    %dma_start3A_678 = arith.constant 0 : i32
    %dma_start3A_679 = tpu.memref_slice %arg3[%add3A_677, %dma_start3A_678] : memref<8192x2048xf32, #tpu.memory_space<hbm>> -> memref<16x2048xf32, #tpu.memory_space<hbm>>
    %dma_start3A_680 = arith.constant 0 : i32
    %dma_start3A_681 = tpu.memref_slice %arg3[%add3A_677, %dma_start3A_680] : memref<8192x2048xf32, #tpu.memory_space<hbm>> -> memref<16x2048xf32, #tpu.memory_space<hbm>>
    tpu.enqueue_dma source(%arg11 : memref<16x2048xf32, #tpu.memory_space<vmem>>) target(%dma_start3A_681 : memref<16x2048xf32, #tpu.memory_space<hbm>>) target_semaphore(%arg14 : memref<!tpu.dma_semaphore, #tpu.memory_space<semaphore_mem>>)
    %scan3A_682 = arith.constant 0 : i32
    %scan3A_683 = arith.constant 0 : i32
    %scan3A_684 = arith.constant 16 : i32
    %scan3A_685 = arith.addi %scan3A_683, %scan3A_684 : i32
    %scan3A_686 = arith.constant 1 : i32
    scf.for %scan3A_926 = %scan3A_683 to %scan3A_685 step %scan3A_686  : i32 {
      %add3A_927 = arith.constant 16 : i32
      %add3A_928 = arith.addi %add3A_927, %scan3A_926 : i32
      %get3A = arith.index_cast %add3A_928 : i32 to index
      %get3A_929 = tpu.vector_load %arg9[%get3A] {strides = array<i32>} : memref<272xf32, #tpu.memory_space<vmem>>, vector<16xf32>,
      %slice3A = vector.extract_strided_slice %get3A_929 {offsets = [0], sizes = [1], strides = [1]} : vector<16xf32> to vector<1xf32>
      %squeeze3A = vector.extract %slice3A[0] : f32 from vector<1xf32>
      %get3A_930 = arith.index_cast %add3A_928 : i32 to index
      %get3A_931 = tpu.vector_load %arg10[%get3A_930] {strides = array<i32>} : memref<272xf32, #tpu.memory_space<vmem>>, vector<16xf32>,
      %slice3A_932 = vector.extract_strided_slice %get3A_931 {offsets = [0], sizes = [1], strides = [1]} : vector<16xf32> to vector<1xf32>
      %squeeze3A_933 = vector.extract %slice3A_932[0] : f32 from vector<1xf32>
      %get3A_934 = arith.index_cast %add3A_928 : i32 to index
      %get3A_935 = tpu.vector_load %arg7[%get3A_934] {strides = array<i32>} : memref<272xi32, #tpu.memory_space<vmem>>, vector<16xi32>,
      %slice3A_936 = vector.extract_strided_slice %get3A_935 {offsets = [0], sizes = [1], strides = [1]} : vector<16xi32> to vector<1xi32>
      %squeeze3A_937 = vector.extract %slice3A_936[0] : i32 from vector<1xi32>
      %get3A_938 = arith.index_cast %add3A_928 : i32 to index
      %get3A_939 = tpu.vector_load %arg8[%get3A_938] {strides = array<i32>} : memref<272xi32, #tpu.memory_space<vmem>>, vector<16xi32>,
      %slice3A_940 = vector.extract_strided_slice %get3A_939 {offsets = [0], sizes = [1], strides = [1]} : vector<16xi32> to vector<1xi32>
      %squeeze3A_941 = vector.extract %slice3A_940[0] : i32 from vector<1xi32>
      %parallel_loop3A = arith.constant 0 : i32
      %parallel_loop3A_942 = arith.constant 1024 : i32
      %parallel_loop3A_943 = arith.constant 32 : i32
      scf.for %parallel_loop3A_944 = %parallel_loop3A to %parallel_loop3A_942 step %parallel_loop3A_943  : i32 {
        %parallel_loop3A_945 = arith.constant 0 : i32
        %parallel_loop3A_946 = arith.addi %parallel_loop3A_944, %parallel_loop3A_945 : i32
        %parallel_loop3A_947 = arith.addi %squeeze3A_937, %parallel_loop3A_946 : i32
        %parallel_loop3A_948 = arith.index_cast %parallel_loop3A_947 : i32 to index
        %parallel_loop3A_949 = tpu.vector_load %arg4[%parallel_loop3A_948] {strides = array<i32>} : memref<16384xi32, #tpu.memory_space<vmem>>, vector<16xi32>,
        %parallel_loop3A_950 = vector.bitcast %parallel_loop3A_949 : vector<16xi32> to vector<32xbf16>
        %parallel_loop3A_951 = arith.addi %squeeze3A_941, %parallel_loop3A_946 : i32
        %parallel_loop3A_952 = arith.index_cast %parallel_loop3A_951 : i32 to index
        %parallel_loop3A_953 = tpu.vector_load %arg4[%parallel_loop3A_952] {strides = array<i32>} : memref<16384xi32, #tpu.memory_space<vmem>>, vector<16xi32>,
        %parallel_loop3A_954 = vector.bitcast %parallel_loop3A_953 : vector<16xi32> to vector<32xbf16>
        %parallel_loop3A_955 = tpu.unpack_subelements %parallel_loop3A_950, 0 {pack_format = #tpu.pack_format<interleaved>} : vector<32xbf16> -> vector<16xf32>
        %parallel_loop3A_956 = tpu.unpack_subelements %parallel_loop3A_950, 1 {pack_format = #tpu.pack_format<interleaved>} : vector<32xbf16> -> vector<16xf32>
        %parallel_loop3A_957 = tpu.unpack_subelements %parallel_loop3A_954, 0 {pack_format = #tpu.pack_format<interleaved>} : vector<32xbf16> -> vector<16xf32>
        %parallel_loop3A_958 = tpu.unpack_subelements %parallel_loop3A_954, 1 {pack_format = #tpu.pack_format<interleaved>} : vector<32xbf16> -> vector<16xf32>
        %parallel_loop3A_959 = arith.constant 2 : i32
        %parallel_loop3A_960 = arith.muli %parallel_loop3A_946, %parallel_loop3A_959 : i32
        %parallel_loop3A_961 = vector.broadcast %squeeze3A : f32 to vector<16xf32>
        %parallel_loop3A_962 = arith.mulf %parallel_loop3A_955, %parallel_loop3A_961 : vector<16xf32>
        %parallel_loop3A_963 = vector.broadcast %squeeze3A_933 : f32 to vector<16xf32>
        %parallel_loop3A_964 = arith.mulf %parallel_loop3A_957, %parallel_loop3A_963 : vector<16xf32>
        %parallel_loop3A_965 = arith.addf %parallel_loop3A_962, %parallel_loop3A_964 : vector<16xf32>
        %parallel_loop3A_966 = arith.index_cast %scan3A_926 : i32 to index
        %parallel_loop3A_967 = arith.index_cast %parallel_loop3A_960 : i32 to index
        %parallel_loop3A_968 = tpu.vector_load %arg12[%parallel_loop3A_966, %parallel_loop3A_967] {strides = array<i32>} : memref<16x2048xf32, #tpu.memory_space<vmem>>, vector<16xf32>,
        tpu.vector_store %arg12[%parallel_loop3A_966, %parallel_loop3A_967], %parallel_loop3A_965 {strides = array<i32>} : memref<16x2048xf32, #tpu.memory_space<vmem>>, vector<16xf32>,
        %parallel_loop3A_969 = vector.broadcast %squeeze3A : f32 to vector<16xf32>
        %parallel_loop3A_970 = arith.mulf %parallel_loop3A_956, %parallel_loop3A_969 : vector<16xf32>
        %parallel_loop3A_971 = vector.broadcast %squeeze3A_933 : f32 to vector<16xf32>
        %parallel_loop3A_972 = arith.mulf %parallel_loop3A_958, %parallel_loop3A_971 : vector<16xf32>
        %parallel_loop3A_973 = arith.addf %parallel_loop3A_970, %parallel_loop3A_972 : vector<16xf32>
        %parallel_loop3A_974 = arith.constant 16 : i32
        %parallel_loop3A_975 = arith.addi %parallel_loop3A_960, %parallel_loop3A_974 : i32
        %parallel_loop3A_976 = arith.index_cast %scan3A_926 : i32 to index
        %parallel_loop3A_977 = arith.index_cast %parallel_loop3A_975 : i32 to index
        %parallel_loop3A_978 = tpu.vector_load %arg12[%parallel_loop3A_976, %parallel_loop3A_977] {strides = array<i32>} : memref<16x2048xf32, #tpu.memory_space<vmem>>, vector<16xf32>,
        tpu.vector_store %arg12[%parallel_loop3A_976, %parallel_loop3A_977], %parallel_loop3A_973 {strides = array<i32>} : memref<16x2048xf32, #tpu.memory_space<vmem>>, vector<16xf32>,
        %parallel_loop3A_979 = arith.constant 16 : i32
        %parallel_loop3A_980 = arith.addi %parallel_loop3A_944, %parallel_loop3A_979 : i32
        %parallel_loop3A_981 = arith.addi %squeeze3A_937, %parallel_loop3A_980 : i32
        %parallel_loop3A_982 = arith.index_cast %parallel_loop3A_981 : i32 to index
        %parallel_loop3A_983 = tpu.vector_load %arg4[%parallel_loop3A_982] {strides = array<i32>} : memref<16384xi32, #tpu.memory_space<vmem>>, vector<16xi32>,
        %parallel_loop3A_984 = vector.bitcast %parallel_loop3A_983 : vector<16xi32> to vector<32xbf16>
        %parallel_loop3A_985 = arith.addi %squeeze3A_941, %parallel_loop3A_980 : i32
        %parallel_loop3A_986 = arith.index_cast %parallel_loop3A_985 : i32 to index
        %parallel_loop3A_987 = tpu.vector_load %arg4[%parallel_loop3A_986] {strides = array<i32>} : memref<16384xi32, #tpu.memory_space<vmem>>, vector<16xi32>,
        %parallel_loop3A_988 = vector.bitcast %parallel_loop3A_987 : vector<16xi32> to vector<32xbf16>
        %parallel_loop3A_989 = tpu.unpack_subelements %parallel_loop3A_984, 0 {pack_format = #tpu.pack_format<interleaved>} : vector<32xbf16> -> vector<16xf32>
        %parallel_loop3A_990 = tpu.unpack_subelements %parallel_loop3A_984, 1 {pack_format = #tpu.pack_format<interleaved>} : vector<32xbf16> -> vector<16xf32>
        %parallel_loop3A_991 = tpu.unpack_subelements %parallel_loop3A_988, 0 {pack_format = #tpu.pack_format<interleaved>} : vector<32xbf16> -> vector<16xf32>
        %parallel_loop3A_992 = tpu.unpack_subelements %parallel_loop3A_988, 1 {pack_format = #tpu.pack_format<interleaved>} : vector<32xbf16> -> vector<16xf32>
        %parallel_loop3A_993 = arith.constant 2 : i32
        %parallel_loop3A_994 = arith.muli %parallel_loop3A_980, %parallel_loop3A_993 : i32
        %parallel_loop3A_995 = vector.broadcast %squeeze3A : f32 to vector<16xf32>
        %parallel_loop3A_996 = arith.mulf %parallel_loop3A_989, %parallel_loop3A_995 : vector<16xf32>
        %parallel_loop3A_997 = vector.broadcast %squeeze3A_933 : f32 to vector<16xf32>
        %parallel_loop3A_998 = arith.mulf %parallel_loop3A_991, %parallel_loop3A_997 : vector<16xf32>
        %parallel_loop3A_999 = arith.addf %parallel_loop3A_996, %parallel_loop3A_998 : vector<16xf32>
        %parallel_loop3A_1000 = arith.index_cast %scan3A_926 : i32 to index
        %parallel_loop3A_1001 = arith.index_cast %parallel_loop3A_994 : i32 to index
        %parallel_loop3A_1002 = tpu.vector_load %arg12[%parallel_loop3A_1000, %parallel_loop3A_1001] {strides = array<i32>} : memref<16x2048xf32, #tpu.memory_space<vmem>>, vector<16xf32>,
        tpu.vector_store %arg12[%parallel_loop3A_1000, %parallel_loop3A_1001], %parallel_loop3A_999 {strides = array<i32>} : memref<16x2048xf32, #tpu.memory_space<vmem>>, vector<16xf32>,
        %parallel_loop3A_1003 = vector.broadcast %squeeze3A : f32 to vector<16xf32>
        %parallel_loop3A_1004 = arith.mulf %parallel_loop3A_990, %parallel_loop3A_1003 : vector<16xf32>
        %parallel_loop3A_1005 = vector.broadcast %squeeze3A_933 : f32 to vector<16xf32>
        %parallel_loop3A_1006 = arith.mulf %parallel_loop3A_992, %parallel_loop3A_1005 : vector<16xf32>
        %parallel_loop3A_1007 = arith.addf %parallel_loop3A_1004, %parallel_loop3A_1006 : vector<16xf32>
        %parallel_loop3A_1008 = arith.constant 16 : i32
        %parallel_loop3A_1009 = arith.addi %parallel_loop3A_994, %parallel_loop3A_1008 : i32
        %parallel_loop3A_1010 = arith.index_cast %scan3A_926 : i32 to index
        %parallel_loop3A_1011 = arith.index_cast %parallel_loop3A_1009 : i32 to index
        %parallel_loop3A_1012 = tpu.vector_load %arg12[%parallel_loop3A_1010, %parallel_loop3A_1011] {strides = array<i32>} : memref<16x2048xf32, #tpu.memory_space<vmem>>, vector<16xf32>,
        tpu.vector_store %arg12[%parallel_loop3A_1010, %parallel_loop3A_1011], %parallel_loop3A_1007 {strides = array<i32>} : memref<16x2048xf32, #tpu.memory_space<vmem>>, vector<16xf32>,
      } {sc.loop_unroll_factor = 2 : i64, sc.parallel_access}
    }
    %scan3A_687 = arith.constant 16 : i32
    %add3A_688 = arith.constant 16 : i32
    %add3A_689 = arith.addi %mul3A_2, %add3A_688 : i32
    %dma_start3A_690 = arith.constant 0 : i32
    %dma_start3A_691 = tpu.memref_slice %arg3[%add3A_689, %dma_start3A_690] : memref<8192x2048xf32, #tpu.memory_space<hbm>> -> memref<16x2048xf32, #tpu.memory_space<hbm>>
    %dma_start3A_692 = arith.constant 0 : i32
    %dma_start3A_693 = tpu.memref_slice %arg3[%add3A_689, %dma_start3A_692] : memref<8192x2048xf32, #tpu.memory_space<hbm>> -> memref<16x2048xf32, #tpu.memory_space<hbm>>
    tpu.enqueue_dma source(%arg12 : memref<16x2048xf32, #tpu.memory_space<vmem>>) target(%dma_start3A_693 : memref<16x2048xf32, #tpu.memory_space<hbm>>) target_semaphore(%arg15 : memref<!tpu.dma_semaphore, #tpu.memory_space<semaphore_mem>>)
    %scan3A_694 = arith.constant 0 : i32
    %scan3A_695 = arith.constant 0 : i32
    %scan3A_696 = arith.constant 16 : i32
    %scan3A_697 = arith.addi %scan3A_695, %scan3A_696 : i32
    %scan3A_698 = arith.constant 1 : i32
    scf.for %scan3A_926 = %scan3A_695 to %scan3A_697 step %scan3A_698  : i32 {
      %add3A_927 = arith.constant 32 : i32
      %add3A_928 = arith.addi %add3A_927, %scan3A_926 : i32
      %get3A = arith.index_cast %add3A_928 : i32 to index
      %get3A_929 = tpu.vector_load %arg9[%get3A] {strides = array<i32>} : memref<272xf32, #tpu.memory_space<vmem>>, vector<16xf32>,
      %slice3A = vector.extract_strided_slice %get3A_929 {offsets = [0], sizes = [1], strides = [1]} : vector<16xf32> to vector<1xf32>
      %squeeze3A = vector.extract %slice3A[0] : f32 from vector<1xf32>
      %get3A_930 = arith.index_cast %add3A_928 : i32 to index
      %get3A_931 = tpu.vector_load %arg10[%get3A_930] {strides = array<i32>} : memref<272xf32, #tpu.memory_space<vmem>>, vector<16xf32>,
      %slice3A_932 = vector.extract_strided_slice %get3A_931 {offsets = [0], sizes = [1], strides = [1]} : vector<16xf32> to vector<1xf32>
      %squeeze3A_933 = vector.extract %slice3A_932[0] : f32 from vector<1xf32>
      %get3A_934 = arith.index_cast %add3A_928 : i32 to index
      %get3A_935 = tpu.vector_load %arg7[%get3A_934] {strides = array<i32>} : memref<272xi32, #tpu.memory_space<vmem>>, vector<16xi32>,
      %slice3A_936 = vector.extract_strided_slice %get3A_935 {offsets = [0], sizes = [1], strides = [1]} : vector<16xi32> to vector<1xi32>
      %squeeze3A_937 = vector.extract %slice3A_936[0] : i32 from vector<1xi32>
      %get3A_938 = arith.index_cast %add3A_928 : i32 to index
      %get3A_939 = tpu.vector_load %arg8[%get3A_938] {strides = array<i32>} : memref<272xi32, #tpu.memory_space<vmem>>, vector<16xi32>,
      %slice3A_940 = vector.extract_strided_slice %get3A_939 {offsets = [0], sizes = [1], strides = [1]} : vector<16xi32> to vector<1xi32>
      %squeeze3A_941 = vector.extract %slice3A_940[0] : i32 from vector<1xi32>
      %parallel_loop3A = arith.constant 0 : i32
      %parallel_loop3A_942 = arith.constant 1024 : i32
      %parallel_loop3A_943 = arith.constant 32 : i32
      scf.for %parallel_loop3A_944 = %parallel_loop3A to %parallel_loop3A_942 step %parallel_loop3A_943  : i32 {
        %parallel_loop3A_945 = arith.constant 0 : i32
        %parallel_loop3A_946 = arith.addi %parallel_loop3A_944, %parallel_loop3A_945 : i32
        %parallel_loop3A_947 = arith.addi %squeeze3A_937, %parallel_loop3A_946 : i32
        %parallel_loop3A_948 = arith.index_cast %parallel_loop3A_947 : i32 to index
        %parallel_loop3A_949 = tpu.vector_load %arg4[%parallel_loop3A_948] {strides = array<i32>} : memref<16384xi32, #tpu.memory_space<vmem>>, vector<16xi32>,
        %parallel_loop3A_950 = vector.bitcast %parallel_loop3A_949 : vector<16xi32> to vector<32xbf16>
        %parallel_loop3A_951 = arith.addi %squeeze3A_941, %parallel_loop3A_946 : i32
        %parallel_loop3A_952 = arith.index_cast %parallel_loop3A_951 : i32 to index
        %parallel_loop3A_953 = tpu.vector_load %arg4[%parallel_loop3A_952] {strides = array<i32>} : memref<16384xi32, #tpu.memory_space<vmem>>, vector<16xi32>,
        %parallel_loop3A_954 = vector.bitcast %parallel_loop3A_953 : vector<16xi32> to vector<32xbf16>
        %parallel_loop3A_955 = tpu.unpack_subelements %parallel_loop3A_950, 0 {pack_format = #tpu.pack_format<interleaved>} : vector<32xbf16> -> vector<16xf32>
        %parallel_loop3A_956 = tpu.unpack_subelements %parallel_loop3A_950, 1 {pack_format = #tpu.pack_format<interleaved>} : vector<32xbf16> -> vector<16xf32>
        %parallel_loop3A_957 = tpu.unpack_subelements %parallel_loop3A_954, 0 {pack_format = #tpu.pack_format<interleaved>} : vector<32xbf16> -> vector<16xf32>
        %parallel_loop3A_958 = tpu.unpack_subelements %parallel_loop3A_954, 1 {pack_format = #tpu.pack_format<interleaved>} : vector<32xbf16> -> vector<16xf32>
        %parallel_loop3A_959 = arith.constant 2 : i32
        %parallel_loop3A_960 = arith.muli %parallel_loop3A_946, %parallel_loop3A_959 : i32
        %parallel_loop3A_961 = vector.broadcast %squeeze3A : f32 to vector<16xf32>
        %parallel_loop3A_962 = arith.mulf %parallel_loop3A_955, %parallel_loop3A_961 : vector<16xf32>
        %parallel_loop3A_963 = vector.broadcast %squeeze3A_933 : f32 to vector<16xf32>
        %parallel_loop3A_964 = arith.mulf %parallel_loop3A_957, %parallel_loop3A_963 : vector<16xf32>
        %parallel_loop3A_965 = arith.addf %parallel_loop3A_962, %parallel_loop3A_964 : vector<16xf32>
        %parallel_loop3A_966 = arith.index_cast %scan3A_926 : i32 to index
        %parallel_loop3A_967 = arith.index_cast %parallel_loop3A_960 : i32 to index
        %parallel_loop3A_968 = tpu.vector_load %arg13[%parallel_loop3A_966, %parallel_loop3A_967] {strides = array<i32>} : memref<16x2048xf32, #tpu.memory_space<vmem>>, vector<16xf32>,
        tpu.vector_store %arg13[%parallel_loop3A_966, %parallel_loop3A_967], %parallel_loop3A_965 {strides = array<i32>} : memref<16x2048xf32, #tpu.memory_space<vmem>>, vector<16xf32>,
        %parallel_loop3A_969 = vector.broadcast %squeeze3A : f32 to vector<16xf32>
        %parallel_loop3A_970 = arith.mulf %parallel_loop3A_956, %parallel_loop3A_969 : vector<16xf32>
        %parallel_loop3A_971 = vector.broadcast %squeeze3A_933 : f32 to vector<16xf32>
        %parallel_loop3A_972 = arith.mulf %parallel_loop3A_958, %parallel_loop3A_971 : vector<16xf32>
        %parallel_loop3A_973 = arith.addf %parallel_loop3A_970, %parallel_loop3A_972 : vector<16xf32>
        %parallel_loop3A_974 = arith.constant 16 : i32
        %parallel_loop3A_975 = arith.addi %parallel_loop3A_960, %parallel_loop3A_974 : i32
        %parallel_loop3A_976 = arith.index_cast %scan3A_926 : i32 to index
        %parallel_loop3A_977 = arith.index_cast %parallel_loop3A_975 : i32 to index
        %parallel_loop3A_978 = tpu.vector_load %arg13[%parallel_loop3A_976, %parallel_loop3A_977] {strides = array<i32>} : memref<16x2048xf32, #tpu.memory_space<vmem>>, vector<16xf32>,
        tpu.vector_store %arg13[%parallel_loop3A_976, %parallel_loop3A_977], %parallel_loop3A_973 {strides = array<i32>} : memref<16x2048xf32, #tpu.memory_space<vmem>>, vector<16xf32>,
        %parallel_loop3A_979 = arith.constant 16 : i32
        %parallel_loop3A_980 = arith.addi %parallel_loop3A_944, %parallel_loop3A_979 : i32
        %parallel_loop3A_981 = arith.addi %squeeze3A_937, %parallel_loop3A_980 : i32
        %parallel_loop3A_982 = arith.index_cast %parallel_loop3A_981 : i32 to index
        %parallel_loop3A_983 = tpu.vector_load %arg4[%parallel_loop3A_982] {strides = array<i32>} : memref<16384xi32, #tpu.memory_space<vmem>>, vector<16xi32>,
        %parallel_loop3A_984 = vector.bitcast %parallel_loop3A_983 : vector<16xi32> to vector<32xbf16>
        %parallel_loop3A_985 = arith.addi %squeeze3A_941, %parallel_loop3A_980 : i32
        %parallel_loop3A_986 = arith.index_cast %parallel_loop3A_985 : i32 to index
        %parallel_loop3A_987 = tpu.vector_load %arg4[%parallel_loop3A_986] {strides = array<i32>} : memref<16384xi32, #tpu.memory_space<vmem>>, vector<16xi32>,
        %parallel_loop3A_988 = vector.bitcast %parallel_loop3A_987 : vector<16xi32> to vector<32xbf16>
        %parallel_loop3A_989 = tpu.unpack_subelements %parallel_loop3A_984, 0 {pack_format = #tpu.pack_format<interleaved>} : vector<32xbf16> -> vector<16xf32>
        %parallel_loop3A_990 = tpu.unpack_subelements %parallel_loop3A_984, 1 {pack_format = #tpu.pack_format<interleaved>} : vector<32xbf16> -> vector<16xf32>
        %parallel_loop3A_991 = tpu.unpack_subelements %parallel_loop3A_988, 0 {pack_format = #tpu.pack_format<interleaved>} : vector<32xbf16> -> vector<16xf32>
        %parallel_loop3A_992 = tpu.unpack_subelements %parallel_loop3A_988, 1 {pack_format = #tpu.pack_format<interleaved>} : vector<32xbf16> -> vector<16xf32>
        %parallel_loop3A_993 = arith.constant 2 : i32
        %parallel_loop3A_994 = arith.muli %parallel_loop3A_980, %parallel_loop3A_993 : i32
        %parallel_loop3A_995 = vector.broadcast %squeeze3A : f32 to vector<16xf32>
        %parallel_loop3A_996 = arith.mulf %parallel_loop3A_989, %parallel_loop3A_995 : vector<16xf32>
        %parallel_loop3A_997 = vector.broadcast %squeeze3A_933 : f32 to vector<16xf32>
        %parallel_loop3A_998 = arith.mulf %parallel_loop3A_991, %parallel_loop3A_997 : vector<16xf32>
        %parallel_loop3A_999 = arith.addf %parallel_loop3A_996, %parallel_loop3A_998 : vector<16xf32>
        %parallel_loop3A_1000 = arith.index_cast %scan3A_926 : i32 to index
        %parallel_loop3A_1001 = arith.index_cast %parallel_loop3A_994 : i32 to index
        %parallel_loop3A_1002 = tpu.vector_load %arg13[%parallel_loop3A_1000, %parallel_loop3A_1001] {strides = array<i32>} : memref<16x2048xf32, #tpu.memory_space<vmem>>, vector<16xf32>,
        tpu.vector_store %arg13[%parallel_loop3A_1000, %parallel_loop3A_1001], %parallel_loop3A_999 {strides = array<i32>} : memref<16x2048xf32, #tpu.memory_space<vmem>>, vector<16xf32>,
        %parallel_loop3A_1003 = vector.broadcast %squeeze3A : f32 to vector<16xf32>
        %parallel_loop3A_1004 = arith.mulf %parallel_loop3A_990, %parallel_loop3A_1003 : vector<16xf32>
        %parallel_loop3A_1005 = vector.broadcast %squeeze3A_933 : f32 to vector<16xf32>
        %parallel_loop3A_1006 = arith.mulf %parallel_loop3A_992, %parallel_loop3A_1005 : vector<16xf32>
        %parallel_loop3A_1007 = arith.addf %parallel_loop3A_1004, %parallel_loop3A_1006 : vector<16xf32>
        %parallel_loop3A_1008 = arith.constant 16 : i32
        %parallel_loop3A_1009 = arith.addi %parallel_loop3A_994, %parallel_loop3A_1008 : i32
        %parallel_loop3A_1010 = arith.index_cast %scan3A_926 : i32 to index
        %parallel_loop3A_1011 = arith.index_cast %parallel_loop3A_1009 : i32 to index
        %parallel_loop3A_1012 = tpu.vector_load %arg13[%parallel_loop3A_1010, %parallel_loop3A_1011] {strides = array<i32>} : memref<16x2048xf32, #tpu.memory_space<vmem>>, vector<16xf32>,
        tpu.vector_store %arg13[%parallel_loop3A_1010, %parallel_loop3A_1011], %parallel_loop3A_1007 {strides = array<i32>} : memref<16x2048xf32, #tpu.memory_space<vmem>>, vector<16xf32>,
      } {sc.loop_unroll_factor = 2 : i64, sc.parallel_access}
    }
    %scan3A_699 = arith.constant 16 : i32
    %add3A_700 = arith.constant 32 : i32
    %add3A_701 = arith.addi %mul3A_2, %add3A_700 : i32
    %dma_start3A_702 = arith.constant 0 : i32
    %dma_start3A_703 = tpu.memref_slice %arg3[%add3A_701, %dma_start3A_702] : memref<8192x2048xf32, #tpu.memory_space<hbm>> -> memref<16x2048xf32, #tpu.memory_space<hbm>>
    %dma_start3A_704 = arith.constant 0 : i32
    %dma_start3A_705 = tpu.memref_slice %arg3[%add3A_701, %dma_start3A_704] : memref<8192x2048xf32, #tpu.memory_space<hbm>> -> memref<16x2048xf32, #tpu.memory_space<hbm>>
    tpu.enqueue_dma source(%arg13 : memref<16x2048xf32, #tpu.memory_space<vmem>>) target(%dma_start3A_705 : memref<16x2048xf32, #tpu.memory_space<hbm>>) target_semaphore(%arg16 : memref<!tpu.dma_semaphore, #tpu.memory_space<semaphore_mem>>)
    %dma_wait3A_706 = arith.constant 0 : i32
    %dma_wait3A_707 = tpu.memref_slice %arg3[%add3A_677, %dma_wait3A_706] : memref<8192x2048xf32, #tpu.memory_space<hbm>> -> memref<16x2048xf32, #tpu.memory_space<hbm>>
    %dma_wait3A_708 = arith.constant 0 : i32
    %dma_wait3A_709 = tpu.memref_slice %arg3[%add3A_677, %dma_wait3A_708] : memref<8192x2048xf32, #tpu.memory_space<hbm>> -> memref<16x2048xf32, #tpu.memory_space<hbm>>
    tpu.wait_dma2 semaphore(%arg14 : memref<!tpu.dma_semaphore, #tpu.memory_space<semaphore_mem>>) src(%arg11 : memref<16x2048xf32, #tpu.memory_space<vmem>>) dst(%dma_wait3A_709 : memref<16x2048xf32, #tpu.memory_space<hbm>>)
    %scan3A_710 = arith.constant 0 : i32
    %scan3A_711 = arith.constant 0 : i32
    %scan3A_712 = arith.constant 16 : i32
    %scan3A_713 = arith.addi %scan3A_711, %scan3A_712 : i32
    %scan3A_714 = arith.constant 1 : i32
    scf.for %scan3A_926 = %scan3A_711 to %scan3A_713 step %scan3A_714  : i32 {
      %add3A_927 = arith.constant 48 : i32
      %add3A_928 = arith.addi %add3A_927, %scan3A_926 : i32
      %get3A = arith.index_cast %add3A_928 : i32 to index
      %get3A_929 = tpu.vector_load %arg9[%get3A] {strides = array<i32>} : memref<272xf32, #tpu.memory_space<vmem>>, vector<16xf32>,
      %slice3A = vector.extract_strided_slice %get3A_929 {offsets = [0], sizes = [1], strides = [1]} : vector<16xf32> to vector<1xf32>
      %squeeze3A = vector.extract %slice3A[0] : f32 from vector<1xf32>
      %get3A_930 = arith.index_cast %add3A_928 : i32 to index
      %get3A_931 = tpu.vector_load %arg10[%get3A_930] {strides = array<i32>} : memref<272xf32, #tpu.memory_space<vmem>>, vector<16xf32>,
      %slice3A_932 = vector.extract_strided_slice %get3A_931 {offsets = [0], sizes = [1], strides = [1]} : vector<16xf32> to vector<1xf32>
      %squeeze3A_933 = vector.extract %slice3A_932[0] : f32 from vector<1xf32>
      %get3A_934 = arith.index_cast %add3A_928 : i32 to index
      %get3A_935 = tpu.vector_load %arg7[%get3A_934] {strides = array<i32>} : memref<272xi32, #tpu.memory_space<vmem>>, vector<16xi32>,
      %slice3A_936 = vector.extract_strided_slice %get3A_935 {offsets = [0], sizes = [1], strides = [1]} : vector<16xi32> to vector<1xi32>
      %squeeze3A_937 = vector.extract %slice3A_936[0] : i32 from vector<1xi32>
      %get3A_938 = arith.index_cast %add3A_928 : i32 to index
      %get3A_939 = tpu.vector_load %arg8[%get3A_938] {strides = array<i32>} : memref<272xi32, #tpu.memory_space<vmem>>, vector<16xi32>,
      %slice3A_940 = vector.extract_strided_slice %get3A_939 {offsets = [0], sizes = [1], strides = [1]} : vector<16xi32> to vector<1xi32>
      %squeeze3A_941 = vector.extract %slice3A_940[0] : i32 from vector<1xi32>
      %parallel_loop3A = arith.constant 0 : i32
      %parallel_loop3A_942 = arith.constant 1024 : i32
      %parallel_loop3A_943 = arith.constant 32 : i32
      scf.for %parallel_loop3A_944 = %parallel_loop3A to %parallel_loop3A_942 step %parallel_loop3A_943  : i32 {
        %parallel_loop3A_945 = arith.constant 0 : i32
        %parallel_loop3A_946 = arith.addi %parallel_loop3A_944, %parallel_loop3A_945 : i32
        %parallel_loop3A_947 = arith.addi %squeeze3A_937, %parallel_loop3A_946 : i32
        %parallel_loop3A_948 = arith.index_cast %parallel_loop3A_947 : i32 to index
        %parallel_loop3A_949 = tpu.vector_load %arg4[%parallel_loop3A_948] {strides = array<i32>} : memref<16384xi32, #tpu.memory_space<vmem>>, vector<16xi32>,
        %parallel_loop3A_950 = vector.bitcast %parallel_loop3A_949 : vector<16xi32> to vector<32xbf16>
        %parallel_loop3A_951 = arith.addi %squeeze3A_941, %parallel_loop3A_946 : i32
        %parallel_loop3A_952 = arith.index_cast %parallel_loop3A_951 : i32 to index
        %parallel_loop3A_953 = tpu.vector_load %arg4[%parallel_loop3A_952] {strides = array<i32>} : memref<16384xi32, #tpu.memory_space<vmem>>, vector<16xi32>,
        %parallel_loop3A_954 = vector.bitcast %parallel_loop3A_953 : vector<16xi32> to vector<32xbf16>
        %parallel_loop3A_955 = tpu.unpack_subelements %parallel_loop3A_950, 0 {pack_format = #tpu.pack_format<interleaved>} : vector<32xbf16> -> vector<16xf32>
        %parallel_loop3A_956 = tpu.unpack_subelements %parallel_loop3A_950, 1 {pack_format = #tpu.pack_format<interleaved>} : vector<32xbf16> -> vector<16xf32>
        %parallel_loop3A_957 = tpu.unpack_subelements %parallel_loop3A_954, 0 {pack_format = #tpu.pack_format<interleaved>} : vector<32xbf16> -> vector<16xf32>
        %parallel_loop3A_958 = tpu.unpack_subelements %parallel_loop3A_954, 1 {pack_format = #tpu.pack_format<interleaved>} : vector<32xbf16> -> vector<16xf32>
        %parallel_loop3A_959 = arith.constant 2 : i32
        %parallel_loop3A_960 = arith.muli %parallel_loop3A_946, %parallel_loop3A_959 : i32
        %parallel_loop3A_961 = vector.broadcast %squeeze3A : f32 to vector<16xf32>
        %parallel_loop3A_962 = arith.mulf %parallel_loop3A_955, %parallel_loop3A_961 : vector<16xf32>
        %parallel_loop3A_963 = vector.broadcast %squeeze3A_933 : f32 to vector<16xf32>
        %parallel_loop3A_964 = arith.mulf %parallel_loop3A_957, %parallel_loop3A_963 : vector<16xf32>
        %parallel_loop3A_965 = arith.addf %parallel_loop3A_962, %parallel_loop3A_964 : vector<16xf32>
        %parallel_loop3A_966 = arith.index_cast %scan3A_926 : i32 to index
        %parallel_loop3A_967 = arith.index_cast %parallel_loop3A_960 : i32 to index
        %parallel_loop3A_968 = tpu.vector_load %arg11[%parallel_loop3A_966, %parallel_loop3A_967] {strides = array<i32>} : memref<16x2048xf32, #tpu.memory_space<vmem>>, vector<16xf32>,
        tpu.vector_store %arg11[%parallel_loop3A_966, %parallel_loop3A_967], %parallel_loop3A_965 {strides = array<i32>} : memref<16x2048xf32, #tpu.memory_space<vmem>>, vector<16xf32>,
        %parallel_loop3A_969 = vector.broadcast %squeeze3A : f32 to vector<16xf32>
        %parallel_loop3A_970 = arith.mulf %parallel_loop3A_956, %parallel_loop3A_969 : vector<16xf32>
        %parallel_loop3A_971 = vector.broadcast %squeeze3A_933 : f32 to vector<16xf32>
        %parallel_loop3A_972 = arith.mulf %parallel_loop3A_958, %parallel_loop3A_971 : vector<16xf32>
        %parallel_loop3A_973 = arith.addf %parallel_loop3A_970, %parallel_loop3A_972 : vector<16xf32>
        %parallel_loop3A_974 = arith.constant 16 : i32
        %parallel_loop3A_975 = arith.addi %parallel_loop3A_960, %parallel_loop3A_974 : i32
        %parallel_loop3A_976 = arith.index_cast %scan3A_926 : i32 to index
        %parallel_loop3A_977 = arith.index_cast %parallel_loop3A_975 : i32 to index
        %parallel_loop3A_978 = tpu.vector_load %arg11[%parallel_loop3A_976, %parallel_loop3A_977] {strides = array<i32>} : memref<16x2048xf32, #tpu.memory_space<vmem>>, vector<16xf32>,
        tpu.vector_store %arg11[%parallel_loop3A_976, %parallel_loop3A_977], %parallel_loop3A_973 {strides = array<i32>} : memref<16x2048xf32, #tpu.memory_space<vmem>>, vector<16xf32>,
        %parallel_loop3A_979 = arith.constant 16 : i32
        %parallel_loop3A_980 = arith.addi %parallel_loop3A_944, %parallel_loop3A_979 : i32
        %parallel_loop3A_981 = arith.addi %squeeze3A_937, %parallel_loop3A_980 : i32
        %parallel_loop3A_982 = arith.index_cast %parallel_loop3A_981 : i32 to index
        %parallel_loop3A_983 = tpu.vector_load %arg4[%parallel_loop3A_982] {strides = array<i32>} : memref<16384xi32, #tpu.memory_space<vmem>>, vector<16xi32>,
        %parallel_loop3A_984 = vector.bitcast %parallel_loop3A_983 : vector<16xi32> to vector<32xbf16>
        %parallel_loop3A_985 = arith.addi %squeeze3A_941, %parallel_loop3A_980 : i32
        %parallel_loop3A_986 = arith.index_cast %parallel_loop3A_985 : i32 to index
        %parallel_loop3A_987 = tpu.vector_load %arg4[%parallel_loop3A_986] {strides = array<i32>} : memref<16384xi32, #tpu.memory_space<vmem>>, vector<16xi32>,
        %parallel_loop3A_988 = vector.bitcast %parallel_loop3A_987 : vector<16xi32> to vector<32xbf16>
        %parallel_loop3A_989 = tpu.unpack_subelements %parallel_loop3A_984, 0 {pack_format = #tpu.pack_format<interleaved>} : vector<32xbf16> -> vector<16xf32>
        %parallel_loop3A_990 = tpu.unpack_subelements %parallel_loop3A_984, 1 {pack_format = #tpu.pack_format<interleaved>} : vector<32xbf16> -> vector<16xf32>
        %parallel_loop3A_991 = tpu.unpack_subelements %parallel_loop3A_988, 0 {pack_format = #tpu.pack_format<interleaved>} : vector<32xbf16> -> vector<16xf32>
        %parallel_loop3A_992 = tpu.unpack_subelements %parallel_loop3A_988, 1 {pack_format = #tpu.pack_format<interleaved>} : vector<32xbf16> -> vector<16xf32>
        %parallel_loop3A_993 = arith.constant 2 : i32
        %parallel_loop3A_994 = arith.muli %parallel_loop3A_980, %parallel_loop3A_993 : i32
        %parallel_loop3A_995 = vector.broadcast %squeeze3A : f32 to vector<16xf32>
        %parallel_loop3A_996 = arith.mulf %parallel_loop3A_989, %parallel_loop3A_995 : vector<16xf32>
        %parallel_loop3A_997 = vector.broadcast %squeeze3A_933 : f32 to vector<16xf32>
        %parallel_loop3A_998 = arith.mulf %parallel_loop3A_991, %parallel_loop3A_997 : vector<16xf32>
        %parallel_loop3A_999 = arith.addf %parallel_loop3A_996, %parallel_loop3A_998 : vector<16xf32>
        %parallel_loop3A_1000 = arith.index_cast %scan3A_926 : i32 to index
        %parallel_loop3A_1001 = arith.index_cast %parallel_loop3A_994 : i32 to index
        %parallel_loop3A_1002 = tpu.vector_load %arg11[%parallel_loop3A_1000, %parallel_loop3A_1001] {strides = array<i32>} : memref<16x2048xf32, #tpu.memory_space<vmem>>, vector<16xf32>,
        tpu.vector_store %arg11[%parallel_loop3A_1000, %parallel_loop3A_1001], %parallel_loop3A_999 {strides = array<i32>} : memref<16x2048xf32, #tpu.memory_space<vmem>>, vector<16xf32>,
        %parallel_loop3A_1003 = vector.broadcast %squeeze3A : f32 to vector<16xf32>
        %parallel_loop3A_1004 = arith.mulf %parallel_loop3A_990, %parallel_loop3A_1003 : vector<16xf32>
        %parallel_loop3A_1005 = vector.broadcast %squeeze3A_933 : f32 to vector<16xf32>
        %parallel_loop3A_1006 = arith.mulf %parallel_loop3A_992, %parallel_loop3A_1005 : vector<16xf32>
        %parallel_loop3A_1007 = arith.addf %parallel_loop3A_1004, %parallel_loop3A_1006 : vector<16xf32>
        %parallel_loop3A_1008 = arith.constant 16 : i32
        %parallel_loop3A_1009 = arith.addi %parallel_loop3A_994, %parallel_loop3A_1008 : i32
        %parallel_loop3A_1010 = arith.index_cast %scan3A_926 : i32 to index
        %parallel_loop3A_1011 = arith.index_cast %parallel_loop3A_1009 : i32 to index
        %parallel_loop3A_1012 = tpu.vector_load %arg11[%parallel_loop3A_1010, %parallel_loop3A_1011] {strides = array<i32>} : memref<16x2048xf32, #tpu.memory_space<vmem>>, vector<16xf32>,
        tpu.vector_store %arg11[%parallel_loop3A_1010, %parallel_loop3A_1011], %parallel_loop3A_1007 {strides = array<i32>} : memref<16x2048xf32, #tpu.memory_space<vmem>>, vector<16xf32>,
      } {sc.loop_unroll_factor = 2 : i64, sc.parallel_access}
    }
    %scan3A_715 = arith.constant 16 : i32
    %add3A_716 = arith.constant 48 : i32
    %add3A_717 = arith.addi %mul3A_2, %add3A_716 : i32
    %dma_start3A_718 = arith.constant 0 : i32
    %dma_start3A_719 = tpu.memref_slice %arg3[%add3A_717, %dma_start3A_718] : memref<8192x2048xf32, #tpu.memory_space<hbm>> -> memref<16x2048xf32, #tpu.memory_space<hbm>>
    %dma_start3A_720 = arith.constant 0 : i32
    %dma_start3A_721 = tpu.memref_slice %arg3[%add3A_717, %dma_start3A_720] : memref<8192x2048xf32, #tpu.memory_space<hbm>> -> memref<16x2048xf32, #tpu.memory_space<hbm>>
    tpu.enqueue_dma source(%arg11 : memref<16x2048xf32, #tpu.memory_space<vmem>>) target(%dma_start3A_721 : memref<16x2048xf32, #tpu.memory_space<hbm>>) target_semaphore(%arg14 : memref<!tpu.dma_semaphore, #tpu.memory_space<semaphore_mem>>)
    %dma_wait3A_722 = arith.constant 0 : i32
    %dma_wait3A_723 = tpu.memref_slice %arg3[%add3A_689, %dma_wait3A_722] : memref<8192x2048xf32, #tpu.memory_space<hbm>> -> memref<16x2048xf32, #tpu.memory_space<hbm>>
    %dma_wait3A_724 = arith.constant 0 : i32
    %dma_wait3A_725 = tpu.memref_slice %arg3[%add3A_689, %dma_wait3A_724] : memref<8192x2048xf32, #tpu.memory_space<hbm>> -> memref<16x2048xf32, #tpu.memory_space<hbm>>
    tpu.wait_dma2 semaphore(%arg15 : memref<!tpu.dma_semaphore, #tpu.memory_space<semaphore_mem>>) src(%arg12 : memref<16x2048xf32, #tpu.memory_space<vmem>>) dst(%dma_wait3A_725 : memref<16x2048xf32, #tpu.memory_space<hbm>>)
    %scan3A_726 = arith.constant 0 : i32
    %scan3A_727 = arith.constant 0 : i32
    %scan3A_728 = arith.constant 16 : i32
    %scan3A_729 = arith.addi %scan3A_727, %scan3A_728 : i32
    %scan3A_730 = arith.constant 1 : i32
    scf.for %scan3A_926 = %scan3A_727 to %scan3A_729 step %scan3A_730  : i32 {
      %add3A_927 = arith.constant 64 : i32
      %add3A_928 = arith.addi %add3A_927, %scan3A_926 : i32
      %get3A = arith.index_cast %add3A_928 : i32 to index
      %get3A_929 = tpu.vector_load %arg9[%get3A] {strides = array<i32>} : memref<272xf32, #tpu.memory_space<vmem>>, vector<16xf32>,
      %slice3A = vector.extract_strided_slice %get3A_929 {offsets = [0], sizes = [1], strides = [1]} : vector<16xf32> to vector<1xf32>
      %squeeze3A = vector.extract %slice3A[0] : f32 from vector<1xf32>
      %get3A_930 = arith.index_cast %add3A_928 : i32 to index
      %get3A_931 = tpu.vector_load %arg10[%get3A_930] {strides = array<i32>} : memref<272xf32, #tpu.memory_space<vmem>>, vector<16xf32>,
      %slice3A_932 = vector.extract_strided_slice %get3A_931 {offsets = [0], sizes = [1], strides = [1]} : vector<16xf32> to vector<1xf32>
      %squeeze3A_933 = vector.extract %slice3A_932[0] : f32 from vector<1xf32>
      %get3A_934 = arith.index_cast %add3A_928 : i32 to index
      %get3A_935 = tpu.vector_load %arg7[%get3A_934] {strides = array<i32>} : memref<272xi32, #tpu.memory_space<vmem>>, vector<16xi32>,
      %slice3A_936 = vector.extract_strided_slice %get3A_935 {offsets = [0], sizes = [1], strides = [1]} : vector<16xi32> to vector<1xi32>
      %squeeze3A_937 = vector.extract %slice3A_936[0] : i32 from vector<1xi32>
      %get3A_938 = arith.index_cast %add3A_928 : i32 to index
      %get3A_939 = tpu.vector_load %arg8[%get3A_938] {strides = array<i32>} : memref<272xi32, #tpu.memory_space<vmem>>, vector<16xi32>,
      %slice3A_940 = vector.extract_strided_slice %get3A_939 {offsets = [0], sizes = [1], strides = [1]} : vector<16xi32> to vector<1xi32>
      %squeeze3A_941 = vector.extract %slice3A_940[0] : i32 from vector<1xi32>
      %parallel_loop3A = arith.constant 0 : i32
      %parallel_loop3A_942 = arith.constant 1024 : i32
      %parallel_loop3A_943 = arith.constant 32 : i32
      scf.for %parallel_loop3A_944 = %parallel_loop3A to %parallel_loop3A_942 step %parallel_loop3A_943  : i32 {
        %parallel_loop3A_945 = arith.constant 0 : i32
        %parallel_loop3A_946 = arith.addi %parallel_loop3A_944, %parallel_loop3A_945 : i32
        %parallel_loop3A_947 = arith.addi %squeeze3A_937, %parallel_loop3A_946 : i32
        %parallel_loop3A_948 = arith.index_cast %parallel_loop3A_947 : i32 to index
        %parallel_loop3A_949 = tpu.vector_load %arg4[%parallel_loop3A_948] {strides = array<i32>} : memref<16384xi32, #tpu.memory_space<vmem>>, vector<16xi32>,
        %parallel_loop3A_950 = vector.bitcast %parallel_loop3A_949 : vector<16xi32> to vector<32xbf16>
        %parallel_loop3A_951 = arith.addi %squeeze3A_941, %parallel_loop3A_946 : i32
        %parallel_loop3A_952 = arith.index_cast %parallel_loop3A_951 : i32 to index
        %parallel_loop3A_953 = tpu.vector_load %arg4[%parallel_loop3A_952] {strides = array<i32>} : memref<16384xi32, #tpu.memory_space<vmem>>, vector<16xi32>,
        %parallel_loop3A_954 = vector.bitcast %parallel_loop3A_953 : vector<16xi32> to vector<32xbf16>
        %parallel_loop3A_955 = tpu.unpack_subelements %parallel_loop3A_950, 0 {pack_format = #tpu.pack_format<interleaved>} : vector<32xbf16> -> vector<16xf32>
        %parallel_loop3A_956 = tpu.unpack_subelements %parallel_loop3A_950, 1 {pack_format = #tpu.pack_format<interleaved>} : vector<32xbf16> -> vector<16xf32>
        %parallel_loop3A_957 = tpu.unpack_subelements %parallel_loop3A_954, 0 {pack_format = #tpu.pack_format<interleaved>} : vector<32xbf16> -> vector<16xf32>
        %parallel_loop3A_958 = tpu.unpack_subelements %parallel_loop3A_954, 1 {pack_format = #tpu.pack_format<interleaved>} : vector<32xbf16> -> vector<16xf32>
        %parallel_loop3A_959 = arith.constant 2 : i32
        %parallel_loop3A_960 = arith.muli %parallel_loop3A_946, %parallel_loop3A_959 : i32
        %parallel_loop3A_961 = vector.broadcast %squeeze3A : f32 to vector<16xf32>
        %parallel_loop3A_962 = arith.mulf %parallel_loop3A_955, %parallel_loop3A_961 : vector<16xf32>
        %parallel_loop3A_963 = vector.broadcast %squeeze3A_933 : f32 to vector<16xf32>
        %parallel_loop3A_964 = arith.mulf %parallel_loop3A_957, %parallel_loop3A_963 : vector<16xf32>
        %parallel_loop3A_965 = arith.addf %parallel_loop3A_962, %parallel_loop3A_964 : vector<16xf32>
        %parallel_loop3A_966 = arith.index_cast %scan3A_926 : i32 to index
        %parallel_loop3A_967 = arith.index_cast %parallel_loop3A_960 : i32 to index
        %parallel_loop3A_968 = tpu.vector_load %arg12[%parallel_loop3A_966, %parallel_loop3A_967] {strides = array<i32>} : memref<16x2048xf32, #tpu.memory_space<vmem>>, vector<16xf32>,
        tpu.vector_store %arg12[%parallel_loop3A_966, %parallel_loop3A_967], %parallel_loop3A_965 {strides = array<i32>} : memref<16x2048xf32, #tpu.memory_space<vmem>>, vector<16xf32>,
        %parallel_loop3A_969 = vector.broadcast %squeeze3A : f32 to vector<16xf32>
        %parallel_loop3A_970 = arith.mulf %parallel_loop3A_956, %parallel_loop3A_969 : vector<16xf32>
        %parallel_loop3A_971 = vector.broadcast %squeeze3A_933 : f32 to vector<16xf32>
        %parallel_loop3A_972 = arith.mulf %parallel_loop3A_958, %parallel_loop3A_971 : vector<16xf32>
        %parallel_loop3A_973 = arith.addf %parallel_loop3A_970, %parallel_loop3A_972 : vector<16xf32>
        %parallel_loop3A_974 = arith.constant 16 : i32
        %parallel_loop3A_975 = arith.addi %parallel_loop3A_960, %parallel_loop3A_974 : i32
        %parallel_loop3A_976 = arith.index_cast %scan3A_926 : i32 to index
        %parallel_loop3A_977 = arith.index_cast %parallel_loop3A_975 : i32 to index
        %parallel_loop3A_978 = tpu.vector_load %arg12[%parallel_loop3A_976, %parallel_loop3A_977] {strides = array<i32>} : memref<16x2048xf32, #tpu.memory_space<vmem>>, vector<16xf32>,
        tpu.vector_store %arg12[%parallel_loop3A_976, %parallel_loop3A_977], %parallel_loop3A_973 {strides = array<i32>} : memref<16x2048xf32, #tpu.memory_space<vmem>>, vector<16xf32>,
        %parallel_loop3A_979 = arith.constant 16 : i32
        %parallel_loop3A_980 = arith.addi %parallel_loop3A_944, %parallel_loop3A_979 : i32
        %parallel_loop3A_981 = arith.addi %squeeze3A_937, %parallel_loop3A_980 : i32
        %parallel_loop3A_982 = arith.index_cast %parallel_loop3A_981 : i32 to index
        %parallel_loop3A_983 = tpu.vector_load %arg4[%parallel_loop3A_982] {strides = array<i32>} : memref<16384xi32, #tpu.memory_space<vmem>>, vector<16xi32>,
        %parallel_loop3A_984 = vector.bitcast %parallel_loop3A_983 : vector<16xi32> to vector<32xbf16>
        %parallel_loop3A_985 = arith.addi %squeeze3A_941, %parallel_loop3A_980 : i32
        %parallel_loop3A_986 = arith.index_cast %parallel_loop3A_985 : i32 to index
        %parallel_loop3A_987 = tpu.vector_load %arg4[%parallel_loop3A_986] {strides = array<i32>} : memref<16384xi32, #tpu.memory_space<vmem>>, vector<16xi32>,
        %parallel_loop3A_988 = vector.bitcast %parallel_loop3A_987 : vector<16xi32> to vector<32xbf16>
        %parallel_loop3A_989 = tpu.unpack_subelements %parallel_loop3A_984, 0 {pack_format = #tpu.pack_format<interleaved>} : vector<32xbf16> -> vector<16xf32>
        %parallel_loop3A_990 = tpu.unpack_subelements %parallel_loop3A_984, 1 {pack_format = #tpu.pack_format<interleaved>} : vector<32xbf16> -> vector<16xf32>
        %parallel_loop3A_991 = tpu.unpack_subelements %parallel_loop3A_988, 0 {pack_format = #tpu.pack_format<interleaved>} : vector<32xbf16> -> vector<16xf32>
        %parallel_loop3A_992 = tpu.unpack_subelements %parallel_loop3A_988, 1 {pack_format = #tpu.pack_format<interleaved>} : vector<32xbf16> -> vector<16xf32>
        %parallel_loop3A_993 = arith.constant 2 : i32
        %parallel_loop3A_994 = arith.muli %parallel_loop3A_980, %parallel_loop3A_993 : i32
        %parallel_loop3A_995 = vector.broadcast %squeeze3A : f32 to vector<16xf32>
        %parallel_loop3A_996 = arith.mulf %parallel_loop3A_989, %parallel_loop3A_995 : vector<16xf32>
        %parallel_loop3A_997 = vector.broadcast %squeeze3A_933 : f32 to vector<16xf32>
        %parallel_loop3A_998 = arith.mulf %parallel_loop3A_991, %parallel_loop3A_997 : vector<16xf32>
        %parallel_loop3A_999 = arith.addf %parallel_loop3A_996, %parallel_loop3A_998 : vector<16xf32>
        %parallel_loop3A_1000 = arith.index_cast %scan3A_926 : i32 to index
        %parallel_loop3A_1001 = arith.index_cast %parallel_loop3A_994 : i32 to index
        %parallel_loop3A_1002 = tpu.vector_load %arg12[%parallel_loop3A_1000, %parallel_loop3A_1001] {strides = array<i32>} : memref<16x2048xf32, #tpu.memory_space<vmem>>, vector<16xf32>,
        tpu.vector_store %arg12[%parallel_loop3A_1000, %parallel_loop3A_1001], %parallel_loop3A_999 {strides = array<i32>} : memref<16x2048xf32, #tpu.memory_space<vmem>>, vector<16xf32>,
        %parallel_loop3A_1003 = vector.broadcast %squeeze3A : f32 to vector<16xf32>
        %parallel_loop3A_1004 = arith.mulf %parallel_loop3A_990, %parallel_loop3A_1003 : vector<16xf32>
        %parallel_loop3A_1005 = vector.broadcast %squeeze3A_933 : f32 to vector<16xf32>
        %parallel_loop3A_1006 = arith.mulf %parallel_loop3A_992, %parallel_loop3A_1005 : vector<16xf32>
        %parallel_loop3A_1007 = arith.addf %parallel_loop3A_1004, %parallel_loop3A_1006 : vector<16xf32>
        %parallel_loop3A_1008 = arith.constant 16 : i32
        %parallel_loop3A_1009 = arith.addi %parallel_loop3A_994, %parallel_loop3A_1008 : i32
        %parallel_loop3A_1010 = arith.index_cast %scan3A_926 : i32 to index
        %parallel_loop3A_1011 = arith.index_cast %parallel_loop3A_1009 : i32 to index
        %parallel_loop3A_1012 = tpu.vector_load %arg12[%parallel_loop3A_1010, %parallel_loop3A_1011] {strides = array<i32>} : memref<16x2048xf32, #tpu.memory_space<vmem>>, vector<16xf32>,
        tpu.vector_store %arg12[%parallel_loop3A_1010, %parallel_loop3A_1011], %parallel_loop3A_1007 {strides = array<i32>} : memref<16x2048xf32, #tpu.memory_space<vmem>>, vector<16xf32>,
      } {sc.loop_unroll_factor = 2 : i64, sc.parallel_access}
    }
    %scan3A_731 = arith.constant 16 : i32
    %add3A_732 = arith.constant 64 : i32
    %add3A_733 = arith.addi %mul3A_2, %add3A_732 : i32
    %dma_start3A_734 = arith.constant 0 : i32
    %dma_start3A_735 = tpu.memref_slice %arg3[%add3A_733, %dma_start3A_734] : memref<8192x2048xf32, #tpu.memory_space<hbm>> -> memref<16x2048xf32, #tpu.memory_space<hbm>>
    %dma_start3A_736 = arith.constant 0 : i32
    %dma_start3A_737 = tpu.memref_slice %arg3[%add3A_733, %dma_start3A_736] : memref<8192x2048xf32, #tpu.memory_space<hbm>> -> memref<16x2048xf32, #tpu.memory_space<hbm>>
    tpu.enqueue_dma source(%arg12 : memref<16x2048xf32, #tpu.memory_space<vmem>>) target(%dma_start3A_737 : memref<16x2048xf32, #tpu.memory_space<hbm>>) target_semaphore(%arg15 : memref<!tpu.dma_semaphore, #tpu.memory_space<semaphore_mem>>)
    %dma_wait3A_738 = arith.constant 0 : i32
    %dma_wait3A_739 = tpu.memref_slice %arg3[%add3A_701, %dma_wait3A_738] : memref<8192x2048xf32, #tpu.memory_space<hbm>> -> memref<16x2048xf32, #tpu.memory_space<hbm>>
    %dma_wait3A_740 = arith.constant 0 : i32
    %dma_wait3A_741 = tpu.memref_slice %arg3[%add3A_701, %dma_wait3A_740] : memref<8192x2048xf32, #tpu.memory_space<hbm>> -> memref<16x2048xf32, #tpu.memory_space<hbm>>
    tpu.wait_dma2 semaphore(%arg16 : memref<!tpu.dma_semaphore, #tpu.memory_space<semaphore_mem>>) src(%arg13 : memref<16x2048xf32, #tpu.memory_space<vmem>>) dst(%dma_wait3A_741 : memref<16x2048xf32, #tpu.memory_space<hbm>>)
    %scan3A_742 = arith.constant 0 : i32
    %scan3A_743 = arith.constant 0 : i32
    %scan3A_744 = arith.constant 16 : i32
    %scan3A_745 = arith.addi %scan3A_743, %scan3A_744 : i32
    %scan3A_746 = arith.constant 1 : i32
    scf.for %scan3A_926 = %scan3A_743 to %scan3A_745 step %scan3A_746  : i32 {
      %add3A_927 = arith.constant 80 : i32
      %add3A_928 = arith.addi %add3A_927, %scan3A_926 : i32
      %get3A = arith.index_cast %add3A_928 : i32 to index
      %get3A_929 = tpu.vector_load %arg9[%get3A] {strides = array<i32>} : memref<272xf32, #tpu.memory_space<vmem>>, vector<16xf32>,
      %slice3A = vector.extract_strided_slice %get3A_929 {offsets = [0], sizes = [1], strides = [1]} : vector<16xf32> to vector<1xf32>
      %squeeze3A = vector.extract %slice3A[0] : f32 from vector<1xf32>
      %get3A_930 = arith.index_cast %add3A_928 : i32 to index
      %get3A_931 = tpu.vector_load %arg10[%get3A_930] {strides = array<i32>} : memref<272xf32, #tpu.memory_space<vmem>>, vector<16xf32>,
      %slice3A_932 = vector.extract_strided_slice %get3A_931 {offsets = [0], sizes = [1], strides = [1]} : vector<16xf32> to vector<1xf32>
      %squeeze3A_933 = vector.extract %slice3A_932[0] : f32 from vector<1xf32>
      %get3A_934 = arith.index_cast %add3A_928 : i32 to index
      %get3A_935 = tpu.vector_load %arg7[%get3A_934] {strides = array<i32>} : memref<272xi32, #tpu.memory_space<vmem>>, vector<16xi32>,
      %slice3A_936 = vector.extract_strided_slice %get3A_935 {offsets = [0], sizes = [1], strides = [1]} : vector<16xi32> to vector<1xi32>
      %squeeze3A_937 = vector.extract %slice3A_936[0] : i32 from vector<1xi32>
      %get3A_938 = arith.index_cast %add3A_928 : i32 to index
      %get3A_939 = tpu.vector_load %arg8[%get3A_938] {strides = array<i32>} : memref<272xi32, #tpu.memory_space<vmem>>, vector<16xi32>,
      %slice3A_940 = vector.extract_strided_slice %get3A_939 {offsets = [0], sizes = [1], strides = [1]} : vector<16xi32> to vector<1xi32>
      %squeeze3A_941 = vector.extract %slice3A_940[0] : i32 from vector<1xi32>
      %parallel_loop3A = arith.constant 0 : i32
      %parallel_loop3A_942 = arith.constant 1024 : i32
      %parallel_loop3A_943 = arith.constant 32 : i32
      scf.for %parallel_loop3A_944 = %parallel_loop3A to %parallel_loop3A_942 step %parallel_loop3A_943  : i32 {
        %parallel_loop3A_945 = arith.constant 0 : i32
        %parallel_loop3A_946 = arith.addi %parallel_loop3A_944, %parallel_loop3A_945 : i32
        %parallel_loop3A_947 = arith.addi %squeeze3A_937, %parallel_loop3A_946 : i32
        %parallel_loop3A_948 = arith.index_cast %parallel_loop3A_947 : i32 to index
        %parallel_loop3A_949 = tpu.vector_load %arg4[%parallel_loop3A_948] {strides = array<i32>} : memref<16384xi32, #tpu.memory_space<vmem>>, vector<16xi32>,
        %parallel_loop3A_950 = vector.bitcast %parallel_loop3A_949 : vector<16xi32> to vector<32xbf16>
        %parallel_loop3A_951 = arith.addi %squeeze3A_941, %parallel_loop3A_946 : i32
        %parallel_loop3A_952 = arith.index_cast %parallel_loop3A_951 : i32 to index
        %parallel_loop3A_953 = tpu.vector_load %arg4[%parallel_loop3A_952] {strides = array<i32>} : memref<16384xi32, #tpu.memory_space<vmem>>, vector<16xi32>,
        %parallel_loop3A_954 = vector.bitcast %parallel_loop3A_953 : vector<16xi32> to vector<32xbf16>
        %parallel_loop3A_955 = tpu.unpack_subelements %parallel_loop3A_950, 0 {pack_format = #tpu.pack_format<interleaved>} : vector<32xbf16> -> vector<16xf32>
        %parallel_loop3A_956 = tpu.unpack_subelements %parallel_loop3A_950, 1 {pack_format = #tpu.pack_format<interleaved>} : vector<32xbf16> -> vector<16xf32>
        %parallel_loop3A_957 = tpu.unpack_subelements %parallel_loop3A_954, 0 {pack_format = #tpu.pack_format<interleaved>} : vector<32xbf16> -> vector<16xf32>
        %parallel_loop3A_958 = tpu.unpack_subelements %parallel_loop3A_954, 1 {pack_format = #tpu.pack_format<interleaved>} : vector<32xbf16> -> vector<16xf32>
        %parallel_loop3A_959 = arith.constant 2 : i32
        %parallel_loop3A_960 = arith.muli %parallel_loop3A_946, %parallel_loop3A_959 : i32
        %parallel_loop3A_961 = vector.broadcast %squeeze3A : f32 to vector<16xf32>
        %parallel_loop3A_962 = arith.mulf %parallel_loop3A_955, %parallel_loop3A_961 : vector<16xf32>
        %parallel_loop3A_963 = vector.broadcast %squeeze3A_933 : f32 to vector<16xf32>
        %parallel_loop3A_964 = arith.mulf %parallel_loop3A_957, %parallel_loop3A_963 : vector<16xf32>
        %parallel_loop3A_965 = arith.addf %parallel_loop3A_962, %parallel_loop3A_964 : vector<16xf32>
        %parallel_loop3A_966 = arith.index_cast %scan3A_926 : i32 to index
        %parallel_loop3A_967 = arith.index_cast %parallel_loop3A_960 : i32 to index
        %parallel_loop3A_968 = tpu.vector_load %arg13[%parallel_loop3A_966, %parallel_loop3A_967] {strides = array<i32>} : memref<16x2048xf32, #tpu.memory_space<vmem>>, vector<16xf32>,
        tpu.vector_store %arg13[%parallel_loop3A_966, %parallel_loop3A_967], %parallel_loop3A_965 {strides = array<i32>} : memref<16x2048xf32, #tpu.memory_space<vmem>>, vector<16xf32>,
        %parallel_loop3A_969 = vector.broadcast %squeeze3A : f32 to vector<16xf32>
        %parallel_loop3A_970 = arith.mulf %parallel_loop3A_956, %parallel_loop3A_969 : vector<16xf32>
        %parallel_loop3A_971 = vector.broadcast %squeeze3A_933 : f32 to vector<16xf32>
        %parallel_loop3A_972 = arith.mulf %parallel_loop3A_958, %parallel_loop3A_971 : vector<16xf32>
        %parallel_loop3A_973 = arith.addf %parallel_loop3A_970, %parallel_loop3A_972 : vector<16xf32>
        %parallel_loop3A_974 = arith.constant 16 : i32
        %parallel_loop3A_975 = arith.addi %parallel_loop3A_960, %parallel_loop3A_974 : i32
        %parallel_loop3A_976 = arith.index_cast %scan3A_926 : i32 to index
        %parallel_loop3A_977 = arith.index_cast %parallel_loop3A_975 : i32 to index
        %parallel_loop3A_978 = tpu.vector_load %arg13[%parallel_loop3A_976, %parallel_loop3A_977] {strides = array<i32>} : memref<16x2048xf32, #tpu.memory_space<vmem>>, vector<16xf32>,
        tpu.vector_store %arg13[%parallel_loop3A_976, %parallel_loop3A_977], %parallel_loop3A_973 {strides = array<i32>} : memref<16x2048xf32, #tpu.memory_space<vmem>>, vector<16xf32>,
        %parallel_loop3A_979 = arith.constant 16 : i32
        %parallel_loop3A_980 = arith.addi %parallel_loop3A_944, %parallel_loop3A_979 : i32
        %parallel_loop3A_981 = arith.addi %squeeze3A_937, %parallel_loop3A_980 : i32
        %parallel_loop3A_982 = arith.index_cast %parallel_loop3A_981 : i32 to index
        %parallel_loop3A_983 = tpu.vector_load %arg4[%parallel_loop3A_982] {strides = array<i32>} : memref<16384xi32, #tpu.memory_space<vmem>>, vector<16xi32>,
        %parallel_loop3A_984 = vector.bitcast %parallel_loop3A_983 : vector<16xi32> to vector<32xbf16>
        %parallel_loop3A_985 = arith.addi %squeeze3A_941, %parallel_loop3A_980 : i32
        %parallel_loop3A_986 = arith.index_cast %parallel_loop3A_985 : i32 to index
        %parallel_loop3A_987 = tpu.vector_load %arg4[%parallel_loop3A_986] {strides = array<i32>} : memref<16384xi32, #tpu.memory_space<vmem>>, vector<16xi32>,
        %parallel_loop3A_988 = vector.bitcast %parallel_loop3A_987 : vector<16xi32> to vector<32xbf16>
        %parallel_loop3A_989 = tpu.unpack_subelements %parallel_loop3A_984, 0 {pack_format = #tpu.pack_format<interleaved>} : vector<32xbf16> -> vector<16xf32>
        %parallel_loop3A_990 = tpu.unpack_subelements %parallel_loop3A_984, 1 {pack_format = #tpu.pack_format<interleaved>} : vector<32xbf16> -> vector<16xf32>
        %parallel_loop3A_991 = tpu.unpack_subelements %parallel_loop3A_988, 0 {pack_format = #tpu.pack_format<interleaved>} : vector<32xbf16> -> vector<16xf32>
        %parallel_loop3A_992 = tpu.unpack_subelements %parallel_loop3A_988, 1 {pack_format = #tpu.pack_format<interleaved>} : vector<32xbf16> -> vector<16xf32>
        %parallel_loop3A_993 = arith.constant 2 : i32
        %parallel_loop3A_994 = arith.muli %parallel_loop3A_980, %parallel_loop3A_993 : i32
        %parallel_loop3A_995 = vector.broadcast %squeeze3A : f32 to vector<16xf32>
        %parallel_loop3A_996 = arith.mulf %parallel_loop3A_989, %parallel_loop3A_995 : vector<16xf32>
        %parallel_loop3A_997 = vector.broadcast %squeeze3A_933 : f32 to vector<16xf32>
        %parallel_loop3A_998 = arith.mulf %parallel_loop3A_991, %parallel_loop3A_997 : vector<16xf32>
        %parallel_loop3A_999 = arith.addf %parallel_loop3A_996, %parallel_loop3A_998 : vector<16xf32>
        %parallel_loop3A_1000 = arith.index_cast %scan3A_926 : i32 to index
        %parallel_loop3A_1001 = arith.index_cast %parallel_loop3A_994 : i32 to index
        %parallel_loop3A_1002 = tpu.vector_load %arg13[%parallel_loop3A_1000, %parallel_loop3A_1001] {strides = array<i32>} : memref<16x2048xf32, #tpu.memory_space<vmem>>, vector<16xf32>,
        tpu.vector_store %arg13[%parallel_loop3A_1000, %parallel_loop3A_1001], %parallel_loop3A_999 {strides = array<i32>} : memref<16x2048xf32, #tpu.memory_space<vmem>>, vector<16xf32>,
        %parallel_loop3A_1003 = vector.broadcast %squeeze3A : f32 to vector<16xf32>
        %parallel_loop3A_1004 = arith.mulf %parallel_loop3A_990, %parallel_loop3A_1003 : vector<16xf32>
        %parallel_loop3A_1005 = vector.broadcast %squeeze3A_933 : f32 to vector<16xf32>
        %parallel_loop3A_1006 = arith.mulf %parallel_loop3A_992, %parallel_loop3A_1005 : vector<16xf32>
        %parallel_loop3A_1007 = arith.addf %parallel_loop3A_1004, %parallel_loop3A_1006 : vector<16xf32>
        %parallel_loop3A_1008 = arith.constant 16 : i32
        %parallel_loop3A_1009 = arith.addi %parallel_loop3A_994, %parallel_loop3A_1008 : i32
        %parallel_loop3A_1010 = arith.index_cast %scan3A_926 : i32 to index
        %parallel_loop3A_1011 = arith.index_cast %parallel_loop3A_1009 : i32 to index
        %parallel_loop3A_1012 = tpu.vector_load %arg13[%parallel_loop3A_1010, %parallel_loop3A_1011] {strides = array<i32>} : memref<16x2048xf32, #tpu.memory_space<vmem>>, vector<16xf32>,
        tpu.vector_store %arg13[%parallel_loop3A_1010, %parallel_loop3A_1011], %parallel_loop3A_1007 {strides = array<i32>} : memref<16x2048xf32, #tpu.memory_space<vmem>>, vector<16xf32>,
      } {sc.loop_unroll_factor = 2 : i64, sc.parallel_access}
    }
    %scan3A_747 = arith.constant 16 : i32
    %add3A_748 = arith.constant 80 : i32
    %add3A_749 = arith.addi %mul3A_2, %add3A_748 : i32
    %dma_start3A_750 = arith.constant 0 : i32
    %dma_start3A_751 = tpu.memref_slice %arg3[%add3A_749, %dma_start3A_750] : memref<8192x2048xf32, #tpu.memory_space<hbm>> -> memref<16x2048xf32, #tpu.memory_space<hbm>>
    %dma_start3A_752 = arith.constant 0 : i32
    %dma_start3A_753 = tpu.memref_slice %arg3[%add3A_749, %dma_start3A_752] : memref<8192x2048xf32, #tpu.memory_space<hbm>> -> memref<16x2048xf32, #tpu.memory_space<hbm>>
    tpu.enqueue_dma source(%arg13 : memref<16x2048xf32, #tpu.memory_space<vmem>>) target(%dma_start3A_753 : memref<16x2048xf32, #tpu.memory_space<hbm>>) target_semaphore(%arg16 : memref<!tpu.dma_semaphore, #tpu.memory_space<semaphore_mem>>)
    %dma_wait3A_754 = arith.constant 0 : i32
    %dma_wait3A_755 = tpu.memref_slice %arg3[%add3A_717, %dma_wait3A_754] : memref<8192x2048xf32, #tpu.memory_space<hbm>> -> memref<16x2048xf32, #tpu.memory_space<hbm>>
    %dma_wait3A_756 = arith.constant 0 : i32
    %dma_wait3A_757 = tpu.memref_slice %arg3[%add3A_717, %dma_wait3A_756] : memref<8192x2048xf32, #tpu.memory_space<hbm>> -> memref<16x2048xf32, #tpu.memory_space<hbm>>
    tpu.wait_dma2 semaphore(%arg14 : memref<!tpu.dma_semaphore, #tpu.memory_space<semaphore_mem>>) src(%arg11 : memref<16x2048xf32, #tpu.memory_space<vmem>>) dst(%dma_wait3A_757 : memref<16x2048xf32, #tpu.memory_space<hbm>>)
    %scan3A_758 = arith.constant 0 : i32
    %scan3A_759 = arith.constant 0 : i32
    %scan3A_760 = arith.constant 16 : i32
    %scan3A_761 = arith.addi %scan3A_759, %scan3A_760 : i32
    %scan3A_762 = arith.constant 1 : i32
    scf.for %scan3A_926 = %scan3A_759 to %scan3A_761 step %scan3A_762  : i32 {
      %add3A_927 = arith.constant 96 : i32
      %add3A_928 = arith.addi %add3A_927, %scan3A_926 : i32
      %get3A = arith.index_cast %add3A_928 : i32 to index
      %get3A_929 = tpu.vector_load %arg9[%get3A] {strides = array<i32>} : memref<272xf32, #tpu.memory_space<vmem>>, vector<16xf32>,
      %slice3A = vector.extract_strided_slice %get3A_929 {offsets = [0], sizes = [1], strides = [1]} : vector<16xf32> to vector<1xf32>
      %squeeze3A = vector.extract %slice3A[0] : f32 from vector<1xf32>
      %get3A_930 = arith.index_cast %add3A_928 : i32 to index
      %get3A_931 = tpu.vector_load %arg10[%get3A_930] {strides = array<i32>} : memref<272xf32, #tpu.memory_space<vmem>>, vector<16xf32>,
      %slice3A_932 = vector.extract_strided_slice %get3A_931 {offsets = [0], sizes = [1], strides = [1]} : vector<16xf32> to vector<1xf32>
      %squeeze3A_933 = vector.extract %slice3A_932[0] : f32 from vector<1xf32>
      %get3A_934 = arith.index_cast %add3A_928 : i32 to index
      %get3A_935 = tpu.vector_load %arg7[%get3A_934] {strides = array<i32>} : memref<272xi32, #tpu.memory_space<vmem>>, vector<16xi32>,
      %slice3A_936 = vector.extract_strided_slice %get3A_935 {offsets = [0], sizes = [1], strides = [1]} : vector<16xi32> to vector<1xi32>
      %squeeze3A_937 = vector.extract %slice3A_936[0] : i32 from vector<1xi32>
      %get3A_938 = arith.index_cast %add3A_928 : i32 to index
      %get3A_939 = tpu.vector_load %arg8[%get3A_938] {strides = array<i32>} : memref<272xi32, #tpu.memory_space<vmem>>, vector<16xi32>,
      %slice3A_940 = vector.extract_strided_slice %get3A_939 {offsets = [0], sizes = [1], strides = [1]} : vector<16xi32> to vector<1xi32>
      %squeeze3A_941 = vector.extract %slice3A_940[0] : i32 from vector<1xi32>
      %parallel_loop3A = arith.constant 0 : i32
      %parallel_loop3A_942 = arith.constant 1024 : i32
      %parallel_loop3A_943 = arith.constant 32 : i32
      scf.for %parallel_loop3A_944 = %parallel_loop3A to %parallel_loop3A_942 step %parallel_loop3A_943  : i32 {
        %parallel_loop3A_945 = arith.constant 0 : i32
        %parallel_loop3A_946 = arith.addi %parallel_loop3A_944, %parallel_loop3A_945 : i32
        %parallel_loop3A_947 = arith.addi %squeeze3A_937, %parallel_loop3A_946 : i32
        %parallel_loop3A_948 = arith.index_cast %parallel_loop3A_947 : i32 to index
        %parallel_loop3A_949 = tpu.vector_load %arg4[%parallel_loop3A_948] {strides = array<i32>} : memref<16384xi32, #tpu.memory_space<vmem>>, vector<16xi32>,
        %parallel_loop3A_950 = vector.bitcast %parallel_loop3A_949 : vector<16xi32> to vector<32xbf16>
        %parallel_loop3A_951 = arith.addi %squeeze3A_941, %parallel_loop3A_946 : i32
        %parallel_loop3A_952 = arith.index_cast %parallel_loop3A_951 : i32 to index
        %parallel_loop3A_953 = tpu.vector_load %arg4[%parallel_loop3A_952] {strides = array<i32>} : memref<16384xi32, #tpu.memory_space<vmem>>, vector<16xi32>,
        %parallel_loop3A_954 = vector.bitcast %parallel_loop3A_953 : vector<16xi32> to vector<32xbf16>
        %parallel_loop3A_955 = tpu.unpack_subelements %parallel_loop3A_950, 0 {pack_format = #tpu.pack_format<interleaved>} : vector<32xbf16> -> vector<16xf32>
        %parallel_loop3A_956 = tpu.unpack_subelements %parallel_loop3A_950, 1 {pack_format = #tpu.pack_format<interleaved>} : vector<32xbf16> -> vector<16xf32>
        %parallel_loop3A_957 = tpu.unpack_subelements %parallel_loop3A_954, 0 {pack_format = #tpu.pack_format<interleaved>} : vector<32xbf16> -> vector<16xf32>
        %parallel_loop3A_958 = tpu.unpack_subelements %parallel_loop3A_954, 1 {pack_format = #tpu.pack_format<interleaved>} : vector<32xbf16> -> vector<16xf32>
        %parallel_loop3A_959 = arith.constant 2 : i32
        %parallel_loop3A_960 = arith.muli %parallel_loop3A_946, %parallel_loop3A_959 : i32
        %parallel_loop3A_961 = vector.broadcast %squeeze3A : f32 to vector<16xf32>
        %parallel_loop3A_962 = arith.mulf %parallel_loop3A_955, %parallel_loop3A_961 : vector<16xf32>
        %parallel_loop3A_963 = vector.broadcast %squeeze3A_933 : f32 to vector<16xf32>
        %parallel_loop3A_964 = arith.mulf %parallel_loop3A_957, %parallel_loop3A_963 : vector<16xf32>
        %parallel_loop3A_965 = arith.addf %parallel_loop3A_962, %parallel_loop3A_964 : vector<16xf32>
        %parallel_loop3A_966 = arith.index_cast %scan3A_926 : i32 to index
        %parallel_loop3A_967 = arith.index_cast %parallel_loop3A_960 : i32 to index
        %parallel_loop3A_968 = tpu.vector_load %arg11[%parallel_loop3A_966, %parallel_loop3A_967] {strides = array<i32>} : memref<16x2048xf32, #tpu.memory_space<vmem>>, vector<16xf32>,
        tpu.vector_store %arg11[%parallel_loop3A_966, %parallel_loop3A_967], %parallel_loop3A_965 {strides = array<i32>} : memref<16x2048xf32, #tpu.memory_space<vmem>>, vector<16xf32>,
        %parallel_loop3A_969 = vector.broadcast %squeeze3A : f32 to vector<16xf32>
        %parallel_loop3A_970 = arith.mulf %parallel_loop3A_956, %parallel_loop3A_969 : vector<16xf32>
        %parallel_loop3A_971 = vector.broadcast %squeeze3A_933 : f32 to vector<16xf32>
        %parallel_loop3A_972 = arith.mulf %parallel_loop3A_958, %parallel_loop3A_971 : vector<16xf32>
        %parallel_loop3A_973 = arith.addf %parallel_loop3A_970, %parallel_loop3A_972 : vector<16xf32>
        %parallel_loop3A_974 = arith.constant 16 : i32
        %parallel_loop3A_975 = arith.addi %parallel_loop3A_960, %parallel_loop3A_974 : i32
        %parallel_loop3A_976 = arith.index_cast %scan3A_926 : i32 to index
        %parallel_loop3A_977 = arith.index_cast %parallel_loop3A_975 : i32 to index
        %parallel_loop3A_978 = tpu.vector_load %arg11[%parallel_loop3A_976, %parallel_loop3A_977] {strides = array<i32>} : memref<16x2048xf32, #tpu.memory_space<vmem>>, vector<16xf32>,
        tpu.vector_store %arg11[%parallel_loop3A_976, %parallel_loop3A_977], %parallel_loop3A_973 {strides = array<i32>} : memref<16x2048xf32, #tpu.memory_space<vmem>>, vector<16xf32>,
        %parallel_loop3A_979 = arith.constant 16 : i32
        %parallel_loop3A_980 = arith.addi %parallel_loop3A_944, %parallel_loop3A_979 : i32
        %parallel_loop3A_981 = arith.addi %squeeze3A_937, %parallel_loop3A_980 : i32
        %parallel_loop3A_982 = arith.index_cast %parallel_loop3A_981 : i32 to index
        %parallel_loop3A_983 = tpu.vector_load %arg4[%parallel_loop3A_982] {strides = array<i32>} : memref<16384xi32, #tpu.memory_space<vmem>>, vector<16xi32>,
        %parallel_loop3A_984 = vector.bitcast %parallel_loop3A_983 : vector<16xi32> to vector<32xbf16>
        %parallel_loop3A_985 = arith.addi %squeeze3A_941, %parallel_loop3A_980 : i32
        %parallel_loop3A_986 = arith.index_cast %parallel_loop3A_985 : i32 to index
        %parallel_loop3A_987 = tpu.vector_load %arg4[%parallel_loop3A_986] {strides = array<i32>} : memref<16384xi32, #tpu.memory_space<vmem>>, vector<16xi32>,
        %parallel_loop3A_988 = vector.bitcast %parallel_loop3A_987 : vector<16xi32> to vector<32xbf16>
        %parallel_loop3A_989 = tpu.unpack_subelements %parallel_loop3A_984, 0 {pack_format = #tpu.pack_format<interleaved>} : vector<32xbf16> -> vector<16xf32>
        %parallel_loop3A_990 = tpu.unpack_subelements %parallel_loop3A_984, 1 {pack_format = #tpu.pack_format<interleaved>} : vector<32xbf16> -> vector<16xf32>
        %parallel_loop3A_991 = tpu.unpack_subelements %parallel_loop3A_988, 0 {pack_format = #tpu.pack_format<interleaved>} : vector<32xbf16> -> vector<16xf32>
        %parallel_loop3A_992 = tpu.unpack_subelements %parallel_loop3A_988, 1 {pack_format = #tpu.pack_format<interleaved>} : vector<32xbf16> -> vector<16xf32>
        %parallel_loop3A_993 = arith.constant 2 : i32
        %parallel_loop3A_994 = arith.muli %parallel_loop3A_980, %parallel_loop3A_993 : i32
        %parallel_loop3A_995 = vector.broadcast %squeeze3A : f32 to vector<16xf32>
        %parallel_loop3A_996 = arith.mulf %parallel_loop3A_989, %parallel_loop3A_995 : vector<16xf32>
        %parallel_loop3A_997 = vector.broadcast %squeeze3A_933 : f32 to vector<16xf32>
        %parallel_loop3A_998 = arith.mulf %parallel_loop3A_991, %parallel_loop3A_997 : vector<16xf32>
        %parallel_loop3A_999 = arith.addf %parallel_loop3A_996, %parallel_loop3A_998 : vector<16xf32>
        %parallel_loop3A_1000 = arith.index_cast %scan3A_926 : i32 to index
        %parallel_loop3A_1001 = arith.index_cast %parallel_loop3A_994 : i32 to index
        %parallel_loop3A_1002 = tpu.vector_load %arg11[%parallel_loop3A_1000, %parallel_loop3A_1001] {strides = array<i32>} : memref<16x2048xf32, #tpu.memory_space<vmem>>, vector<16xf32>,
        tpu.vector_store %arg11[%parallel_loop3A_1000, %parallel_loop3A_1001], %parallel_loop3A_999 {strides = array<i32>} : memref<16x2048xf32, #tpu.memory_space<vmem>>, vector<16xf32>,
        %parallel_loop3A_1003 = vector.broadcast %squeeze3A : f32 to vector<16xf32>
        %parallel_loop3A_1004 = arith.mulf %parallel_loop3A_990, %parallel_loop3A_1003 : vector<16xf32>
        %parallel_loop3A_1005 = vector.broadcast %squeeze3A_933 : f32 to vector<16xf32>
        %parallel_loop3A_1006 = arith.mulf %parallel_loop3A_992, %parallel_loop3A_1005 : vector<16xf32>
        %parallel_loop3A_1007 = arith.addf %parallel_loop3A_1004, %parallel_loop3A_1006 : vector<16xf32>
        %parallel_loop3A_1008 = arith.constant 16 : i32
        %parallel_loop3A_1009 = arith.addi %parallel_loop3A_994, %parallel_loop3A_1008 : i32
        %parallel_loop3A_1010 = arith.index_cast %scan3A_926 : i32 to index
        %parallel_loop3A_1011 = arith.index_cast %parallel_loop3A_1009 : i32 to index
        %parallel_loop3A_1012 = tpu.vector_load %arg11[%parallel_loop3A_1010, %parallel_loop3A_1011] {strides = array<i32>} : memref<16x2048xf32, #tpu.memory_space<vmem>>, vector<16xf32>,
        tpu.vector_store %arg11[%parallel_loop3A_1010, %parallel_loop3A_1011], %parallel_loop3A_1007 {strides = array<i32>} : memref<16x2048xf32, #tpu.memory_space<vmem>>, vector<16xf32>,
      } {sc.loop_unroll_factor = 2 : i64, sc.parallel_access}
    }
    %scan3A_763 = arith.constant 16 : i32
    %add3A_764 = arith.constant 96 : i32
    %add3A_765 = arith.addi %mul3A_2, %add3A_764 : i32
    %dma_start3A_766 = arith.constant 0 : i32
    %dma_start3A_767 = tpu.memref_slice %arg3[%add3A_765, %dma_start3A_766] : memref<8192x2048xf32, #tpu.memory_space<hbm>> -> memref<16x2048xf32, #tpu.memory_space<hbm>>
    %dma_start3A_768 = arith.constant 0 : i32
    %dma_start3A_769 = tpu.memref_slice %arg3[%add3A_765, %dma_start3A_768] : memref<8192x2048xf32, #tpu.memory_space<hbm>> -> memref<16x2048xf32, #tpu.memory_space<hbm>>
    tpu.enqueue_dma source(%arg11 : memref<16x2048xf32, #tpu.memory_space<vmem>>) target(%dma_start3A_769 : memref<16x2048xf32, #tpu.memory_space<hbm>>) target_semaphore(%arg14 : memref<!tpu.dma_semaphore, #tpu.memory_space<semaphore_mem>>)
    %dma_wait3A_770 = arith.constant 0 : i32
    %dma_wait3A_771 = tpu.memref_slice %arg3[%add3A_733, %dma_wait3A_770] : memref<8192x2048xf32, #tpu.memory_space<hbm>> -> memref<16x2048xf32, #tpu.memory_space<hbm>>
    %dma_wait3A_772 = arith.constant 0 : i32
    %dma_wait3A_773 = tpu.memref_slice %arg3[%add3A_733, %dma_wait3A_772] : memref<8192x2048xf32, #tpu.memory_space<hbm>> -> memref<16x2048xf32, #tpu.memory_space<hbm>>
    tpu.wait_dma2 semaphore(%arg15 : memref<!tpu.dma_semaphore, #tpu.memory_space<semaphore_mem>>) src(%arg12 : memref<16x2048xf32, #tpu.memory_space<vmem>>) dst(%dma_wait3A_773 : memref<16x2048xf32, #tpu.memory_space<hbm>>)
    %scan3A_774 = arith.constant 0 : i32
    %scan3A_775 = arith.constant 0 : i32
    %scan3A_776 = arith.constant 16 : i32
    %scan3A_777 = arith.addi %scan3A_775, %scan3A_776 : i32
    %scan3A_778 = arith.constant 1 : i32
    scf.for %scan3A_926 = %scan3A_775 to %scan3A_777 step %scan3A_778  : i32 {
      %add3A_927 = arith.constant 112 : i32
      %add3A_928 = arith.addi %add3A_927, %scan3A_926 : i32
      %get3A = arith.index_cast %add3A_928 : i32 to index
      %get3A_929 = tpu.vector_load %arg9[%get3A] {strides = array<i32>} : memref<272xf32, #tpu.memory_space<vmem>>, vector<16xf32>,
      %slice3A = vector.extract_strided_slice %get3A_929 {offsets = [0], sizes = [1], strides = [1]} : vector<16xf32> to vector<1xf32>
      %squeeze3A = vector.extract %slice3A[0] : f32 from vector<1xf32>
      %get3A_930 = arith.index_cast %add3A_928 : i32 to index
      %get3A_931 = tpu.vector_load %arg10[%get3A_930] {strides = array<i32>} : memref<272xf32, #tpu.memory_space<vmem>>, vector<16xf32>,
      %slice3A_932 = vector.extract_strided_slice %get3A_931 {offsets = [0], sizes = [1], strides = [1]} : vector<16xf32> to vector<1xf32>
      %squeeze3A_933 = vector.extract %slice3A_932[0] : f32 from vector<1xf32>
      %get3A_934 = arith.index_cast %add3A_928 : i32 to index
      %get3A_935 = tpu.vector_load %arg7[%get3A_934] {strides = array<i32>} : memref<272xi32, #tpu.memory_space<vmem>>, vector<16xi32>,
      %slice3A_936 = vector.extract_strided_slice %get3A_935 {offsets = [0], sizes = [1], strides = [1]} : vector<16xi32> to vector<1xi32>
      %squeeze3A_937 = vector.extract %slice3A_936[0] : i32 from vector<1xi32>
      %get3A_938 = arith.index_cast %add3A_928 : i32 to index
      %get3A_939 = tpu.vector_load %arg8[%get3A_938] {strides = array<i32>} : memref<272xi32, #tpu.memory_space<vmem>>, vector<16xi32>,
      %slice3A_940 = vector.extract_strided_slice %get3A_939 {offsets = [0], sizes = [1], strides = [1]} : vector<16xi32> to vector<1xi32>
      %squeeze3A_941 = vector.extract %slice3A_940[0] : i32 from vector<1xi32>
      %parallel_loop3A = arith.constant 0 : i32
      %parallel_loop3A_942 = arith.constant 1024 : i32
      %parallel_loop3A_943 = arith.constant 32 : i32
      scf.for %parallel_loop3A_944 = %parallel_loop3A to %parallel_loop3A_942 step %parallel_loop3A_943  : i32 {
        %parallel_loop3A_945 = arith.constant 0 : i32
        %parallel_loop3A_946 = arith.addi %parallel_loop3A_944, %parallel_loop3A_945 : i32
        %parallel_loop3A_947 = arith.addi %squeeze3A_937, %parallel_loop3A_946 : i32
        %parallel_loop3A_948 = arith.index_cast %parallel_loop3A_947 : i32 to index
        %parallel_loop3A_949 = tpu.vector_load %arg4[%parallel_loop3A_948] {strides = array<i32>} : memref<16384xi32, #tpu.memory_space<vmem>>, vector<16xi32>,
        %parallel_loop3A_950 = vector.bitcast %parallel_loop3A_949 : vector<16xi32> to vector<32xbf16>
        %parallel_loop3A_951 = arith.addi %squeeze3A_941, %parallel_loop3A_946 : i32
        %parallel_loop3A_952 = arith.index_cast %parallel_loop3A_951 : i32 to index
        %parallel_loop3A_953 = tpu.vector_load %arg4[%parallel_loop3A_952] {strides = array<i32>} : memref<16384xi32, #tpu.memory_space<vmem>>, vector<16xi32>,
        %parallel_loop3A_954 = vector.bitcast %parallel_loop3A_953 : vector<16xi32> to vector<32xbf16>
        %parallel_loop3A_955 = tpu.unpack_subelements %parallel_loop3A_950, 0 {pack_format = #tpu.pack_format<interleaved>} : vector<32xbf16> -> vector<16xf32>
        %parallel_loop3A_956 = tpu.unpack_subelements %parallel_loop3A_950, 1 {pack_format = #tpu.pack_format<interleaved>} : vector<32xbf16> -> vector<16xf32>
        %parallel_loop3A_957 = tpu.unpack_subelements %parallel_loop3A_954, 0 {pack_format = #tpu.pack_format<interleaved>} : vector<32xbf16> -> vector<16xf32>
        %parallel_loop3A_958 = tpu.unpack_subelements %parallel_loop3A_954, 1 {pack_format = #tpu.pack_format<interleaved>} : vector<32xbf16> -> vector<16xf32>
        %parallel_loop3A_959 = arith.constant 2 : i32
        %parallel_loop3A_960 = arith.muli %parallel_loop3A_946, %parallel_loop3A_959 : i32
        %parallel_loop3A_961 = vector.broadcast %squeeze3A : f32 to vector<16xf32>
        %parallel_loop3A_962 = arith.mulf %parallel_loop3A_955, %parallel_loop3A_961 : vector<16xf32>
        %parallel_loop3A_963 = vector.broadcast %squeeze3A_933 : f32 to vector<16xf32>
        %parallel_loop3A_964 = arith.mulf %parallel_loop3A_957, %parallel_loop3A_963 : vector<16xf32>
        %parallel_loop3A_965 = arith.addf %parallel_loop3A_962, %parallel_loop3A_964 : vector<16xf32>
        %parallel_loop3A_966 = arith.index_cast %scan3A_926 : i32 to index
        %parallel_loop3A_967 = arith.index_cast %parallel_loop3A_960 : i32 to index
        %parallel_loop3A_968 = tpu.vector_load %arg12[%parallel_loop3A_966, %parallel_loop3A_967] {strides = array<i32>} : memref<16x2048xf32, #tpu.memory_space<vmem>>, vector<16xf32>,
        tpu.vector_store %arg12[%parallel_loop3A_966, %parallel_loop3A_967], %parallel_loop3A_965 {strides = array<i32>} : memref<16x2048xf32, #tpu.memory_space<vmem>>, vector<16xf32>,
        %parallel_loop3A_969 = vector.broadcast %squeeze3A : f32 to vector<16xf32>
        %parallel_loop3A_970 = arith.mulf %parallel_loop3A_956, %parallel_loop3A_969 : vector<16xf32>
        %parallel_loop3A_971 = vector.broadcast %squeeze3A_933 : f32 to vector<16xf32>
        %parallel_loop3A_972 = arith.mulf %parallel_loop3A_958, %parallel_loop3A_971 : vector<16xf32>
        %parallel_loop3A_973 = arith.addf %parallel_loop3A_970, %parallel_loop3A_972 : vector<16xf32>
        %parallel_loop3A_974 = arith.constant 16 : i32
        %parallel_loop3A_975 = arith.addi %parallel_loop3A_960, %parallel_loop3A_974 : i32
        %parallel_loop3A_976 = arith.index_cast %scan3A_926 : i32 to index
        %parallel_loop3A_977 = arith.index_cast %parallel_loop3A_975 : i32 to index
        %parallel_loop3A_978 = tpu.vector_load %arg12[%parallel_loop3A_976, %parallel_loop3A_977] {strides = array<i32>} : memref<16x2048xf32, #tpu.memory_space<vmem>>, vector<16xf32>,
        tpu.vector_store %arg12[%parallel_loop3A_976, %parallel_loop3A_977], %parallel_loop3A_973 {strides = array<i32>} : memref<16x2048xf32, #tpu.memory_space<vmem>>, vector<16xf32>,
        %parallel_loop3A_979 = arith.constant 16 : i32
        %parallel_loop3A_980 = arith.addi %parallel_loop3A_944, %parallel_loop3A_979 : i32
        %parallel_loop3A_981 = arith.addi %squeeze3A_937, %parallel_loop3A_980 : i32
        %parallel_loop3A_982 = arith.index_cast %parallel_loop3A_981 : i32 to index
        %parallel_loop3A_983 = tpu.vector_load %arg4[%parallel_loop3A_982] {strides = array<i32>} : memref<16384xi32, #tpu.memory_space<vmem>>, vector<16xi32>,
        %parallel_loop3A_984 = vector.bitcast %parallel_loop3A_983 : vector<16xi32> to vector<32xbf16>
        %parallel_loop3A_985 = arith.addi %squeeze3A_941, %parallel_loop3A_980 : i32
        %parallel_loop3A_986 = arith.index_cast %parallel_loop3A_985 : i32 to index
        %parallel_loop3A_987 = tpu.vector_load %arg4[%parallel_loop3A_986] {strides = array<i32>} : memref<16384xi32, #tpu.memory_space<vmem>>, vector<16xi32>,
        %parallel_loop3A_988 = vector.bitcast %parallel_loop3A_987 : vector<16xi32> to vector<32xbf16>
        %parallel_loop3A_989 = tpu.unpack_subelements %parallel_loop3A_984, 0 {pack_format = #tpu.pack_format<interleaved>} : vector<32xbf16> -> vector<16xf32>
        %parallel_loop3A_990 = tpu.unpack_subelements %parallel_loop3A_984, 1 {pack_format = #tpu.pack_format<interleaved>} : vector<32xbf16> -> vector<16xf32>
        %parallel_loop3A_991 = tpu.unpack_subelements %parallel_loop3A_988, 0 {pack_format = #tpu.pack_format<interleaved>} : vector<32xbf16> -> vector<16xf32>
        %parallel_loop3A_992 = tpu.unpack_subelements %parallel_loop3A_988, 1 {pack_format = #tpu.pack_format<interleaved>} : vector<32xbf16> -> vector<16xf32>
        %parallel_loop3A_993 = arith.constant 2 : i32
        %parallel_loop3A_994 = arith.muli %parallel_loop3A_980, %parallel_loop3A_993 : i32
        %parallel_loop3A_995 = vector.broadcast %squeeze3A : f32 to vector<16xf32>
        %parallel_loop3A_996 = arith.mulf %parallel_loop3A_989, %parallel_loop3A_995 : vector<16xf32>
        %parallel_loop3A_997 = vector.broadcast %squeeze3A_933 : f32 to vector<16xf32>
        %parallel_loop3A_998 = arith.mulf %parallel_loop3A_991, %parallel_loop3A_997 : vector<16xf32>
        %parallel_loop3A_999 = arith.addf %parallel_loop3A_996, %parallel_loop3A_998 : vector<16xf32>
        %parallel_loop3A_1000 = arith.index_cast %scan3A_926 : i32 to index
        %parallel_loop3A_1001 = arith.index_cast %parallel_loop3A_994 : i32 to index
        %parallel_loop3A_1002 = tpu.vector_load %arg12[%parallel_loop3A_1000, %parallel_loop3A_1001] {strides = array<i32>} : memref<16x2048xf32, #tpu.memory_space<vmem>>, vector<16xf32>,
        tpu.vector_store %arg12[%parallel_loop3A_1000, %parallel_loop3A_1001], %parallel_loop3A_999 {strides = array<i32>} : memref<16x2048xf32, #tpu.memory_space<vmem>>, vector<16xf32>,
        %parallel_loop3A_1003 = vector.broadcast %squeeze3A : f32 to vector<16xf32>
        %parallel_loop3A_1004 = arith.mulf %parallel_loop3A_990, %parallel_loop3A_1003 : vector<16xf32>
        %parallel_loop3A_1005 = vector.broadcast %squeeze3A_933 : f32 to vector<16xf32>
        %parallel_loop3A_1006 = arith.mulf %parallel_loop3A_992, %parallel_loop3A_1005 : vector<16xf32>
        %parallel_loop3A_1007 = arith.addf %parallel_loop3A_1004, %parallel_loop3A_1006 : vector<16xf32>
        %parallel_loop3A_1008 = arith.constant 16 : i32
        %parallel_loop3A_1009 = arith.addi %parallel_loop3A_994, %parallel_loop3A_1008 : i32
        %parallel_loop3A_1010 = arith.index_cast %scan3A_926 : i32 to index
        %parallel_loop3A_1011 = arith.index_cast %parallel_loop3A_1009 : i32 to index
        %parallel_loop3A_1012 = tpu.vector_load %arg12[%parallel_loop3A_1010, %parallel_loop3A_1011] {strides = array<i32>} : memref<16x2048xf32, #tpu.memory_space<vmem>>, vector<16xf32>,
        tpu.vector_store %arg12[%parallel_loop3A_1010, %parallel_loop3A_1011], %parallel_loop3A_1007 {strides = array<i32>} : memref<16x2048xf32, #tpu.memory_space<vmem>>, vector<16xf32>,
      } {sc.loop_unroll_factor = 2 : i64, sc.parallel_access}
    }
    %scan3A_779 = arith.constant 16 : i32
    %add3A_780 = arith.constant 112 : i32
    %add3A_781 = arith.addi %mul3A_2, %add3A_780 : i32
    %dma_start3A_782 = arith.constant 0 : i32
    %dma_start3A_783 = tpu.memref_slice %arg3[%add3A_781, %dma_start3A_782] : memref<8192x2048xf32, #tpu.memory_space<hbm>> -> memref<16x2048xf32, #tpu.memory_space<hbm>>
    %dma_start3A_784 = arith.constant 0 : i32
    %dma_start3A_785 = tpu.memref_slice %arg3[%add3A_781, %dma_start3A_784] : memref<8192x2048xf32, #tpu.memory_space<hbm>> -> memref<16x2048xf32, #tpu.memory_space<hbm>>
    tpu.enqueue_dma source(%arg12 : memref<16x2048xf32, #tpu.memory_space<vmem>>) target(%dma_start3A_785 : memref<16x2048xf32, #tpu.memory_space<hbm>>) target_semaphore(%arg15 : memref<!tpu.dma_semaphore, #tpu.memory_space<semaphore_mem>>)
    %dma_wait3A_786 = arith.constant 0 : i32
    %dma_wait3A_787 = tpu.memref_slice %arg3[%add3A_749, %dma_wait3A_786] : memref<8192x2048xf32, #tpu.memory_space<hbm>> -> memref<16x2048xf32, #tpu.memory_space<hbm>>
    %dma_wait3A_788 = arith.constant 0 : i32
    %dma_wait3A_789 = tpu.memref_slice %arg3[%add3A_749, %dma_wait3A_788] : memref<8192x2048xf32, #tpu.memory_space<hbm>> -> memref<16x2048xf32, #tpu.memory_space<hbm>>
    tpu.wait_dma2 semaphore(%arg16 : memref<!tpu.dma_semaphore, #tpu.memory_space<semaphore_mem>>) src(%arg13 : memref<16x2048xf32, #tpu.memory_space<vmem>>) dst(%dma_wait3A_789 : memref<16x2048xf32, #tpu.memory_space<hbm>>)
    %scan3A_790 = arith.constant 0 : i32
    %scan3A_791 = arith.constant 0 : i32
    %scan3A_792 = arith.constant 16 : i32
    %scan3A_793 = arith.addi %scan3A_791, %scan3A_792 : i32
    %scan3A_794 = arith.constant 1 : i32
    scf.for %scan3A_926 = %scan3A_791 to %scan3A_793 step %scan3A_794  : i32 {
      %add3A_927 = arith.constant 128 : i32
      %add3A_928 = arith.addi %add3A_927, %scan3A_926 : i32
      %get3A = arith.index_cast %add3A_928 : i32 to index
      %get3A_929 = tpu.vector_load %arg9[%get3A] {strides = array<i32>} : memref<272xf32, #tpu.memory_space<vmem>>, vector<16xf32>,
      %slice3A = vector.extract_strided_slice %get3A_929 {offsets = [0], sizes = [1], strides = [1]} : vector<16xf32> to vector<1xf32>
      %squeeze3A = vector.extract %slice3A[0] : f32 from vector<1xf32>
      %get3A_930 = arith.index_cast %add3A_928 : i32 to index
      %get3A_931 = tpu.vector_load %arg10[%get3A_930] {strides = array<i32>} : memref<272xf32, #tpu.memory_space<vmem>>, vector<16xf32>,
      %slice3A_932 = vector.extract_strided_slice %get3A_931 {offsets = [0], sizes = [1], strides = [1]} : vector<16xf32> to vector<1xf32>
      %squeeze3A_933 = vector.extract %slice3A_932[0] : f32 from vector<1xf32>
      %get3A_934 = arith.index_cast %add3A_928 : i32 to index
      %get3A_935 = tpu.vector_load %arg7[%get3A_934] {strides = array<i32>} : memref<272xi32, #tpu.memory_space<vmem>>, vector<16xi32>,
      %slice3A_936 = vector.extract_strided_slice %get3A_935 {offsets = [0], sizes = [1], strides = [1]} : vector<16xi32> to vector<1xi32>
      %squeeze3A_937 = vector.extract %slice3A_936[0] : i32 from vector<1xi32>
      %get3A_938 = arith.index_cast %add3A_928 : i32 to index
      %get3A_939 = tpu.vector_load %arg8[%get3A_938] {strides = array<i32>} : memref<272xi32, #tpu.memory_space<vmem>>, vector<16xi32>,
      %slice3A_940 = vector.extract_strided_slice %get3A_939 {offsets = [0], sizes = [1], strides = [1]} : vector<16xi32> to vector<1xi32>
      %squeeze3A_941 = vector.extract %slice3A_940[0] : i32 from vector<1xi32>
      %parallel_loop3A = arith.constant 0 : i32
      %parallel_loop3A_942 = arith.constant 1024 : i32
      %parallel_loop3A_943 = arith.constant 32 : i32
      scf.for %parallel_loop3A_944 = %parallel_loop3A to %parallel_loop3A_942 step %parallel_loop3A_943  : i32 {
        %parallel_loop3A_945 = arith.constant 0 : i32
        %parallel_loop3A_946 = arith.addi %parallel_loop3A_944, %parallel_loop3A_945 : i32
        %parallel_loop3A_947 = arith.addi %squeeze3A_937, %parallel_loop3A_946 : i32
        %parallel_loop3A_948 = arith.index_cast %parallel_loop3A_947 : i32 to index
        %parallel_loop3A_949 = tpu.vector_load %arg4[%parallel_loop3A_948] {strides = array<i32>} : memref<16384xi32, #tpu.memory_space<vmem>>, vector<16xi32>,
        %parallel_loop3A_950 = vector.bitcast %parallel_loop3A_949 : vector<16xi32> to vector<32xbf16>
        %parallel_loop3A_951 = arith.addi %squeeze3A_941, %parallel_loop3A_946 : i32
        %parallel_loop3A_952 = arith.index_cast %parallel_loop3A_951 : i32 to index
        %parallel_loop3A_953 = tpu.vector_load %arg4[%parallel_loop3A_952] {strides = array<i32>} : memref<16384xi32, #tpu.memory_space<vmem>>, vector<16xi32>,
        %parallel_loop3A_954 = vector.bitcast %parallel_loop3A_953 : vector<16xi32> to vector<32xbf16>
        %parallel_loop3A_955 = tpu.unpack_subelements %parallel_loop3A_950, 0 {pack_format = #tpu.pack_format<interleaved>} : vector<32xbf16> -> vector<16xf32>
        %parallel_loop3A_956 = tpu.unpack_subelements %parallel_loop3A_950, 1 {pack_format = #tpu.pack_format<interleaved>} : vector<32xbf16> -> vector<16xf32>
        %parallel_loop3A_957 = tpu.unpack_subelements %parallel_loop3A_954, 0 {pack_format = #tpu.pack_format<interleaved>} : vector<32xbf16> -> vector<16xf32>
        %parallel_loop3A_958 = tpu.unpack_subelements %parallel_loop3A_954, 1 {pack_format = #tpu.pack_format<interleaved>} : vector<32xbf16> -> vector<16xf32>
        %parallel_loop3A_959 = arith.constant 2 : i32
        %parallel_loop3A_960 = arith.muli %parallel_loop3A_946, %parallel_loop3A_959 : i32
        %parallel_loop3A_961 = vector.broadcast %squeeze3A : f32 to vector<16xf32>
        %parallel_loop3A_962 = arith.mulf %parallel_loop3A_955, %parallel_loop3A_961 : vector<16xf32>
        %parallel_loop3A_963 = vector.broadcast %squeeze3A_933 : f32 to vector<16xf32>
        %parallel_loop3A_964 = arith.mulf %parallel_loop3A_957, %parallel_loop3A_963 : vector<16xf32>
        %parallel_loop3A_965 = arith.addf %parallel_loop3A_962, %parallel_loop3A_964 : vector<16xf32>
        %parallel_loop3A_966 = arith.index_cast %scan3A_926 : i32 to index
        %parallel_loop3A_967 = arith.index_cast %parallel_loop3A_960 : i32 to index
        %parallel_loop3A_968 = tpu.vector_load %arg13[%parallel_loop3A_966, %parallel_loop3A_967] {strides = array<i32>} : memref<16x2048xf32, #tpu.memory_space<vmem>>, vector<16xf32>,
        tpu.vector_store %arg13[%parallel_loop3A_966, %parallel_loop3A_967], %parallel_loop3A_965 {strides = array<i32>} : memref<16x2048xf32, #tpu.memory_space<vmem>>, vector<16xf32>,
        %parallel_loop3A_969 = vector.broadcast %squeeze3A : f32 to vector<16xf32>
        %parallel_loop3A_970 = arith.mulf %parallel_loop3A_956, %parallel_loop3A_969 : vector<16xf32>
        %parallel_loop3A_971 = vector.broadcast %squeeze3A_933 : f32 to vector<16xf32>
        %parallel_loop3A_972 = arith.mulf %parallel_loop3A_958, %parallel_loop3A_971 : vector<16xf32>
        %parallel_loop3A_973 = arith.addf %parallel_loop3A_970, %parallel_loop3A_972 : vector<16xf32>
        %parallel_loop3A_974 = arith.constant 16 : i32
        %parallel_loop3A_975 = arith.addi %parallel_loop3A_960, %parallel_loop3A_974 : i32
        %parallel_loop3A_976 = arith.index_cast %scan3A_926 : i32 to index
        %parallel_loop3A_977 = arith.index_cast %parallel_loop3A_975 : i32 to index
        %parallel_loop3A_978 = tpu.vector_load %arg13[%parallel_loop3A_976, %parallel_loop3A_977] {strides = array<i32>} : memref<16x2048xf32, #tpu.memory_space<vmem>>, vector<16xf32>,
        tpu.vector_store %arg13[%parallel_loop3A_976, %parallel_loop3A_977], %parallel_loop3A_973 {strides = array<i32>} : memref<16x2048xf32, #tpu.memory_space<vmem>>, vector<16xf32>,
        %parallel_loop3A_979 = arith.constant 16 : i32
        %parallel_loop3A_980 = arith.addi %parallel_loop3A_944, %parallel_loop3A_979 : i32
        %parallel_loop3A_981 = arith.addi %squeeze3A_937, %parallel_loop3A_980 : i32
        %parallel_loop3A_982 = arith.index_cast %parallel_loop3A_981 : i32 to index
        %parallel_loop3A_983 = tpu.vector_load %arg4[%parallel_loop3A_982] {strides = array<i32>} : memref<16384xi32, #tpu.memory_space<vmem>>, vector<16xi32>,
        %parallel_loop3A_984 = vector.bitcast %parallel_loop3A_983 : vector<16xi32> to vector<32xbf16>
        %parallel_loop3A_985 = arith.addi %squeeze3A_941, %parallel_loop3A_980 : i32
        %parallel_loop3A_986 = arith.index_cast %parallel_loop3A_985 : i32 to index
        %parallel_loop3A_987 = tpu.vector_load %arg4[%parallel_loop3A_986] {strides = array<i32>} : memref<16384xi32, #tpu.memory_space<vmem>>, vector<16xi32>,
        %parallel_loop3A_988 = vector.bitcast %parallel_loop3A_987 : vector<16xi32> to vector<32xbf16>
        %parallel_loop3A_989 = tpu.unpack_subelements %parallel_loop3A_984, 0 {pack_format = #tpu.pack_format<interleaved>} : vector<32xbf16> -> vector<16xf32>
        %parallel_loop3A_990 = tpu.unpack_subelements %parallel_loop3A_984, 1 {pack_format = #tpu.pack_format<interleaved>} : vector<32xbf16> -> vector<16xf32>
        %parallel_loop3A_991 = tpu.unpack_subelements %parallel_loop3A_988, 0 {pack_format = #tpu.pack_format<interleaved>} : vector<32xbf16> -> vector<16xf32>
        %parallel_loop3A_992 = tpu.unpack_subelements %parallel_loop3A_988, 1 {pack_format = #tpu.pack_format<interleaved>} : vector<32xbf16> -> vector<16xf32>
        %parallel_loop3A_993 = arith.constant 2 : i32
        %parallel_loop3A_994 = arith.muli %parallel_loop3A_980, %parallel_loop3A_993 : i32
        %parallel_loop3A_995 = vector.broadcast %squeeze3A : f32 to vector<16xf32>
        %parallel_loop3A_996 = arith.mulf %parallel_loop3A_989, %parallel_loop3A_995 : vector<16xf32>
        %parallel_loop3A_997 = vector.broadcast %squeeze3A_933 : f32 to vector<16xf32>
        %parallel_loop3A_998 = arith.mulf %parallel_loop3A_991, %parallel_loop3A_997 : vector<16xf32>
        %parallel_loop3A_999 = arith.addf %parallel_loop3A_996, %parallel_loop3A_998 : vector<16xf32>
        %parallel_loop3A_1000 = arith.index_cast %scan3A_926 : i32 to index
        %parallel_loop3A_1001 = arith.index_cast %parallel_loop3A_994 : i32 to index
        %parallel_loop3A_1002 = tpu.vector_load %arg13[%parallel_loop3A_1000, %parallel_loop3A_1001] {strides = array<i32>} : memref<16x2048xf32, #tpu.memory_space<vmem>>, vector<16xf32>,
        tpu.vector_store %arg13[%parallel_loop3A_1000, %parallel_loop3A_1001], %parallel_loop3A_999 {strides = array<i32>} : memref<16x2048xf32, #tpu.memory_space<vmem>>, vector<16xf32>,
        %parallel_loop3A_1003 = vector.broadcast %squeeze3A : f32 to vector<16xf32>
        %parallel_loop3A_1004 = arith.mulf %parallel_loop3A_990, %parallel_loop3A_1003 : vector<16xf32>
        %parallel_loop3A_1005 = vector.broadcast %squeeze3A_933 : f32 to vector<16xf32>
        %parallel_loop3A_1006 = arith.mulf %parallel_loop3A_992, %parallel_loop3A_1005 : vector<16xf32>
        %parallel_loop3A_1007 = arith.addf %parallel_loop3A_1004, %parallel_loop3A_1006 : vector<16xf32>
        %parallel_loop3A_1008 = arith.constant 16 : i32
        %parallel_loop3A_1009 = arith.addi %parallel_loop3A_994, %parallel_loop3A_1008 : i32
        %parallel_loop3A_1010 = arith.index_cast %scan3A_926 : i32 to index
        %parallel_loop3A_1011 = arith.index_cast %parallel_loop3A_1009 : i32 to index
        %parallel_loop3A_1012 = tpu.vector_load %arg13[%parallel_loop3A_1010, %parallel_loop3A_1011] {strides = array<i32>} : memref<16x2048xf32, #tpu.memory_space<vmem>>, vector<16xf32>,
        tpu.vector_store %arg13[%parallel_loop3A_1010, %parallel_loop3A_1011], %parallel_loop3A_1007 {strides = array<i32>} : memref<16x2048xf32, #tpu.memory_space<vmem>>, vector<16xf32>,
      } {sc.loop_unroll_factor = 2 : i64, sc.parallel_access}
    }
    %scan3A_795 = arith.constant 16 : i32
    %add3A_796 = arith.constant 128 : i32
    %add3A_797 = arith.addi %mul3A_2, %add3A_796 : i32
    %dma_start3A_798 = arith.constant 0 : i32
    %dma_start3A_799 = tpu.memref_slice %arg3[%add3A_797, %dma_start3A_798] : memref<8192x2048xf32, #tpu.memory_space<hbm>> -> memref<16x2048xf32, #tpu.memory_space<hbm>>
    %dma_start3A_800 = arith.constant 0 : i32
    %dma_start3A_801 = tpu.memref_slice %arg3[%add3A_797, %dma_start3A_800] : memref<8192x2048xf32, #tpu.memory_space<hbm>> -> memref<16x2048xf32, #tpu.memory_space<hbm>>
    tpu.enqueue_dma source(%arg13 : memref<16x2048xf32, #tpu.memory_space<vmem>>) target(%dma_start3A_801 : memref<16x2048xf32, #tpu.memory_space<hbm>>) target_semaphore(%arg16 : memref<!tpu.dma_semaphore, #tpu.memory_space<semaphore_mem>>)
    %dma_wait3A_802 = arith.constant 0 : i32
    %dma_wait3A_803 = tpu.memref_slice %arg3[%add3A_765, %dma_wait3A_802] : memref<8192x2048xf32, #tpu.memory_space<hbm>> -> memref<16x2048xf32, #tpu.memory_space<hbm>>
    %dma_wait3A_804 = arith.constant 0 : i32
    %dma_wait3A_805 = tpu.memref_slice %arg3[%add3A_765, %dma_wait3A_804] : memref<8192x2048xf32, #tpu.memory_space<hbm>> -> memref<16x2048xf32, #tpu.memory_space<hbm>>
    tpu.wait_dma2 semaphore(%arg14 : memref<!tpu.dma_semaphore, #tpu.memory_space<semaphore_mem>>) src(%arg11 : memref<16x2048xf32, #tpu.memory_space<vmem>>) dst(%dma_wait3A_805 : memref<16x2048xf32, #tpu.memory_space<hbm>>)
    %scan3A_806 = arith.constant 0 : i32
    %scan3A_807 = arith.constant 0 : i32
    %scan3A_808 = arith.constant 16 : i32
    %scan3A_809 = arith.addi %scan3A_807, %scan3A_808 : i32
    %scan3A_810 = arith.constant 1 : i32
    scf.for %scan3A_926 = %scan3A_807 to %scan3A_809 step %scan3A_810  : i32 {
      %add3A_927 = arith.constant 144 : i32
      %add3A_928 = arith.addi %add3A_927, %scan3A_926 : i32
      %get3A = arith.index_cast %add3A_928 : i32 to index
      %get3A_929 = tpu.vector_load %arg9[%get3A] {strides = array<i32>} : memref<272xf32, #tpu.memory_space<vmem>>, vector<16xf32>,
      %slice3A = vector.extract_strided_slice %get3A_929 {offsets = [0], sizes = [1], strides = [1]} : vector<16xf32> to vector<1xf32>
      %squeeze3A = vector.extract %slice3A[0] : f32 from vector<1xf32>
      %get3A_930 = arith.index_cast %add3A_928 : i32 to index
      %get3A_931 = tpu.vector_load %arg10[%get3A_930] {strides = array<i32>} : memref<272xf32, #tpu.memory_space<vmem>>, vector<16xf32>,
      %slice3A_932 = vector.extract_strided_slice %get3A_931 {offsets = [0], sizes = [1], strides = [1]} : vector<16xf32> to vector<1xf32>
      %squeeze3A_933 = vector.extract %slice3A_932[0] : f32 from vector<1xf32>
      %get3A_934 = arith.index_cast %add3A_928 : i32 to index
      %get3A_935 = tpu.vector_load %arg7[%get3A_934] {strides = array<i32>} : memref<272xi32, #tpu.memory_space<vmem>>, vector<16xi32>,
      %slice3A_936 = vector.extract_strided_slice %get3A_935 {offsets = [0], sizes = [1], strides = [1]} : vector<16xi32> to vector<1xi32>
      %squeeze3A_937 = vector.extract %slice3A_936[0] : i32 from vector<1xi32>
      %get3A_938 = arith.index_cast %add3A_928 : i32 to index
      %get3A_939 = tpu.vector_load %arg8[%get3A_938] {strides = array<i32>} : memref<272xi32, #tpu.memory_space<vmem>>, vector<16xi32>,
      %slice3A_940 = vector.extract_strided_slice %get3A_939 {offsets = [0], sizes = [1], strides = [1]} : vector<16xi32> to vector<1xi32>
      %squeeze3A_941 = vector.extract %slice3A_940[0] : i32 from vector<1xi32>
      %parallel_loop3A = arith.constant 0 : i32
      %parallel_loop3A_942 = arith.constant 1024 : i32
      %parallel_loop3A_943 = arith.constant 32 : i32
      scf.for %parallel_loop3A_944 = %parallel_loop3A to %parallel_loop3A_942 step %parallel_loop3A_943  : i32 {
        %parallel_loop3A_945 = arith.constant 0 : i32
        %parallel_loop3A_946 = arith.addi %parallel_loop3A_944, %parallel_loop3A_945 : i32
        %parallel_loop3A_947 = arith.addi %squeeze3A_937, %parallel_loop3A_946 : i32
        %parallel_loop3A_948 = arith.index_cast %parallel_loop3A_947 : i32 to index
        %parallel_loop3A_949 = tpu.vector_load %arg4[%parallel_loop3A_948] {strides = array<i32>} : memref<16384xi32, #tpu.memory_space<vmem>>, vector<16xi32>,
        %parallel_loop3A_950 = vector.bitcast %parallel_loop3A_949 : vector<16xi32> to vector<32xbf16>
        %parallel_loop3A_951 = arith.addi %squeeze3A_941, %parallel_loop3A_946 : i32
        %parallel_loop3A_952 = arith.index_cast %parallel_loop3A_951 : i32 to index
        %parallel_loop3A_953 = tpu.vector_load %arg4[%parallel_loop3A_952] {strides = array<i32>} : memref<16384xi32, #tpu.memory_space<vmem>>, vector<16xi32>,
        %parallel_loop3A_954 = vector.bitcast %parallel_loop3A_953 : vector<16xi32> to vector<32xbf16>
        %parallel_loop3A_955 = tpu.unpack_subelements %parallel_loop3A_950, 0 {pack_format = #tpu.pack_format<interleaved>} : vector<32xbf16> -> vector<16xf32>
        %parallel_loop3A_956 = tpu.unpack_subelements %parallel_loop3A_950, 1 {pack_format = #tpu.pack_format<interleaved>} : vector<32xbf16> -> vector<16xf32>
        %parallel_loop3A_957 = tpu.unpack_subelements %parallel_loop3A_954, 0 {pack_format = #tpu.pack_format<interleaved>} : vector<32xbf16> -> vector<16xf32>
        %parallel_loop3A_958 = tpu.unpack_subelements %parallel_loop3A_954, 1 {pack_format = #tpu.pack_format<interleaved>} : vector<32xbf16> -> vector<16xf32>
        %parallel_loop3A_959 = arith.constant 2 : i32
        %parallel_loop3A_960 = arith.muli %parallel_loop3A_946, %parallel_loop3A_959 : i32
        %parallel_loop3A_961 = vector.broadcast %squeeze3A : f32 to vector<16xf32>
        %parallel_loop3A_962 = arith.mulf %parallel_loop3A_955, %parallel_loop3A_961 : vector<16xf32>
        %parallel_loop3A_963 = vector.broadcast %squeeze3A_933 : f32 to vector<16xf32>
        %parallel_loop3A_964 = arith.mulf %parallel_loop3A_957, %parallel_loop3A_963 : vector<16xf32>
        %parallel_loop3A_965 = arith.addf %parallel_loop3A_962, %parallel_loop3A_964 : vector<16xf32>
        %parallel_loop3A_966 = arith.index_cast %scan3A_926 : i32 to index
        %parallel_loop3A_967 = arith.index_cast %parallel_loop3A_960 : i32 to index
        %parallel_loop3A_968 = tpu.vector_load %arg11[%parallel_loop3A_966, %parallel_loop3A_967] {strides = array<i32>} : memref<16x2048xf32, #tpu.memory_space<vmem>>, vector<16xf32>,
        tpu.vector_store %arg11[%parallel_loop3A_966, %parallel_loop3A_967], %parallel_loop3A_965 {strides = array<i32>} : memref<16x2048xf32, #tpu.memory_space<vmem>>, vector<16xf32>,
        %parallel_loop3A_969 = vector.broadcast %squeeze3A : f32 to vector<16xf32>
        %parallel_loop3A_970 = arith.mulf %parallel_loop3A_956, %parallel_loop3A_969 : vector<16xf32>
        %parallel_loop3A_971 = vector.broadcast %squeeze3A_933 : f32 to vector<16xf32>
        %parallel_loop3A_972 = arith.mulf %parallel_loop3A_958, %parallel_loop3A_971 : vector<16xf32>
        %parallel_loop3A_973 = arith.addf %parallel_loop3A_970, %parallel_loop3A_972 : vector<16xf32>
        %parallel_loop3A_974 = arith.constant 16 : i32
        %parallel_loop3A_975 = arith.addi %parallel_loop3A_960, %parallel_loop3A_974 : i32
        %parallel_loop3A_976 = arith.index_cast %scan3A_926 : i32 to index
        %parallel_loop3A_977 = arith.index_cast %parallel_loop3A_975 : i32 to index
        %parallel_loop3A_978 = tpu.vector_load %arg11[%parallel_loop3A_976, %parallel_loop3A_977] {strides = array<i32>} : memref<16x2048xf32, #tpu.memory_space<vmem>>, vector<16xf32>,
        tpu.vector_store %arg11[%parallel_loop3A_976, %parallel_loop3A_977], %parallel_loop3A_973 {strides = array<i32>} : memref<16x2048xf32, #tpu.memory_space<vmem>>, vector<16xf32>,
        %parallel_loop3A_979 = arith.constant 16 : i32
        %parallel_loop3A_980 = arith.addi %parallel_loop3A_944, %parallel_loop3A_979 : i32
        %parallel_loop3A_981 = arith.addi %squeeze3A_937, %parallel_loop3A_980 : i32
        %parallel_loop3A_982 = arith.index_cast %parallel_loop3A_981 : i32 to index
        %parallel_loop3A_983 = tpu.vector_load %arg4[%parallel_loop3A_982] {strides = array<i32>} : memref<16384xi32, #tpu.memory_space<vmem>>, vector<16xi32>,
        %parallel_loop3A_984 = vector.bitcast %parallel_loop3A_983 : vector<16xi32> to vector<32xbf16>
        %parallel_loop3A_985 = arith.addi %squeeze3A_941, %parallel_loop3A_980 : i32
        %parallel_loop3A_986 = arith.index_cast %parallel_loop3A_985 : i32 to index
        %parallel_loop3A_987 = tpu.vector_load %arg4[%parallel_loop3A_986] {strides = array<i32>} : memref<16384xi32, #tpu.memory_space<vmem>>, vector<16xi32>,
        %parallel_loop3A_988 = vector.bitcast %parallel_loop3A_987 : vector<16xi32> to vector<32xbf16>
        %parallel_loop3A_989 = tpu.unpack_subelements %parallel_loop3A_984, 0 {pack_format = #tpu.pack_format<interleaved>} : vector<32xbf16> -> vector<16xf32>
        %parallel_loop3A_990 = tpu.unpack_subelements %parallel_loop3A_984, 1 {pack_format = #tpu.pack_format<interleaved>} : vector<32xbf16> -> vector<16xf32>
        %parallel_loop3A_991 = tpu.unpack_subelements %parallel_loop3A_988, 0 {pack_format = #tpu.pack_format<interleaved>} : vector<32xbf16> -> vector<16xf32>
        %parallel_loop3A_992 = tpu.unpack_subelements %parallel_loop3A_988, 1 {pack_format = #tpu.pack_format<interleaved>} : vector<32xbf16> -> vector<16xf32>
        %parallel_loop3A_993 = arith.constant 2 : i32
        %parallel_loop3A_994 = arith.muli %parallel_loop3A_980, %parallel_loop3A_993 : i32
        %parallel_loop3A_995 = vector.broadcast %squeeze3A : f32 to vector<16xf32>
        %parallel_loop3A_996 = arith.mulf %parallel_loop3A_989, %parallel_loop3A_995 : vector<16xf32>
        %parallel_loop3A_997 = vector.broadcast %squeeze3A_933 : f32 to vector<16xf32>
        %parallel_loop3A_998 = arith.mulf %parallel_loop3A_991, %parallel_loop3A_997 : vector<16xf32>
        %parallel_loop3A_999 = arith.addf %parallel_loop3A_996, %parallel_loop3A_998 : vector<16xf32>
        %parallel_loop3A_1000 = arith.index_cast %scan3A_926 : i32 to index
        %parallel_loop3A_1001 = arith.index_cast %parallel_loop3A_994 : i32 to index
        %parallel_loop3A_1002 = tpu.vector_load %arg11[%parallel_loop3A_1000, %parallel_loop3A_1001] {strides = array<i32>} : memref<16x2048xf32, #tpu.memory_space<vmem>>, vector<16xf32>,
        tpu.vector_store %arg11[%parallel_loop3A_1000, %parallel_loop3A_1001], %parallel_loop3A_999 {strides = array<i32>} : memref<16x2048xf32, #tpu.memory_space<vmem>>, vector<16xf32>,
        %parallel_loop3A_1003 = vector.broadcast %squeeze3A : f32 to vector<16xf32>
        %parallel_loop3A_1004 = arith.mulf %parallel_loop3A_990, %parallel_loop3A_1003 : vector<16xf32>
        %parallel_loop3A_1005 = vector.broadcast %squeeze3A_933 : f32 to vector<16xf32>
        %parallel_loop3A_1006 = arith.mulf %parallel_loop3A_992, %parallel_loop3A_1005 : vector<16xf32>
        %parallel_loop3A_1007 = arith.addf %parallel_loop3A_1004, %parallel_loop3A_1006 : vector<16xf32>
        %parallel_loop3A_1008 = arith.constant 16 : i32
        %parallel_loop3A_1009 = arith.addi %parallel_loop3A_994, %parallel_loop3A_1008 : i32
        %parallel_loop3A_1010 = arith.index_cast %scan3A_926 : i32 to index
        %parallel_loop3A_1011 = arith.index_cast %parallel_loop3A_1009 : i32 to index
        %parallel_loop3A_1012 = tpu.vector_load %arg11[%parallel_loop3A_1010, %parallel_loop3A_1011] {strides = array<i32>} : memref<16x2048xf32, #tpu.memory_space<vmem>>, vector<16xf32>,
        tpu.vector_store %arg11[%parallel_loop3A_1010, %parallel_loop3A_1011], %parallel_loop3A_1007 {strides = array<i32>} : memref<16x2048xf32, #tpu.memory_space<vmem>>, vector<16xf32>,
      } {sc.loop_unroll_factor = 2 : i64, sc.parallel_access}
    }
    %scan3A_811 = arith.constant 16 : i32
    %add3A_812 = arith.constant 144 : i32
    %add3A_813 = arith.addi %mul3A_2, %add3A_812 : i32
    %dma_start3A_814 = arith.constant 0 : i32
    %dma_start3A_815 = tpu.memref_slice %arg3[%add3A_813, %dma_start3A_814] : memref<8192x2048xf32, #tpu.memory_space<hbm>> -> memref<16x2048xf32, #tpu.memory_space<hbm>>
    %dma_start3A_816 = arith.constant 0 : i32
    %dma_start3A_817 = tpu.memref_slice %arg3[%add3A_813, %dma_start3A_816] : memref<8192x2048xf32, #tpu.memory_space<hbm>> -> memref<16x2048xf32, #tpu.memory_space<hbm>>
    tpu.enqueue_dma source(%arg11 : memref<16x2048xf32, #tpu.memory_space<vmem>>) target(%dma_start3A_817 : memref<16x2048xf32, #tpu.memory_space<hbm>>) target_semaphore(%arg14 : memref<!tpu.dma_semaphore, #tpu.memory_space<semaphore_mem>>)
    %dma_wait3A_818 = arith.constant 0 : i32
    %dma_wait3A_819 = tpu.memref_slice %arg3[%add3A_781, %dma_wait3A_818] : memref<8192x2048xf32, #tpu.memory_space<hbm>> -> memref<16x2048xf32, #tpu.memory_space<hbm>>
    %dma_wait3A_820 = arith.constant 0 : i32
    %dma_wait3A_821 = tpu.memref_slice %arg3[%add3A_781, %dma_wait3A_820] : memref<8192x2048xf32, #tpu.memory_space<hbm>> -> memref<16x2048xf32, #tpu.memory_space<hbm>>
    tpu.wait_dma2 semaphore(%arg15 : memref<!tpu.dma_semaphore, #tpu.memory_space<semaphore_mem>>) src(%arg12 : memref<16x2048xf32, #tpu.memory_space<vmem>>) dst(%dma_wait3A_821 : memref<16x2048xf32, #tpu.memory_space<hbm>>)
    %scan3A_822 = arith.constant 0 : i32
    %scan3A_823 = arith.constant 0 : i32
    %scan3A_824 = arith.constant 16 : i32
    %scan3A_825 = arith.addi %scan3A_823, %scan3A_824 : i32
    %scan3A_826 = arith.constant 1 : i32
    scf.for %scan3A_926 = %scan3A_823 to %scan3A_825 step %scan3A_826  : i32 {
      %add3A_927 = arith.constant 160 : i32
      %add3A_928 = arith.addi %add3A_927, %scan3A_926 : i32
      %get3A = arith.index_cast %add3A_928 : i32 to index
      %get3A_929 = tpu.vector_load %arg9[%get3A] {strides = array<i32>} : memref<272xf32, #tpu.memory_space<vmem>>, vector<16xf32>,
      %slice3A = vector.extract_strided_slice %get3A_929 {offsets = [0], sizes = [1], strides = [1]} : vector<16xf32> to vector<1xf32>
      %squeeze3A = vector.extract %slice3A[0] : f32 from vector<1xf32>
      %get3A_930 = arith.index_cast %add3A_928 : i32 to index
      %get3A_931 = tpu.vector_load %arg10[%get3A_930] {strides = array<i32>} : memref<272xf32, #tpu.memory_space<vmem>>, vector<16xf32>,
      %slice3A_932 = vector.extract_strided_slice %get3A_931 {offsets = [0], sizes = [1], strides = [1]} : vector<16xf32> to vector<1xf32>
      %squeeze3A_933 = vector.extract %slice3A_932[0] : f32 from vector<1xf32>
      %get3A_934 = arith.index_cast %add3A_928 : i32 to index
      %get3A_935 = tpu.vector_load %arg7[%get3A_934] {strides = array<i32>} : memref<272xi32, #tpu.memory_space<vmem>>, vector<16xi32>,
      %slice3A_936 = vector.extract_strided_slice %get3A_935 {offsets = [0], sizes = [1], strides = [1]} : vector<16xi32> to vector<1xi32>
      %squeeze3A_937 = vector.extract %slice3A_936[0] : i32 from vector<1xi32>
      %get3A_938 = arith.index_cast %add3A_928 : i32 to index
      %get3A_939 = tpu.vector_load %arg8[%get3A_938] {strides = array<i32>} : memref<272xi32, #tpu.memory_space<vmem>>, vector<16xi32>,
      %slice3A_940 = vector.extract_strided_slice %get3A_939 {offsets = [0], sizes = [1], strides = [1]} : vector<16xi32> to vector<1xi32>
      %squeeze3A_941 = vector.extract %slice3A_940[0] : i32 from vector<1xi32>
      %parallel_loop3A = arith.constant 0 : i32
      %parallel_loop3A_942 = arith.constant 1024 : i32
      %parallel_loop3A_943 = arith.constant 32 : i32
      scf.for %parallel_loop3A_944 = %parallel_loop3A to %parallel_loop3A_942 step %parallel_loop3A_943  : i32 {
        %parallel_loop3A_945 = arith.constant 0 : i32
        %parallel_loop3A_946 = arith.addi %parallel_loop3A_944, %parallel_loop3A_945 : i32
        %parallel_loop3A_947 = arith.addi %squeeze3A_937, %parallel_loop3A_946 : i32
        %parallel_loop3A_948 = arith.index_cast %parallel_loop3A_947 : i32 to index
        %parallel_loop3A_949 = tpu.vector_load %arg4[%parallel_loop3A_948] {strides = array<i32>} : memref<16384xi32, #tpu.memory_space<vmem>>, vector<16xi32>,
        %parallel_loop3A_950 = vector.bitcast %parallel_loop3A_949 : vector<16xi32> to vector<32xbf16>
        %parallel_loop3A_951 = arith.addi %squeeze3A_941, %parallel_loop3A_946 : i32
        %parallel_loop3A_952 = arith.index_cast %parallel_loop3A_951 : i32 to index
        %parallel_loop3A_953 = tpu.vector_load %arg4[%parallel_loop3A_952] {strides = array<i32>} : memref<16384xi32, #tpu.memory_space<vmem>>, vector<16xi32>,
        %parallel_loop3A_954 = vector.bitcast %parallel_loop3A_953 : vector<16xi32> to vector<32xbf16>
        %parallel_loop3A_955 = tpu.unpack_subelements %parallel_loop3A_950, 0 {pack_format = #tpu.pack_format<interleaved>} : vector<32xbf16> -> vector<16xf32>
        %parallel_loop3A_956 = tpu.unpack_subelements %parallel_loop3A_950, 1 {pack_format = #tpu.pack_format<interleaved>} : vector<32xbf16> -> vector<16xf32>
        %parallel_loop3A_957 = tpu.unpack_subelements %parallel_loop3A_954, 0 {pack_format = #tpu.pack_format<interleaved>} : vector<32xbf16> -> vector<16xf32>
        %parallel_loop3A_958 = tpu.unpack_subelements %parallel_loop3A_954, 1 {pack_format = #tpu.pack_format<interleaved>} : vector<32xbf16> -> vector<16xf32>
        %parallel_loop3A_959 = arith.constant 2 : i32
        %parallel_loop3A_960 = arith.muli %parallel_loop3A_946, %parallel_loop3A_959 : i32
        %parallel_loop3A_961 = vector.broadcast %squeeze3A : f32 to vector<16xf32>
        %parallel_loop3A_962 = arith.mulf %parallel_loop3A_955, %parallel_loop3A_961 : vector<16xf32>
        %parallel_loop3A_963 = vector.broadcast %squeeze3A_933 : f32 to vector<16xf32>
        %parallel_loop3A_964 = arith.mulf %parallel_loop3A_957, %parallel_loop3A_963 : vector<16xf32>
        %parallel_loop3A_965 = arith.addf %parallel_loop3A_962, %parallel_loop3A_964 : vector<16xf32>
        %parallel_loop3A_966 = arith.index_cast %scan3A_926 : i32 to index
        %parallel_loop3A_967 = arith.index_cast %parallel_loop3A_960 : i32 to index
        %parallel_loop3A_968 = tpu.vector_load %arg12[%parallel_loop3A_966, %parallel_loop3A_967] {strides = array<i32>} : memref<16x2048xf32, #tpu.memory_space<vmem>>, vector<16xf32>,
        tpu.vector_store %arg12[%parallel_loop3A_966, %parallel_loop3A_967], %parallel_loop3A_965 {strides = array<i32>} : memref<16x2048xf32, #tpu.memory_space<vmem>>, vector<16xf32>,
        %parallel_loop3A_969 = vector.broadcast %squeeze3A : f32 to vector<16xf32>
        %parallel_loop3A_970 = arith.mulf %parallel_loop3A_956, %parallel_loop3A_969 : vector<16xf32>
        %parallel_loop3A_971 = vector.broadcast %squeeze3A_933 : f32 to vector<16xf32>
        %parallel_loop3A_972 = arith.mulf %parallel_loop3A_958, %parallel_loop3A_971 : vector<16xf32>
        %parallel_loop3A_973 = arith.addf %parallel_loop3A_970, %parallel_loop3A_972 : vector<16xf32>
        %parallel_loop3A_974 = arith.constant 16 : i32
        %parallel_loop3A_975 = arith.addi %parallel_loop3A_960, %parallel_loop3A_974 : i32
        %parallel_loop3A_976 = arith.index_cast %scan3A_926 : i32 to index
        %parallel_loop3A_977 = arith.index_cast %parallel_loop3A_975 : i32 to index
        %parallel_loop3A_978 = tpu.vector_load %arg12[%parallel_loop3A_976, %parallel_loop3A_977] {strides = array<i32>} : memref<16x2048xf32, #tpu.memory_space<vmem>>, vector<16xf32>,
        tpu.vector_store %arg12[%parallel_loop3A_976, %parallel_loop3A_977], %parallel_loop3A_973 {strides = array<i32>} : memref<16x2048xf32, #tpu.memory_space<vmem>>, vector<16xf32>,
        %parallel_loop3A_979 = arith.constant 16 : i32
        %parallel_loop3A_980 = arith.addi %parallel_loop3A_944, %parallel_loop3A_979 : i32
        %parallel_loop3A_981 = arith.addi %squeeze3A_937, %parallel_loop3A_980 : i32
        %parallel_loop3A_982 = arith.index_cast %parallel_loop3A_981 : i32 to index
        %parallel_loop3A_983 = tpu.vector_load %arg4[%parallel_loop3A_982] {strides = array<i32>} : memref<16384xi32, #tpu.memory_space<vmem>>, vector<16xi32>,
        %parallel_loop3A_984 = vector.bitcast %parallel_loop3A_983 : vector<16xi32> to vector<32xbf16>
        %parallel_loop3A_985 = arith.addi %squeeze3A_941, %parallel_loop3A_980 : i32
        %parallel_loop3A_986 = arith.index_cast %parallel_loop3A_985 : i32 to index
        %parallel_loop3A_987 = tpu.vector_load %arg4[%parallel_loop3A_986] {strides = array<i32>} : memref<16384xi32, #tpu.memory_space<vmem>>, vector<16xi32>,
        %parallel_loop3A_988 = vector.bitcast %parallel_loop3A_987 : vector<16xi32> to vector<32xbf16>
        %parallel_loop3A_989 = tpu.unpack_subelements %parallel_loop3A_984, 0 {pack_format = #tpu.pack_format<interleaved>} : vector<32xbf16> -> vector<16xf32>
        %parallel_loop3A_990 = tpu.unpack_subelements %parallel_loop3A_984, 1 {pack_format = #tpu.pack_format<interleaved>} : vector<32xbf16> -> vector<16xf32>
        %parallel_loop3A_991 = tpu.unpack_subelements %parallel_loop3A_988, 0 {pack_format = #tpu.pack_format<interleaved>} : vector<32xbf16> -> vector<16xf32>
        %parallel_loop3A_992 = tpu.unpack_subelements %parallel_loop3A_988, 1 {pack_format = #tpu.pack_format<interleaved>} : vector<32xbf16> -> vector<16xf32>
        %parallel_loop3A_993 = arith.constant 2 : i32
        %parallel_loop3A_994 = arith.muli %parallel_loop3A_980, %parallel_loop3A_993 : i32
        %parallel_loop3A_995 = vector.broadcast %squeeze3A : f32 to vector<16xf32>
        %parallel_loop3A_996 = arith.mulf %parallel_loop3A_989, %parallel_loop3A_995 : vector<16xf32>
        %parallel_loop3A_997 = vector.broadcast %squeeze3A_933 : f32 to vector<16xf32>
        %parallel_loop3A_998 = arith.mulf %parallel_loop3A_991, %parallel_loop3A_997 : vector<16xf32>
        %parallel_loop3A_999 = arith.addf %parallel_loop3A_996, %parallel_loop3A_998 : vector<16xf32>
        %parallel_loop3A_1000 = arith.index_cast %scan3A_926 : i32 to index
        %parallel_loop3A_1001 = arith.index_cast %parallel_loop3A_994 : i32 to index
        %parallel_loop3A_1002 = tpu.vector_load %arg12[%parallel_loop3A_1000, %parallel_loop3A_1001] {strides = array<i32>} : memref<16x2048xf32, #tpu.memory_space<vmem>>, vector<16xf32>,
        tpu.vector_store %arg12[%parallel_loop3A_1000, %parallel_loop3A_1001], %parallel_loop3A_999 {strides = array<i32>} : memref<16x2048xf32, #tpu.memory_space<vmem>>, vector<16xf32>,
        %parallel_loop3A_1003 = vector.broadcast %squeeze3A : f32 to vector<16xf32>
        %parallel_loop3A_1004 = arith.mulf %parallel_loop3A_990, %parallel_loop3A_1003 : vector<16xf32>
        %parallel_loop3A_1005 = vector.broadcast %squeeze3A_933 : f32 to vector<16xf32>
        %parallel_loop3A_1006 = arith.mulf %parallel_loop3A_992, %parallel_loop3A_1005 : vector<16xf32>
        %parallel_loop3A_1007 = arith.addf %parallel_loop3A_1004, %parallel_loop3A_1006 : vector<16xf32>
        %parallel_loop3A_1008 = arith.constant 16 : i32
        %parallel_loop3A_1009 = arith.addi %parallel_loop3A_994, %parallel_loop3A_1008 : i32
        %parallel_loop3A_1010 = arith.index_cast %scan3A_926 : i32 to index
        %parallel_loop3A_1011 = arith.index_cast %parallel_loop3A_1009 : i32 to index
        %parallel_loop3A_1012 = tpu.vector_load %arg12[%parallel_loop3A_1010, %parallel_loop3A_1011] {strides = array<i32>} : memref<16x2048xf32, #tpu.memory_space<vmem>>, vector<16xf32>,
        tpu.vector_store %arg12[%parallel_loop3A_1010, %parallel_loop3A_1011], %parallel_loop3A_1007 {strides = array<i32>} : memref<16x2048xf32, #tpu.memory_space<vmem>>, vector<16xf32>,
      } {sc.loop_unroll_factor = 2 : i64, sc.parallel_access}
    }
    %scan3A_827 = arith.constant 16 : i32
    %add3A_828 = arith.constant 160 : i32
    %add3A_829 = arith.addi %mul3A_2, %add3A_828 : i32
    %dma_start3A_830 = arith.constant 0 : i32
    %dma_start3A_831 = tpu.memref_slice %arg3[%add3A_829, %dma_start3A_830] : memref<8192x2048xf32, #tpu.memory_space<hbm>> -> memref<16x2048xf32, #tpu.memory_space<hbm>>
    %dma_start3A_832 = arith.constant 0 : i32
    %dma_start3A_833 = tpu.memref_slice %arg3[%add3A_829, %dma_start3A_832] : memref<8192x2048xf32, #tpu.memory_space<hbm>> -> memref<16x2048xf32, #tpu.memory_space<hbm>>
    tpu.enqueue_dma source(%arg12 : memref<16x2048xf32, #tpu.memory_space<vmem>>) target(%dma_start3A_833 : memref<16x2048xf32, #tpu.memory_space<hbm>>) target_semaphore(%arg15 : memref<!tpu.dma_semaphore, #tpu.memory_space<semaphore_mem>>)
    %dma_wait3A_834 = arith.constant 0 : i32
    %dma_wait3A_835 = tpu.memref_slice %arg3[%add3A_797, %dma_wait3A_834] : memref<8192x2048xf32, #tpu.memory_space<hbm>> -> memref<16x2048xf32, #tpu.memory_space<hbm>>
    %dma_wait3A_836 = arith.constant 0 : i32
    %dma_wait3A_837 = tpu.memref_slice %arg3[%add3A_797, %dma_wait3A_836] : memref<8192x2048xf32, #tpu.memory_space<hbm>> -> memref<16x2048xf32, #tpu.memory_space<hbm>>
    tpu.wait_dma2 semaphore(%arg16 : memref<!tpu.dma_semaphore, #tpu.memory_space<semaphore_mem>>) src(%arg13 : memref<16x2048xf32, #tpu.memory_space<vmem>>) dst(%dma_wait3A_837 : memref<16x2048xf32, #tpu.memory_space<hbm>>)
    %scan3A_838 = arith.constant 0 : i32
    %scan3A_839 = arith.constant 0 : i32
    %scan3A_840 = arith.constant 16 : i32
    %scan3A_841 = arith.addi %scan3A_839, %scan3A_840 : i32
    %scan3A_842 = arith.constant 1 : i32
    scf.for %scan3A_926 = %scan3A_839 to %scan3A_841 step %scan3A_842  : i32 {
      %add3A_927 = arith.constant 176 : i32
      %add3A_928 = arith.addi %add3A_927, %scan3A_926 : i32
      %get3A = arith.index_cast %add3A_928 : i32 to index
      %get3A_929 = tpu.vector_load %arg9[%get3A] {strides = array<i32>} : memref<272xf32, #tpu.memory_space<vmem>>, vector<16xf32>,
      %slice3A = vector.extract_strided_slice %get3A_929 {offsets = [0], sizes = [1], strides = [1]} : vector<16xf32> to vector<1xf32>
      %squeeze3A = vector.extract %slice3A[0] : f32 from vector<1xf32>
      %get3A_930 = arith.index_cast %add3A_928 : i32 to index
      %get3A_931 = tpu.vector_load %arg10[%get3A_930] {strides = array<i32>} : memref<272xf32, #tpu.memory_space<vmem>>, vector<16xf32>,
      %slice3A_932 = vector.extract_strided_slice %get3A_931 {offsets = [0], sizes = [1], strides = [1]} : vector<16xf32> to vector<1xf32>
      %squeeze3A_933 = vector.extract %slice3A_932[0] : f32 from vector<1xf32>
      %get3A_934 = arith.index_cast %add3A_928 : i32 to index
      %get3A_935 = tpu.vector_load %arg7[%get3A_934] {strides = array<i32>} : memref<272xi32, #tpu.memory_space<vmem>>, vector<16xi32>,
      %slice3A_936 = vector.extract_strided_slice %get3A_935 {offsets = [0], sizes = [1], strides = [1]} : vector<16xi32> to vector<1xi32>
      %squeeze3A_937 = vector.extract %slice3A_936[0] : i32 from vector<1xi32>
      %get3A_938 = arith.index_cast %add3A_928 : i32 to index
      %get3A_939 = tpu.vector_load %arg8[%get3A_938] {strides = array<i32>} : memref<272xi32, #tpu.memory_space<vmem>>, vector<16xi32>,
      %slice3A_940 = vector.extract_strided_slice %get3A_939 {offsets = [0], sizes = [1], strides = [1]} : vector<16xi32> to vector<1xi32>
      %squeeze3A_941 = vector.extract %slice3A_940[0] : i32 from vector<1xi32>
      %parallel_loop3A = arith.constant 0 : i32
      %parallel_loop3A_942 = arith.constant 1024 : i32
      %parallel_loop3A_943 = arith.constant 32 : i32
      scf.for %parallel_loop3A_944 = %parallel_loop3A to %parallel_loop3A_942 step %parallel_loop3A_943  : i32 {
        %parallel_loop3A_945 = arith.constant 0 : i32
        %parallel_loop3A_946 = arith.addi %parallel_loop3A_944, %parallel_loop3A_945 : i32
        %parallel_loop3A_947 = arith.addi %squeeze3A_937, %parallel_loop3A_946 : i32
        %parallel_loop3A_948 = arith.index_cast %parallel_loop3A_947 : i32 to index
        %parallel_loop3A_949 = tpu.vector_load %arg4[%parallel_loop3A_948] {strides = array<i32>} : memref<16384xi32, #tpu.memory_space<vmem>>, vector<16xi32>,
        %parallel_loop3A_950 = vector.bitcast %parallel_loop3A_949 : vector<16xi32> to vector<32xbf16>
        %parallel_loop3A_951 = arith.addi %squeeze3A_941, %parallel_loop3A_946 : i32
        %parallel_loop3A_952 = arith.index_cast %parallel_loop3A_951 : i32 to index
        %parallel_loop3A_953 = tpu.vector_load %arg4[%parallel_loop3A_952] {strides = array<i32>} : memref<16384xi32, #tpu.memory_space<vmem>>, vector<16xi32>,
        %parallel_loop3A_954 = vector.bitcast %parallel_loop3A_953 : vector<16xi32> to vector<32xbf16>
        %parallel_loop3A_955 = tpu.unpack_subelements %parallel_loop3A_950, 0 {pack_format = #tpu.pack_format<interleaved>} : vector<32xbf16> -> vector<16xf32>
        %parallel_loop3A_956 = tpu.unpack_subelements %parallel_loop3A_950, 1 {pack_format = #tpu.pack_format<interleaved>} : vector<32xbf16> -> vector<16xf32>
        %parallel_loop3A_957 = tpu.unpack_subelements %parallel_loop3A_954, 0 {pack_format = #tpu.pack_format<interleaved>} : vector<32xbf16> -> vector<16xf32>
        %parallel_loop3A_958 = tpu.unpack_subelements %parallel_loop3A_954, 1 {pack_format = #tpu.pack_format<interleaved>} : vector<32xbf16> -> vector<16xf32>
        %parallel_loop3A_959 = arith.constant 2 : i32
        %parallel_loop3A_960 = arith.muli %parallel_loop3A_946, %parallel_loop3A_959 : i32
        %parallel_loop3A_961 = vector.broadcast %squeeze3A : f32 to vector<16xf32>
        %parallel_loop3A_962 = arith.mulf %parallel_loop3A_955, %parallel_loop3A_961 : vector<16xf32>
        %parallel_loop3A_963 = vector.broadcast %squeeze3A_933 : f32 to vector<16xf32>
        %parallel_loop3A_964 = arith.mulf %parallel_loop3A_957, %parallel_loop3A_963 : vector<16xf32>
        %parallel_loop3A_965 = arith.addf %parallel_loop3A_962, %parallel_loop3A_964 : vector<16xf32>
        %parallel_loop3A_966 = arith.index_cast %scan3A_926 : i32 to index
        %parallel_loop3A_967 = arith.index_cast %parallel_loop3A_960 : i32 to index
        %parallel_loop3A_968 = tpu.vector_load %arg13[%parallel_loop3A_966, %parallel_loop3A_967] {strides = array<i32>} : memref<16x2048xf32, #tpu.memory_space<vmem>>, vector<16xf32>,
        tpu.vector_store %arg13[%parallel_loop3A_966, %parallel_loop3A_967], %parallel_loop3A_965 {strides = array<i32>} : memref<16x2048xf32, #tpu.memory_space<vmem>>, vector<16xf32>,
        %parallel_loop3A_969 = vector.broadcast %squeeze3A : f32 to vector<16xf32>
        %parallel_loop3A_970 = arith.mulf %parallel_loop3A_956, %parallel_loop3A_969 : vector<16xf32>
        %parallel_loop3A_971 = vector.broadcast %squeeze3A_933 : f32 to vector<16xf32>
        %parallel_loop3A_972 = arith.mulf %parallel_loop3A_958, %parallel_loop3A_971 : vector<16xf32>
        %parallel_loop3A_973 = arith.addf %parallel_loop3A_970, %parallel_loop3A_972 : vector<16xf32>
        %parallel_loop3A_974 = arith.constant 16 : i32
        %parallel_loop3A_975 = arith.addi %parallel_loop3A_960, %parallel_loop3A_974 : i32
        %parallel_loop3A_976 = arith.index_cast %scan3A_926 : i32 to index
        %parallel_loop3A_977 = arith.index_cast %parallel_loop3A_975 : i32 to index
        %parallel_loop3A_978 = tpu.vector_load %arg13[%parallel_loop3A_976, %parallel_loop3A_977] {strides = array<i32>} : memref<16x2048xf32, #tpu.memory_space<vmem>>, vector<16xf32>,
        tpu.vector_store %arg13[%parallel_loop3A_976, %parallel_loop3A_977], %parallel_loop3A_973 {strides = array<i32>} : memref<16x2048xf32, #tpu.memory_space<vmem>>, vector<16xf32>,
        %parallel_loop3A_979 = arith.constant 16 : i32
        %parallel_loop3A_980 = arith.addi %parallel_loop3A_944, %parallel_loop3A_979 : i32
        %parallel_loop3A_981 = arith.addi %squeeze3A_937, %parallel_loop3A_980 : i32
        %parallel_loop3A_982 = arith.index_cast %parallel_loop3A_981 : i32 to index
        %parallel_loop3A_983 = tpu.vector_load %arg4[%parallel_loop3A_982] {strides = array<i32>} : memref<16384xi32, #tpu.memory_space<vmem>>, vector<16xi32>,
        %parallel_loop3A_984 = vector.bitcast %parallel_loop3A_983 : vector<16xi32> to vector<32xbf16>
        %parallel_loop3A_985 = arith.addi %squeeze3A_941, %parallel_loop3A_980 : i32
        %parallel_loop3A_986 = arith.index_cast %parallel_loop3A_985 : i32 to index
        %parallel_loop3A_987 = tpu.vector_load %arg4[%parallel_loop3A_986] {strides = array<i32>} : memref<16384xi32, #tpu.memory_space<vmem>>, vector<16xi32>,
        %parallel_loop3A_988 = vector.bitcast %parallel_loop3A_987 : vector<16xi32> to vector<32xbf16>
        %parallel_loop3A_989 = tpu.unpack_subelements %parallel_loop3A_984, 0 {pack_format = #tpu.pack_format<interleaved>} : vector<32xbf16> -> vector<16xf32>
        %parallel_loop3A_990 = tpu.unpack_subelements %parallel_loop3A_984, 1 {pack_format = #tpu.pack_format<interleaved>} : vector<32xbf16> -> vector<16xf32>
        %parallel_loop3A_991 = tpu.unpack_subelements %parallel_loop3A_988, 0 {pack_format = #tpu.pack_format<interleaved>} : vector<32xbf16> -> vector<16xf32>
        %parallel_loop3A_992 = tpu.unpack_subelements %parallel_loop3A_988, 1 {pack_format = #tpu.pack_format<interleaved>} : vector<32xbf16> -> vector<16xf32>
        %parallel_loop3A_993 = arith.constant 2 : i32
        %parallel_loop3A_994 = arith.muli %parallel_loop3A_980, %parallel_loop3A_993 : i32
        %parallel_loop3A_995 = vector.broadcast %squeeze3A : f32 to vector<16xf32>
        %parallel_loop3A_996 = arith.mulf %parallel_loop3A_989, %parallel_loop3A_995 : vector<16xf32>
        %parallel_loop3A_997 = vector.broadcast %squeeze3A_933 : f32 to vector<16xf32>
        %parallel_loop3A_998 = arith.mulf %parallel_loop3A_991, %parallel_loop3A_997 : vector<16xf32>
        %parallel_loop3A_999 = arith.addf %parallel_loop3A_996, %parallel_loop3A_998 : vector<16xf32>
        %parallel_loop3A_1000 = arith.index_cast %scan3A_926 : i32 to index
        %parallel_loop3A_1001 = arith.index_cast %parallel_loop3A_994 : i32 to index
        %parallel_loop3A_1002 = tpu.vector_load %arg13[%parallel_loop3A_1000, %parallel_loop3A_1001] {strides = array<i32>} : memref<16x2048xf32, #tpu.memory_space<vmem>>, vector<16xf32>,
        tpu.vector_store %arg13[%parallel_loop3A_1000, %parallel_loop3A_1001], %parallel_loop3A_999 {strides = array<i32>} : memref<16x2048xf32, #tpu.memory_space<vmem>>, vector<16xf32>,
        %parallel_loop3A_1003 = vector.broadcast %squeeze3A : f32 to vector<16xf32>
        %parallel_loop3A_1004 = arith.mulf %parallel_loop3A_990, %parallel_loop3A_1003 : vector<16xf32>
        %parallel_loop3A_1005 = vector.broadcast %squeeze3A_933 : f32 to vector<16xf32>
        %parallel_loop3A_1006 = arith.mulf %parallel_loop3A_992, %parallel_loop3A_1005 : vector<16xf32>
        %parallel_loop3A_1007 = arith.addf %parallel_loop3A_1004, %parallel_loop3A_1006 : vector<16xf32>
        %parallel_loop3A_1008 = arith.constant 16 : i32
        %parallel_loop3A_1009 = arith.addi %parallel_loop3A_994, %parallel_loop3A_1008 : i32
        %parallel_loop3A_1010 = arith.index_cast %scan3A_926 : i32 to index
        %parallel_loop3A_1011 = arith.index_cast %parallel_loop3A_1009 : i32 to index
        %parallel_loop3A_1012 = tpu.vector_load %arg13[%parallel_loop3A_1010, %parallel_loop3A_1011] {strides = array<i32>} : memref<16x2048xf32, #tpu.memory_space<vmem>>, vector<16xf32>,
        tpu.vector_store %arg13[%parallel_loop3A_1010, %parallel_loop3A_1011], %parallel_loop3A_1007 {strides = array<i32>} : memref<16x2048xf32, #tpu.memory_space<vmem>>, vector<16xf32>,
      } {sc.loop_unroll_factor = 2 : i64, sc.parallel_access}
    }
    %scan3A_843 = arith.constant 16 : i32
    %add3A_844 = arith.constant 176 : i32
    %add3A_845 = arith.addi %mul3A_2, %add3A_844 : i32
    %dma_start3A_846 = arith.constant 0 : i32
    %dma_start3A_847 = tpu.memref_slice %arg3[%add3A_845, %dma_start3A_846] : memref<8192x2048xf32, #tpu.memory_space<hbm>> -> memref<16x2048xf32, #tpu.memory_space<hbm>>
    %dma_start3A_848 = arith.constant 0 : i32
    %dma_start3A_849 = tpu.memref_slice %arg3[%add3A_845, %dma_start3A_848] : memref<8192x2048xf32, #tpu.memory_space<hbm>> -> memref<16x2048xf32, #tpu.memory_space<hbm>>
    tpu.enqueue_dma source(%arg13 : memref<16x2048xf32, #tpu.memory_space<vmem>>) target(%dma_start3A_849 : memref<16x2048xf32, #tpu.memory_space<hbm>>) target_semaphore(%arg16 : memref<!tpu.dma_semaphore, #tpu.memory_space<semaphore_mem>>)
    %dma_wait3A_850 = arith.constant 0 : i32
    %dma_wait3A_851 = tpu.memref_slice %arg3[%add3A_813, %dma_wait3A_850] : memref<8192x2048xf32, #tpu.memory_space<hbm>> -> memref<16x2048xf32, #tpu.memory_space<hbm>>
    %dma_wait3A_852 = arith.constant 0 : i32
    %dma_wait3A_853 = tpu.memref_slice %arg3[%add3A_813, %dma_wait3A_852] : memref<8192x2048xf32, #tpu.memory_space<hbm>> -> memref<16x2048xf32, #tpu.memory_space<hbm>>
    tpu.wait_dma2 semaphore(%arg14 : memref<!tpu.dma_semaphore, #tpu.memory_space<semaphore_mem>>) src(%arg11 : memref<16x2048xf32, #tpu.memory_space<vmem>>) dst(%dma_wait3A_853 : memref<16x2048xf32, #tpu.memory_space<hbm>>)
    %scan3A_854 = arith.constant 0 : i32
    %scan3A_855 = arith.constant 0 : i32
    %scan3A_856 = arith.constant 16 : i32
    %scan3A_857 = arith.addi %scan3A_855, %scan3A_856 : i32
    %scan3A_858 = arith.constant 1 : i32
    scf.for %scan3A_926 = %scan3A_855 to %scan3A_857 step %scan3A_858  : i32 {
      %add3A_927 = arith.constant 192 : i32
      %add3A_928 = arith.addi %add3A_927, %scan3A_926 : i32
      %get3A = arith.index_cast %add3A_928 : i32 to index
      %get3A_929 = tpu.vector_load %arg9[%get3A] {strides = array<i32>} : memref<272xf32, #tpu.memory_space<vmem>>, vector<16xf32>,
      %slice3A = vector.extract_strided_slice %get3A_929 {offsets = [0], sizes = [1], strides = [1]} : vector<16xf32> to vector<1xf32>
      %squeeze3A = vector.extract %slice3A[0] : f32 from vector<1xf32>
      %get3A_930 = arith.index_cast %add3A_928 : i32 to index
      %get3A_931 = tpu.vector_load %arg10[%get3A_930] {strides = array<i32>} : memref<272xf32, #tpu.memory_space<vmem>>, vector<16xf32>,
      %slice3A_932 = vector.extract_strided_slice %get3A_931 {offsets = [0], sizes = [1], strides = [1]} : vector<16xf32> to vector<1xf32>
      %squeeze3A_933 = vector.extract %slice3A_932[0] : f32 from vector<1xf32>
      %get3A_934 = arith.index_cast %add3A_928 : i32 to index
      %get3A_935 = tpu.vector_load %arg7[%get3A_934] {strides = array<i32>} : memref<272xi32, #tpu.memory_space<vmem>>, vector<16xi32>,
      %slice3A_936 = vector.extract_strided_slice %get3A_935 {offsets = [0], sizes = [1], strides = [1]} : vector<16xi32> to vector<1xi32>
      %squeeze3A_937 = vector.extract %slice3A_936[0] : i32 from vector<1xi32>
      %get3A_938 = arith.index_cast %add3A_928 : i32 to index
      %get3A_939 = tpu.vector_load %arg8[%get3A_938] {strides = array<i32>} : memref<272xi32, #tpu.memory_space<vmem>>, vector<16xi32>,
      %slice3A_940 = vector.extract_strided_slice %get3A_939 {offsets = [0], sizes = [1], strides = [1]} : vector<16xi32> to vector<1xi32>
      %squeeze3A_941 = vector.extract %slice3A_940[0] : i32 from vector<1xi32>
      %parallel_loop3A = arith.constant 0 : i32
      %parallel_loop3A_942 = arith.constant 1024 : i32
      %parallel_loop3A_943 = arith.constant 32 : i32
      scf.for %parallel_loop3A_944 = %parallel_loop3A to %parallel_loop3A_942 step %parallel_loop3A_943  : i32 {
        %parallel_loop3A_945 = arith.constant 0 : i32
        %parallel_loop3A_946 = arith.addi %parallel_loop3A_944, %parallel_loop3A_945 : i32
        %parallel_loop3A_947 = arith.addi %squeeze3A_937, %parallel_loop3A_946 : i32
        %parallel_loop3A_948 = arith.index_cast %parallel_loop3A_947 : i32 to index
        %parallel_loop3A_949 = tpu.vector_load %arg4[%parallel_loop3A_948] {strides = array<i32>} : memref<16384xi32, #tpu.memory_space<vmem>>, vector<16xi32>,
        %parallel_loop3A_950 = vector.bitcast %parallel_loop3A_949 : vector<16xi32> to vector<32xbf16>
        %parallel_loop3A_951 = arith.addi %squeeze3A_941, %parallel_loop3A_946 : i32
        %parallel_loop3A_952 = arith.index_cast %parallel_loop3A_951 : i32 to index
        %parallel_loop3A_953 = tpu.vector_load %arg4[%parallel_loop3A_952] {strides = array<i32>} : memref<16384xi32, #tpu.memory_space<vmem>>, vector<16xi32>,
        %parallel_loop3A_954 = vector.bitcast %parallel_loop3A_953 : vector<16xi32> to vector<32xbf16>
        %parallel_loop3A_955 = tpu.unpack_subelements %parallel_loop3A_950, 0 {pack_format = #tpu.pack_format<interleaved>} : vector<32xbf16> -> vector<16xf32>
        %parallel_loop3A_956 = tpu.unpack_subelements %parallel_loop3A_950, 1 {pack_format = #tpu.pack_format<interleaved>} : vector<32xbf16> -> vector<16xf32>
        %parallel_loop3A_957 = tpu.unpack_subelements %parallel_loop3A_954, 0 {pack_format = #tpu.pack_format<interleaved>} : vector<32xbf16> -> vector<16xf32>
        %parallel_loop3A_958 = tpu.unpack_subelements %parallel_loop3A_954, 1 {pack_format = #tpu.pack_format<interleaved>} : vector<32xbf16> -> vector<16xf32>
        %parallel_loop3A_959 = arith.constant 2 : i32
        %parallel_loop3A_960 = arith.muli %parallel_loop3A_946, %parallel_loop3A_959 : i32
        %parallel_loop3A_961 = vector.broadcast %squeeze3A : f32 to vector<16xf32>
        %parallel_loop3A_962 = arith.mulf %parallel_loop3A_955, %parallel_loop3A_961 : vector<16xf32>
        %parallel_loop3A_963 = vector.broadcast %squeeze3A_933 : f32 to vector<16xf32>
        %parallel_loop3A_964 = arith.mulf %parallel_loop3A_957, %parallel_loop3A_963 : vector<16xf32>
        %parallel_loop3A_965 = arith.addf %parallel_loop3A_962, %parallel_loop3A_964 : vector<16xf32>
        %parallel_loop3A_966 = arith.index_cast %scan3A_926 : i32 to index
        %parallel_loop3A_967 = arith.index_cast %parallel_loop3A_960 : i32 to index
        %parallel_loop3A_968 = tpu.vector_load %arg11[%parallel_loop3A_966, %parallel_loop3A_967] {strides = array<i32>} : memref<16x2048xf32, #tpu.memory_space<vmem>>, vector<16xf32>,
        tpu.vector_store %arg11[%parallel_loop3A_966, %parallel_loop3A_967], %parallel_loop3A_965 {strides = array<i32>} : memref<16x2048xf32, #tpu.memory_space<vmem>>, vector<16xf32>,
        %parallel_loop3A_969 = vector.broadcast %squeeze3A : f32 to vector<16xf32>
        %parallel_loop3A_970 = arith.mulf %parallel_loop3A_956, %parallel_loop3A_969 : vector<16xf32>
        %parallel_loop3A_971 = vector.broadcast %squeeze3A_933 : f32 to vector<16xf32>
        %parallel_loop3A_972 = arith.mulf %parallel_loop3A_958, %parallel_loop3A_971 : vector<16xf32>
        %parallel_loop3A_973 = arith.addf %parallel_loop3A_970, %parallel_loop3A_972 : vector<16xf32>
        %parallel_loop3A_974 = arith.constant 16 : i32
        %parallel_loop3A_975 = arith.addi %parallel_loop3A_960, %parallel_loop3A_974 : i32
        %parallel_loop3A_976 = arith.index_cast %scan3A_926 : i32 to index
        %parallel_loop3A_977 = arith.index_cast %parallel_loop3A_975 : i32 to index
        %parallel_loop3A_978 = tpu.vector_load %arg11[%parallel_loop3A_976, %parallel_loop3A_977] {strides = array<i32>} : memref<16x2048xf32, #tpu.memory_space<vmem>>, vector<16xf32>,
        tpu.vector_store %arg11[%parallel_loop3A_976, %parallel_loop3A_977], %parallel_loop3A_973 {strides = array<i32>} : memref<16x2048xf32, #tpu.memory_space<vmem>>, vector<16xf32>,
        %parallel_loop3A_979 = arith.constant 16 : i32
        %parallel_loop3A_980 = arith.addi %parallel_loop3A_944, %parallel_loop3A_979 : i32
        %parallel_loop3A_981 = arith.addi %squeeze3A_937, %parallel_loop3A_980 : i32
        %parallel_loop3A_982 = arith.index_cast %parallel_loop3A_981 : i32 to index
        %parallel_loop3A_983 = tpu.vector_load %arg4[%parallel_loop3A_982] {strides = array<i32>} : memref<16384xi32, #tpu.memory_space<vmem>>, vector<16xi32>,
        %parallel_loop3A_984 = vector.bitcast %parallel_loop3A_983 : vector<16xi32> to vector<32xbf16>
        %parallel_loop3A_985 = arith.addi %squeeze3A_941, %parallel_loop3A_980 : i32
        %parallel_loop3A_986 = arith.index_cast %parallel_loop3A_985 : i32 to index
        %parallel_loop3A_987 = tpu.vector_load %arg4[%parallel_loop3A_986] {strides = array<i32>} : memref<16384xi32, #tpu.memory_space<vmem>>, vector<16xi32>,
        %parallel_loop3A_988 = vector.bitcast %parallel_loop3A_987 : vector<16xi32> to vector<32xbf16>
        %parallel_loop3A_989 = tpu.unpack_subelements %parallel_loop3A_984, 0 {pack_format = #tpu.pack_format<interleaved>} : vector<32xbf16> -> vector<16xf32>
        %parallel_loop3A_990 = tpu.unpack_subelements %parallel_loop3A_984, 1 {pack_format = #tpu.pack_format<interleaved>} : vector<32xbf16> -> vector<16xf32>
        %parallel_loop3A_991 = tpu.unpack_subelements %parallel_loop3A_988, 0 {pack_format = #tpu.pack_format<interleaved>} : vector<32xbf16> -> vector<16xf32>
        %parallel_loop3A_992 = tpu.unpack_subelements %parallel_loop3A_988, 1 {pack_format = #tpu.pack_format<interleaved>} : vector<32xbf16> -> vector<16xf32>
        %parallel_loop3A_993 = arith.constant 2 : i32
        %parallel_loop3A_994 = arith.muli %parallel_loop3A_980, %parallel_loop3A_993 : i32
        %parallel_loop3A_995 = vector.broadcast %squeeze3A : f32 to vector<16xf32>
        %parallel_loop3A_996 = arith.mulf %parallel_loop3A_989, %parallel_loop3A_995 : vector<16xf32>
        %parallel_loop3A_997 = vector.broadcast %squeeze3A_933 : f32 to vector<16xf32>
        %parallel_loop3A_998 = arith.mulf %parallel_loop3A_991, %parallel_loop3A_997 : vector<16xf32>
        %parallel_loop3A_999 = arith.addf %parallel_loop3A_996, %parallel_loop3A_998 : vector<16xf32>
        %parallel_loop3A_1000 = arith.index_cast %scan3A_926 : i32 to index
        %parallel_loop3A_1001 = arith.index_cast %parallel_loop3A_994 : i32 to index
        %parallel_loop3A_1002 = tpu.vector_load %arg11[%parallel_loop3A_1000, %parallel_loop3A_1001] {strides = array<i32>} : memref<16x2048xf32, #tpu.memory_space<vmem>>, vector<16xf32>,
        tpu.vector_store %arg11[%parallel_loop3A_1000, %parallel_loop3A_1001], %parallel_loop3A_999 {strides = array<i32>} : memref<16x2048xf32, #tpu.memory_space<vmem>>, vector<16xf32>,
        %parallel_loop3A_1003 = vector.broadcast %squeeze3A : f32 to vector<16xf32>
        %parallel_loop3A_1004 = arith.mulf %parallel_loop3A_990, %parallel_loop3A_1003 : vector<16xf32>
        %parallel_loop3A_1005 = vector.broadcast %squeeze3A_933 : f32 to vector<16xf32>
        %parallel_loop3A_1006 = arith.mulf %parallel_loop3A_992, %parallel_loop3A_1005 : vector<16xf32>
        %parallel_loop3A_1007 = arith.addf %parallel_loop3A_1004, %parallel_loop3A_1006 : vector<16xf32>
        %parallel_loop3A_1008 = arith.constant 16 : i32
        %parallel_loop3A_1009 = arith.addi %parallel_loop3A_994, %parallel_loop3A_1008 : i32
        %parallel_loop3A_1010 = arith.index_cast %scan3A_926 : i32 to index
        %parallel_loop3A_1011 = arith.index_cast %parallel_loop3A_1009 : i32 to index
        %parallel_loop3A_1012 = tpu.vector_load %arg11[%parallel_loop3A_1010, %parallel_loop3A_1011] {strides = array<i32>} : memref<16x2048xf32, #tpu.memory_space<vmem>>, vector<16xf32>,
        tpu.vector_store %arg11[%parallel_loop3A_1010, %parallel_loop3A_1011], %parallel_loop3A_1007 {strides = array<i32>} : memref<16x2048xf32, #tpu.memory_space<vmem>>, vector<16xf32>,
      } {sc.loop_unroll_factor = 2 : i64, sc.parallel_access}
    }
    %scan3A_859 = arith.constant 16 : i32
    %add3A_860 = arith.constant 192 : i32
    %add3A_861 = arith.addi %mul3A_2, %add3A_860 : i32
    %dma_start3A_862 = arith.constant 0 : i32
    %dma_start3A_863 = tpu.memref_slice %arg3[%add3A_861, %dma_start3A_862] : memref<8192x2048xf32, #tpu.memory_space<hbm>> -> memref<16x2048xf32, #tpu.memory_space<hbm>>
    %dma_start3A_864 = arith.constant 0 : i32
    %dma_start3A_865 = tpu.memref_slice %arg3[%add3A_861, %dma_start3A_864] : memref<8192x2048xf32, #tpu.memory_space<hbm>> -> memref<16x2048xf32, #tpu.memory_space<hbm>>
    tpu.enqueue_dma source(%arg11 : memref<16x2048xf32, #tpu.memory_space<vmem>>) target(%dma_start3A_865 : memref<16x2048xf32, #tpu.memory_space<hbm>>) target_semaphore(%arg14 : memref<!tpu.dma_semaphore, #tpu.memory_space<semaphore_mem>>)
    %dma_wait3A_866 = arith.constant 0 : i32
    %dma_wait3A_867 = tpu.memref_slice %arg3[%add3A_829, %dma_wait3A_866] : memref<8192x2048xf32, #tpu.memory_space<hbm>> -> memref<16x2048xf32, #tpu.memory_space<hbm>>
    %dma_wait3A_868 = arith.constant 0 : i32
    %dma_wait3A_869 = tpu.memref_slice %arg3[%add3A_829, %dma_wait3A_868] : memref<8192x2048xf32, #tpu.memory_space<hbm>> -> memref<16x2048xf32, #tpu.memory_space<hbm>>
    tpu.wait_dma2 semaphore(%arg15 : memref<!tpu.dma_semaphore, #tpu.memory_space<semaphore_mem>>) src(%arg12 : memref<16x2048xf32, #tpu.memory_space<vmem>>) dst(%dma_wait3A_869 : memref<16x2048xf32, #tpu.memory_space<hbm>>)
    %scan3A_870 = arith.constant 0 : i32
    %scan3A_871 = arith.constant 0 : i32
    %scan3A_872 = arith.constant 16 : i32
    %scan3A_873 = arith.addi %scan3A_871, %scan3A_872 : i32
    %scan3A_874 = arith.constant 1 : i32
    scf.for %scan3A_926 = %scan3A_871 to %scan3A_873 step %scan3A_874  : i32 {
      %add3A_927 = arith.constant 208 : i32
      %add3A_928 = arith.addi %add3A_927, %scan3A_926 : i32
      %get3A = arith.index_cast %add3A_928 : i32 to index
      %get3A_929 = tpu.vector_load %arg9[%get3A] {strides = array<i32>} : memref<272xf32, #tpu.memory_space<vmem>>, vector<16xf32>,
      %slice3A = vector.extract_strided_slice %get3A_929 {offsets = [0], sizes = [1], strides = [1]} : vector<16xf32> to vector<1xf32>
      %squeeze3A = vector.extract %slice3A[0] : f32 from vector<1xf32>
      %get3A_930 = arith.index_cast %add3A_928 : i32 to index
      %get3A_931 = tpu.vector_load %arg10[%get3A_930] {strides = array<i32>} : memref<272xf32, #tpu.memory_space<vmem>>, vector<16xf32>,
      %slice3A_932 = vector.extract_strided_slice %get3A_931 {offsets = [0], sizes = [1], strides = [1]} : vector<16xf32> to vector<1xf32>
      %squeeze3A_933 = vector.extract %slice3A_932[0] : f32 from vector<1xf32>
      %get3A_934 = arith.index_cast %add3A_928 : i32 to index
      %get3A_935 = tpu.vector_load %arg7[%get3A_934] {strides = array<i32>} : memref<272xi32, #tpu.memory_space<vmem>>, vector<16xi32>,
      %slice3A_936 = vector.extract_strided_slice %get3A_935 {offsets = [0], sizes = [1], strides = [1]} : vector<16xi32> to vector<1xi32>
      %squeeze3A_937 = vector.extract %slice3A_936[0] : i32 from vector<1xi32>
      %get3A_938 = arith.index_cast %add3A_928 : i32 to index
      %get3A_939 = tpu.vector_load %arg8[%get3A_938] {strides = array<i32>} : memref<272xi32, #tpu.memory_space<vmem>>, vector<16xi32>,
      %slice3A_940 = vector.extract_strided_slice %get3A_939 {offsets = [0], sizes = [1], strides = [1]} : vector<16xi32> to vector<1xi32>
      %squeeze3A_941 = vector.extract %slice3A_940[0] : i32 from vector<1xi32>
      %parallel_loop3A = arith.constant 0 : i32
      %parallel_loop3A_942 = arith.constant 1024 : i32
      %parallel_loop3A_943 = arith.constant 32 : i32
      scf.for %parallel_loop3A_944 = %parallel_loop3A to %parallel_loop3A_942 step %parallel_loop3A_943  : i32 {
        %parallel_loop3A_945 = arith.constant 0 : i32
        %parallel_loop3A_946 = arith.addi %parallel_loop3A_944, %parallel_loop3A_945 : i32
        %parallel_loop3A_947 = arith.addi %squeeze3A_937, %parallel_loop3A_946 : i32
        %parallel_loop3A_948 = arith.index_cast %parallel_loop3A_947 : i32 to index
        %parallel_loop3A_949 = tpu.vector_load %arg4[%parallel_loop3A_948] {strides = array<i32>} : memref<16384xi32, #tpu.memory_space<vmem>>, vector<16xi32>,
        %parallel_loop3A_950 = vector.bitcast %parallel_loop3A_949 : vector<16xi32> to vector<32xbf16>
        %parallel_loop3A_951 = arith.addi %squeeze3A_941, %parallel_loop3A_946 : i32
        %parallel_loop3A_952 = arith.index_cast %parallel_loop3A_951 : i32 to index
        %parallel_loop3A_953 = tpu.vector_load %arg4[%parallel_loop3A_952] {strides = array<i32>} : memref<16384xi32, #tpu.memory_space<vmem>>, vector<16xi32>,
        %parallel_loop3A_954 = vector.bitcast %parallel_loop3A_953 : vector<16xi32> to vector<32xbf16>
        %parallel_loop3A_955 = tpu.unpack_subelements %parallel_loop3A_950, 0 {pack_format = #tpu.pack_format<interleaved>} : vector<32xbf16> -> vector<16xf32>
        %parallel_loop3A_956 = tpu.unpack_subelements %parallel_loop3A_950, 1 {pack_format = #tpu.pack_format<interleaved>} : vector<32xbf16> -> vector<16xf32>
        %parallel_loop3A_957 = tpu.unpack_subelements %parallel_loop3A_954, 0 {pack_format = #tpu.pack_format<interleaved>} : vector<32xbf16> -> vector<16xf32>
        %parallel_loop3A_958 = tpu.unpack_subelements %parallel_loop3A_954, 1 {pack_format = #tpu.pack_format<interleaved>} : vector<32xbf16> -> vector<16xf32>
        %parallel_loop3A_959 = arith.constant 2 : i32
        %parallel_loop3A_960 = arith.muli %parallel_loop3A_946, %parallel_loop3A_959 : i32
        %parallel_loop3A_961 = vector.broadcast %squeeze3A : f32 to vector<16xf32>
        %parallel_loop3A_962 = arith.mulf %parallel_loop3A_955, %parallel_loop3A_961 : vector<16xf32>
        %parallel_loop3A_963 = vector.broadcast %squeeze3A_933 : f32 to vector<16xf32>
        %parallel_loop3A_964 = arith.mulf %parallel_loop3A_957, %parallel_loop3A_963 : vector<16xf32>
        %parallel_loop3A_965 = arith.addf %parallel_loop3A_962, %parallel_loop3A_964 : vector<16xf32>
        %parallel_loop3A_966 = arith.index_cast %scan3A_926 : i32 to index
        %parallel_loop3A_967 = arith.index_cast %parallel_loop3A_960 : i32 to index
        %parallel_loop3A_968 = tpu.vector_load %arg12[%parallel_loop3A_966, %parallel_loop3A_967] {strides = array<i32>} : memref<16x2048xf32, #tpu.memory_space<vmem>>, vector<16xf32>,
        tpu.vector_store %arg12[%parallel_loop3A_966, %parallel_loop3A_967], %parallel_loop3A_965 {strides = array<i32>} : memref<16x2048xf32, #tpu.memory_space<vmem>>, vector<16xf32>,
        %parallel_loop3A_969 = vector.broadcast %squeeze3A : f32 to vector<16xf32>
        %parallel_loop3A_970 = arith.mulf %parallel_loop3A_956, %parallel_loop3A_969 : vector<16xf32>
        %parallel_loop3A_971 = vector.broadcast %squeeze3A_933 : f32 to vector<16xf32>
        %parallel_loop3A_972 = arith.mulf %parallel_loop3A_958, %parallel_loop3A_971 : vector<16xf32>
        %parallel_loop3A_973 = arith.addf %parallel_loop3A_970, %parallel_loop3A_972 : vector<16xf32>
        %parallel_loop3A_974 = arith.constant 16 : i32
        %parallel_loop3A_975 = arith.addi %parallel_loop3A_960, %parallel_loop3A_974 : i32
        %parallel_loop3A_976 = arith.index_cast %scan3A_926 : i32 to index
        %parallel_loop3A_977 = arith.index_cast %parallel_loop3A_975 : i32 to index
        %parallel_loop3A_978 = tpu.vector_load %arg12[%parallel_loop3A_976, %parallel_loop3A_977] {strides = array<i32>} : memref<16x2048xf32, #tpu.memory_space<vmem>>, vector<16xf32>,
        tpu.vector_store %arg12[%parallel_loop3A_976, %parallel_loop3A_977], %parallel_loop3A_973 {strides = array<i32>} : memref<16x2048xf32, #tpu.memory_space<vmem>>, vector<16xf32>,
        %parallel_loop3A_979 = arith.constant 16 : i32
        %parallel_loop3A_980 = arith.addi %parallel_loop3A_944, %parallel_loop3A_979 : i32
        %parallel_loop3A_981 = arith.addi %squeeze3A_937, %parallel_loop3A_980 : i32
        %parallel_loop3A_982 = arith.index_cast %parallel_loop3A_981 : i32 to index
        %parallel_loop3A_983 = tpu.vector_load %arg4[%parallel_loop3A_982] {strides = array<i32>} : memref<16384xi32, #tpu.memory_space<vmem>>, vector<16xi32>,
        %parallel_loop3A_984 = vector.bitcast %parallel_loop3A_983 : vector<16xi32> to vector<32xbf16>
        %parallel_loop3A_985 = arith.addi %squeeze3A_941, %parallel_loop3A_980 : i32
        %parallel_loop3A_986 = arith.index_cast %parallel_loop3A_985 : i32 to index
        %parallel_loop3A_987 = tpu.vector_load %arg4[%parallel_loop3A_986] {strides = array<i32>} : memref<16384xi32, #tpu.memory_space<vmem>>, vector<16xi32>,
        %parallel_loop3A_988 = vector.bitcast %parallel_loop3A_987 : vector<16xi32> to vector<32xbf16>
        %parallel_loop3A_989 = tpu.unpack_subelements %parallel_loop3A_984, 0 {pack_format = #tpu.pack_format<interleaved>} : vector<32xbf16> -> vector<16xf32>
        %parallel_loop3A_990 = tpu.unpack_subelements %parallel_loop3A_984, 1 {pack_format = #tpu.pack_format<interleaved>} : vector<32xbf16> -> vector<16xf32>
        %parallel_loop3A_991 = tpu.unpack_subelements %parallel_loop3A_988, 0 {pack_format = #tpu.pack_format<interleaved>} : vector<32xbf16> -> vector<16xf32>
        %parallel_loop3A_992 = tpu.unpack_subelements %parallel_loop3A_988, 1 {pack_format = #tpu.pack_format<interleaved>} : vector<32xbf16> -> vector<16xf32>
        %parallel_loop3A_993 = arith.constant 2 : i32
        %parallel_loop3A_994 = arith.muli %parallel_loop3A_980, %parallel_loop3A_993 : i32
        %parallel_loop3A_995 = vector.broadcast %squeeze3A : f32 to vector<16xf32>
        %parallel_loop3A_996 = arith.mulf %parallel_loop3A_989, %parallel_loop3A_995 : vector<16xf32>
        %parallel_loop3A_997 = vector.broadcast %squeeze3A_933 : f32 to vector<16xf32>
        %parallel_loop3A_998 = arith.mulf %parallel_loop3A_991, %parallel_loop3A_997 : vector<16xf32>
        %parallel_loop3A_999 = arith.addf %parallel_loop3A_996, %parallel_loop3A_998 : vector<16xf32>
        %parallel_loop3A_1000 = arith.index_cast %scan3A_926 : i32 to index
        %parallel_loop3A_1001 = arith.index_cast %parallel_loop3A_994 : i32 to index
        %parallel_loop3A_1002 = tpu.vector_load %arg12[%parallel_loop3A_1000, %parallel_loop3A_1001] {strides = array<i32>} : memref<16x2048xf32, #tpu.memory_space<vmem>>, vector<16xf32>,
        tpu.vector_store %arg12[%parallel_loop3A_1000, %parallel_loop3A_1001], %parallel_loop3A_999 {strides = array<i32>} : memref<16x2048xf32, #tpu.memory_space<vmem>>, vector<16xf32>,
        %parallel_loop3A_1003 = vector.broadcast %squeeze3A : f32 to vector<16xf32>
        %parallel_loop3A_1004 = arith.mulf %parallel_loop3A_990, %parallel_loop3A_1003 : vector<16xf32>
        %parallel_loop3A_1005 = vector.broadcast %squeeze3A_933 : f32 to vector<16xf32>
        %parallel_loop3A_1006 = arith.mulf %parallel_loop3A_992, %parallel_loop3A_1005 : vector<16xf32>
        %parallel_loop3A_1007 = arith.addf %parallel_loop3A_1004, %parallel_loop3A_1006 : vector<16xf32>
        %parallel_loop3A_1008 = arith.constant 16 : i32
        %parallel_loop3A_1009 = arith.addi %parallel_loop3A_994, %parallel_loop3A_1008 : i32
        %parallel_loop3A_1010 = arith.index_cast %scan3A_926 : i32 to index
        %parallel_loop3A_1011 = arith.index_cast %parallel_loop3A_1009 : i32 to index
        %parallel_loop3A_1012 = tpu.vector_load %arg12[%parallel_loop3A_1010, %parallel_loop3A_1011] {strides = array<i32>} : memref<16x2048xf32, #tpu.memory_space<vmem>>, vector<16xf32>,
        tpu.vector_store %arg12[%parallel_loop3A_1010, %parallel_loop3A_1011], %parallel_loop3A_1007 {strides = array<i32>} : memref<16x2048xf32, #tpu.memory_space<vmem>>, vector<16xf32>,
      } {sc.loop_unroll_factor = 2 : i64, sc.parallel_access}
    }
    %scan3A_875 = arith.constant 16 : i32
    %add3A_876 = arith.constant 208 : i32
    %add3A_877 = arith.addi %mul3A_2, %add3A_876 : i32
    %dma_start3A_878 = arith.constant 0 : i32
    %dma_start3A_879 = tpu.memref_slice %arg3[%add3A_877, %dma_start3A_878] : memref<8192x2048xf32, #tpu.memory_space<hbm>> -> memref<16x2048xf32, #tpu.memory_space<hbm>>
    %dma_start3A_880 = arith.constant 0 : i32
    %dma_start3A_881 = tpu.memref_slice %arg3[%add3A_877, %dma_start3A_880] : memref<8192x2048xf32, #tpu.memory_space<hbm>> -> memref<16x2048xf32, #tpu.memory_space<hbm>>
    tpu.enqueue_dma source(%arg12 : memref<16x2048xf32, #tpu.memory_space<vmem>>) target(%dma_start3A_881 : memref<16x2048xf32, #tpu.memory_space<hbm>>) target_semaphore(%arg15 : memref<!tpu.dma_semaphore, #tpu.memory_space<semaphore_mem>>)
    %dma_wait3A_882 = arith.constant 0 : i32
    %dma_wait3A_883 = tpu.memref_slice %arg3[%add3A_845, %dma_wait3A_882] : memref<8192x2048xf32, #tpu.memory_space<hbm>> -> memref<16x2048xf32, #tpu.memory_space<hbm>>
    %dma_wait3A_884 = arith.constant 0 : i32
    %dma_wait3A_885 = tpu.memref_slice %arg3[%add3A_845, %dma_wait3A_884] : memref<8192x2048xf32, #tpu.memory_space<hbm>> -> memref<16x2048xf32, #tpu.memory_space<hbm>>
    tpu.wait_dma2 semaphore(%arg16 : memref<!tpu.dma_semaphore, #tpu.memory_space<semaphore_mem>>) src(%arg13 : memref<16x2048xf32, #tpu.memory_space<vmem>>) dst(%dma_wait3A_885 : memref<16x2048xf32, #tpu.memory_space<hbm>>)
    %scan3A_886 = arith.constant 0 : i32
    %scan3A_887 = arith.constant 0 : i32
    %scan3A_888 = arith.constant 16 : i32
    %scan3A_889 = arith.addi %scan3A_887, %scan3A_888 : i32
    %scan3A_890 = arith.constant 1 : i32
    scf.for %scan3A_926 = %scan3A_887 to %scan3A_889 step %scan3A_890  : i32 {
      %add3A_927 = arith.constant 224 : i32
      %add3A_928 = arith.addi %add3A_927, %scan3A_926 : i32
      %get3A = arith.index_cast %add3A_928 : i32 to index
      %get3A_929 = tpu.vector_load %arg9[%get3A] {strides = array<i32>} : memref<272xf32, #tpu.memory_space<vmem>>, vector<16xf32>,
      %slice3A = vector.extract_strided_slice %get3A_929 {offsets = [0], sizes = [1], strides = [1]} : vector<16xf32> to vector<1xf32>
      %squeeze3A = vector.extract %slice3A[0] : f32 from vector<1xf32>
      %get3A_930 = arith.index_cast %add3A_928 : i32 to index
      %get3A_931 = tpu.vector_load %arg10[%get3A_930] {strides = array<i32>} : memref<272xf32, #tpu.memory_space<vmem>>, vector<16xf32>,
      %slice3A_932 = vector.extract_strided_slice %get3A_931 {offsets = [0], sizes = [1], strides = [1]} : vector<16xf32> to vector<1xf32>
      %squeeze3A_933 = vector.extract %slice3A_932[0] : f32 from vector<1xf32>
      %get3A_934 = arith.index_cast %add3A_928 : i32 to index
      %get3A_935 = tpu.vector_load %arg7[%get3A_934] {strides = array<i32>} : memref<272xi32, #tpu.memory_space<vmem>>, vector<16xi32>,
      %slice3A_936 = vector.extract_strided_slice %get3A_935 {offsets = [0], sizes = [1], strides = [1]} : vector<16xi32> to vector<1xi32>
      %squeeze3A_937 = vector.extract %slice3A_936[0] : i32 from vector<1xi32>
      %get3A_938 = arith.index_cast %add3A_928 : i32 to index
      %get3A_939 = tpu.vector_load %arg8[%get3A_938] {strides = array<i32>} : memref<272xi32, #tpu.memory_space<vmem>>, vector<16xi32>,
      %slice3A_940 = vector.extract_strided_slice %get3A_939 {offsets = [0], sizes = [1], strides = [1]} : vector<16xi32> to vector<1xi32>
      %squeeze3A_941 = vector.extract %slice3A_940[0] : i32 from vector<1xi32>
      %parallel_loop3A = arith.constant 0 : i32
      %parallel_loop3A_942 = arith.constant 1024 : i32
      %parallel_loop3A_943 = arith.constant 32 : i32
      scf.for %parallel_loop3A_944 = %parallel_loop3A to %parallel_loop3A_942 step %parallel_loop3A_943  : i32 {
        %parallel_loop3A_945 = arith.constant 0 : i32
        %parallel_loop3A_946 = arith.addi %parallel_loop3A_944, %parallel_loop3A_945 : i32
        %parallel_loop3A_947 = arith.addi %squeeze3A_937, %parallel_loop3A_946 : i32
        %parallel_loop3A_948 = arith.index_cast %parallel_loop3A_947 : i32 to index
        %parallel_loop3A_949 = tpu.vector_load %arg4[%parallel_loop3A_948] {strides = array<i32>} : memref<16384xi32, #tpu.memory_space<vmem>>, vector<16xi32>,
        %parallel_loop3A_950 = vector.bitcast %parallel_loop3A_949 : vector<16xi32> to vector<32xbf16>
        %parallel_loop3A_951 = arith.addi %squeeze3A_941, %parallel_loop3A_946 : i32
        %parallel_loop3A_952 = arith.index_cast %parallel_loop3A_951 : i32 to index
        %parallel_loop3A_953 = tpu.vector_load %arg4[%parallel_loop3A_952] {strides = array<i32>} : memref<16384xi32, #tpu.memory_space<vmem>>, vector<16xi32>,
        %parallel_loop3A_954 = vector.bitcast %parallel_loop3A_953 : vector<16xi32> to vector<32xbf16>
        %parallel_loop3A_955 = tpu.unpack_subelements %parallel_loop3A_950, 0 {pack_format = #tpu.pack_format<interleaved>} : vector<32xbf16> -> vector<16xf32>
        %parallel_loop3A_956 = tpu.unpack_subelements %parallel_loop3A_950, 1 {pack_format = #tpu.pack_format<interleaved>} : vector<32xbf16> -> vector<16xf32>
        %parallel_loop3A_957 = tpu.unpack_subelements %parallel_loop3A_954, 0 {pack_format = #tpu.pack_format<interleaved>} : vector<32xbf16> -> vector<16xf32>
        %parallel_loop3A_958 = tpu.unpack_subelements %parallel_loop3A_954, 1 {pack_format = #tpu.pack_format<interleaved>} : vector<32xbf16> -> vector<16xf32>
        %parallel_loop3A_959 = arith.constant 2 : i32
        %parallel_loop3A_960 = arith.muli %parallel_loop3A_946, %parallel_loop3A_959 : i32
        %parallel_loop3A_961 = vector.broadcast %squeeze3A : f32 to vector<16xf32>
        %parallel_loop3A_962 = arith.mulf %parallel_loop3A_955, %parallel_loop3A_961 : vector<16xf32>
        %parallel_loop3A_963 = vector.broadcast %squeeze3A_933 : f32 to vector<16xf32>
        %parallel_loop3A_964 = arith.mulf %parallel_loop3A_957, %parallel_loop3A_963 : vector<16xf32>
        %parallel_loop3A_965 = arith.addf %parallel_loop3A_962, %parallel_loop3A_964 : vector<16xf32>
        %parallel_loop3A_966 = arith.index_cast %scan3A_926 : i32 to index
        %parallel_loop3A_967 = arith.index_cast %parallel_loop3A_960 : i32 to index
        %parallel_loop3A_968 = tpu.vector_load %arg13[%parallel_loop3A_966, %parallel_loop3A_967] {strides = array<i32>} : memref<16x2048xf32, #tpu.memory_space<vmem>>, vector<16xf32>,
        tpu.vector_store %arg13[%parallel_loop3A_966, %parallel_loop3A_967], %parallel_loop3A_965 {strides = array<i32>} : memref<16x2048xf32, #tpu.memory_space<vmem>>, vector<16xf32>,
        %parallel_loop3A_969 = vector.broadcast %squeeze3A : f32 to vector<16xf32>
        %parallel_loop3A_970 = arith.mulf %parallel_loop3A_956, %parallel_loop3A_969 : vector<16xf32>
        %parallel_loop3A_971 = vector.broadcast %squeeze3A_933 : f32 to vector<16xf32>
        %parallel_loop3A_972 = arith.mulf %parallel_loop3A_958, %parallel_loop3A_971 : vector<16xf32>
        %parallel_loop3A_973 = arith.addf %parallel_loop3A_970, %parallel_loop3A_972 : vector<16xf32>
        %parallel_loop3A_974 = arith.constant 16 : i32
        %parallel_loop3A_975 = arith.addi %parallel_loop3A_960, %parallel_loop3A_974 : i32
        %parallel_loop3A_976 = arith.index_cast %scan3A_926 : i32 to index
        %parallel_loop3A_977 = arith.index_cast %parallel_loop3A_975 : i32 to index
        %parallel_loop3A_978 = tpu.vector_load %arg13[%parallel_loop3A_976, %parallel_loop3A_977] {strides = array<i32>} : memref<16x2048xf32, #tpu.memory_space<vmem>>, vector<16xf32>,
        tpu.vector_store %arg13[%parallel_loop3A_976, %parallel_loop3A_977], %parallel_loop3A_973 {strides = array<i32>} : memref<16x2048xf32, #tpu.memory_space<vmem>>, vector<16xf32>,
        %parallel_loop3A_979 = arith.constant 16 : i32
        %parallel_loop3A_980 = arith.addi %parallel_loop3A_944, %parallel_loop3A_979 : i32
        %parallel_loop3A_981 = arith.addi %squeeze3A_937, %parallel_loop3A_980 : i32
        %parallel_loop3A_982 = arith.index_cast %parallel_loop3A_981 : i32 to index
        %parallel_loop3A_983 = tpu.vector_load %arg4[%parallel_loop3A_982] {strides = array<i32>} : memref<16384xi32, #tpu.memory_space<vmem>>, vector<16xi32>,
        %parallel_loop3A_984 = vector.bitcast %parallel_loop3A_983 : vector<16xi32> to vector<32xbf16>
        %parallel_loop3A_985 = arith.addi %squeeze3A_941, %parallel_loop3A_980 : i32
        %parallel_loop3A_986 = arith.index_cast %parallel_loop3A_985 : i32 to index
        %parallel_loop3A_987 = tpu.vector_load %arg4[%parallel_loop3A_986] {strides = array<i32>} : memref<16384xi32, #tpu.memory_space<vmem>>, vector<16xi32>,
        %parallel_loop3A_988 = vector.bitcast %parallel_loop3A_987 : vector<16xi32> to vector<32xbf16>
        %parallel_loop3A_989 = tpu.unpack_subelements %parallel_loop3A_984, 0 {pack_format = #tpu.pack_format<interleaved>} : vector<32xbf16> -> vector<16xf32>
        %parallel_loop3A_990 = tpu.unpack_subelements %parallel_loop3A_984, 1 {pack_format = #tpu.pack_format<interleaved>} : vector<32xbf16> -> vector<16xf32>
        %parallel_loop3A_991 = tpu.unpack_subelements %parallel_loop3A_988, 0 {pack_format = #tpu.pack_format<interleaved>} : vector<32xbf16> -> vector<16xf32>
        %parallel_loop3A_992 = tpu.unpack_subelements %parallel_loop3A_988, 1 {pack_format = #tpu.pack_format<interleaved>} : vector<32xbf16> -> vector<16xf32>
        %parallel_loop3A_993 = arith.constant 2 : i32
        %parallel_loop3A_994 = arith.muli %parallel_loop3A_980, %parallel_loop3A_993 : i32
        %parallel_loop3A_995 = vector.broadcast %squeeze3A : f32 to vector<16xf32>
        %parallel_loop3A_996 = arith.mulf %parallel_loop3A_989, %parallel_loop3A_995 : vector<16xf32>
        %parallel_loop3A_997 = vector.broadcast %squeeze3A_933 : f32 to vector<16xf32>
        %parallel_loop3A_998 = arith.mulf %parallel_loop3A_991, %parallel_loop3A_997 : vector<16xf32>
        %parallel_loop3A_999 = arith.addf %parallel_loop3A_996, %parallel_loop3A_998 : vector<16xf32>
        %parallel_loop3A_1000 = arith.index_cast %scan3A_926 : i32 to index
        %parallel_loop3A_1001 = arith.index_cast %parallel_loop3A_994 : i32 to index
        %parallel_loop3A_1002 = tpu.vector_load %arg13[%parallel_loop3A_1000, %parallel_loop3A_1001] {strides = array<i32>} : memref<16x2048xf32, #tpu.memory_space<vmem>>, vector<16xf32>,
        tpu.vector_store %arg13[%parallel_loop3A_1000, %parallel_loop3A_1001], %parallel_loop3A_999 {strides = array<i32>} : memref<16x2048xf32, #tpu.memory_space<vmem>>, vector<16xf32>,
        %parallel_loop3A_1003 = vector.broadcast %squeeze3A : f32 to vector<16xf32>
        %parallel_loop3A_1004 = arith.mulf %parallel_loop3A_990, %parallel_loop3A_1003 : vector<16xf32>
        %parallel_loop3A_1005 = vector.broadcast %squeeze3A_933 : f32 to vector<16xf32>
        %parallel_loop3A_1006 = arith.mulf %parallel_loop3A_992, %parallel_loop3A_1005 : vector<16xf32>
        %parallel_loop3A_1007 = arith.addf %parallel_loop3A_1004, %parallel_loop3A_1006 : vector<16xf32>
        %parallel_loop3A_1008 = arith.constant 16 : i32
        %parallel_loop3A_1009 = arith.addi %parallel_loop3A_994, %parallel_loop3A_1008 : i32
        %parallel_loop3A_1010 = arith.index_cast %scan3A_926 : i32 to index
        %parallel_loop3A_1011 = arith.index_cast %parallel_loop3A_1009 : i32 to index
        %parallel_loop3A_1012 = tpu.vector_load %arg13[%parallel_loop3A_1010, %parallel_loop3A_1011] {strides = array<i32>} : memref<16x2048xf32, #tpu.memory_space<vmem>>, vector<16xf32>,
        tpu.vector_store %arg13[%parallel_loop3A_1010, %parallel_loop3A_1011], %parallel_loop3A_1007 {strides = array<i32>} : memref<16x2048xf32, #tpu.memory_space<vmem>>, vector<16xf32>,
      } {sc.loop_unroll_factor = 2 : i64, sc.parallel_access}
    }
    %scan3A_891 = arith.constant 16 : i32
    %add3A_892 = arith.constant 224 : i32
    %add3A_893 = arith.addi %mul3A_2, %add3A_892 : i32
    %dma_start3A_894 = arith.constant 0 : i32
    %dma_start3A_895 = tpu.memref_slice %arg3[%add3A_893, %dma_start3A_894] : memref<8192x2048xf32, #tpu.memory_space<hbm>> -> memref<16x2048xf32, #tpu.memory_space<hbm>>
    %dma_start3A_896 = arith.constant 0 : i32
    %dma_start3A_897 = tpu.memref_slice %arg3[%add3A_893, %dma_start3A_896] : memref<8192x2048xf32, #tpu.memory_space<hbm>> -> memref<16x2048xf32, #tpu.memory_space<hbm>>
    tpu.enqueue_dma source(%arg13 : memref<16x2048xf32, #tpu.memory_space<vmem>>) target(%dma_start3A_897 : memref<16x2048xf32, #tpu.memory_space<hbm>>) target_semaphore(%arg16 : memref<!tpu.dma_semaphore, #tpu.memory_space<semaphore_mem>>)
    %dma_wait3A_898 = arith.constant 0 : i32
    %dma_wait3A_899 = tpu.memref_slice %arg3[%add3A_861, %dma_wait3A_898] : memref<8192x2048xf32, #tpu.memory_space<hbm>> -> memref<16x2048xf32, #tpu.memory_space<hbm>>
    %dma_wait3A_900 = arith.constant 0 : i32
    %dma_wait3A_901 = tpu.memref_slice %arg3[%add3A_861, %dma_wait3A_900] : memref<8192x2048xf32, #tpu.memory_space<hbm>> -> memref<16x2048xf32, #tpu.memory_space<hbm>>
    tpu.wait_dma2 semaphore(%arg14 : memref<!tpu.dma_semaphore, #tpu.memory_space<semaphore_mem>>) src(%arg11 : memref<16x2048xf32, #tpu.memory_space<vmem>>) dst(%dma_wait3A_901 : memref<16x2048xf32, #tpu.memory_space<hbm>>)
    %scan3A_902 = arith.constant 0 : i32
    %scan3A_903 = arith.constant 0 : i32
    %scan3A_904 = arith.constant 16 : i32
    %scan3A_905 = arith.addi %scan3A_903, %scan3A_904 : i32
    %scan3A_906 = arith.constant 1 : i32
    scf.for %scan3A_926 = %scan3A_903 to %scan3A_905 step %scan3A_906  : i32 {
      %add3A_927 = arith.constant 240 : i32
      %add3A_928 = arith.addi %add3A_927, %scan3A_926 : i32
      %get3A = arith.index_cast %add3A_928 : i32 to index
      %get3A_929 = tpu.vector_load %arg9[%get3A] {strides = array<i32>} : memref<272xf32, #tpu.memory_space<vmem>>, vector<16xf32>,
      %slice3A = vector.extract_strided_slice %get3A_929 {offsets = [0], sizes = [1], strides = [1]} : vector<16xf32> to vector<1xf32>
      %squeeze3A = vector.extract %slice3A[0] : f32 from vector<1xf32>
      %get3A_930 = arith.index_cast %add3A_928 : i32 to index
      %get3A_931 = tpu.vector_load %arg10[%get3A_930] {strides = array<i32>} : memref<272xf32, #tpu.memory_space<vmem>>, vector<16xf32>,
      %slice3A_932 = vector.extract_strided_slice %get3A_931 {offsets = [0], sizes = [1], strides = [1]} : vector<16xf32> to vector<1xf32>
      %squeeze3A_933 = vector.extract %slice3A_932[0] : f32 from vector<1xf32>
      %get3A_934 = arith.index_cast %add3A_928 : i32 to index
      %get3A_935 = tpu.vector_load %arg7[%get3A_934] {strides = array<i32>} : memref<272xi32, #tpu.memory_space<vmem>>, vector<16xi32>,
      %slice3A_936 = vector.extract_strided_slice %get3A_935 {offsets = [0], sizes = [1], strides = [1]} : vector<16xi32> to vector<1xi32>
      %squeeze3A_937 = vector.extract %slice3A_936[0] : i32 from vector<1xi32>
      %get3A_938 = arith.index_cast %add3A_928 : i32 to index
      %get3A_939 = tpu.vector_load %arg8[%get3A_938] {strides = array<i32>} : memref<272xi32, #tpu.memory_space<vmem>>, vector<16xi32>,
      %slice3A_940 = vector.extract_strided_slice %get3A_939 {offsets = [0], sizes = [1], strides = [1]} : vector<16xi32> to vector<1xi32>
      %squeeze3A_941 = vector.extract %slice3A_940[0] : i32 from vector<1xi32>
      %parallel_loop3A = arith.constant 0 : i32
      %parallel_loop3A_942 = arith.constant 1024 : i32
      %parallel_loop3A_943 = arith.constant 32 : i32
      scf.for %parallel_loop3A_944 = %parallel_loop3A to %parallel_loop3A_942 step %parallel_loop3A_943  : i32 {
        %parallel_loop3A_945 = arith.constant 0 : i32
        %parallel_loop3A_946 = arith.addi %parallel_loop3A_944, %parallel_loop3A_945 : i32
        %parallel_loop3A_947 = arith.addi %squeeze3A_937, %parallel_loop3A_946 : i32
        %parallel_loop3A_948 = arith.index_cast %parallel_loop3A_947 : i32 to index
        %parallel_loop3A_949 = tpu.vector_load %arg4[%parallel_loop3A_948] {strides = array<i32>} : memref<16384xi32, #tpu.memory_space<vmem>>, vector<16xi32>,
        %parallel_loop3A_950 = vector.bitcast %parallel_loop3A_949 : vector<16xi32> to vector<32xbf16>
        %parallel_loop3A_951 = arith.addi %squeeze3A_941, %parallel_loop3A_946 : i32
        %parallel_loop3A_952 = arith.index_cast %parallel_loop3A_951 : i32 to index
        %parallel_loop3A_953 = tpu.vector_load %arg4[%parallel_loop3A_952] {strides = array<i32>} : memref<16384xi32, #tpu.memory_space<vmem>>, vector<16xi32>,
        %parallel_loop3A_954 = vector.bitcast %parallel_loop3A_953 : vector<16xi32> to vector<32xbf16>
        %parallel_loop3A_955 = tpu.unpack_subelements %parallel_loop3A_950, 0 {pack_format = #tpu.pack_format<interleaved>} : vector<32xbf16> -> vector<16xf32>
        %parallel_loop3A_956 = tpu.unpack_subelements %parallel_loop3A_950, 1 {pack_format = #tpu.pack_format<interleaved>} : vector<32xbf16> -> vector<16xf32>
        %parallel_loop3A_957 = tpu.unpack_subelements %parallel_loop3A_954, 0 {pack_format = #tpu.pack_format<interleaved>} : vector<32xbf16> -> vector<16xf32>
        %parallel_loop3A_958 = tpu.unpack_subelements %parallel_loop3A_954, 1 {pack_format = #tpu.pack_format<interleaved>} : vector<32xbf16> -> vector<16xf32>
        %parallel_loop3A_959 = arith.constant 2 : i32
        %parallel_loop3A_960 = arith.muli %parallel_loop3A_946, %parallel_loop3A_959 : i32
        %parallel_loop3A_961 = vector.broadcast %squeeze3A : f32 to vector<16xf32>
        %parallel_loop3A_962 = arith.mulf %parallel_loop3A_955, %parallel_loop3A_961 : vector<16xf32>
        %parallel_loop3A_963 = vector.broadcast %squeeze3A_933 : f32 to vector<16xf32>
        %parallel_loop3A_964 = arith.mulf %parallel_loop3A_957, %parallel_loop3A_963 : vector<16xf32>
        %parallel_loop3A_965 = arith.addf %parallel_loop3A_962, %parallel_loop3A_964 : vector<16xf32>
        %parallel_loop3A_966 = arith.index_cast %scan3A_926 : i32 to index
        %parallel_loop3A_967 = arith.index_cast %parallel_loop3A_960 : i32 to index
        %parallel_loop3A_968 = tpu.vector_load %arg11[%parallel_loop3A_966, %parallel_loop3A_967] {strides = array<i32>} : memref<16x2048xf32, #tpu.memory_space<vmem>>, vector<16xf32>,
        tpu.vector_store %arg11[%parallel_loop3A_966, %parallel_loop3A_967], %parallel_loop3A_965 {strides = array<i32>} : memref<16x2048xf32, #tpu.memory_space<vmem>>, vector<16xf32>,
        %parallel_loop3A_969 = vector.broadcast %squeeze3A : f32 to vector<16xf32>
        %parallel_loop3A_970 = arith.mulf %parallel_loop3A_956, %parallel_loop3A_969 : vector<16xf32>
        %parallel_loop3A_971 = vector.broadcast %squeeze3A_933 : f32 to vector<16xf32>
        %parallel_loop3A_972 = arith.mulf %parallel_loop3A_958, %parallel_loop3A_971 : vector<16xf32>
        %parallel_loop3A_973 = arith.addf %parallel_loop3A_970, %parallel_loop3A_972 : vector<16xf32>
        %parallel_loop3A_974 = arith.constant 16 : i32
        %parallel_loop3A_975 = arith.addi %parallel_loop3A_960, %parallel_loop3A_974 : i32
        %parallel_loop3A_976 = arith.index_cast %scan3A_926 : i32 to index
        %parallel_loop3A_977 = arith.index_cast %parallel_loop3A_975 : i32 to index
        %parallel_loop3A_978 = tpu.vector_load %arg11[%parallel_loop3A_976, %parallel_loop3A_977] {strides = array<i32>} : memref<16x2048xf32, #tpu.memory_space<vmem>>, vector<16xf32>,
        tpu.vector_store %arg11[%parallel_loop3A_976, %parallel_loop3A_977], %parallel_loop3A_973 {strides = array<i32>} : memref<16x2048xf32, #tpu.memory_space<vmem>>, vector<16xf32>,
        %parallel_loop3A_979 = arith.constant 16 : i32
        %parallel_loop3A_980 = arith.addi %parallel_loop3A_944, %parallel_loop3A_979 : i32
        %parallel_loop3A_981 = arith.addi %squeeze3A_937, %parallel_loop3A_980 : i32
        %parallel_loop3A_982 = arith.index_cast %parallel_loop3A_981 : i32 to index
        %parallel_loop3A_983 = tpu.vector_load %arg4[%parallel_loop3A_982] {strides = array<i32>} : memref<16384xi32, #tpu.memory_space<vmem>>, vector<16xi32>,
        %parallel_loop3A_984 = vector.bitcast %parallel_loop3A_983 : vector<16xi32> to vector<32xbf16>
        %parallel_loop3A_985 = arith.addi %squeeze3A_941, %parallel_loop3A_980 : i32
        %parallel_loop3A_986 = arith.index_cast %parallel_loop3A_985 : i32 to index
        %parallel_loop3A_987 = tpu.vector_load %arg4[%parallel_loop3A_986] {strides = array<i32>} : memref<16384xi32, #tpu.memory_space<vmem>>, vector<16xi32>,
        %parallel_loop3A_988 = vector.bitcast %parallel_loop3A_987 : vector<16xi32> to vector<32xbf16>
        %parallel_loop3A_989 = tpu.unpack_subelements %parallel_loop3A_984, 0 {pack_format = #tpu.pack_format<interleaved>} : vector<32xbf16> -> vector<16xf32>
        %parallel_loop3A_990 = tpu.unpack_subelements %parallel_loop3A_984, 1 {pack_format = #tpu.pack_format<interleaved>} : vector<32xbf16> -> vector<16xf32>
        %parallel_loop3A_991 = tpu.unpack_subelements %parallel_loop3A_988, 0 {pack_format = #tpu.pack_format<interleaved>} : vector<32xbf16> -> vector<16xf32>
        %parallel_loop3A_992 = tpu.unpack_subelements %parallel_loop3A_988, 1 {pack_format = #tpu.pack_format<interleaved>} : vector<32xbf16> -> vector<16xf32>
        %parallel_loop3A_993 = arith.constant 2 : i32
        %parallel_loop3A_994 = arith.muli %parallel_loop3A_980, %parallel_loop3A_993 : i32
        %parallel_loop3A_995 = vector.broadcast %squeeze3A : f32 to vector<16xf32>
        %parallel_loop3A_996 = arith.mulf %parallel_loop3A_989, %parallel_loop3A_995 : vector<16xf32>
        %parallel_loop3A_997 = vector.broadcast %squeeze3A_933 : f32 to vector<16xf32>
        %parallel_loop3A_998 = arith.mulf %parallel_loop3A_991, %parallel_loop3A_997 : vector<16xf32>
        %parallel_loop3A_999 = arith.addf %parallel_loop3A_996, %parallel_loop3A_998 : vector<16xf32>
        %parallel_loop3A_1000 = arith.index_cast %scan3A_926 : i32 to index
        %parallel_loop3A_1001 = arith.index_cast %parallel_loop3A_994 : i32 to index
        %parallel_loop3A_1002 = tpu.vector_load %arg11[%parallel_loop3A_1000, %parallel_loop3A_1001] {strides = array<i32>} : memref<16x2048xf32, #tpu.memory_space<vmem>>, vector<16xf32>,
        tpu.vector_store %arg11[%parallel_loop3A_1000, %parallel_loop3A_1001], %parallel_loop3A_999 {strides = array<i32>} : memref<16x2048xf32, #tpu.memory_space<vmem>>, vector<16xf32>,
        %parallel_loop3A_1003 = vector.broadcast %squeeze3A : f32 to vector<16xf32>
        %parallel_loop3A_1004 = arith.mulf %parallel_loop3A_990, %parallel_loop3A_1003 : vector<16xf32>
        %parallel_loop3A_1005 = vector.broadcast %squeeze3A_933 : f32 to vector<16xf32>
        %parallel_loop3A_1006 = arith.mulf %parallel_loop3A_992, %parallel_loop3A_1005 : vector<16xf32>
        %parallel_loop3A_1007 = arith.addf %parallel_loop3A_1004, %parallel_loop3A_1006 : vector<16xf32>
        %parallel_loop3A_1008 = arith.constant 16 : i32
        %parallel_loop3A_1009 = arith.addi %parallel_loop3A_994, %parallel_loop3A_1008 : i32
        %parallel_loop3A_1010 = arith.index_cast %scan3A_926 : i32 to index
        %parallel_loop3A_1011 = arith.index_cast %parallel_loop3A_1009 : i32 to index
        %parallel_loop3A_1012 = tpu.vector_load %arg11[%parallel_loop3A_1010, %parallel_loop3A_1011] {strides = array<i32>} : memref<16x2048xf32, #tpu.memory_space<vmem>>, vector<16xf32>,
        tpu.vector_store %arg11[%parallel_loop3A_1010, %parallel_loop3A_1011], %parallel_loop3A_1007 {strides = array<i32>} : memref<16x2048xf32, #tpu.memory_space<vmem>>, vector<16xf32>,
      } {sc.loop_unroll_factor = 2 : i64, sc.parallel_access}
    }
    %scan3A_907 = arith.constant 16 : i32
    %add3A_908 = arith.constant 240 : i32
    %add3A_909 = arith.addi %mul3A_2, %add3A_908 : i32
    %dma_start3A_910 = arith.constant 0 : i32
    %dma_start3A_911 = tpu.memref_slice %arg3[%add3A_909, %dma_start3A_910] : memref<8192x2048xf32, #tpu.memory_space<hbm>> -> memref<16x2048xf32, #tpu.memory_space<hbm>>
    %dma_start3A_912 = arith.constant 0 : i32
    %dma_start3A_913 = tpu.memref_slice %arg3[%add3A_909, %dma_start3A_912] : memref<8192x2048xf32, #tpu.memory_space<hbm>> -> memref<16x2048xf32, #tpu.memory_space<hbm>>
    tpu.enqueue_dma source(%arg11 : memref<16x2048xf32, #tpu.memory_space<vmem>>) target(%dma_start3A_913 : memref<16x2048xf32, #tpu.memory_space<hbm>>) target_semaphore(%arg14 : memref<!tpu.dma_semaphore, #tpu.memory_space<semaphore_mem>>)
    %dma_wait3A_914 = arith.constant 0 : i32
    %dma_wait3A_915 = tpu.memref_slice %arg3[%add3A_909, %dma_wait3A_914] : memref<8192x2048xf32, #tpu.memory_space<hbm>> -> memref<16x2048xf32, #tpu.memory_space<hbm>>
    %dma_wait3A_916 = arith.constant 0 : i32
    %dma_wait3A_917 = tpu.memref_slice %arg3[%add3A_909, %dma_wait3A_916] : memref<8192x2048xf32, #tpu.memory_space<hbm>> -> memref<16x2048xf32, #tpu.memory_space<hbm>>
    tpu.wait_dma2 semaphore(%arg14 : memref<!tpu.dma_semaphore, #tpu.memory_space<semaphore_mem>>) src(%arg11 : memref<16x2048xf32, #tpu.memory_space<vmem>>) dst(%dma_wait3A_917 : memref<16x2048xf32, #tpu.memory_space<hbm>>)
    %dma_wait3A_918 = arith.constant 0 : i32
    %dma_wait3A_919 = tpu.memref_slice %arg3[%add3A_877, %dma_wait3A_918] : memref<8192x2048xf32, #tpu.memory_space<hbm>> -> memref<16x2048xf32, #tpu.memory_space<hbm>>
    %dma_wait3A_920 = arith.constant 0 : i32
    %dma_wait3A_921 = tpu.memref_slice %arg3[%add3A_877, %dma_wait3A_920] : memref<8192x2048xf32, #tpu.memory_space<hbm>> -> memref<16x2048xf32, #tpu.memory_space<hbm>>
    tpu.wait_dma2 semaphore(%arg15 : memref<!tpu.dma_semaphore, #tpu.memory_space<semaphore_mem>>) src(%arg12 : memref<16x2048xf32, #tpu.memory_space<vmem>>) dst(%dma_wait3A_921 : memref<16x2048xf32, #tpu.memory_space<hbm>>)
    %dma_wait3A_922 = arith.constant 0 : i32
    %dma_wait3A_923 = tpu.memref_slice %arg3[%add3A_893, %dma_wait3A_922] : memref<8192x2048xf32, #tpu.memory_space<hbm>> -> memref<16x2048xf32, #tpu.memory_space<hbm>>
    %dma_wait3A_924 = arith.constant 0 : i32
    %dma_wait3A_925 = tpu.memref_slice %arg3[%add3A_893, %dma_wait3A_924] : memref<8192x2048xf32, #tpu.memory_space<hbm>> -> memref<16x2048xf32, #tpu.memory_space<hbm>>
    tpu.wait_dma2 semaphore(%arg16 : memref<!tpu.dma_semaphore, #tpu.memory_space<semaphore_mem>>) src(%arg13 : memref<16x2048xf32, #tpu.memory_space<vmem>>) dst(%dma_wait3A_925 : memref<16x2048xf32, #tpu.memory_space<hbm>>)
    return
  }
}

module attributes {stable_mosaic.version = 14 : i64} {
  func.func @_eff_body(%arg0: i32, %arg1: memref<2048x2xi32, #tpu.memory_space<vmem>>, %arg2: memref<2048x2xf32, #tpu.memory_space<vmem>>, %arg3: memref<16x2048xf32, #tpu.memory_space<vmem>>, %arg4: memref<1x1xf32, #tpu.memory_space<vmem>>) attributes {dimension_semantics = [#tpu.dimension_semantics<arbitrary>], iteration_bounds = array<i64: 4>, scalar_prefetch = 0 : i64, scratch_operands = 0 : i64, tpu.core_type = #tpu.core_type<tc>, window_params = [{transform_indices = @transform_0, window_bounds = array<i64: 2048, 2>}, {transform_indices = @transform_1, window_bounds = array<i64: 2048, 2>}, {pipeline_mode = #tpu.pipeline_mode<synchronous>, transform_indices = @transform_2, window_bounds = array<i64: 16, 2048>}, {pipeline_mode = #tpu.pipeline_mode<synchronous>, transform_indices = @transform_3, window_bounds = array<i64: 1, 1>}]} {
    %get3A = arith.constant 0 : index
    %get3A_0 = arith.constant 0 : index
    %get3A_1 = vector.load %arg3[%get3A, %get3A_0] : memref<16x2048xf32, #tpu.memory_space<vmem>>, vector<16x2048xf32>
    %dot_general3A = arith.constant dense<0.000000e+00> : vector<16x16xf32>
    %dot_general3A_2 = tpu.matmul %get3A_1, %get3A_1, %dot_general3A {dimension_numbers = #tpu.dot_dimension_numbers<[1], [1], [0], [0], [0, 0, 1, 0], [], []>, transpose_lhs_hint = false} : vector<16x2048xf32>, vector<16x2048xf32>, vector<16x16xf32> -> vector<16x16xf32>
    %get3A_3 = arith.constant 0 : index
    %get3A_4 = arith.constant 0 : index
    %get3A_5 = vector.load %arg1[%get3A_3, %get3A_4] : memref<2048x2xi32, #tpu.memory_space<vmem>>, vector<2048x2xi32>
    %get3A_6 = arith.constant 0 : index
    %get3A_7 = arith.constant 0 : index
    %get3A_8 = vector.load %arg2[%get3A_6, %get3A_7] : memref<2048x2xf32, #tpu.memory_space<vmem>>, vector<2048x2xf32>
    %slice3A = vector.extract_strided_slice %get3A_8 {offsets = [0, 0], sizes = [2048, 1], strides = [1, 1]} : vector<2048x2xf32> to vector<2048x1xf32>
    %slice3A_9 = vector.extract_strided_slice %get3A_8 {offsets = [0, 1], sizes = [2048, 1], strides = [1, 1]} : vector<2048x2xf32> to vector<2048x1xf32>
    %add3A = arith.addf %slice3A, %slice3A_9 : vector<2048x1xf32>
    %gt3A = arith.constant 0.000000e+00 : f32
    %gt3A_10 = vector.broadcast %gt3A : f32 to vector<2048x1xf32>
    %gt3A_11 = arith.cmpf ogt, %add3A, %gt3A_10 : vector<2048x1xf32>
    %jit3A = arith.constant 1.000000e+00 : f32
    %broadcast_in_dim3A = vector.broadcast %jit3A : f32 to vector<2048x1xf32>
    %select_n3A = arith.select %gt3A_11, %add3A, %broadcast_in_dim3A : vector<2048x1xi1>, vector<2048x1xf32>
    %div3A = vector.broadcast %select_n3A : vector<2048x1xf32> to vector<2048x2xf32>
    %div3A_12 = arith.divf %get3A_8, %div3A : vector<2048x2xf32>
    %iota3A = tpu.iota {dimensions = array<i32: 1>} : vector<2048x16xi32>
    %slice3A_13 = vector.extract_strided_slice %get3A_5 {offsets = [0, 0], sizes = [2048, 1], strides = [1, 1]} : vector<2048x2xi32> to vector<2048x1xi32>
    %eq3A = vector.broadcast %slice3A_13 : vector<2048x1xi32> to vector<2048x16xi32>
    %eq3A_14 = arith.cmpi eq, %eq3A, %iota3A : vector<2048x16xi32>
    %jit3A_15 = arith.constant 1.000000e+00 : f32
    %jit3A_16 = arith.constant 0.000000e+00 : f32
    %broadcast_in_dim3A_17 = vector.broadcast %jit3A_15 : f32 to vector<2048x16xf32>
    %broadcast_in_dim3A_18 = vector.broadcast %jit3A_16 : f32 to vector<2048x16xf32>
    %select_n3A_19 = arith.select %eq3A_14, %broadcast_in_dim3A_17, %broadcast_in_dim3A_18 : vector<2048x16xi1>, vector<2048x16xf32>
    %slice3A_20 = vector.extract_strided_slice %get3A_5 {offsets = [0, 1], sizes = [2048, 1], strides = [1, 1]} : vector<2048x2xi32> to vector<2048x1xi32>
    %eq3A_21 = vector.broadcast %slice3A_20 : vector<2048x1xi32> to vector<2048x16xi32>
    %eq3A_22 = arith.cmpi eq, %eq3A_21, %iota3A : vector<2048x16xi32>
    %jit3A_23 = arith.constant 1.000000e+00 : f32
    %jit3A_24 = arith.constant 0.000000e+00 : f32
    %broadcast_in_dim3A_25 = vector.broadcast %jit3A_23 : f32 to vector<2048x16xf32>
    %broadcast_in_dim3A_26 = vector.broadcast %jit3A_24 : f32 to vector<2048x16xf32>
    %select_n3A_27 = arith.select %eq3A_22, %broadcast_in_dim3A_25, %broadcast_in_dim3A_26 : vector<2048x16xi1>, vector<2048x16xf32>
    %dot_general3A_28 = arith.constant dense<0.000000e+00> : vector<2048x16xf32>
    %dot_general3A_29 = tpu.matmul %select_n3A_19, %dot_general3A_2, %dot_general3A_28 {dimension_numbers = #tpu.dot_dimension_numbers<[1], [0], [0], [1], [0, 0, 1, 1], [], []>, transpose_lhs_hint = false} : vector<2048x16xf32>, vector<16x16xf32>, vector<2048x16xf32> -> vector<2048x16xf32>
    %mul3A = arith.mulf %dot_general3A_29, %select_n3A_19 : vector<2048x16xf32>
    %reduce_sum3A = arith.constant dense<0.000000e+00> : vector<2048xf32>
    %reduce_sum3A_30 = vector.multi_reduction <add>, %mul3A, %reduce_sum3A [1] : vector<2048x16xf32> to vector<2048xf32>
    %mul3A_31 = arith.mulf %dot_general3A_29, %select_n3A_27 : vector<2048x16xf32>
    %reduce_sum3A_32 = arith.constant dense<0.000000e+00> : vector<2048xf32>
    %reduce_sum3A_33 = vector.multi_reduction <add>, %mul3A_31, %reduce_sum3A_32 [1] : vector<2048x16xf32> to vector<2048xf32>
    %dot_general3A_34 = arith.constant dense<0.000000e+00> : vector<2048x16xf32>
    %dot_general3A_35 = tpu.matmul %select_n3A_27, %dot_general3A_2, %dot_general3A_34 {dimension_numbers = #tpu.dot_dimension_numbers<[1], [0], [0], [1], [0, 0, 1, 1], [], []>, transpose_lhs_hint = false} : vector<2048x16xf32>, vector<16x16xf32>, vector<2048x16xf32> -> vector<2048x16xf32>
    %mul3A_36 = arith.mulf %dot_general3A_35, %select_n3A_27 : vector<2048x16xf32>
    %reduce_sum3A_37 = arith.constant dense<0.000000e+00> : vector<2048xf32>
    %reduce_sum3A_38 = vector.multi_reduction <add>, %mul3A_36, %reduce_sum3A_37 [1] : vector<2048x16xf32> to vector<2048xf32>
    %slice3A_39 = vector.extract_strided_slice %div3A_12 {offsets = [0, 0], sizes = [2048, 1], strides = [1, 1]} : vector<2048x2xf32> to vector<2048x1xf32>
    %squeeze3A = vector.shape_cast %slice3A_39 : vector<2048x1xf32> to vector<2048xf32>
    %slice3A_40 = vector.extract_strided_slice %div3A_12 {offsets = [0, 1], sizes = [2048, 1], strides = [1, 1]} : vector<2048x2xf32> to vector<2048x1xf32>
    %squeeze3A_41 = vector.shape_cast %slice3A_40 : vector<2048x1xf32> to vector<2048xf32>
    %mul3A_42 = arith.mulf %squeeze3A, %squeeze3A : vector<2048xf32>
    %mul3A_43 = arith.mulf %mul3A_42, %reduce_sum3A_30 : vector<2048xf32>
    %mul3A_44 = arith.constant 2.000000e+00 : f32
    %mul3A_45 = vector.broadcast %mul3A_44 : f32 to vector<2048xf32>
    %mul3A_46 = arith.mulf %mul3A_45, %squeeze3A : vector<2048xf32>
    %mul3A_47 = arith.mulf %mul3A_46, %squeeze3A_41 : vector<2048xf32>
    %mul3A_48 = arith.mulf %mul3A_47, %reduce_sum3A_33 : vector<2048xf32>
    %add3A_49 = arith.addf %mul3A_43, %mul3A_48 : vector<2048xf32>
    %mul3A_50 = arith.mulf %squeeze3A_41, %squeeze3A_41 : vector<2048xf32>
    %mul3A_51 = arith.mulf %mul3A_50, %reduce_sum3A_38 : vector<2048xf32>
    %add3A_52 = arith.addf %add3A_49, %mul3A_51 : vector<2048xf32>
    %max3A = arith.constant 0.000000e+00 : f32
    %max3A_53 = vector.broadcast %max3A : f32 to vector<2048xf32>
    %max3A_54 = arith.maximumf %add3A_52, %max3A_53 : vector<2048xf32>
    %sqrt3A = math.sqrt %max3A_54 : vector<2048xf32>
    %reduce_sum3A_55 = vector.shape_cast %sqrt3A : vector<2048xf32> to vector<1x2048xf32>
    %reduce_sum3A_56 = arith.constant dense<0.000000e+00> : vector<1xf32>
    %reduce_sum3A_57 = vector.multi_reduction <add>, %reduce_sum3A_55, %reduce_sum3A_56 [1] : vector<1x2048xf32> to vector<1xf32>
    %reduce_sum3A_58 = vector.shape_cast %reduce_sum3A_57 : vector<1xf32> to vector<1x1xf32>
    %reduce_sum3A_59 = vector.extract %reduce_sum3A_58[0, 0] : f32 from vector<1x1xf32>
    %reshape3A = vector.broadcast %reduce_sum3A_59 : f32 to vector<1x1xf32>
    %eq3A_60 = arith.constant 0 : i32
    %eq3A_61 = arith.cmpi eq, %arg0, %eq3A_60 : i32
    %convert_element_type3A = arith.extui %eq3A_61 : i1 to i32
    %cond3A = arith.constant 0 : i32
    %cond3A_62 = arith.cmpi ne, %convert_element_type3A, %cond3A : i32
    scf.if %cond3A_62 {
      %swap3A = arith.constant 0 : index
      %swap3A_68 = arith.constant 0 : index
      %swap3A_69 = vector.load %arg4[%swap3A, %swap3A_68] : memref<1x1xf32, #tpu.memory_space<vmem>>, vector<1x1xf32>
      tpu.vector_store %arg4[%swap3A, %swap3A_68], %reshape3A {strides = array<i32>} : memref<1x1xf32, #tpu.memory_space<vmem>>, vector<1x1xf32>,
    } else {
    }
    %gt3A_63 = arith.constant 0 : i32
    %gt3A_64 = arith.cmpi sgt, %arg0, %gt3A_63 : i32
    %convert_element_type3A_65 = arith.extui %gt3A_64 : i1 to i32
    %cond3A_66 = arith.constant 0 : i32
    %cond3A_67 = arith.cmpi ne, %convert_element_type3A_65, %cond3A_66 : i32
    scf.if %cond3A_67 {
      %get3A_68 = arith.constant 0 : index
      %get3A_69 = arith.constant 0 : index
      %get3A_70 = vector.load %arg4[%get3A_68, %get3A_69] : memref<1x1xf32, #tpu.memory_space<vmem>>, vector<1x1xf32>
      %add3A_71 = arith.addf %get3A_70, %reshape3A : vector<1x1xf32>
      %swap3A = arith.constant 0 : index
      %swap3A_72 = arith.constant 0 : index
      %swap3A_73 = vector.load %arg4[%swap3A, %swap3A_72] : memref<1x1xf32, #tpu.memory_space<vmem>>, vector<1x1xf32>
      tpu.vector_store %arg4[%swap3A, %swap3A_72], %add3A_71 {strides = array<i32>} : memref<1x1xf32, #tpu.memory_space<vmem>>, vector<1x1xf32>,
    } else {
    }
    return
  }
  func.func @transform_0(%arg0: i32) -> (i32, i32) {
    %c0_i32 = arith.constant 0 : i32
    %c0_i32_0 = arith.constant 0 : i32
    return %arg0, %c0_i32 : i32, i32
  }
  func.func @transform_1(%arg0: i32) -> (i32, i32) {
    %c0_i32 = arith.constant 0 : i32
    %c0_i32_0 = arith.constant 0 : i32
    return %arg0, %c0_i32 : i32, i32
  }
  func.func @transform_2(%arg0: i32) -> (i32, i32) {
    %c0_i32 = arith.constant 0 : i32
    %c0_i32_0 = arith.constant 0 : i32
    %c0_i32_1 = arith.constant 0 : i32
    return %c0_i32, %c0_i32_0 : i32, i32
  }
  func.func @transform_3(%arg0: i32) -> (i32, i32) {
    %c0_i32 = arith.constant 0 : i32
    %c0_i32_0 = arith.constant 0 : i32
    %c0_i32_1 = arith.constant 0 : i32
    return %c0_i32, %c0_i32_0 : i32, i32
  }
}

</mosaic_0001>

<sc_bundles>
// kernel: kernel.4.cloned.1.call-start
scs
__scs_entry_jumppad:
0x0: {  	(pc) =	sbr.rel $0x88, $3  }
0x1: {  	(tag) =	ssettag $0x0;
	lr =	simm.s32 $0x1  }
0x2: {  	[smem:$0x3F9E] =	sst lr;
	_ =	strace $0xD0000000  }
0x3: {  	_ = 	snop  }
0x4: {  	_ = 	snop  }
0x5: {  	_ = 	snop  }
0x6: {  	_ = 	snop  }
0x7: {  	_ = 	snop  }
__scs_overlays_trampoline_lowered:
0x8: {  	[smem:$0x3FAD] =	sst s0  }
0x9: {  	[smem:$0x3FAE] =	sst s1  }
0xa: {  	[smem:$0x3FAF] =	sst s2  }
0xb: {  	[smem:$0x3FB0] =	sst s3  }
0xc: {  	[smem:$0x3FB1] =	sst s4  }
0xd: {  	[smem:$0x3FB2] =	sst s5  }
0xe: {  	[smem:$0x3FB3] =	sst s6  }
0xf: {  	[smem:$0x3FB4] =	sst s7  }
0x10: {  	[smem:$0x3FB5] =	sst s8  }
0x11: {  	[smem:$0x3FB6] =	sst s9;
	s0 =	simm.s32 @!p0 $0x0  }
0x12: {  	s1 =	sld [smem:$0x3F9C];
	s0 =	simm.s32 @p0 $0x1  }
0x13: {  	[smem:$0x3FB7] =	sst s0;
	s0 =	simm.s32 @!p1 $0x0  }
0x14: {  	s2 =	sld [smem:$0x3F9B];
	s0 =	simm.s32 @p1 $0x1  }
0x15: {  	[smem:$0x3FB8] =	sst s0;
	s0 =	simm.s32 @!p2 $0x0  }
0x16: {  	s3 =	sld [smem:$0x3FDB];
	s0 =	simm.s32 @p2 $0x1  }
0x17: {  	s4 =	simm.s32 $0x1BF5;
	[smem:$0x3FBA] =	sst s0  }
0x18: {  	s0 =	sld [smem:$0x3F9D];
	_ =	swait.ge [sflag:s4], $0x0  }
0x19: {  	s7 =	sld [smem:$0x3F9E]  }
0x1a: {  	s8 =	sadd.s32 $0xFFFFE003, lr  }
0x1b: {  	s9 =	sadd.s32 $0xFFFFFEF7, lr;
	s5 =	simm.s32 $0xFFFFFFFF;
	p2 =	slt.u32 s8, $0xFFFFF086  }
0x1c: {  	p1 =	slt.u32 s9, $0xF7A;
	s5 =	simm.s32 @!p2 $0x0  }
0x1d: {  	s5 =	simm.s32 @p1 $0x1;
	p0 =	seq.s32 s7, s2  }
0x1e: {  	s7 =	smul.u32 @!p0 $0xF7A, s2;
	p2 =	seq.s32 @!p0 s5, $0x0  }
0x1f: {  	s9 =	smul.u32 $0xF7A, s1;
	s8 =	simm.s32 @!p0 $0x1BF5;
	p2 =	por !p2, p0  }
0x20: {  	[sflag:s8] =	ssyncset.s32 @!p0 $0xFFFFF086;
	s6 =	sadd.s32 @!p0 s3, s7;
	s7 =	simm.s32 @!p0 $0x108  }
0x21: {  	s3 =	sadd.s32 s3, s9;
	s6 =	sadd.s32 @!p0 $0x88, s6;
	s7 =	simm.s32 @p2 $0x1082  }
0x22: {  	[simem:s7], [sflag:s8] =	dma.local @!p0 [hbm:s6], $0xF7A  }
0x23: {  	s9 =	sor.u32 $0xD0000000, s2;
	s6 =	simm.s32 $0x108;
	_ =	swait.ge @!p0 [sflag:s8], $0x0  }
0x24: {  	s3 =	sadd.s32 $0x88, s3;
	s6 =	simm.s32 @!p1 $0x1082;
	[sflag:s4] =	ssyncset.s32 $0xFFFFF086  }
0x25: {  	[simem:s6], [sflag:s4] =	dma.local [hbm:s3], $0xF7A  }
0x26: {  	[smem:$0x3F9E] =	sst s1;
	(tag) =	ssettag s2;
	_ =	strace s9  }
0x27: {  	s1 =	sld [smem:$0x3FAE]  }
0x28: {  	s2 =	sld [smem:$0x3FAF]  }
0x29: {  	s4 =	sld [smem:$0x3FB1]  }
0x2a: {  	p0 =	seq.s32 s5, $0x0;
	s5 =	sld [smem:$0x3FB2]  }
0x2b: {  	s6 =	sld [smem:$0x3FB3]  }
0x2c: {  	s7 =	sld [smem:$0x3FB4]  }
0x2d: {  	s3 =	simm.s32 $0x108;
	s8 =	sld [smem:$0x3FB5]  }
0x2e: {  	s3 =	simm.s32 @!p0 $0x1082;
	s9 =	sld [smem:$0x3FB6]  }
0x2f: {  	lr =	sadd.s32 s0, s3;
	s0 =	sld [smem:$0x3FAD]  }
0x30: {  	s3 =	sld [smem:$0x3FB0]  }
0x31: {  	[smem:$0x3FB9] =	sst s10  }
0x32: {  	s10 =	sld [smem:$0x3FB7];
	_ =	sdelay $0x3  }
0x33: {  	p0 =	seq.s32 s10, $0x1;
	s10 =	sld [smem:$0x3FB9];
	_ =	sdelay $0x3  }
0x34: {  	[smem:$0x3FB9] =	sst s10  }
0x35: {  	s10 =	sld [smem:$0x3FB8];
	_ =	sdelay $0x3  }
0x36: {  	p1 =	seq.s32 s10, $0x1;
	s10 =	sld [smem:$0x3FB9];
	_ =	sdelay $0x3  }
0x37: {  	[smem:$0x3FB9] =	sst s10  }
0x38: {  	s10 =	sld [smem:$0x3FBA]  }
0x39: {  	_ = 	snop;
	(pc) =	sbr.ind lr, $3  }
0x3a: {  	_ = 	snop  }
0x3b: {  	_ = 	snop  }
0x3c: {  	p2 =	seq.s32 s10, $0x1;
	s10 =	sld [smem:$0x3FB9]  }
0x3d: {  	_ =	shalt  }
0x3e: {  	_ =	shalt  }
0x3f: {  	_ =	shalt  }
0x40: {  	_ =	shalt  }
0x41: {  	_ =	shalt  }
0x42: {  	_ =	shalt  }
0x43: {  	_ =	shalt  }
0x44: {  	_ =	shalt  }
0x45: {  	_ =	shalt  }
0x46: {  	_ =	shalt  }
0x47: {  	_ =	shalt  }
0x48: {  	_ =	shalt  }
0x49: {  	_ =	shalt  }
0x4a: {  	_ =	shalt  }
0x4b: {  	_ =	shalt  }
0x4c: {  	_ =	shalt  }
0x4d: {  	_ =	shalt  }
0x4e: {  	_ =	shalt  }
0x4f: {  	_ =	shalt  }
0x50: {  	_ =	shalt  }
0x51: {  	_ =	shalt  }
0x52: {  	_ =	shalt  }
0x53: {  	_ =	shalt  }
0x54: {  	_ =	shalt  }
0x55: {  	_ =	shalt  }
0x56: {  	_ =	shalt  }
0x57: {  	_ =	shalt  }
0x58: {  	_ =	shalt  }
0x59: {  	_ =	shalt  }
0x5a: {  	_ =	shalt  }
0x5b: {  	_ =	shalt  }
0x5c: {  	_ =	shalt  }
0x5d: {  	_ =	shalt  }
0x5e: {  	_ =	shalt  }
0x5f: {  	_ =	shalt  }
0x60: {  	_ =	shalt  }
0x61: {  	_ =	shalt  }
0x62: {  	_ =	shalt  }
0x63: {  	_ =	shalt  }
0x64: {  	_ =	shalt  }
0x65: {  	_ =	shalt  }
0x66: {  	_ =	shalt  }
0x67: {  	_ =	shalt  }
0x68: {  	_ =	shalt  }
0x69: {  	_ =	shalt  }
0x6a: {  	_ =	shalt  }
0x6b: {  	_ =	shalt  }
0x6c: {  	_ =	shalt  }
0x6d: {  	_ =	shalt  }
0x6e: {  	_ =	shalt  }
0x6f: {  	_ =	shalt  }
0x70: {  	_ =	shalt  }
0x71: {  	_ =	shalt  }
0x72: {  	_ =	shalt  }
0x73: {  	_ =	shalt  }
0x74: {  	_ =	shalt  }
0x75: {  	_ =	shalt  }
0x76: {  	_ =	shalt  }
0x77: {  	_ =	shalt  }
0x78: {  	_ =	shalt  }
0x79: {  	_ =	shalt  }
0x7a: {  	_ =	shalt  }
0x7b: {  	_ =	shalt  }
0x7c: {  	_ =	shalt  }
0x7d: {  	_ =	shalt  }
0x7e: {  	_ =	shalt  }
0x7f: {  	_ =	shalt  }
0x80: {  	_ =	shalt  }
0x81: {  	_ =	shalt  }
0x82: {  	_ =	shalt  }
0x83: {  	_ =	shalt  }
0x84: {  	_ =	shalt  }
0x85: {  	_ =	shalt  }
0x86: {  	_ =	shalt  }
0x87: {  	_ =	shalt  }
.Lfunc_end0:
.L_simem_size_0:
called_computation_lowered:
.L_overlay_start_0:
0x88: {  	s2 =	sld [smem:$0x3FD9]  }
0x89: {  	s3 =	sld [smem:$0x3FFE];
	_ =	sdelay $0x1  }
0x8a: {  	s1 =	srdreg.scid  }
0x8b: {  	s0 =	sand.u32 $0x1, s1  }
0x8c: {  	s14 =	sshll.u32 s0, $0xA;
	s2 =	sadd.s32 s3, s2  }
0x8d: {  	s2 =	sadd.s32 s2, s14  }
0x8e: {  	[smem:$0x3FC5] =	sst s2  }
0x8f: {  	_ = 	snop  }
0x90: {  	s2 =	sld [smem:$0x3FD0];
	_ =	sdelay $0x2  }
0x91: {  	s15 =	simm.s32 $0xA;
	s4 =	simm.s32 $0x10  }
0x92: {  	[smem:s4], [sflag:s15] =	dma.local [hbm:s2], $0x1  }
0x93: {  	_ =	swait.eq [sflag:s15], $0x1  }
0x94: {  	[sflag:s15] =	ssyncset.done $0x0  }
0x95: {  	[sflag:s15] =	ssyncadd.s32 $0xFFFFFFFF  }
0x96: {  	s16 =	sld [smem:$0x10];
	(tm) =	ssettm $0x1  }
0x97: {  	s17 =	sld [smem:$0x3FFB];
	_ =	sdelay $0x3  }
0x98: {  	_ =	strace s17  }
0x99: {  	s3 =	sld [smem:$0x3FFC];
	_ =	sdelay $0x3  }
0x9a: {  	_ =	strace s3  }
0x9b: {  	s3 =	sld [smem:$0x3FFD];
	_ =	sdelay $0x3  }
0x9c: {  	_ =	strace s3  }
0x9d: {  	_ =	strace $0x8FFFFFFF  }
0x9e: {  	s18 =	sld [smem:$0x3FDB];
	_ =	sdelay $0x1  }
0x9f: {  	s19 =	simm.s32 $_scs_section_size  }
0xa0: {  	s5 =	simm.s32 $_size__tile_overlayer_lowered;
	s6 =	simm.s32 $_tile_overlayer_lowered  }
0xa1: {  	s22 =	simm.s32 $0x1BFF;
	s21 =	sshll.u32 s6, $0x1;
	s3 =	sadd.s32 s19, s18  }
0xa2: {  	s7 =	simm.s32 $0x0;
	s20 =	sshll.u32 s5, $0x1;
	s5 =	sadd.s32 s21, s3  }
0xa3: {  	[timem:s7], [sflag:s22] =	dma.local [hbm:s5], s20  }
0xa4: {  	_ =	swait.ge [sflag:s22], s20  }
0xa5: {  	s4 =	ssub.s32 $0x0, s20;
	[sflag:s22] =	ssyncset.done $0x0  }
0xa6: {  	[sflag:s22] =	ssyncadd.s32 s4;
	_ =	sdelay $0x1  }
0xa7: {  	s23 =	simm.s32 $0x1B8B  }
0xa8: {  	_ =	swait.ge [sflag:s23], $0x1  }
0xa9: {  	[sflag:s23] =	ssyncset.done $0x0  }
0xaa: {  	s25 =	simm.s32 $0x1B8E;
	s24 =	sld [smem:$0x3FFE];
	[sflag:s23] =	ssyncadd.s32 $0xFFFFFFFF  }
0xab: {  	s26 =	simm.s32 $execute0_lowered;
	[smem:$0x3FD2] =	sst s25  }
0xac: {  	s5 =	sshll.u32 s26, $0x1;
	_ =	strace $0x80000046;
	[dreg:$0x1] =	wrdreg $0xFFFFFFFF  }
0xad: {  	s28 =	simm.s32 $_size_execute0_lowered;
	s3 =	sadd.s32 s3, s5;
	[dreg:$0x0] =	wrdreg $0x0  }
0xae: {  	s5 =	sshll.u32 s28, $0x1;
	[dreg:$0x2] =	wrdreg s3  }
0xaf: {  	[dreg:$0x3] =	wrdreg s5  }
0xb0: {  	[dreg:$0x4] =	wrdreg $0xC0  }
0xb1: {  	_ =	task [dreg:s7], $0x5FFFF  }
0xb2: {  	[dreg:$0x1] =	wrdreg $0xFFFFFFFF  }
0xb3: {  	[dreg:$0x0] =	wrdreg $0x60  }
0xb4: {  	[dreg:$0x2] =	wrdreg s24  }
0xb5: {  	[dreg:$0x3] =	wrdreg s16  }
0xb6: {  	[dreg:$0x4] =	wrdreg $0x9  }
0xb7: {  	_ =	task.clear_ibuf [dreg:s7], $0x5FFFF;
	_ =	strace $0x90000046  }
0xb8: {  	s29 =	simm.s32 $0x9;
	_ =	strace $0x80000048  }
0xb9: {  	_ =	swait.ge [sflag:s29], $0x1  }
0xba: {  	[sflag:s29] =	ssyncadd.s32 $0xFFFFFFFF  }
0xbb: {  	_ =	strace $0x90000048  }
0xbc: {  	_ =	sfence  }
0xbd: {  	s30 =	sld [smem:$0x0];
	_ =	sdelay $0x2  }
0xbe: {  	s31 =	sshll.u32 s1, $0xD;
	s1 =	sshrl.u32 s1, $0x2  }
0xbf: {  	s3 =	sand.u32 $0x4000, s31;
	s1 =	sadd.s32 s1, s30  }
0xc0: {  	s0 =	sor.u32 s3, s0;
	s1 =	sshll.u32 s1, $0x11  }
0xc1: {  	s0 =	sor.u32 s1, s0  }
0xc2: {  	s0 =	sadd.s32 $0x8F2B, s0  }
0xc3: {  	[sflag:s0] =	ssyncadd.remote.s32 $0x1  }
0xc4: {  	_ =	sfence.sel $0xFFFF  }
0xc5: {  	[dreg:$0x0] =	wrdreg $0xFFFFFFFF;
	(pc) =	sbr.abs _section_cstart, $3  }
0xc6: {  	[dreg:$0x1] =	wrdreg $0xFFFFFFFF  }
0xc7: {  	_ =	task.clear_ibuf [dreg:s7], $0x2FFFF;
	_ =	strace $0x9FFFFFFF  }
0xc8: {  	(tm) =	ssettm $0x7FFFFFFF  }
0xc9: {  	_ =	shalt  }
tec
execute0_lowered:
.L_overlay_start_1:
0x0: {  	(tag) =	ssettag $0x1  }
0x1: {  	s0 =	rddreg [dreg:$0x0]  }
0x2: {  	s1 =	rddreg [dreg:$0x1]  }
0x3: {  	s3 =	srdreg.scid;
	s4 =	stileid.u32  }
0x4: {  	s2 =	simm.s32 $0x0;
	s3 =	sand.u32 $0x1, s3;
	s4 =	sshll.u32 s4, $0x1  }
0x5: {  	s28 =	simm.s32 $0x4A00;
	s29 =	simm.s32 $0xCA00;
	s4 =	sor.u32 s3, s4  }
0x6: {  	s30 =	simm.s32 $0x14A00;
	[smem:$0x7FF] =	sst s2;
	s5 =	sshll.u32 s4, $0x6  }
0x7: {  	v0 =	vlaneseq.u32;
	_ =	strace $0x80000047;
	s5 =	sadd.s32 s5, s0;
	s0 =	sadd.s32 $0x1600, s0  }
0x8: {  	v0 =	vmul.u32 $0x2, v0;
	s4 =	sshll.u32 s4, $0x10;
	[dreg:$0x3] =	wrdreg s0;
	s18 =	sadd.s32 $0x600, s5  }
0x9: {  	s4 =	sadd.s32 s1, s4;
	s19 =	sadd.s32 $0xE00, s5;
	[dreg:$0x4] =	wrdreg s18  }
0xa: {  	s31 =	simm.s32 $0x3;
	v1 =	vor.u32 $0x1, v0;
	s20 =	sadd.s32 $0x1000, s4;
	[dreg:$0x5] =	wrdreg s19  }
0xb: {  	s3 =	ssub.s32 $0x2, s3;
	v2 =	vor.u32 $0x20, v0;
	v3 =	vor.u32 $0x21, v0;
	v4 =	vor.u32 $0x40, v0;
	s21 =	sadd.s32 $0x2000, s4;
	[dreg:$0x6] =	wrdreg s20  }
0xc: {  	s6 =	sshrl.u32 s3, $0x1;
	v5 =	vor.u32 $0x41, v0;
	v6 =	vor.u32 $0x60, v0;
	v7 =	vor.u32 $0x61, v0;
	s22 =	sadd.s32 $0x3000, s4;
	[dreg:$0x7] =	wrdreg s21  }
0xd: {  	v8 =	vor.u32 $0x80, v0;
	v9 =	vor.u32 $0x81, v0;
	v10 =	vor.u32 $0xA0, v0;
	s3 =	ssub.s32 s3, s6;
	s23 =	sadd.s32 $0x4000, s4;
	[dreg:$0x8] =	wrdreg s22  }
0xe: {  	v11 =	vor.u32 $0xA1, v0;
	v12 =	vor.u32 $0xC0, v0;
	v13 =	vor.u32 $0xC1, v0;
	s24 =	sadd.s32 $0x5000, s4;
	s25 =	sadd.s32 $0x6000, s4;
	[dreg:$0x9] =	wrdreg s23  }
0xf: {  	v14 =	vor.u32 $0xE0, v0;
	v15 =	vor.u32 $0xE1, v0;
	v16 =	vor.u32 $0x100, v0;
	s26 =	sadd.s32 $0x7000, s4;
	s14 =	sadd.s32 $0x8000, s4;
	[dreg:$0xa] =	wrdreg s24  }
0x10: {  	v17 =	vor.u32 $0x101, v0;
	v18 =	vor.u32 $0x120, v0;
	v19 =	vor.u32 $0x121, v0;
	s15 =	sadd.s32 $0x9000, s4;
	s16 =	sadd.s32 $0xA000, s4;
	[dreg:$0xb] =	wrdreg s25  }
0x11: {  	v20 =	vor.u32 $0x140, v0;
	v21 =	vor.u32 $0x141, v0;
	v22 =	vor.u32 $0x160, v0;
	s17 =	sadd.s32 $0xB000, s4;
	s0 =	simm.s32 $0x0;
	[dreg:$0xc] =	wrdreg s26  }
0x12: {  	v23 =	vor.u32 $0x161, v0;
	v24 =	vor.u32 $0x180, v0;
	v25 =	vor.u32 $0x181, v0;
	s18 =	sadd.s32 $0xC000, s4;
	s19 =	sadd.s32 $0xD000, s4;
	s20 =	sadd.s32 $0xE000, s4  }
0x13: {  	v26 =	vor.u32 $0x1A0, v0;
	v27 =	vor.u32 $0x1A1, v0;
	v28 =	vor.u32 $0x1C0, v0;
	s21 =	sadd.s32 $0xF000, s4;
	s22 =	smax.u32 s3, $0x1;
	s23 =	simm.s32 $0x4000  }
0x14: {  	v29 =	vor.u32 $0x1C1, v0;
	v30 =	vor.u32 $0x1E0, v0;
	v31 =	vor.u32 $0x1E1, v0;
	s24 =	simm.s32 $0x4200;
	s25 =	simm.s32 $0x2;
	s26 =	simm.s32 $0x1  }
.LBB2_1:
0x15: {  	s1 =	rddreg [dreg:$0x3]  }
0x16: {  	[tilespmem:s2], [sflag:$0x1] =	stream.linear.gather [hbm4b:s1+s2], $0x4000, $0x38;
	[tilespmem:$0x1CA00] =	vst v63  }
0x17: {  	s12 =	rddreg [dreg:$0x4]  }
0x18: {  	[tilespmem:s23], [sflag:$0x2] =	stream.linear.gather [hbm4b:s12+s2], $0x200, $0x38;
	[tilespmem:$0x1CA00] =	vst v63  }
0x19: {  	s13 =	rddreg [dreg:$0x5]  }
0x1a: {  	[tilespmem:s24], [sflag:$0x2] =	stream.linear.gather [hbm4b:s13+s2], $0x200, $0x38;
	[tilespmem:$0x1CA00] =	vst v63  }
0x1b: {  	_ =	swait.ge [sflag:s25], $0x200  }
0x1c: {  	[sflag:s25] =	ssyncset.done $0x0  }
0x1d: {  	[sflag:s25] =	ssyncadd.s32 $0xFFFFFE00  }
0x1e: {  	_ =	swait.ge [sflag:s25], $0x200  }
0x1f: {  	[sflag:s25] =	ssyncset.done $0x0  }
0x20: {  	[sflag:s25] =	ssyncadd.s32 $0xFFFFFE00  }
0x21: {  	_ =	swait.ge [sflag:s26], $0x4000  }
0x22: {  	[sflag:s26] =	ssyncset.done $0x0  }
0x23: {  	[sflag:s26] =	ssyncadd.s32 $0xFFFFC000  }
0x24: {  	v32 =	vld.idx.msk [tilespmem:v0+s24+$0x0], $0xffff  }
0x25: {  	v33 =	vld.idx.msk [tilespmem:v1+s24+$0x0], $0xffff;
	_ =	sdelay $0x4  }
0x26: {  	v34 =	vadd.f32 v33, v32;
	_ =	sdelay $0x1  }
0x27: {  	vm0 =	vgt.f32 v34, $0.0e+00  }
0x28: {  	v34 =	vnsel vm0, $0x3F800000, v34  }
0x29: {  	(erf) = vrcp.f32 v34;
	_ =	sdelay $0x3  }
0x2a: {  	v35 =	vld.idx.msk [tilespmem:v1+s23+$0x0], $0xffff  }
0x2b: {  	v38 =	vld.idx.msk [tilespmem:v0+s23+$0x0], $0xffff;
	_ =	sdelay $0x3  }
0x2c: {  	v39 =	vshll.u32 v35, $0xA;
	v36 =	vpop (erf)  }
0x2d: {  	[tilespmem:$0x4580] =	vst v39;
	v34 =	vshll.u32 v38, $0xA;
	v32 =	vmul.f32 v32, v36  }
0x2e: {  	[tilespmem:$0x4400] =	vst v34;
	v33 =	vmul.f32 v33, v36  }
0x2f: {  	[tilespmem:$0x4700] =	vst v32  }
0x30: {  	[tilespmem:$0x4880] =	vst v33  }
0x31: {  	v32 =	vld.idx.msk [tilespmem:v2+s24+$0x0], $0xffff  }
0x32: {  	v33 =	vld.idx.msk [tilespmem:v3+s24+$0x0], $0xffff;
	_ =	sdelay $0x4  }
0x33: {  	v40 =	vadd.f32 v33, v32;
	_ =	sdelay $0x1  }
0x34: {  	vm13 =	vgt.f32 v40, $0.0e+00  }
0x35: {  	v34 =	vnsel vm13, $0x3F800000, v40  }
0x36: {  	(erf) = vrcp.f32 v34;
	_ =	sdelay $0x3  }
0x37: {  	v42 =	vld.idx.msk [tilespmem:v3+s23+$0x0], $0xffff  }
0x38: {  	v41 =	vld.idx.msk [tilespmem:v2+s23+$0x0], $0xffff;
	_ =	sdelay $0x3  }
0x39: {  	v44 =	vshll.u32 v42, $0xA;
	v43 =	vpop (erf)  }
0x3a: {  	[tilespmem:$0x4590] =	vst v44;
	v34 =	vshll.u32 v41, $0xA;
	v32 =	vmul.f32 v32, v43  }
0x3b: {  	[tilespmem:$0x4410] =	vst v34;
	v33 =	vmul.f32 v33, v43  }
0x3c: {  	[tilespmem:$0x4710] =	vst v32  }
0x3d: {  	[tilespmem:$0x4890] =	vst v33  }
0x3e: {  	v32 =	vld.idx.msk [tilespmem:v4+s24+$0x0], $0xffff  }
0x3f: {  	v33 =	vld.idx.msk [tilespmem:v5+s24+$0x0], $0xffff;
	_ =	sdelay $0x4  }
0x40: {  	v45 =	vadd.f32 v33, v32;
	_ =	sdelay $0x1  }
0x41: {  	vm14 =	vgt.f32 v45, $0.0e+00  }
0x42: {  	v34 =	vnsel vm14, $0x3F800000, v45  }
0x43: {  	(erf) = vrcp.f32 v34;
	_ =	sdelay $0x3  }
0x44: {  	v47 =	vld.idx.msk [tilespmem:v5+s23+$0x0], $0xffff  }
0x45: {  	v46 =	vld.idx.msk [tilespmem:v4+s23+$0x0], $0xffff;
	_ =	sdelay $0x3  }
0x46: {  	v49 =	vshll.u32 v47, $0xA;
	v48 =	vpop (erf)  }
0x47: {  	[tilespmem:$0x45A0] =	vst v49;
	v34 =	vshll.u32 v46, $0xA;
	v32 =	vmul.f32 v32, v48  }
0x48: {  	[tilespmem:$0x4420] =	vst v34;
	v33 =	vmul.f32 v33, v48  }
0x49: {  	[tilespmem:$0x4720] =	vst v32  }
0x4a: {  	[tilespmem:$0x48A0] =	vst v33  }
0x4b: {  	v32 =	vld.idx.msk [tilespmem:v6+s24+$0x0], $0xffff  }
0x4c: {  	v33 =	vld.idx.msk [tilespmem:v7+s24+$0x0], $0xffff;
	_ =	sdelay $0x4  }
0x4d: {  	v50 =	vadd.f32 v33, v32;
	_ =	sdelay $0x1  }
0x4e: {  	vm15 =	vgt.f32 v50, $0.0e+00  }
0x4f: {  	v34 =	vnsel vm15, $0x3F800000, v50  }
0x50: {  	(erf) = vrcp.f32 v34;
	_ =	sdelay $0x3  }
0x51: {  	v52 =	vld.idx.msk [tilespmem:v7+s23+$0x0], $0xffff  }
0x52: {  	v51 =	vld.idx.msk [tilespmem:v6+s23+$0x0], $0xffff;
	_ =	sdelay $0x3  }
0x53: {  	v54 =	vshll.u32 v52, $0xA;
	v53 =	vpop (erf)  }
0x54: {  	[tilespmem:$0x45B0] =	vst v54;
	v34 =	vshll.u32 v51, $0xA;
	v32 =	vmul.f32 v32, v53  }
0x55: {  	[tilespmem:$0x4430] =	vst v34;
	v33 =	vmul.f32 v33, v53  }
0x56: {  	[tilespmem:$0x4730] =	vst v32  }
0x57: {  	[tilespmem:$0x48B0] =	vst v33  }
0x58: {  	v32 =	vld.idx.msk [tilespmem:v8+s24+$0x0], $0xffff  }
0x59: {  	v33 =	vld.idx.msk [tilespmem:v9+s24+$0x0], $0xffff;
	_ =	sdelay $0x4  }
0x5a: {  	v55 =	vadd.f32 v33, v32;
	_ =	sdelay $0x1  }
0x5b: {  	vm4 =	vgt.f32 v55, $0.0e+00  }
0x5c: {  	v34 =	vnsel vm4, $0x3F800000, v55  }
0x5d: {  	(erf) = vrcp.f32 v34;
	_ =	sdelay $0x3  }
0x5e: {  	v57 =	vld.idx.msk [tilespmem:v9+s23+$0x0], $0xffff  }
0x5f: {  	v56 =	vld.idx.msk [tilespmem:v8+s23+$0x0], $0xffff;
	_ =	sdelay $0x3  }
0x60: {  	v59 =	vshll.u32 v57, $0xA;
	v58 =	vpop (erf)  }
0x61: {  	[tilespmem:$0x45C0] =	vst v59;
	v34 =	vshll.u32 v56, $0xA;
	v32 =	vmul.f32 v32, v58  }
0x62: {  	[tilespmem:$0x4440] =	vst v34;
	v33 =	vmul.f32 v33, v58  }
0x63: {  	[tilespmem:$0x4740] =	vst v32  }
0x64: {  	[tilespmem:$0x48C0] =	vst v33  }
0x65: {  	v32 =	vld.idx.msk [tilespmem:v10+s24+$0x0], $0xffff  }
0x66: {  	v33 =	vld.idx.msk [tilespmem:v11+s24+$0x0], $0xffff;
	_ =	sdelay $0x4  }
0x67: {  	v60 =	vadd.f32 v33, v32;
	_ =	sdelay $0x1  }
0x68: {  	vm5 =	vgt.f32 v60, $0.0e+00  }
0x69: {  	v34 =	vnsel vm5, $0x3F800000, v60  }
0x6a: {  	(erf) = vrcp.f32 v34;
	_ =	sdelay $0x3  }
0x6b: {  	v62 =	vld.idx.msk [tilespmem:v11+s23+$0x0], $0xffff  }
0x6c: {  	v61 =	vld.idx.msk [tilespmem:v10+s23+$0x0], $0xffff;
	_ =	sdelay $0x3  }
0x6d: {  	v39 =	vshll.u32 v62, $0xA;
	v63 =	vpop (erf)  }
0x6e: {  	[tilespmem:$0x45D0] =	vst v39;
	v34 =	vshll.u32 v61, $0xA;
	v32 =	vmul.f32 v32, v63  }
0x6f: {  	[tilespmem:$0x4450] =	vst v34;
	v33 =	vmul.f32 v33, v63  }
0x70: {  	[tilespmem:$0x4750] =	vst v32  }
0x71: {  	[tilespmem:$0x48D0] =	vst v33  }
0x72: {  	v32 =	vld.idx.msk [tilespmem:v12+s24+$0x0], $0xffff  }
0x73: {  	v33 =	vld.idx.msk [tilespmem:v13+s24+$0x0], $0xffff;
	_ =	sdelay $0x4  }
0x74: {  	v40 =	vadd.f32 v33, v32;
	_ =	sdelay $0x1  }
0x75: {  	vm6 =	vgt.f32 v40, $0.0e+00  }
0x76: {  	v34 =	vnsel vm6, $0x3F800000, v40  }
0x77: {  	(erf) = vrcp.f32 v34;
	_ =	sdelay $0x3  }
0x78: {  	v42 =	vld.idx.msk [tilespmem:v13+s23+$0x0], $0xffff  }
0x79: {  	v41 =	vld.idx.msk [tilespmem:v12+s23+$0x0], $0xffff;
	_ =	sdelay $0x3  }
0x7a: {  	v44 =	vshll.u32 v42, $0xA;
	v43 =	vpop (erf)  }
0x7b: {  	[tilespmem:$0x45E0] =	vst v44;
	v34 =	vshll.u32 v41, $0xA;
	v32 =	vmul.f32 v32, v43  }
0x7c: {  	[tilespmem:$0x4460] =	vst v34;
	v33 =	vmul.f32 v33, v43  }
0x7d: {  	[tilespmem:$0x4760] =	vst v32  }
0x7e: {  	[tilespmem:$0x48E0] =	vst v33  }
0x7f: {  	v32 =	vld.idx.msk [tilespmem:v14+s24+$0x0], $0xffff  }
0x80: {  	v33 =	vld.idx.msk [tilespmem:v15+s24+$0x0], $0xffff;
	_ =	sdelay $0x4  }
0x81: {  	v45 =	vadd.f32 v33, v32;
	_ =	sdelay $0x1  }
0x82: {  	vm7 =	vgt.f32 v45, $0.0e+00  }
0x83: {  	v34 =	vnsel vm7, $0x3F800000, v45  }
0x84: {  	(erf) = vrcp.f32 v34;
	_ =	sdelay $0x3  }
0x85: {  	v47 =	vld.idx.msk [tilespmem:v15+s23+$0x0], $0xffff  }
0x86: {  	v46 =	vld.idx.msk [tilespmem:v14+s23+$0x0], $0xffff;
	_ =	sdelay $0x3  }
0x87: {  	v49 =	vshll.u32 v47, $0xA;
	v48 =	vpop (erf)  }
0x88: {  	[tilespmem:$0x45F0] =	vst v49;
	v34 =	vshll.u32 v46, $0xA;
	v32 =	vmul.f32 v32, v48  }
0x89: {  	[tilespmem:$0x4470] =	vst v34;
	v33 =	vmul.f32 v33, v48  }
0x8a: {  	[tilespmem:$0x4770] =	vst v32  }
0x8b: {  	[tilespmem:$0x48F0] =	vst v33  }
0x8c: {  	v32 =	vld.idx.msk [tilespmem:v16+s24+$0x0], $0xffff  }
0x8d: {  	v33 =	vld.idx.msk [tilespmem:v17+s24+$0x0], $0xffff;
	_ =	sdelay $0x4  }
0x8e: {  	v50 =	vadd.f32 v33, v32;
	_ =	sdelay $0x1  }
0x8f: {  	vm8 =	vgt.f32 v50, $0.0e+00  }
0x90: {  	v34 =	vnsel vm8, $0x3F800000, v50  }
0x91: {  	(erf) = vrcp.f32 v34;
	_ =	sdelay $0x3  }
0x92: {  	v52 =	vld.idx.msk [tilespmem:v17+s23+$0x0], $0xffff  }
0x93: {  	v51 =	vld.idx.msk [tilespmem:v16+s23+$0x0], $0xffff;
	_ =	sdelay $0x3  }
0x94: {  	v54 =	vshll.u32 v52, $0xA;
	v53 =	vpop (erf)  }
0x95: {  	[tilespmem:$0x4600] =	vst v54;
	v34 =	vshll.u32 v51, $0xA;
	v32 =	vmul.f32 v32, v53  }
0x96: {  	[tilespmem:$0x4480] =	vst v34;
	v33 =	vmul.f32 v33, v53  }
0x97: {  	[tilespmem:$0x4780] =	vst v32  }
0x98: {  	[tilespmem:$0x4900] =	vst v33  }
0x99: {  	v32 =	vld.idx.msk [tilespmem:v18+s24+$0x0], $0xffff  }
0x9a: {  	v33 =	vld.idx.msk [tilespmem:v19+s24+$0x0], $0xffff;
	_ =	sdelay $0x4  }
0x9b: {  	v55 =	vadd.f32 v33, v32;
	_ =	sdelay $0x1  }
0x9c: {  	vm9 =	vgt.f32 v55, $0.0e+00  }
0x9d: {  	v34 =	vnsel vm9, $0x3F800000, v55  }
0x9e: {  	(erf) = vrcp.f32 v34;
	_ =	sdelay $0x3  }
0x9f: {  	v57 =	vld.idx.msk [tilespmem:v19+s23+$0x0], $0xffff  }
0xa0: {  	v56 =	vld.idx.msk [tilespmem:v18+s23+$0x0], $0xffff;
	_ =	sdelay $0x3  }
0xa1: {  	v59 =	vshll.u32 v57, $0xA;
	v58 =	vpop (erf)  }
0xa2: {  	[tilespmem:$0x4610] =	vst v59;
	v34 =	vshll.u32 v56, $0xA;
	v32 =	vmul.f32 v32, v58  }
0xa3: {  	[tilespmem:$0x4490] =	vst v34;
	v33 =	vmul.f32 v33, v58  }
0xa4: {  	[tilespmem:$0x4790] =	vst v32  }
0xa5: {  	[tilespmem:$0x4910] =	vst v33  }
0xa6: {  	v32 =	vld.idx.msk [tilespmem:v20+s24+$0x0], $0xffff  }
0xa7: {  	v33 =	vld.idx.msk [tilespmem:v21+s24+$0x0], $0xffff;
	_ =	sdelay $0x4  }
0xa8: {  	v60 =	vadd.f32 v33, v32;
	_ =	sdelay $0x1  }
0xa9: {  	vm10 =	vgt.f32 v60, $0.0e+00  }
0xaa: {  	v34 =	vnsel vm10, $0x3F800000, v60  }
0xab: {  	(erf) = vrcp.f32 v34;
	_ =	sdelay $0x3  }
0xac: {  	v62 =	vld.idx.msk [tilespmem:v21+s23+$0x0], $0xffff  }
0xad: {  	v61 =	vld.idx.msk [tilespmem:v20+s23+$0x0], $0xffff;
	_ =	sdelay $0x3  }
0xae: {  	v38 =	vshll.u32 v62, $0xA;
	v63 =	vpop (erf)  }
0xaf: {  	[tilespmem:$0x4620] =	vst v38;
	v34 =	vshll.u32 v61, $0xA;
	v32 =	vmul.f32 v32, v63  }
0xb0: {  	[tilespmem:$0x44A0] =	vst v34;
	v33 =	vmul.f32 v33, v63  }
0xb1: {  	[tilespmem:$0x47A0] =	vst v32  }
0xb2: {  	[tilespmem:$0x4920] =	vst v33  }
0xb3: {  	v32 =	vld.idx.msk [tilespmem:v22+s24+$0x0], $0xffff  }
0xb4: {  	v33 =	vld.idx.msk [tilespmem:v23+s24+$0x0], $0xffff;
	_ =	sdelay $0x4  }
0xb5: {  	v39 =	vadd.f32 v33, v32;
	_ =	sdelay $0x1  }
0xb6: {  	vm11 =	vgt.f32 v39, $0.0e+00  }
0xb7: {  	v34 =	vnsel vm11, $0x3F800000, v39  }
0xb8: {  	(erf) = vrcp.f32 v34;
	_ =	sdelay $0x3  }
0xb9: {  	v41 =	vld.idx.msk [tilespmem:v23+s23+$0x0], $0xffff  }
0xba: {  	v40 =	vld.idx.msk [tilespmem:v22+s23+$0x0], $0xffff;
	_ =	sdelay $0x3  }
0xbb: {  	v43 =	vshll.u32 v41, $0xA;
	v42 =	vpop (erf)  }
0xbc: {  	[tilespmem:$0x4630] =	vst v43;
	v34 =	vshll.u32 v40, $0xA;
	v32 =	vmul.f32 v32, v42  }
0xbd: {  	[tilespmem:$0x44B0] =	vst v34;
	v33 =	vmul.f32 v33, v42  }
0xbe: {  	[tilespmem:$0x47B0] =	vst v32  }
0xbf: {  	[tilespmem:$0x4930] =	vst v33  }
0xc0: {  	v32 =	vld.idx.msk [tilespmem:v24+s24+$0x0], $0xffff  }
0xc1: {  	v33 =	vld.idx.msk [tilespmem:v25+s24+$0x0], $0xffff;
	_ =	sdelay $0x4  }
0xc2: {  	v44 =	vadd.f32 v33, v32;
	_ =	sdelay $0x1  }
0xc3: {  	vm12 =	vgt.f32 v44, $0.0e+00  }
0xc4: {  	v34 =	vnsel vm12, $0x3F800000, v44  }
0xc5: {  	(erf) = vrcp.f32 v34;
	_ =	sdelay $0x3  }
0xc6: {  	v46 =	vld.idx.msk [tilespmem:v25+s23+$0x0], $0xffff  }
0xc7: {  	v45 =	vld.idx.msk [tilespmem:v24+s23+$0x0], $0xffff;
	_ =	sdelay $0x3  }
0xc8: {  	v48 =	vshll.u32 v46, $0xA;
	v47 =	vpop (erf)  }
0xc9: {  	[tilespmem:$0x4640] =	vst v48;
	v34 =	vshll.u32 v45, $0xA;
	v32 =	vmul.f32 v32, v47  }
0xca: {  	[tilespmem:$0x44C0] =	vst v34;
	v33 =	vmul.f32 v33, v47  }
0xcb: {  	[tilespmem:$0x47C0] =	vst v32  }
0xcc: {  	[tilespmem:$0x4940] =	vst v33  }
0xcd: {  	v32 =	vld.idx.msk [tilespmem:v26+s24+$0x0], $0xffff  }
0xce: {  	v33 =	vld.idx.msk [tilespmem:v27+s24+$0x0], $0xffff;
	_ =	sdelay $0x4  }
0xcf: {  	v49 =	vadd.f32 v33, v32;
	_ =	sdelay $0x1  }
0xd0: {  	vm13 =	vgt.f32 v49, $0.0e+00  }
0xd1: {  	v34 =	vnsel vm13, $0x3F800000, v49  }
0xd2: {  	(erf) = vrcp.f32 v34;
	_ =	sdelay $0x3  }
0xd3: {  	v51 =	vld.idx.msk [tilespmem:v27+s23+$0x0], $0xffff  }
0xd4: {  	v50 =	vld.idx.msk [tilespmem:v26+s23+$0x0], $0xffff;
	_ =	sdelay $0x3  }
0xd5: {  	v53 =	vshll.u32 v51, $0xA;
	v52 =	vpop (erf)  }
0xd6: {  	[tilespmem:$0x4650] =	vst v53;
	v34 =	vshll.u32 v50, $0xA;
	v32 =	vmul.f32 v32, v52  }
0xd7: {  	[tilespmem:$0x44D0] =	vst v34;
	v33 =	vmul.f32 v33, v52  }
0xd8: {  	[tilespmem:$0x47D0] =	vst v32  }
0xd9: {  	[tilespmem:$0x4950] =	vst v33  }
0xda: {  	v32 =	vld.idx.msk [tilespmem:v28+s24+$0x0], $0xffff  }
0xdb: {  	v33 =	vld.idx.msk [tilespmem:v29+s24+$0x0], $0xffff;
	_ =	sdelay $0x4  }
0xdc: {  	v54 =	vadd.f32 v33, v32;
	_ =	sdelay $0x1  }
0xdd: {  	vm14 =	vgt.f32 v54, $0.0e+00  }
0xde: {  	v34 =	vnsel vm14, $0x3F800000, v54  }
0xdf: {  	(erf) = vrcp.f32 v34;
	_ =	sdelay $0x3  }
0xe0: {  	v56 =	vld.idx.msk [tilespmem:v29+s23+$0x0], $0xffff  }
0xe1: {  	v55 =	vld.idx.msk [tilespmem:v28+s23+$0x0], $0xffff;
	_ =	sdelay $0x3  }
0xe2: {  	v58 =	vshll.u32 v56, $0xA;
	v57 =	vpop (erf)  }
0xe3: {  	[tilespmem:$0x4660] =	vst v58;
	v34 =	vshll.u32 v55, $0xA;
	v32 =	vmul.f32 v32, v57  }
0xe4: {  	[tilespmem:$0x44E0] =	vst v34;
	v33 =	vmul.f32 v33, v57  }
0xe5: {  	[tilespmem:$0x47E0] =	vst v32  }
0xe6: {  	[tilespmem:$0x4960] =	vst v33  }
0xe7: {  	v32 =	vld.idx.msk [tilespmem:v30+s24+$0x0], $0xffff  }
0xe8: {  	v33 =	vld.idx.msk [tilespmem:v31+s24+$0x0], $0xffff;
	_ =	sdelay $0x4  }
0xe9: {  	v59 =	vadd.f32 v33, v32;
	_ =	sdelay $0x1  }
0xea: {  	vm15 =	vgt.f32 v59, $0.0e+00  }
0xeb: {  	v34 =	vnsel vm15, $0x3F800000, v59  }
0xec: {  	(erf) = vrcp.f32 v34;
	_ =	sdelay $0x3  }
0xed: {  	v61 =	vld.idx.msk [tilespmem:v31+s23+$0x0], $0xffff  }
0xee: {  	v60 =	vld.idx.msk [tilespmem:v30+s23+$0x0], $0xffff;
	_ =	sdelay $0x3  }
0xef: {  	v63 =	vshll.u32 v61, $0xA;
	v62 =	vpop (erf)  }
0xf0: {  	[tilespmem:$0x4670] =	vst v63;
	v34 =	vshll.u32 v60, $0xA;
	v32 =	vmul.f32 v32, v62  }
0xf1: {  	[tilespmem:$0x44F0] =	vst v34;
	v33 =	vmul.f32 v33, v62  }
0xf2: {  	[tilespmem:$0x47F0] =	vst v32  }
0xf3: {  	s3 =	simm.s32 $0x0;
	s5 =	simm.s32 $0x0;
	s1 =	simm.s32 $0x0;
	[tilespmem:$0x4970] =	vst v33  }
.LBB2_2:
0xf4: {  	v32 =	vld [tilespmem:s5+$0x4400];
	_ =	sdelay $0x1  }
0xf5: {  	v33 =	vld [tilespmem:s5+$0x4580];
	_ =	sdelay $0x2  }
0xf6: {  	(v2sf) =	vpush v32, $0x0;
	_ =	sdelay $0x1  }
0xf7: {  	(v2sf) =	vpush v33, $0x0;
	_ =	sdelay $0xc  }
0xf8: {  	s6 =	spop (v2sf)  }
0xf9: {  	s6 =	sshll.u32 s6, $0x2  }
0xfa: {  	s7 =	spop (v2sf);
	s6 =	sshra.s32 s6, $0x2  }
0xfb: {  	v32 =	vld.msk [tilespmem:s5+$0x4700 ss:$0x0], $0xffff;
	s7 =	sshll.u32 s7, $0x2;
	s8 =	sadd.s32 $0x20, s6  }
0xfc: {  	s10 =	sshra.s32 s7, $0x2;
	v34 =	vld [tilespmem:s8+$0x0]  }
0xfd: {  	s7 =	sadd.s32 $0x20, s10;
	v39 =	vld [tilespmem:s8+$0xFFFFFFE0]  }
0xfe: {  	v35 =	vld [tilespmem:s7+$0x0]  }
0xff: {  	v33 =	vld.msk [tilespmem:s5+$0x4880 ss:$0x0], $0xffff;
	_ =	sdelay $0x1  }
0x100: {  	s12 =	sadd.s32 $0x40, s8;
	v38 =	vld [tilespmem:s7+$0xFFFFFFE0]  }
0x101: {  	s11 =	sshll.u32 s3, $0x2;
	v55 =	vld [tilespmem:s12+$0x0];
	v36 =	vunpack.i.u.bf16.f32 v34  }
0x102: {  	s9 =	sand.u32 $0x7, s1;
	s6 =	sand.u32 $0xFFFF0000, s11;
	s11 =	sadd.s32 $0x40, s7;
	v60 =	vld [tilespmem:s12+$0xFFFFFFE0];
	v34 =	vunpack.i.l.bf16.f32 v34;
	v56 =	vunpack.i.u.bf16.f32 v39;
	v37 =	vunpack.i.l.bf16.f32 v35  }
0x103: {  	s9 =	sshll.u32 s9, $0x9;
	v41 =	vld [tilespmem:s11+$0x0];
	v35 =	vunpack.i.u.bf16.f32 v35;
	v34 =	vmul.f32 v34, v32;
	v37 =	vmul.f32 v37, v33  }
0x104: {  	s6 =	sor.u32 s9, s6;
	v43 =	vld [tilespmem:s11+$0xFFFFFFE0];
	v57 =	vunpack.i.l.bf16.f32 v39;
	v36 =	vmul.f32 v36, v32;
	v35 =	vmul.f32 v35, v33  }
0x105: {  	s6 =	sshrl.u32 s6, $0x2;
	v58 =	vunpack.i.l.bf16.f32 v38;
	v38 =	vunpack.i.u.bf16.f32 v38;
	v34 =	vadd.f32 v37, v34  }
0x106: {  	s6 =	sadd.s32 $0x4A40, s6;
	v39 =	vmul.f32 v58, v33;
	v35 =	vadd.f32 v35, v36;
	v37 =	vmul.f32 v57, v32  }
0x107: {  	s13 =	sadd.s32 $0x40, s11;
	v59 =	vunpack.i.u.bf16.f32 v55;
	v38 =	vmul.f32 v38, v33;
	v36 =	vmul.f32 v56, v32;
	[tilespmem:s6+$0x0] =	vst v34  }
0x108: {  	v63 =	vunpack.i.u.bf16.f32 v60;
	v62 =	vunpack.i.l.bf16.f32 v41;
	v57 =	vld [tilespmem:s13+$0x0];
	[tilespmem:s6+$0x10] =	vst v35;
	v37 =	vadd.f32 v39, v37  }
0x109: {  	v41 =	vunpack.i.u.bf16.f32 v41;
	v47 =	vunpack.i.l.bf16.f32 v43;
	v36 =	vadd.f32 v38, v36;
	v35 =	vld [tilespmem:s8+$0x10]  }
0x10a: {  	v41 =	vmul.f32 v41, v33;
	v34 =	vunpack.i.l.bf16.f32 v55;
	v38 =	vmul.f32 v59, v32;
	v40 =	vld [tilespmem:s7+$0x10];
	[tilespmem:s6+$0xFFFFFFC0] =	vst v37  }
0x10b: {  	v34 =	vmul.f32 v34, v32;
	[tilespmem:s6+$0xFFFFFFD0] =	vst v36;
	v36 =	vmul.f32 v62, v33;
	v37 =	vunpack.i.l.bf16.f32 v60  }
0x10c: {  	v46 =	vunpack.i.u.bf16.f32 v43;
	v49 =	vmul.f32 v47, v33;
	v48 =	vmul.f32 v37, v32  }
0x10d: {  	v52 =	vmul.f32 v46, v33;
	v38 =	vadd.f32 v41, v38;
	v44 =	vld [tilespmem:s8+$0xFFFFFFF0];
	v34 =	vadd.f32 v36, v34  }
0x10e: {  	v45 =	vld [tilespmem:s7+$0xFFFFFFF0];
	s7 =	sadd.s32 $0x400, s6;
	v36 =	vmul.f32 v63, v32;
	v46 =	vadd.f32 v49, v48;
	v49 =	vunpack.i.l.bf16.f32 v57  }
0x10f: {  	s8 =	sadd.s32 $0x40, s12;
	[tilespmem:s7+$0x10] =	vst v38;
	v61 =	vunpack.i.u.bf16.f32 v35;
	v42 =	vunpack.i.u.bf16.f32 v40;
	v35 =	vunpack.i.l.bf16.f32 v35  }
0x110: {  	v51 =	vld [tilespmem:s8+$0x0];
	[tilespmem:s7+$0x0] =	vst v34;
	v38 =	vadd.f32 v52, v36;
	v49 =	vmul.f32 v49, v33;
	v39 =	vmul.f32 v61, v32  }
0x111: {  	v40 =	vunpack.i.l.bf16.f32 v40;
	v42 =	vmul.f32 v42, v33;
	v54 =	vld [tilespmem:s12+$0x10];
	v35 =	vmul.f32 v35, v32  }
0x112: {  	v34 =	vld [tilespmem:s11+$0x10];
	v61 =	vunpack.i.u.bf16.f32 v57;
	v50 =	vunpack.i.u.bf16.f32 v44;
	v53 =	vunpack.i.l.bf16.f32 v44  }
0x113: {  	v55 =	vunpack.i.u.bf16.f32 v45;
	v45 =	vunpack.i.l.bf16.f32 v45;
	v56 =	vmul.f32 v53, v32  }
0x114: {  	v39 =	vadd.f32 v42, v39;
	v45 =	vmul.f32 v45, v33;
	v42 =	vmul.f32 v50, v32  }
0x115: {  	v58 =	vld [tilespmem:s8+$0xFFFFFFE0];
	[tilespmem:s7+$0xFFFFFFC0] =	vst v46;
	v47 =	vmul.f32 v55, v33;
	v59 =	vunpack.i.u.bf16.f32 v51;
	v43 =	vunpack.i.l.bf16.f32 v51  }
0x116: {  	v60 =	vld [tilespmem:s13+$0xFFFFFFE0];
	[tilespmem:s7+$0xFFFFFFD0] =	vst v38;
	v43 =	vmul.f32 v43, v32;
	v62 =	vmul.f32 v59, v32;
	v45 =	vadd.f32 v45, v56  }
0x117: {  	v38 =	vld [tilespmem:s12+$0xFFFFFFF0];
	[tilespmem:s6+$0x30] =	vst v39;
	v39 =	vmul.f32 v61, v33;
	v44 =	vunpack.i.u.bf16.f32 v54;
	v48 =	vunpack.i.u.bf16.f32 v34  }
0x118: {  	v42 =	vadd.f32 v47, v42;
	v44 =	vmul.f32 v44, v32;
	v48 =	vmul.f32 v48, v33  }
0x119: {  	v37 =	vmul.f32 v40, v33;
	v63 =	vadd.f32 v49, v43;
	[tilespmem:s6+$0xFFFFFFE0] =	vst v45;
	v43 =	vadd.f32 v39, v62;
	v39 =	vld [tilespmem:s11+$0xFFFFFFF0]  }
0x11a: {  	s10 =	sadd.s32 $0x400, s7;
	v41 =	vunpack.i.u.bf16.f32 v58;
	v40 =	vunpack.i.l.bf16.f32 v58;
	[tilespmem:s6+$0xFFFFFFF0] =	vst v42;
	v44 =	vadd.f32 v48, v44  }
0x11b: {  	v47 =	vunpack.i.l.bf16.f32 v60;
	v36 =	vunpack.i.l.bf16.f32 v54;
	v42 =	vunpack.i.u.bf16.f32 v60;
	[tilespmem:s10+$0x0] =	vst v63  }
0x11c: {  	s9 =	smov.u32 s13;
	s12 =	simm.s32 $0x80;
	v45 =	vmul.f32 v47, v33;
	s11 =	sadd.s32 $0x40, s8;
	[tilespmem:s7+$0x30] =	vst v44;
	v44 =	vmul.f32 v40, v32;
	v40 =	vunpack.i.u.bf16.f32 v38  }
.LBB2_3:
0x11d: {  	v46 =	vld [tilespmem:s11+$0x0];
	v41 =	vmul.f32 v41, v32;
	v42 =	vmul.f32 v42, v33;
	[tilespmem:s10+$0x10] =	vst v43;
	v38 =	vunpack.i.l.bf16.f32 v38  }
0x11e: {  	v43 =	vadd.f32 v45, v44;
	v44 =	vld [tilespmem:s8+$0x10];
	v45 =	vunpack.i.u.bf16.f32 v39;
	v39 =	vunpack.i.l.bf16.f32 v39  }
0x11f: {  	s9 =	sadd.s32 $0x40, s9;
	v38 =	vmul.f32 v38, v32;
	v41 =	vadd.f32 v42, v41;
	v42 =	vunpack.i.l.bf16.f32 v34;
	v34 =	vld [tilespmem:s13+$0x10]  }
0x120: {  	v40 =	vmul.f32 v40, v32;
	v39 =	vmul.f32 v39, v33;
	v47 =	vld [tilespmem:s9+$0x0];
	[tilespmem:s10+$0xFFFFFFC0] =	vst v43;
	v43 =	vadd.f32 v37, v35  }
0x121: {  	v35 =	vmul.f32 v36, v32;
	v48 =	vld [tilespmem:s9+$0xFFFFFFE0];
	[tilespmem:s10+$0xFFFFFFD0] =	vst v41;
	v41 =	vmul.f32 v45, v33  }
0x122: {  	s12 =	sadd.s32 $0x40, s12;
	v37 =	vmul.f32 v42, v33;
	v49 =	vadd.f32 v39, v38;
	v45 =	vld [tilespmem:s11+$0xFFFFFFE0];
	[tilespmem:s6+$0x20] =	vst v43;
	s6 =	smov.u32 s7;
	s7 =	smov.u32 s10  }
0x123: {  	p0 =	slt.u32 s12, $0x3C0;
	v42 =	vunpack.i.u.bf16.f32 v46;
	v38 =	vld [tilespmem:s8+$0xFFFFFFF0];
	v36 =	vunpack.i.l.bf16.f32 v44;
	v40 =	vadd.f32 v41, v40;
	s8 =	smov.u32 s11  }
0x124: {  	v41 =	vunpack.i.l.bf16.f32 v46;
	v43 =	vunpack.i.u.bf16.f32 v44;
	v39 =	vld [tilespmem:s13+$0xFFFFFFF0];
	v44 =	vunpack.i.u.bf16.f32 v34;
	[tilespmem:s6+$0xFFFFFFE0] =	vst v49;
	s13 =	smov.u32 s9  }
0x125: {  	v43 =	vmul.f32 v43, v32;
	v46 =	vunpack.i.l.bf16.f32 v47;
	v44 =	vmul.f32 v44, v33;
	[tilespmem:s6+$0xFFFFFFF0] =	vst v40  }
.Ltmp0:
0x126: {  	v40 =	vunpack.i.u.bf16.f32 v47;
	v47 =	vmul.f32 v41, v32;
	v46 =	vmul.f32 v46, v33;
	(pc) =	sbr.rel @p0 .LBB2_3-.Ltmp0, $4  }
0x127: {  	v49 =	vmul.f32 v42, v32;
	v40 =	vmul.f32 v40, v33;
	v44 =	vadd.f32 v44, v43  }
0x128: {  	v41 =	vunpack.i.u.bf16.f32 v45;
	v45 =	vunpack.i.l.bf16.f32 v45;
	v46 =	vadd.f32 v46, v47  }
0x129: {  	s10 =	sadd.s32 $0x400, s10;
	v42 =	vunpack.i.u.bf16.f32 v48;
	v47 =	vunpack.i.l.bf16.f32 v48;
	v43 =	vadd.f32 v40, v49;
	[tilespmem:s7+$0x30] =	vst v44  }
0x12a: {  	s11 =	sadd.s32 $0x40, s11;
	v40 =	vunpack.i.u.bf16.f32 v38;
	v44 =	vmul.f32 v45, v32;
	v45 =	vmul.f32 v47, v33;
	[tilespmem:s10+$0x0] =	vst v46  }
0x12b: {  	v41 =	vmul.f32 v41, v32;
	v42 =	vmul.f32 v42, v33;
	[tilespmem:s10+$0x10] =	vst v43  }
0x12c: {  	v61 =	vadd.f32 v45, v44;
	v62 =	vld [tilespmem:s8+$0x10]  }
0x12d: {  	v63 =	vld [tilespmem:s13+$0x10];
	v41 =	vadd.f32 v42, v41  }
0x12e: {  	v38 =	vunpack.i.l.bf16.f32 v38;
	v46 =	vunpack.i.l.bf16.f32 v39;
	[tilespmem:s10+$0xFFFFFFC0] =	vst v61  }
0x12f: {  	v47 =	vunpack.i.u.bf16.f32 v39;
	v40 =	vmul.f32 v40, v32;
	v36 =	vmul.f32 v36, v32;
	[tilespmem:s10+$0xFFFFFFD0] =	vst v41  }
0x130: {  	v34 =	vunpack.i.l.bf16.f32 v34;
	v38 =	vmul.f32 v38, v32;
	v48 =	vmul.f32 v46, v33;
	v49 =	vld [tilespmem:s8+$0xFFFFFFF0]  }
0x131: {  	v35 =	vadd.f32 v37, v35;
	v50 =	vmul.f32 v47, v33;
	v34 =	vmul.f32 v34, v33;
	v51 =	vld [tilespmem:s13+$0xFFFFFFF0]  }
0x132: {  	v38 =	vadd.f32 v48, v38;
	v52 =	vunpack.i.u.bf16.f32 v62;
	v53 =	vunpack.i.u.bf16.f32 v63  }
0x133: {  	v37 =	vadd.f32 v50, v40;
	v41 =	vmul.f32 v52, v32;
	v45 =	vmul.f32 v53, v33  }
0x134: {  	v34 =	vadd.f32 v34, v36;
	v44 =	vunpack.i.l.bf16.f32 v62;
	v58 =	vunpack.i.l.bf16.f32 v63  }
0x135: {  	[tilespmem:s6+$0x20] =	vst v35;
	v61 =	vmul.f32 v44, v32;
	v62 =	vmul.f32 v58, v33;
	v54 =	vadd.f32 v45, v41  }
0x136: {  	s5 =	sadd.s32 $0x1, s5;
	[tilespmem:s7+$0xFFFFFFE0] =	vst v38;
	v55 =	vunpack.i.u.bf16.f32 v49;
	v56 =	vunpack.i.l.bf16.f32 v49;
	v39 =	vunpack.i.l.bf16.f32 v51  }
0x137: {  	p0 =	sne.s32 s5, $0x10;
	[tilespmem:s7+$0xFFFFFFF0] =	vst v37;
	v57 =	vunpack.i.u.bf16.f32 v51;
	v35 =	vmul.f32 v56, v32;
	v39 =	vmul.f32 v39, v33  }
.Ltmp1:
0x138: {  	[tilespmem:s7+$0x20] =	vst v34;
	v59 =	vmul.f32 v55, v32;
	v60 =	vmul.f32 v57, v33;
	v32 =	vadd.f32 v62, v61;
	(pc) =	sbr.rel @p0 .LBB2_2-.Ltmp1, $4  }
0x139: {  	[tilespmem:s10+$0x30] =	vst v54;
	v35 =	vadd.f32 v39, v35  }
0x13a: {  	v63 =	vadd.f32 v60, v59;
	[tilespmem:s10+$0x20] =	vst v32  }
0x13b: {  	[tilespmem:s10+$0xFFFFFFE0] =	vst v35  }
0x13c: {  	s3 =	sadd.s32 $0x800, s3;
	s1 =	sadd.s32 $0x1, s1;
	[tilespmem:s10+$0xFFFFFFF0] =	vst v63  }
0x13d: {  	s1 =	simm.s32 $0x0;
	s3 =	simm.s32 $0x0;
	s5 =	simm.s32 $0x0  }
0x13e: {  	[hbm4b:s4+s1] =	stream.linear.scatter [tilespmem:s28], [sflag:$0x1], $0x8000, $0x38;
	[tilespmem:$0x1CA00] =	vst v63  }
.LBB2_6:
0x13f: {  	v32 =	vld [tilespmem:s5+$0x4410];
	_ =	sdelay $0x1  }
0x140: {  	v33 =	vld [tilespmem:s5+$0x4590];
	_ =	sdelay $0x2  }
0x141: {  	(v2sf) =	vpush v32, $0x0;
	_ =	sdelay $0x1  }
0x142: {  	(v2sf) =	vpush v33, $0x0;
	_ =	sdelay $0xc  }
0x143: {  	s6 =	spop (v2sf)  }
0x144: {  	s6 =	sshll.u32 s6, $0x2  }
0x145: {  	s7 =	spop (v2sf);
	s6 =	sshra.s32 s6, $0x2  }
0x146: {  	v32 =	vld.msk [tilespmem:s5+$0x4710 ss:$0x0], $0xffff;
	s7 =	sshll.u32 s7, $0x2;
	s8 =	sadd.s32 $0x20, s6  }
0x147: {  	s12 =	sshra.s32 s7, $0x2;
	v34 =	vld [tilespmem:s8+$0x0]  }
0x148: {  	s7 =	sadd.s32 $0x20, s12;
	v39 =	vld [tilespmem:s8+$0xFFFFFFE0]  }
0x149: {  	v35 =	vld [tilespmem:s7+$0x0]  }
0x14a: {  	v33 =	vld.msk [tilespmem:s5+$0x4890 ss:$0x0], $0xffff;
	_ =	sdelay $0x1  }
0x14b: {  	s10 =	sadd.s32 $0x40, s8;
	v38 =	vld [tilespmem:s7+$0xFFFFFFE0]  }
0x14c: {  	v55 =	vld [tilespmem:s10+$0x0];
	v36 =	vunpack.i.u.bf16.f32 v34  }
0x14d: {  	s13 =	sshll.u32 s3, $0x2;
	s9 =	sand.u32 $0x7, s1;
	s11 =	sadd.s32 $0x40, s7;
	v60 =	vld [tilespmem:s10+$0xFFFFFFE0];
	v34 =	vunpack.i.l.bf16.f32 v34;
	v56 =	vunpack.i.u.bf16.f32 v39;
	v37 =	vunpack.i.l.bf16.f32 v35  }
0x14e: {  	s9 =	sshll.u32 s9, $0x9;
	s6 =	sand.u32 $0xFFFF0000, s13;
	v41 =	vld [tilespmem:s11+$0x0];
	v35 =	vunpack.i.u.bf16.f32 v35;
	v34 =	vmul.f32 v34, v32;
	v37 =	vmul.f32 v37, v33  }
0x14f: {  	s6 =	sor.u32 s9, s6;
	v43 =	vld [tilespmem:s11+$0xFFFFFFE0];
	v57 =	vunpack.i.l.bf16.f32 v39;
	v36 =	vmul.f32 v36, v32;
	v35 =	vmul.f32 v35, v33  }
0x150: {  	s6 =	sshrl.u32 s6, $0x2;
	v58 =	vunpack.i.l.bf16.f32 v38;
	v38 =	vunpack.i.u.bf16.f32 v38;
	v34 =	vadd.f32 v37, v34  }
0x151: {  	s6 =	sadd.s32 $0xCA40, s6;
	v39 =	vmul.f32 v58, v33;
	v35 =	vadd.f32 v35, v36;
	v37 =	vmul.f32 v57, v32  }
0x152: {  	s9 =	sadd.s32 $0x40, s11;
	v59 =	vunpack.i.u.bf16.f32 v55;
	v38 =	vmul.f32 v38, v33;
	v36 =	vmul.f32 v56, v32;
	[tilespmem:s6+$0x0] =	vst v34  }
0x153: {  	v63 =	vunpack.i.u.bf16.f32 v60;
	v62 =	vunpack.i.l.bf16.f32 v41;
	v57 =	vld [tilespmem:s9+$0x0];
	[tilespmem:s6+$0x10] =	vst v35;
	v37 =	vadd.f32 v39, v37  }
0x154: {  	v41 =	vunpack.i.u.bf16.f32 v41;
	v47 =	vunpack.i.l.bf16.f32 v43;
	v36 =	vadd.f32 v38, v36;
	v35 =	vld [tilespmem:s8+$0x10]  }
0x155: {  	v41 =	vmul.f32 v41, v33;
	v34 =	vunpack.i.l.bf16.f32 v55;
	v38 =	vmul.f32 v59, v32;
	v40 =	vld [tilespmem:s7+$0x10];
	[tilespmem:s6+$0xFFFFFFC0] =	vst v37  }
0x156: {  	v34 =	vmul.f32 v34, v32;
	[tilespmem:s6+$0xFFFFFFD0] =	vst v36;
	v36 =	vmul.f32 v62, v33;
	v37 =	vunpack.i.l.bf16.f32 v60  }
0x157: {  	v46 =	vunpack.i.u.bf16.f32 v43;
	v49 =	vmul.f32 v47, v33;
	v48 =	vmul.f32 v37, v32  }
0x158: {  	v52 =	vmul.f32 v46, v33;
	v38 =	vadd.f32 v41, v38;
	v44 =	vld [tilespmem:s8+$0xFFFFFFF0];
	v34 =	vadd.f32 v36, v34  }
0x159: {  	v45 =	vld [tilespmem:s7+$0xFFFFFFF0];
	s7 =	sadd.s32 $0x400, s6;
	v36 =	vmul.f32 v63, v32;
	v46 =	vadd.f32 v49, v48;
	v49 =	vunpack.i.l.bf16.f32 v57  }
0x15a: {  	s8 =	sadd.s32 $0x40, s10;
	[tilespmem:s7+$0x10] =	vst v38;
	v61 =	vunpack.i.u.bf16.f32 v35;
	v42 =	vunpack.i.u.bf16.f32 v40;
	v35 =	vunpack.i.l.bf16.f32 v35  }
0x15b: {  	v51 =	vld [tilespmem:s8+$0x0];
	[tilespmem:s7+$0x0] =	vst v34;
	v38 =	vadd.f32 v52, v36;
	v49 =	vmul.f32 v49, v33;
	v39 =	vmul.f32 v61, v32  }
0x15c: {  	v40 =	vunpack.i.l.bf16.f32 v40;
	v42 =	vmul.f32 v42, v33;
	v54 =	vld [tilespmem:s10+$0x10];
	v35 =	vmul.f32 v35, v32  }
0x15d: {  	v34 =	vld [tilespmem:s11+$0x10];
	v61 =	vunpack.i.u.bf16.f32 v57;
	v50 =	vunpack.i.u.bf16.f32 v44;
	v53 =	vunpack.i.l.bf16.f32 v44  }
0x15e: {  	v55 =	vunpack.i.u.bf16.f32 v45;
	v45 =	vunpack.i.l.bf16.f32 v45;
	v56 =	vmul.f32 v53, v32  }
0x15f: {  	v39 =	vadd.f32 v42, v39;
	v45 =	vmul.f32 v45, v33;
	v42 =	vmul.f32 v50, v32  }
0x160: {  	v58 =	vld [tilespmem:s8+$0xFFFFFFE0];
	[tilespmem:s7+$0xFFFFFFC0] =	vst v46;
	v47 =	vmul.f32 v55, v33;
	v59 =	vunpack.i.u.bf16.f32 v51;
	v43 =	vunpack.i.l.bf16.f32 v51  }
0x161: {  	v60 =	vld [tilespmem:s9+$0xFFFFFFE0];
	[tilespmem:s7+$0xFFFFFFD0] =	vst v38;
	v43 =	vmul.f32 v43, v32;
	v62 =	vmul.f32 v59, v32;
	v45 =	vadd.f32 v45, v56  }
0x162: {  	v38 =	vld [tilespmem:s10+$0xFFFFFFF0];
	[tilespmem:s6+$0x30] =	vst v39;
	v39 =	vmul.f32 v61, v33;
	v44 =	vunpack.i.u.bf16.f32 v54;
	v48 =	vunpack.i.u.bf16.f32 v34  }
0x163: {  	v42 =	vadd.f32 v47, v42;
	v44 =	vmul.f32 v44, v32;
	v48 =	vmul.f32 v48, v33  }
0x164: {  	v37 =	vmul.f32 v40, v33;
	v63 =	vadd.f32 v49, v43;
	[tilespmem:s6+$0xFFFFFFE0] =	vst v45;
	v43 =	vadd.f32 v39, v62;
	v39 =	vld [tilespmem:s11+$0xFFFFFFF0]  }
0x165: {  	v41 =	vunpack.i.u.bf16.f32 v58;
	v40 =	vunpack.i.l.bf16.f32 v58;
	s10 =	sadd.s32 $0x400, s7;
	[tilespmem:s6+$0xFFFFFFF0] =	vst v42;
	v44 =	vadd.f32 v48, v44  }
0x166: {  	v47 =	vunpack.i.l.bf16.f32 v60;
	v36 =	vunpack.i.l.bf16.f32 v54;
	v42 =	vunpack.i.u.bf16.f32 v60;
	[tilespmem:s10+$0x0] =	vst v63  }
0x167: {  	s12 =	simm.s32 $0x80;
	s13 =	smov.u32 s9;
	v45 =	vmul.f32 v47, v33;
	s11 =	sadd.s32 $0x40, s8;
	[tilespmem:s7+$0x30] =	vst v44;
	v44 =	vmul.f32 v40, v32;
	v40 =	vunpack.i.u.bf16.f32 v38  }
.LBB2_7:
0x168: {  	v46 =	vld [tilespmem:s11+$0x0];
	v41 =	vmul.f32 v41, v32;
	v42 =	vmul.f32 v42, v33;
	[tilespmem:s10+$0x10] =	vst v43;
	v38 =	vunpack.i.l.bf16.f32 v38  }
0x169: {  	v43 =	vadd.f32 v45, v44;
	v44 =	vld [tilespmem:s8+$0x10];
	v45 =	vunpack.i.u.bf16.f32 v39;
	v39 =	vunpack.i.l.bf16.f32 v39  }
0x16a: {  	s13 =	sadd.s32 $0x40, s13;
	v38 =	vmul.f32 v38, v32;
	v41 =	vadd.f32 v42, v41;
	v42 =	vunpack.i.l.bf16.f32 v34;
	v34 =	vld [tilespmem:s9+$0x10]  }
0x16b: {  	v40 =	vmul.f32 v40, v32;
	v39 =	vmul.f32 v39, v33;
	v47 =	vld [tilespmem:s13+$0x0];
	[tilespmem:s10+$0xFFFFFFC0] =	vst v43;
	v43 =	vadd.f32 v37, v35  }
0x16c: {  	v35 =	vmul.f32 v36, v32;
	v48 =	vld [tilespmem:s13+$0xFFFFFFE0];
	[tilespmem:s10+$0xFFFFFFD0] =	vst v41;
	v41 =	vmul.f32 v45, v33  }
0x16d: {  	s12 =	sadd.s32 $0x40, s12;
	v37 =	vmul.f32 v42, v33;
	v49 =	vadd.f32 v39, v38;
	v45 =	vld [tilespmem:s11+$0xFFFFFFE0];
	[tilespmem:s6+$0x20] =	vst v43;
	s6 =	smov.u32 s7;
	s7 =	smov.u32 s10  }
0x16e: {  	p0 =	slt.u32 s12, $0x3C0;
	v42 =	vunpack.i.u.bf16.f32 v46;
	v38 =	vld [tilespmem:s8+$0xFFFFFFF0];
	v36 =	vunpack.i.l.bf16.f32 v44;
	v40 =	vadd.f32 v41, v40;
	s8 =	smov.u32 s11  }
0x16f: {  	v41 =	vunpack.i.l.bf16.f32 v46;
	v43 =	vunpack.i.u.bf16.f32 v44;
	v39 =	vld [tilespmem:s9+$0xFFFFFFF0];
	v44 =	vunpack.i.u.bf16.f32 v34;
	[tilespmem:s6+$0xFFFFFFE0] =	vst v49;
	s9 =	smov.u32 s13  }
0x170: {  	v43 =	vmul.f32 v43, v32;
	v46 =	vunpack.i.l.bf16.f32 v47;
	v44 =	vmul.f32 v44, v33;
	[tilespmem:s6+$0xFFFFFFF0] =	vst v40  }
.Ltmp2:
0x171: {  	v40 =	vunpack.i.u.bf16.f32 v47;
	v47 =	vmul.f32 v41, v32;
	v46 =	vmul.f32 v46, v33;
	(pc) =	sbr.rel @p0 .LBB2_7-.Ltmp2, $4  }
0x172: {  	v49 =	vmul.f32 v42, v32;
	v40 =	vmul.f32 v40, v33;
	v44 =	vadd.f32 v44, v43  }
0x173: {  	v41 =	vunpack.i.u.bf16.f32 v45;
	v45 =	vunpack.i.l.bf16.f32 v45;
	v46 =	vadd.f32 v46, v47  }
0x174: {  	s10 =	sadd.s32 $0x400, s10;
	v42 =	vunpack.i.u.bf16.f32 v48;
	v47 =	vunpack.i.l.bf16.f32 v48;
	v43 =	vadd.f32 v40, v49;
	[tilespmem:s7+$0x30] =	vst v44  }
0x175: {  	s11 =	sadd.s32 $0x40, s11;
	v40 =	vunpack.i.u.bf16.f32 v38;
	v44 =	vmul.f32 v45, v32;
	v45 =	vmul.f32 v47, v33;
	[tilespmem:s10+$0x0] =	vst v46  }
0x176: {  	v41 =	vmul.f32 v41, v32;
	v42 =	vmul.f32 v42, v33;
	[tilespmem:s10+$0x10] =	vst v43  }
0x177: {  	v61 =	vadd.f32 v45, v44;
	v62 =	vld [tilespmem:s8+$0x10]  }
0x178: {  	v63 =	vld [tilespmem:s9+$0x10];
	v41 =	vadd.f32 v42, v41  }
0x179: {  	v38 =	vunpack.i.l.bf16.f32 v38;
	v46 =	vunpack.i.l.bf16.f32 v39;
	[tilespmem:s10+$0xFFFFFFC0] =	vst v61  }
0x17a: {  	v47 =	vunpack.i.u.bf16.f32 v39;
	v40 =	vmul.f32 v40, v32;
	v36 =	vmul.f32 v36, v32;
	[tilespmem:s10+$0xFFFFFFD0] =	vst v41  }
0x17b: {  	v34 =	vunpack.i.l.bf16.f32 v34;
	v38 =	vmul.f32 v38, v32;
	v48 =	vmul.f32 v46, v33;
	v49 =	vld [tilespmem:s8+$0xFFFFFFF0]  }
0x17c: {  	v35 =	vadd.f32 v37, v35;
	v50 =	vmul.f32 v47, v33;
	v34 =	vmul.f32 v34, v33;
	v51 =	vld [tilespmem:s9+$0xFFFFFFF0]  }
0x17d: {  	v38 =	vadd.f32 v48, v38;
	v52 =	vunpack.i.u.bf16.f32 v62;
	v53 =	vunpack.i.u.bf16.f32 v63  }
0x17e: {  	v37 =	vadd.f32 v50, v40;
	v41 =	vmul.f32 v52, v32;
	v45 =	vmul.f32 v53, v33  }
0x17f: {  	v34 =	vadd.f32 v34, v36;
	v44 =	vunpack.i.l.bf16.f32 v62;
	v58 =	vunpack.i.l.bf16.f32 v63  }
0x180: {  	[tilespmem:s6+$0x20] =	vst v35;
	v61 =	vmul.f32 v44, v32;
	v62 =	vmul.f32 v58, v33;
	v54 =	vadd.f32 v45, v41  }
0x181: {  	s5 =	sadd.s32 $0x1, s5;
	[tilespmem:s7+$0xFFFFFFE0] =	vst v38;
	v55 =	vunpack.i.u.bf16.f32 v49;
	v56 =	vunpack.i.l.bf16.f32 v49;
	v39 =	vunpack.i.l.bf16.f32 v51  }
0x182: {  	p0 =	sne.s32 s5, $0x10;
	[tilespmem:s7+$0xFFFFFFF0] =	vst v37;
	v57 =	vunpack.i.u.bf16.f32 v51;
	v35 =	vmul.f32 v56, v32;
	v39 =	vmul.f32 v39, v33  }
.Ltmp3:
0x183: {  	[tilespmem:s7+$0x20] =	vst v34;
	v59 =	vmul.f32 v55, v32;
	v60 =	vmul.f32 v57, v33;
	v32 =	vadd.f32 v62, v61;
	(pc) =	sbr.rel @p0 .LBB2_6-.Ltmp3, $4  }
0x184: {  	[tilespmem:s10+$0x30] =	vst v54;
	v35 =	vadd.f32 v39, v35  }
0x185: {  	v63 =	vadd.f32 v60, v59;
	[tilespmem:s10+$0x20] =	vst v32  }
0x186: {  	[tilespmem:s10+$0xFFFFFFE0] =	vst v35  }
0x187: {  	s3 =	sadd.s32 $0x800, s3;
	s1 =	sadd.s32 $0x1, s1;
	[tilespmem:s10+$0xFFFFFFF0] =	vst v63  }
0x188: {  	s1 =	simm.s32 $0x0;
	s3 =	rddreg [dreg:$0x6]  }
0x189: {  	[hbm4b:s3+s1] =	stream.linear.scatter [tilespmem:s29], [sflag:$0x2], $0x8000, $0x38;
	[tilespmem:$0x1CA00] =	vst v63  }
0x18a: {  	s5 =	simm.s32 $0x0;
	s3 =	simm.s32 $0x0  }
.LBB2_10:
0x18b: {  	v32 =	vld [tilespmem:s5+$0x4420];
	_ =	sdelay $0x1  }
0x18c: {  	v33 =	vld [tilespmem:s5+$0x45A0];
	_ =	sdelay $0x2  }
0x18d: {  	(v2sf) =	vpush v32, $0x0;
	_ =	sdelay $0x1  }
0x18e: {  	(v2sf) =	vpush v33, $0x0;
	_ =	sdelay $0xc  }
0x18f: {  	s6 =	spop (v2sf)  }
0x190: {  	s6 =	sshll.u32 s6, $0x2  }
0x191: {  	s7 =	spop (v2sf);
	s6 =	sshra.s32 s6, $0x2  }
0x192: {  	v32 =	vld.msk [tilespmem:s5+$0x4720 ss:$0x0], $0xffff;
	s7 =	sshll.u32 s7, $0x2;
	s8 =	sadd.s32 $0x20, s6  }
0x193: {  	s12 =	sshra.s32 s7, $0x2;
	v34 =	vld [tilespmem:s8+$0x0]  }
0x194: {  	s7 =	sadd.s32 $0x20, s12;
	v39 =	vld [tilespmem:s8+$0xFFFFFFE0]  }
0x195: {  	v35 =	vld [tilespmem:s7+$0x0]  }
0x196: {  	v33 =	vld.msk [tilespmem:s5+$0x48A0 ss:$0x0], $0xffff;
	_ =	sdelay $0x1  }
0x197: {  	s10 =	sadd.s32 $0x40, s8;
	v38 =	vld [tilespmem:s7+$0xFFFFFFE0]  }
0x198: {  	v55 =	vld [tilespmem:s10+$0x0];
	v36 =	vunpack.i.u.bf16.f32 v34  }
0x199: {  	s13 =	sshll.u32 s3, $0x2;
	s9 =	sand.u32 $0x7, s1;
	s11 =	sadd.s32 $0x40, s7;
	v60 =	vld [tilespmem:s10+$0xFFFFFFE0];
	v34 =	vunpack.i.l.bf16.f32 v34;
	v56 =	vunpack.i.u.bf16.f32 v39;
	v37 =	vunpack.i.l.bf16.f32 v35  }
0x19a: {  	s9 =	sshll.u32 s9, $0x9;
	s6 =	sand.u32 $0xFFFF0000, s13;
	v41 =	vld [tilespmem:s11+$0x0];
	v35 =	vunpack.i.u.bf16.f32 v35;
	v34 =	vmul.f32 v34, v32;
	v37 =	vmul.f32 v37, v33  }
0x19b: {  	s6 =	sor.u32 s9, s6;
	v43 =	vld [tilespmem:s11+$0xFFFFFFE0];
	v57 =	vunpack.i.l.bf16.f32 v39;
	v36 =	vmul.f32 v36, v32;
	v35 =	vmul.f32 v35, v33  }
0x19c: {  	s6 =	sshrl.u32 s6, $0x2;
	v58 =	vunpack.i.l.bf16.f32 v38;
	v38 =	vunpack.i.u.bf16.f32 v38;
	v34 =	vadd.f32 v37, v34  }
0x19d: {  	s6 =	sadd.s32 $0x14A40, s6;
	v39 =	vmul.f32 v58, v33;
	v35 =	vadd.f32 v35, v36;
	v37 =	vmul.f32 v57, v32  }
0x19e: {  	s9 =	sadd.s32 $0x40, s11;
	v59 =	vunpack.i.u.bf16.f32 v55;
	v38 =	vmul.f32 v38, v33;
	v36 =	vmul.f32 v56, v32;
	[tilespmem:s6+$0x0] =	vst v34  }
0x19f: {  	v63 =	vunpack.i.u.bf16.f32 v60;
	v62 =	vunpack.i.l.bf16.f32 v41;
	v57 =	vld [tilespmem:s9+$0x0];
	[tilespmem:s6+$0x10] =	vst v35;
	v37 =	vadd.f32 v39, v37  }
0x1a0: {  	v41 =	vunpack.i.u.bf16.f32 v41;
	v47 =	vunpack.i.l.bf16.f32 v43;
	v36 =	vadd.f32 v38, v36;
	v35 =	vld [tilespmem:s8+$0x10]  }
0x1a1: {  	v41 =	vmul.f32 v41, v33;
	v34 =	vunpack.i.l.bf16.f32 v55;
	v38 =	vmul.f32 v59, v32;
	v40 =	vld [tilespmem:s7+$0x10];
	[tilespmem:s6+$0xFFFFFFC0] =	vst v37  }
0x1a2: {  	v34 =	vmul.f32 v34, v32;
	[tilespmem:s6+$0xFFFFFFD0] =	vst v36;
	v36 =	vmul.f32 v62, v33;
	v37 =	vunpack.i.l.bf16.f32 v60  }
0x1a3: {  	v46 =	vunpack.i.u.bf16.f32 v43;
	v49 =	vmul.f32 v47, v33;
	v48 =	vmul.f32 v37, v32  }
0x1a4: {  	v52 =	vmul.f32 v46, v33;
	v38 =	vadd.f32 v41, v38;
	v44 =	vld [tilespmem:s8+$0xFFFFFFF0];
	v34 =	vadd.f32 v36, v34  }
0x1a5: {  	v45 =	vld [tilespmem:s7+$0xFFFFFFF0];
	s7 =	sadd.s32 $0x400, s6;
	v36 =	vmul.f32 v63, v32;
	v46 =	vadd.f32 v49, v48;
	v49 =	vunpack.i.l.bf16.f32 v57  }
0x1a6: {  	s8 =	sadd.s32 $0x40, s10;
	[tilespmem:s7+$0x10] =	vst v38;
	v61 =	vunpack.i.u.bf16.f32 v35;
	v42 =	vunpack.i.u.bf16.f32 v40;
	v35 =	vunpack.i.l.bf16.f32 v35  }
0x1a7: {  	v51 =	vld [tilespmem:s8+$0x0];
	[tilespmem:s7+$0x0] =	vst v34;
	v38 =	vadd.f32 v52, v36;
	v49 =	vmul.f32 v49, v33;
	v39 =	vmul.f32 v61, v32  }
0x1a8: {  	v40 =	vunpack.i.l.bf16.f32 v40;
	v42 =	vmul.f32 v42, v33;
	v54 =	vld [tilespmem:s10+$0x10];
	v35 =	vmul.f32 v35, v32  }
0x1a9: {  	v34 =	vld [tilespmem:s11+$0x10];
	v61 =	vunpack.i.u.bf16.f32 v57;
	v50 =	vunpack.i.u.bf16.f32 v44;
	v53 =	vunpack.i.l.bf16.f32 v44  }
0x1aa: {  	v55 =	vunpack.i.u.bf16.f32 v45;
	v45 =	vunpack.i.l.bf16.f32 v45;
	v56 =	vmul.f32 v53, v32  }
0x1ab: {  	v39 =	vadd.f32 v42, v39;
	v45 =	vmul.f32 v45, v33;
	v42 =	vmul.f32 v50, v32  }
0x1ac: {  	v58 =	vld [tilespmem:s8+$0xFFFFFFE0];
	[tilespmem:s7+$0xFFFFFFC0] =	vst v46;
	v47 =	vmul.f32 v55, v33;
	v59 =	vunpack.i.u.bf16.f32 v51;
	v43 =	vunpack.i.l.bf16.f32 v51  }
0x1ad: {  	v60 =	vld [tilespmem:s9+$0xFFFFFFE0];
	[tilespmem:s7+$0xFFFFFFD0] =	vst v38;
	v43 =	vmul.f32 v43, v32;
	v62 =	vmul.f32 v59, v32;
	v45 =	vadd.f32 v45, v56  }
0x1ae: {  	v38 =	vld [tilespmem:s10+$0xFFFFFFF0];
	[tilespmem:s6+$0x30] =	vst v39;
	v39 =	vmul.f32 v61, v33;
	v44 =	vunpack.i.u.bf16.f32 v54;
	v48 =	vunpack.i.u.bf16.f32 v34  }
0x1af: {  	v42 =	vadd.f32 v47, v42;
	v44 =	vmul.f32 v44, v32;
	v48 =	vmul.f32 v48, v33  }
0x1b0: {  	v37 =	vmul.f32 v40, v33;
	v63 =	vadd.f32 v49, v43;
	[tilespmem:s6+$0xFFFFFFE0] =	vst v45;
	v43 =	vadd.f32 v39, v62;
	v39 =	vld [tilespmem:s11+$0xFFFFFFF0]  }
0x1b1: {  	v41 =	vunpack.i.u.bf16.f32 v58;
	v40 =	vunpack.i.l.bf16.f32 v58;
	s10 =	sadd.s32 $0x400, s7;
	[tilespmem:s6+$0xFFFFFFF0] =	vst v42;
	v44 =	vadd.f32 v48, v44  }
0x1b2: {  	v47 =	vunpack.i.l.bf16.f32 v60;
	v36 =	vunpack.i.l.bf16.f32 v54;
	v42 =	vunpack.i.u.bf16.f32 v60;
	[tilespmem:s10+$0x0] =	vst v63  }
0x1b3: {  	s12 =	simm.s32 $0x80;
	s13 =	smov.u32 s9;
	v45 =	vmul.f32 v47, v33;
	s11 =	sadd.s32 $0x40, s8;
	[tilespmem:s7+$0x30] =	vst v44;
	v44 =	vmul.f32 v40, v32;
	v40 =	vunpack.i.u.bf16.f32 v38  }
.LBB2_11:
0x1b4: {  	v46 =	vld [tilespmem:s11+$0x0];
	v41 =	vmul.f32 v41, v32;
	v42 =	vmul.f32 v42, v33;
	[tilespmem:s10+$0x10] =	vst v43;
	v38 =	vunpack.i.l.bf16.f32 v38  }
0x1b5: {  	v43 =	vadd.f32 v45, v44;
	v44 =	vld [tilespmem:s8+$0x10];
	v45 =	vunpack.i.u.bf16.f32 v39;
	v39 =	vunpack.i.l.bf16.f32 v39  }
0x1b6: {  	s13 =	sadd.s32 $0x40, s13;
	v38 =	vmul.f32 v38, v32;
	v41 =	vadd.f32 v42, v41;
	v42 =	vunpack.i.l.bf16.f32 v34;
	v34 =	vld [tilespmem:s9+$0x10]  }
0x1b7: {  	v40 =	vmul.f32 v40, v32;
	v39 =	vmul.f32 v39, v33;
	v47 =	vld [tilespmem:s13+$0x0];
	[tilespmem:s10+$0xFFFFFFC0] =	vst v43;
	v43 =	vadd.f32 v37, v35  }
0x1b8: {  	v35 =	vmul.f32 v36, v32;
	v48 =	vld [tilespmem:s13+$0xFFFFFFE0];
	[tilespmem:s10+$0xFFFFFFD0] =	vst v41;
	v41 =	vmul.f32 v45, v33  }
0x1b9: {  	s12 =	sadd.s32 $0x40, s12;
	v37 =	vmul.f32 v42, v33;
	v49 =	vadd.f32 v39, v38;
	v45 =	vld [tilespmem:s11+$0xFFFFFFE0];
	[tilespmem:s6+$0x20] =	vst v43;
	s6 =	smov.u32 s7;
	s7 =	smov.u32 s10  }
0x1ba: {  	p0 =	slt.u32 s12, $0x3C0;
	v42 =	vunpack.i.u.bf16.f32 v46;
	v38 =	vld [tilespmem:s8+$0xFFFFFFF0];
	v36 =	vunpack.i.l.bf16.f32 v44;
	v40 =	vadd.f32 v41, v40;
	s8 =	smov.u32 s11  }
0x1bb: {  	v41 =	vunpack.i.l.bf16.f32 v46;
	v43 =	vunpack.i.u.bf16.f32 v44;
	v39 =	vld [tilespmem:s9+$0xFFFFFFF0];
	v44 =	vunpack.i.u.bf16.f32 v34;
	[tilespmem:s6+$0xFFFFFFE0] =	vst v49;
	s9 =	smov.u32 s13  }
0x1bc: {  	v43 =	vmul.f32 v43, v32;
	v46 =	vunpack.i.l.bf16.f32 v47;
	v44 =	vmul.f32 v44, v33;
	[tilespmem:s6+$0xFFFFFFF0] =	vst v40  }
.Ltmp4:
0x1bd: {  	v40 =	vunpack.i.u.bf16.f32 v47;
	v47 =	vmul.f32 v41, v32;
	v46 =	vmul.f32 v46, v33;
	(pc) =	sbr.rel @p0 .LBB2_11-.Ltmp4, $4  }
0x1be: {  	v49 =	vmul.f32 v42, v32;
	v40 =	vmul.f32 v40, v33;
	v44 =	vadd.f32 v44, v43  }
0x1bf: {  	v41 =	vunpack.i.u.bf16.f32 v45;
	v45 =	vunpack.i.l.bf16.f32 v45;
	v46 =	vadd.f32 v46, v47  }
0x1c0: {  	s10 =	sadd.s32 $0x400, s10;
	v42 =	vunpack.i.u.bf16.f32 v48;
	v47 =	vunpack.i.l.bf16.f32 v48;
	v43 =	vadd.f32 v40, v49;
	[tilespmem:s7+$0x30] =	vst v44  }
0x1c1: {  	s11 =	sadd.s32 $0x40, s11;
	v40 =	vunpack.i.u.bf16.f32 v38;
	v44 =	vmul.f32 v45, v32;
	v45 =	vmul.f32 v47, v33;
	[tilespmem:s10+$0x0] =	vst v46  }
0x1c2: {  	v41 =	vmul.f32 v41, v32;
	v42 =	vmul.f32 v42, v33;
	[tilespmem:s10+$0x10] =	vst v43  }
0x1c3: {  	v61 =	vadd.f32 v45, v44;
	v62 =	vld [tilespmem:s8+$0x10]  }
0x1c4: {  	v63 =	vld [tilespmem:s9+$0x10];
	v41 =	vadd.f32 v42, v41  }
0x1c5: {  	v38 =	vunpack.i.l.bf16.f32 v38;
	v46 =	vunpack.i.l.bf16.f32 v39;
	[tilespmem:s10+$0xFFFFFFC0] =	vst v61  }
0x1c6: {  	v47 =	vunpack.i.u.bf16.f32 v39;
	v40 =	vmul.f32 v40, v32;
	v36 =	vmul.f32 v36, v32;
	[tilespmem:s10+$0xFFFFFFD0] =	vst v41  }
0x1c7: {  	v34 =	vunpack.i.l.bf16.f32 v34;
	v38 =	vmul.f32 v38, v32;
	v48 =	vmul.f32 v46, v33;
	v49 =	vld [tilespmem:s8+$0xFFFFFFF0]  }
0x1c8: {  	v35 =	vadd.f32 v37, v35;
	v50 =	vmul.f32 v47, v33;
	v34 =	vmul.f32 v34, v33;
	v51 =	vld [tilespmem:s9+$0xFFFFFFF0]  }
0x1c9: {  	v38 =	vadd.f32 v48, v38;
	v52 =	vunpack.i.u.bf16.f32 v62;
	v53 =	vunpack.i.u.bf16.f32 v63  }
0x1ca: {  	v37 =	vadd.f32 v50, v40;
	v41 =	vmul.f32 v52, v32;
	v45 =	vmul.f32 v53, v33  }
0x1cb: {  	v34 =	vadd.f32 v34, v36;
	v44 =	vunpack.i.l.bf16.f32 v62;
	v58 =	vunpack.i.l.bf16.f32 v63  }
0x1cc: {  	[tilespmem:s6+$0x20] =	vst v35;
	v61 =	vmul.f32 v44, v32;
	v62 =	vmul.f32 v58, v33;
	v54 =	vadd.f32 v45, v41  }
0x1cd: {  	s5 =	sadd.s32 $0x1, s5;
	[tilespmem:s7+$0xFFFFFFE0] =	vst v38;
	v55 =	vunpack.i.u.bf16.f32 v49;
	v56 =	vunpack.i.l.bf16.f32 v49;
	v39 =	vunpack.i.l.bf16.f32 v51  }
0x1ce: {  	p0 =	sne.s32 s5, $0x10;
	[tilespmem:s7+$0xFFFFFFF0] =	vst v37;
	v57 =	vunpack.i.u.bf16.f32 v51;
	v35 =	vmul.f32 v56, v32;
	v39 =	vmul.f32 v39, v33  }
.Ltmp5:
0x1cf: {  	[tilespmem:s7+$0x20] =	vst v34;
	v59 =	vmul.f32 v55, v32;
	v60 =	vmul.f32 v57, v33;
	v32 =	vadd.f32 v62, v61;
	(pc) =	sbr.rel @p0 .LBB2_10-.Ltmp5, $4  }
0x1d0: {  	[tilespmem:s10+$0x30] =	vst v54;
	v35 =	vadd.f32 v39, v35  }
0x1d1: {  	v63 =	vadd.f32 v60, v59;
	[tilespmem:s10+$0x20] =	vst v32  }
0x1d2: {  	[tilespmem:s10+$0xFFFFFFE0] =	vst v35  }
0x1d3: {  	s3 =	sadd.s32 $0x800, s3;
	s1 =	sadd.s32 $0x1, s1;
	[tilespmem:s10+$0xFFFFFFF0] =	vst v63  }
0x1d4: {  	s1 =	simm.s32 $0x0;
	s3 =	rddreg [dreg:$0x7]  }
0x1d5: {  	[hbm4b:s3+s1] =	stream.linear.scatter [tilespmem:s30], [sflag:$0x3], $0x8000, $0x38;
	[tilespmem:$0x1CA00] =	vst v63  }
0x1d6: {  	_ =	swait.ge [sflag:s26], $0x8000  }
0x1d7: {  	[sflag:s26] =	ssyncset.done $0x0  }
0x1d8: {  	s5 =	simm.s32 $0x0;
	s3 =	simm.s32 $0x0;
	[sflag:s26] =	ssyncadd.s32 $0xFFFF8000  }
.LBB2_14:
0x1d9: {  	v32 =	vld [tilespmem:s5+$0x4430];
	_ =	sdelay $0x1  }
0x1da: {  	v33 =	vld [tilespmem:s5+$0x45B0];
	_ =	sdelay $0x2  }
0x1db: {  	(v2sf) =	vpush v32, $0x0;
	_ =	sdelay $0x1  }
0x1dc: {  	(v2sf) =	vpush v33, $0x0;
	_ =	sdelay $0xc  }
0x1dd: {  	s6 =	spop (v2sf)  }
0x1de: {  	s6 =	sshll.u32 s6, $0x2  }
0x1df: {  	s7 =	spop (v2sf);
	s6 =	sshra.s32 s6, $0x2  }
0x1e0: {  	v32 =	vld.msk [tilespmem:s5+$0x4730 ss:$0x0], $0xffff;
	s7 =	sshll.u32 s7, $0x2;
	s8 =	sadd.s32 $0x20, s6  }
0x1e1: {  	s12 =	sshra.s32 s7, $0x2;
	v34 =	vld [tilespmem:s8+$0x0]  }
0x1e2: {  	s7 =	sadd.s32 $0x20, s12;
	v39 =	vld [tilespmem:s8+$0xFFFFFFE0]  }
0x1e3: {  	v35 =	vld [tilespmem:s7+$0x0]  }
0x1e4: {  	v33 =	vld.msk [tilespmem:s5+$0x48B0 ss:$0x0], $0xffff;
	_ =	sdelay $0x1  }
0x1e5: {  	s10 =	sadd.s32 $0x40, s8;
	v38 =	vld [tilespmem:s7+$0xFFFFFFE0]  }
0x1e6: {  	v55 =	vld [tilespmem:s10+$0x0];
	v36 =	vunpack.i.u.bf16.f32 v34  }
0x1e7: {  	s13 =	sshll.u32 s3, $0x2;
	s9 =	sand.u32 $0x7, s1;
	s11 =	sadd.s32 $0x40, s7;
	v60 =	vld [tilespmem:s10+$0xFFFFFFE0];
	v34 =	vunpack.i.l.bf16.f32 v34;
	v56 =	vunpack.i.u.bf16.f32 v39;
	v37 =	vunpack.i.l.bf16.f32 v35  }
0x1e8: {  	s9 =	sshll.u32 s9, $0x9;
	s6 =	sand.u32 $0xFFFF0000, s13;
	v41 =	vld [tilespmem:s11+$0x0];
	v35 =	vunpack.i.u.bf16.f32 v35;
	v34 =	vmul.f32 v34, v32;
	v37 =	vmul.f32 v37, v33  }
0x1e9: {  	s6 =	sor.u32 s9, s6;
	v43 =	vld [tilespmem:s11+$0xFFFFFFE0];
	v57 =	vunpack.i.l.bf16.f32 v39;
	v36 =	vmul.f32 v36, v32;
	v35 =	vmul.f32 v35, v33  }
0x1ea: {  	s6 =	sshrl.u32 s6, $0x2;
	v58 =	vunpack.i.l.bf16.f32 v38;
	v38 =	vunpack.i.u.bf16.f32 v38;
	v34 =	vadd.f32 v37, v34  }
0x1eb: {  	s6 =	sadd.s32 $0x4A40, s6;
	v39 =	vmul.f32 v58, v33;
	v35 =	vadd.f32 v35, v36;
	v37 =	vmul.f32 v57, v32  }
0x1ec: {  	s9 =	sadd.s32 $0x40, s11;
	v59 =	vunpack.i.u.bf16.f32 v55;
	v38 =	vmul.f32 v38, v33;
	v36 =	vmul.f32 v56, v32;
	[tilespmem:s6+$0x0] =	vst v34  }
0x1ed: {  	v63 =	vunpack.i.u.bf16.f32 v60;
	v62 =	vunpack.i.l.bf16.f32 v41;
	v57 =	vld [tilespmem:s9+$0x0];
	[tilespmem:s6+$0x10] =	vst v35;
	v37 =	vadd.f32 v39, v37  }
0x1ee: {  	v41 =	vunpack.i.u.bf16.f32 v41;
	v47 =	vunpack.i.l.bf16.f32 v43;
	v36 =	vadd.f32 v38, v36;
	v35 =	vld [tilespmem:s8+$0x10]  }
0x1ef: {  	v41 =	vmul.f32 v41, v33;
	v34 =	vunpack.i.l.bf16.f32 v55;
	v38 =	vmul.f32 v59, v32;
	v40 =	vld [tilespmem:s7+$0x10];
	[tilespmem:s6+$0xFFFFFFC0] =	vst v37  }
0x1f0: {  	v34 =	vmul.f32 v34, v32;
	[tilespmem:s6+$0xFFFFFFD0] =	vst v36;
	v36 =	vmul.f32 v62, v33;
	v37 =	vunpack.i.l.bf16.f32 v60  }
0x1f1: {  	v46 =	vunpack.i.u.bf16.f32 v43;
	v49 =	vmul.f32 v47, v33;
	v48 =	vmul.f32 v37, v32  }
0x1f2: {  	v52 =	vmul.f32 v46, v33;
	v38 =	vadd.f32 v41, v38;
	v44 =	vld [tilespmem:s8+$0xFFFFFFF0];
	v34 =	vadd.f32 v36, v34  }
0x1f3: {  	v45 =	vld [tilespmem:s7+$0xFFFFFFF0];
	s7 =	sadd.s32 $0x400, s6;
	v36 =	vmul.f32 v63, v32;
	v46 =	vadd.f32 v49, v48;
	v49 =	vunpack.i.l.bf16.f32 v57  }
0x1f4: {  	s8 =	sadd.s32 $0x40, s10;
	[tilespmem:s7+$0x10] =	vst v38;
	v61 =	vunpack.i.u.bf16.f32 v35;
	v42 =	vunpack.i.u.bf16.f32 v40;
	v35 =	vunpack.i.l.bf16.f32 v35  }
0x1f5: {  	v51 =	vld [tilespmem:s8+$0x0];
	[tilespmem:s7+$0x0] =	vst v34;
	v38 =	vadd.f32 v52, v36;
	v49 =	vmul.f32 v49, v33;
	v39 =	vmul.f32 v61, v32  }
0x1f6: {  	v40 =	vunpack.i.l.bf16.f32 v40;
	v42 =	vmul.f32 v42, v33;
	v54 =	vld [tilespmem:s10+$0x10];
	v35 =	vmul.f32 v35, v32  }
0x1f7: {  	v34 =	vld [tilespmem:s11+$0x10];
	v61 =	vunpack.i.u.bf16.f32 v57;
	v50 =	vunpack.i.u.bf16.f32 v44;
	v53 =	vunpack.i.l.bf16.f32 v44  }
0x1f8: {  	v55 =	vunpack.i.u.bf16.f32 v45;
	v45 =	vunpack.i.l.bf16.f32 v45;
	v56 =	vmul.f32 v53, v32  }
0x1f9: {  	v39 =	vadd.f32 v42, v39;
	v45 =	vmul.f32 v45, v33;
	v42 =	vmul.f32 v50, v32  }
0x1fa: {  	v58 =	vld [tilespmem:s8+$0xFFFFFFE0];
	[tilespmem:s7+$0xFFFFFFC0] =	vst v46;
	v47 =	vmul.f32 v55, v33;
	v59 =	vunpack.i.u.bf16.f32 v51;
	v43 =	vunpack.i.l.bf16.f32 v51  }
0x1fb: {  	v60 =	vld [tilespmem:s9+$0xFFFFFFE0];
	[tilespmem:s7+$0xFFFFFFD0] =	vst v38;
	v43 =	vmul.f32 v43, v32;
	v62 =	vmul.f32 v59, v32;
	v45 =	vadd.f32 v45, v56  }
0x1fc: {  	v38 =	vld [tilespmem:s10+$0xFFFFFFF0];
	[tilespmem:s6+$0x30] =	vst v39;
	v39 =	vmul.f32 v61, v33;
	v44 =	vunpack.i.u.bf16.f32 v54;
	v48 =	vunpack.i.u.bf16.f32 v34  }
0x1fd: {  	v42 =	vadd.f32 v47, v42;
	v44 =	vmul.f32 v44, v32;
	v48 =	vmul.f32 v48, v33  }
0x1fe: {  	v37 =	vmul.f32 v40, v33;
	v63 =	vadd.f32 v49, v43;
	[tilespmem:s6+$0xFFFFFFE0] =	vst v45;
	v43 =	vadd.f32 v39, v62;
	v39 =	vld [tilespmem:s11+$0xFFFFFFF0]  }
0x1ff: {  	v41 =	vunpack.i.u.bf16.f32 v58;
	v40 =	vunpack.i.l.bf16.f32 v58;
	s10 =	sadd.s32 $0x400, s7;
	[tilespmem:s6+$0xFFFFFFF0] =	vst v42;
	v44 =	vadd.f32 v48, v44  }
0x200: {  	v47 =	vunpack.i.l.bf16.f32 v60;
	v36 =	vunpack.i.l.bf16.f32 v54;
	v42 =	vunpack.i.u.bf16.f32 v60;
	[tilespmem:s10+$0x0] =	vst v63  }
0x201: {  	s12 =	simm.s32 $0x80;
	s13 =	smov.u32 s9;
	v45 =	vmul.f32 v47, v33;
	s11 =	sadd.s32 $0x40, s8;
	[tilespmem:s7+$0x30] =	vst v44;
	v44 =	vmul.f32 v40, v32;
	v40 =	vunpack.i.u.bf16.f32 v38  }
.LBB2_15:
0x202: {  	v46 =	vld [tilespmem:s11+$0x0];
	v41 =	vmul.f32 v41, v32;
	v42 =	vmul.f32 v42, v33;
	[tilespmem:s10+$0x10] =	vst v43;
	v38 =	vunpack.i.l.bf16.f32 v38  }
0x203: {  	v43 =	vadd.f32 v45, v44;
	v44 =	vld [tilespmem:s8+$0x10];
	v45 =	vunpack.i.u.bf16.f32 v39;
	v39 =	vunpack.i.l.bf16.f32 v39  }
0x204: {  	s13 =	sadd.s32 $0x40, s13;
	v38 =	vmul.f32 v38, v32;
	v41 =	vadd.f32 v42, v41;
	v42 =	vunpack.i.l.bf16.f32 v34;
	v34 =	vld [tilespmem:s9+$0x10]  }
0x205: {  	v40 =	vmul.f32 v40, v32;
	v39 =	vmul.f32 v39, v33;
	v47 =	vld [tilespmem:s13+$0x0];
	[tilespmem:s10+$0xFFFFFFC0] =	vst v43;
	v43 =	vadd.f32 v37, v35  }
0x206: {  	v35 =	vmul.f32 v36, v32;
	v48 =	vld [tilespmem:s13+$0xFFFFFFE0];
	[tilespmem:s10+$0xFFFFFFD0] =	vst v41;
	v41 =	vmul.f32 v45, v33  }
0x207: {  	s12 =	sadd.s32 $0x40, s12;
	v37 =	vmul.f32 v42, v33;
	v49 =	vadd.f32 v39, v38;
	v45 =	vld [tilespmem:s11+$0xFFFFFFE0];
	[tilespmem:s6+$0x20] =	vst v43;
	s6 =	smov.u32 s7;
	s7 =	smov.u32 s10  }
0x208: {  	p0 =	slt.u32 s12, $0x3C0;
	v42 =	vunpack.i.u.bf16.f32 v46;
	v38 =	vld [tilespmem:s8+$0xFFFFFFF0];
	v36 =	vunpack.i.l.bf16.f32 v44;
	v40 =	vadd.f32 v41, v40;
	s8 =	smov.u32 s11  }
0x209: {  	v41 =	vunpack.i.l.bf16.f32 v46;
	v43 =	vunpack.i.u.bf16.f32 v44;
	v39 =	vld [tilespmem:s9+$0xFFFFFFF0];
	v44 =	vunpack.i.u.bf16.f32 v34;
	[tilespmem:s6+$0xFFFFFFE0] =	vst v49;
	s9 =	smov.u32 s13  }
0x20a: {  	v43 =	vmul.f32 v43, v32;
	v46 =	vunpack.i.l.bf16.f32 v47;
	v44 =	vmul.f32 v44, v33;
	[tilespmem:s6+$0xFFFFFFF0] =	vst v40  }
.Ltmp6:
0x20b: {  	v40 =	vunpack.i.u.bf16.f32 v47;
	v47 =	vmul.f32 v41, v32;
	v46 =	vmul.f32 v46, v33;
	(pc) =	sbr.rel @p0 .LBB2_15-.Ltmp6, $4  }
0x20c: {  	v49 =	vmul.f32 v42, v32;
	v40 =	vmul.f32 v40, v33;
	v44 =	vadd.f32 v44, v43  }
0x20d: {  	v41 =	vunpack.i.u.bf16.f32 v45;
	v45 =	vunpack.i.l.bf16.f32 v45;
	v46 =	vadd.f32 v46, v47  }
0x20e: {  	s10 =	sadd.s32 $0x400, s10;
	v42 =	vunpack.i.u.bf16.f32 v48;
	v47 =	vunpack.i.l.bf16.f32 v48;
	v43 =	vadd.f32 v40, v49;
	[tilespmem:s7+$0x30] =	vst v44  }
0x20f: {  	s11 =	sadd.s32 $0x40, s11;
	v40 =	vunpack.i.u.bf16.f32 v38;
	v44 =	vmul.f32 v45, v32;
	v45 =	vmul.f32 v47, v33;
	[tilespmem:s10+$0x0] =	vst v46  }
0x210: {  	v41 =	vmul.f32 v41, v32;
	v42 =	vmul.f32 v42, v33;
	[tilespmem:s10+$0x10] =	vst v43  }
0x211: {  	v61 =	vadd.f32 v45, v44;
	v62 =	vld [tilespmem:s8+$0x10]  }
0x212: {  	v63 =	vld [tilespmem:s9+$0x10];
	v41 =	vadd.f32 v42, v41  }
0x213: {  	v38 =	vunpack.i.l.bf16.f32 v38;
	v46 =	vunpack.i.l.bf16.f32 v39;
	[tilespmem:s10+$0xFFFFFFC0] =	vst v61  }
0x214: {  	v47 =	vunpack.i.u.bf16.f32 v39;
	v40 =	vmul.f32 v40, v32;
	v36 =	vmul.f32 v36, v32;
	[tilespmem:s10+$0xFFFFFFD0] =	vst v41  }
0x215: {  	v34 =	vunpack.i.l.bf16.f32 v34;
	v38 =	vmul.f32 v38, v32;
	v48 =	vmul.f32 v46, v33;
	v49 =	vld [tilespmem:s8+$0xFFFFFFF0]  }
0x216: {  	v35 =	vadd.f32 v37, v35;
	v50 =	vmul.f32 v47, v33;
	v34 =	vmul.f32 v34, v33;
	v51 =	vld [tilespmem:s9+$0xFFFFFFF0]  }
0x217: {  	v38 =	vadd.f32 v48, v38;
	v52 =	vunpack.i.u.bf16.f32 v62;
	v53 =	vunpack.i.u.bf16.f32 v63  }
0x218: {  	v37 =	vadd.f32 v50, v40;
	v41 =	vmul.f32 v52, v32;
	v45 =	vmul.f32 v53, v33  }
0x219: {  	v34 =	vadd.f32 v34, v36;
	v44 =	vunpack.i.l.bf16.f32 v62;
	v58 =	vunpack.i.l.bf16.f32 v63  }
0x21a: {  	[tilespmem:s6+$0x20] =	vst v35;
	v61 =	vmul.f32 v44, v32;
	v62 =	vmul.f32 v58, v33;
	v54 =	vadd.f32 v45, v41  }
0x21b: {  	s5 =	sadd.s32 $0x1, s5;
	[tilespmem:s7+$0xFFFFFFE0] =	vst v38;
	v55 =	vunpack.i.u.bf16.f32 v49;
	v56 =	vunpack.i.l.bf16.f32 v49;
	v39 =	vunpack.i.l.bf16.f32 v51  }
0x21c: {  	p0 =	sne.s32 s5, $0x10;
	[tilespmem:s7+$0xFFFFFFF0] =	vst v37;
	v57 =	vunpack.i.u.bf16.f32 v51;
	v35 =	vmul.f32 v56, v32;
	v39 =	vmul.f32 v39, v33  }
.Ltmp7:
0x21d: {  	[tilespmem:s7+$0x20] =	vst v34;
	v59 =	vmul.f32 v55, v32;
	v60 =	vmul.f32 v57, v33;
	v32 =	vadd.f32 v62, v61;
	(pc) =	sbr.rel @p0 .LBB2_14-.Ltmp7, $4  }
0x21e: {  	[tilespmem:s10+$0x30] =	vst v54;
	v35 =	vadd.f32 v39, v35  }
0x21f: {  	v63 =	vadd.f32 v60, v59;
	[tilespmem:s10+$0x20] =	vst v32  }
0x220: {  	[tilespmem:s10+$0xFFFFFFE0] =	vst v35  }
0x221: {  	s3 =	sadd.s32 $0x800, s3;
	s1 =	sadd.s32 $0x1, s1;
	[tilespmem:s10+$0xFFFFFFF0] =	vst v63  }
0x222: {  	s1 =	simm.s32 $0x0;
	s3 =	rddreg [dreg:$0x8]  }
0x223: {  	[hbm4b:s3+s1] =	stream.linear.scatter [tilespmem:s28], [sflag:$0x1], $0x8000, $0x38;
	[tilespmem:$0x1CA00] =	vst v63  }
0x224: {  	_ =	swait.ge [sflag:s25], $0x8000  }
0x225: {  	[sflag:s25] =	ssyncset.done $0x0  }
0x226: {  	s5 =	simm.s32 $0x0;
	s3 =	simm.s32 $0x0;
	[sflag:s25] =	ssyncadd.s32 $0xFFFF8000  }
.LBB2_18:
0x227: {  	v32 =	vld [tilespmem:s5+$0x4440];
	_ =	sdelay $0x1  }
0x228: {  	v33 =	vld [tilespmem:s5+$0x45C0];
	_ =	sdelay $0x2  }
0x229: {  	(v2sf) =	vpush v32, $0x0;
	_ =	sdelay $0x1  }
0x22a: {  	(v2sf) =	vpush v33, $0x0;
	_ =	sdelay $0xc  }
0x22b: {  	s6 =	spop (v2sf)  }
0x22c: {  	s6 =	sshll.u32 s6, $0x2  }
0x22d: {  	s7 =	spop (v2sf);
	s6 =	sshra.s32 s6, $0x2  }
0x22e: {  	v32 =	vld.msk [tilespmem:s5+$0x4740 ss:$0x0], $0xffff;
	s7 =	sshll.u32 s7, $0x2;
	s8 =	sadd.s32 $0x20, s6  }
0x22f: {  	s12 =	sshra.s32 s7, $0x2;
	v34 =	vld [tilespmem:s8+$0x0]  }
0x230: {  	s7 =	sadd.s32 $0x20, s12;
	v39 =	vld [tilespmem:s8+$0xFFFFFFE0]  }
0x231: {  	v35 =	vld [tilespmem:s7+$0x0]  }
0x232: {  	v33 =	vld.msk [tilespmem:s5+$0x48C0 ss:$0x0], $0xffff;
	_ =	sdelay $0x1  }
0x233: {  	s10 =	sadd.s32 $0x40, s8;
	v38 =	vld [tilespmem:s7+$0xFFFFFFE0]  }
0x234: {  	v55 =	vld [tilespmem:s10+$0x0];
	v36 =	vunpack.i.u.bf16.f32 v34  }
0x235: {  	s13 =	sshll.u32 s3, $0x2;
	s9 =	sand.u32 $0x7, s1;
	s11 =	sadd.s32 $0x40, s7;
	v60 =	vld [tilespmem:s10+$0xFFFFFFE0];
	v34 =	vunpack.i.l.bf16.f32 v34;
	v56 =	vunpack.i.u.bf16.f32 v39;
	v37 =	vunpack.i.l.bf16.f32 v35  }
0x236: {  	s9 =	sshll.u32 s9, $0x9;
	s6 =	sand.u32 $0xFFFF0000, s13;
	v41 =	vld [tilespmem:s11+$0x0];
	v35 =	vunpack.i.u.bf16.f32 v35;
	v34 =	vmul.f32 v34, v32;
	v37 =	vmul.f32 v37, v33  }
0x237: {  	s6 =	sor.u32 s9, s6;
	v43 =	vld [tilespmem:s11+$0xFFFFFFE0];
	v57 =	vunpack.i.l.bf16.f32 v39;
	v36 =	vmul.f32 v36, v32;
	v35 =	vmul.f32 v35, v33  }
0x238: {  	s6 =	sshrl.u32 s6, $0x2;
	v58 =	vunpack.i.l.bf16.f32 v38;
	v38 =	vunpack.i.u.bf16.f32 v38;
	v34 =	vadd.f32 v37, v34  }
0x239: {  	s6 =	sadd.s32 $0xCA40, s6;
	v39 =	vmul.f32 v58, v33;
	v35 =	vadd.f32 v35, v36;
	v37 =	vmul.f32 v57, v32  }
0x23a: {  	s9 =	sadd.s32 $0x40, s11;
	v59 =	vunpack.i.u.bf16.f32 v55;
	v38 =	vmul.f32 v38, v33;
	v36 =	vmul.f32 v56, v32;
	[tilespmem:s6+$0x0] =	vst v34  }
0x23b: {  	v63 =	vunpack.i.u.bf16.f32 v60;
	v62 =	vunpack.i.l.bf16.f32 v41;
	v57 =	vld [tilespmem:s9+$0x0];
	[tilespmem:s6+$0x10] =	vst v35;
	v37 =	vadd.f32 v39, v37  }
0x23c: {  	v41 =	vunpack.i.u.bf16.f32 v41;
	v47 =	vunpack.i.l.bf16.f32 v43;
	v36 =	vadd.f32 v38, v36;
	v35 =	vld [tilespmem:s8+$0x10]  }
0x23d: {  	v41 =	vmul.f32 v41, v33;
	v34 =	vunpack.i.l.bf16.f32 v55;
	v38 =	vmul.f32 v59, v32;
	v40 =	vld [tilespmem:s7+$0x10];
	[tilespmem:s6+$0xFFFFFFC0] =	vst v37  }
0x23e: {  	v34 =	vmul.f32 v34, v32;
	[tilespmem:s6+$0xFFFFFFD0] =	vst v36;
	v36 =	vmul.f32 v62, v33;
	v37 =	vunpack.i.l.bf16.f32 v60  }
0x23f: {  	v46 =	vunpack.i.u.bf16.f32 v43;
	v49 =	vmul.f32 v47, v33;
	v48 =	vmul.f32 v37, v32  }
0x240: {  	v52 =	vmul.f32 v46, v33;
	v38 =	vadd.f32 v41, v38;
	v44 =	vld [tilespmem:s8+$0xFFFFFFF0];
	v34 =	vadd.f32 v36, v34  }
0x241: {  	v45 =	vld [tilespmem:s7+$0xFFFFFFF0];
	s7 =	sadd.s32 $0x400, s6;
	v36 =	vmul.f32 v63, v32;
	v46 =	vadd.f32 v49, v48;
	v49 =	vunpack.i.l.bf16.f32 v57  }
0x242: {  	s8 =	sadd.s32 $0x40, s10;
	[tilespmem:s7+$0x10] =	vst v38;
	v61 =	vunpack.i.u.bf16.f32 v35;
	v42 =	vunpack.i.u.bf16.f32 v40;
	v35 =	vunpack.i.l.bf16.f32 v35  }
0x243: {  	v51 =	vld [tilespmem:s8+$0x0];
	[tilespmem:s7+$0x0] =	vst v34;
	v38 =	vadd.f32 v52, v36;
	v49 =	vmul.f32 v49, v33;
	v39 =	vmul.f32 v61, v32  }
0x244: {  	v40 =	vunpack.i.l.bf16.f32 v40;
	v42 =	vmul.f32 v42, v33;
	v54 =	vld [tilespmem:s10+$0x10];
	v35 =	vmul.f32 v35, v32  }
0x245: {  	v34 =	vld [tilespmem:s11+$0x10];
	v61 =	vunpack.i.u.bf16.f32 v57;
	v50 =	vunpack.i.u.bf16.f32 v44;
	v53 =	vunpack.i.l.bf16.f32 v44  }
0x246: {  	v55 =	vunpack.i.u.bf16.f32 v45;
	v45 =	vunpack.i.l.bf16.f32 v45;
	v56 =	vmul.f32 v53, v32  }
0x247: {  	v39 =	vadd.f32 v42, v39;
	v45 =	vmul.f32 v45, v33;
	v42 =	vmul.f32 v50, v32  }
0x248: {  	v58 =	vld [tilespmem:s8+$0xFFFFFFE0];
	[tilespmem:s7+$0xFFFFFFC0] =	vst v46;
	v47 =	vmul.f32 v55, v33;
	v59 =	vunpack.i.u.bf16.f32 v51;
	v43 =	vunpack.i.l.bf16.f32 v51  }
0x249: {  	v60 =	vld [tilespmem:s9+$0xFFFFFFE0];
	[tilespmem:s7+$0xFFFFFFD0] =	vst v38;
	v43 =	vmul.f32 v43, v32;
	v62 =	vmul.f32 v59, v32;
	v45 =	vadd.f32 v45, v56  }
0x24a: {  	v38 =	vld [tilespmem:s10+$0xFFFFFFF0];
	[tilespmem:s6+$0x30] =	vst v39;
	v39 =	vmul.f32 v61, v33;
	v44 =	vunpack.i.u.bf16.f32 v54;
	v48 =	vunpack.i.u.bf16.f32 v34  }
0x24b: {  	v42 =	vadd.f32 v47, v42;
	v44 =	vmul.f32 v44, v32;
	v48 =	vmul.f32 v48, v33  }
0x24c: {  	v37 =	vmul.f32 v40, v33;
	v63 =	vadd.f32 v49, v43;
	[tilespmem:s6+$0xFFFFFFE0] =	vst v45;
	v43 =	vadd.f32 v39, v62;
	v39 =	vld [tilespmem:s11+$0xFFFFFFF0]  }
0x24d: {  	v41 =	vunpack.i.u.bf16.f32 v58;
	v40 =	vunpack.i.l.bf16.f32 v58;
	s10 =	sadd.s32 $0x400, s7;
	[tilespmem:s6+$0xFFFFFFF0] =	vst v42;
	v44 =	vadd.f32 v48, v44  }
0x24e: {  	v47 =	vunpack.i.l.bf16.f32 v60;
	v36 =	vunpack.i.l.bf16.f32 v54;
	v42 =	vunpack.i.u.bf16.f32 v60;
	[tilespmem:s10+$0x0] =	vst v63  }
0x24f: {  	s12 =	simm.s32 $0x80;
	s13 =	smov.u32 s9;
	v45 =	vmul.f32 v47, v33;
	s11 =	sadd.s32 $0x40, s8;
	[tilespmem:s7+$0x30] =	vst v44;
	v44 =	vmul.f32 v40, v32;
	v40 =	vunpack.i.u.bf16.f32 v38  }
.LBB2_19:
0x250: {  	v46 =	vld [tilespmem:s11+$0x0];
	v41 =	vmul.f32 v41, v32;
	v42 =	vmul.f32 v42, v33;
	[tilespmem:s10+$0x10] =	vst v43;
	v38 =	vunpack.i.l.bf16.f32 v38  }
0x251: {  	v43 =	vadd.f32 v45, v44;
	v44 =	vld [tilespmem:s8+$0x10];
	v45 =	vunpack.i.u.bf16.f32 v39;
	v39 =	vunpack.i.l.bf16.f32 v39  }
0x252: {  	s13 =	sadd.s32 $0x40, s13;
	v38 =	vmul.f32 v38, v32;
	v41 =	vadd.f32 v42, v41;
	v42 =	vunpack.i.l.bf16.f32 v34;
	v34 =	vld [tilespmem:s9+$0x10]  }
0x253: {  	v40 =	vmul.f32 v40, v32;
	v39 =	vmul.f32 v39, v33;
	v47 =	vld [tilespmem:s13+$0x0];
	[tilespmem:s10+$0xFFFFFFC0] =	vst v43;
	v43 =	vadd.f32 v37, v35  }
0x254: {  	v35 =	vmul.f32 v36, v32;
	v48 =	vld [tilespmem:s13+$0xFFFFFFE0];
	[tilespmem:s10+$0xFFFFFFD0] =	vst v41;
	v41 =	vmul.f32 v45, v33  }
0x255: {  	s12 =	sadd.s32 $0x40, s12;
	v37 =	vmul.f32 v42, v33;
	v49 =	vadd.f32 v39, v38;
	v45 =	vld [tilespmem:s11+$0xFFFFFFE0];
	[tilespmem:s6+$0x20] =	vst v43;
	s6 =	smov.u32 s7;
	s7 =	smov.u32 s10  }
0x256: {  	p0 =	slt.u32 s12, $0x3C0;
	v42 =	vunpack.i.u.bf16.f32 v46;
	v38 =	vld [tilespmem:s8+$0xFFFFFFF0];
	v36 =	vunpack.i.l.bf16.f32 v44;
	v40 =	vadd.f32 v41, v40;
	s8 =	smov.u32 s11  }
0x257: {  	v41 =	vunpack.i.l.bf16.f32 v46;
	v43 =	vunpack.i.u.bf16.f32 v44;
	v39 =	vld [tilespmem:s9+$0xFFFFFFF0];
	v44 =	vunpack.i.u.bf16.f32 v34;
	[tilespmem:s6+$0xFFFFFFE0] =	vst v49;
	s9 =	smov.u32 s13  }
0x258: {  	v43 =	vmul.f32 v43, v32;
	v46 =	vunpack.i.l.bf16.f32 v47;
	v44 =	vmul.f32 v44, v33;
	[tilespmem:s6+$0xFFFFFFF0] =	vst v40  }
.Ltmp8:
0x259: {  	v40 =	vunpack.i.u.bf16.f32 v47;
	v47 =	vmul.f32 v41, v32;
	v46 =	vmul.f32 v46, v33;
	(pc) =	sbr.rel @p0 .LBB2_19-.Ltmp8, $4  }
0x25a: {  	v49 =	vmul.f32 v42, v32;
	v40 =	vmul.f32 v40, v33;
	v44 =	vadd.f32 v44, v43  }
0x25b: {  	v41 =	vunpack.i.u.bf16.f32 v45;
	v45 =	vunpack.i.l.bf16.f32 v45;
	v46 =	vadd.f32 v46, v47  }
0x25c: {  	s10 =	sadd.s32 $0x400, s10;
	v42 =	vunpack.i.u.bf16.f32 v48;
	v47 =	vunpack.i.l.bf16.f32 v48;
	v43 =	vadd.f32 v40, v49;
	[tilespmem:s7+$0x30] =	vst v44  }
0x25d: {  	s11 =	sadd.s32 $0x40, s11;
	v40 =	vunpack.i.u.bf16.f32 v38;
	v44 =	vmul.f32 v45, v32;
	v45 =	vmul.f32 v47, v33;
	[tilespmem:s10+$0x0] =	vst v46  }
0x25e: {  	v41 =	vmul.f32 v41, v32;
	v42 =	vmul.f32 v42, v33;
	[tilespmem:s10+$0x10] =	vst v43  }
0x25f: {  	v61 =	vadd.f32 v45, v44;
	v62 =	vld [tilespmem:s8+$0x10]  }
0x260: {  	v63 =	vld [tilespmem:s9+$0x10];
	v41 =	vadd.f32 v42, v41  }
0x261: {  	v38 =	vunpack.i.l.bf16.f32 v38;
	v46 =	vunpack.i.l.bf16.f32 v39;
	[tilespmem:s10+$0xFFFFFFC0] =	vst v61  }
0x262: {  	v47 =	vunpack.i.u.bf16.f32 v39;
	v40 =	vmul.f32 v40, v32;
	v36 =	vmul.f32 v36, v32;
	[tilespmem:s10+$0xFFFFFFD0] =	vst v41  }
0x263: {  	v34 =	vunpack.i.l.bf16.f32 v34;
	v38 =	vmul.f32 v38, v32;
	v48 =	vmul.f32 v46, v33;
	v49 =	vld [tilespmem:s8+$0xFFFFFFF0]  }
0x264: {  	v35 =	vadd.f32 v37, v35;
	v50 =	vmul.f32 v47, v33;
	v34 =	vmul.f32 v34, v33;
	v51 =	vld [tilespmem:s9+$0xFFFFFFF0]  }
0x265: {  	v38 =	vadd.f32 v48, v38;
	v52 =	vunpack.i.u.bf16.f32 v62;
	v53 =	vunpack.i.u.bf16.f32 v63  }
0x266: {  	v37 =	vadd.f32 v50, v40;
	v41 =	vmul.f32 v52, v32;
	v45 =	vmul.f32 v53, v33  }
0x267: {  	v34 =	vadd.f32 v34, v36;
	v44 =	vunpack.i.l.bf16.f32 v62;
	v58 =	vunpack.i.l.bf16.f32 v63  }
0x268: {  	[tilespmem:s6+$0x20] =	vst v35;
	v61 =	vmul.f32 v44, v32;
	v62 =	vmul.f32 v58, v33;
	v54 =	vadd.f32 v45, v41  }
0x269: {  	s5 =	sadd.s32 $0x1, s5;
	[tilespmem:s7+$0xFFFFFFE0] =	vst v38;
	v55 =	vunpack.i.u.bf16.f32 v49;
	v56 =	vunpack.i.l.bf16.f32 v49;
	v39 =	vunpack.i.l.bf16.f32 v51  }
0x26a: {  	p0 =	sne.s32 s5, $0x10;
	[tilespmem:s7+$0xFFFFFFF0] =	vst v37;
	v57 =	vunpack.i.u.bf16.f32 v51;
	v35 =	vmul.f32 v56, v32;
	v39 =	vmul.f32 v39, v33  }
.Ltmp9:
0x26b: {  	[tilespmem:s7+$0x20] =	vst v34;
	v59 =	vmul.f32 v55, v32;
	v60 =	vmul.f32 v57, v33;
	v32 =	vadd.f32 v62, v61;
	(pc) =	sbr.rel @p0 .LBB2_18-.Ltmp9, $4  }
0x26c: {  	[tilespmem:s10+$0x30] =	vst v54;
	v35 =	vadd.f32 v39, v35  }
0x26d: {  	v63 =	vadd.f32 v60, v59;
	[tilespmem:s10+$0x20] =	vst v32  }
0x26e: {  	[tilespmem:s10+$0xFFFFFFE0] =	vst v35  }
0x26f: {  	s3 =	sadd.s32 $0x800, s3;
	s1 =	sadd.s32 $0x1, s1;
	[tilespmem:s10+$0xFFFFFFF0] =	vst v63  }
0x270: {  	s1 =	simm.s32 $0x0;
	s3 =	rddreg [dreg:$0x9]  }
0x271: {  	[hbm4b:s3+s1] =	stream.linear.scatter [tilespmem:s29], [sflag:$0x2], $0x8000, $0x38;
	[tilespmem:$0x1CA00] =	vst v63  }
0x272: {  	_ =	swait.ge [sflag:s31], $0x8000  }
0x273: {  	[sflag:s31] =	ssyncset.done $0x0  }
0x274: {  	s5 =	simm.s32 $0x0;
	s3 =	simm.s32 $0x0;
	[sflag:s31] =	ssyncadd.s32 $0xFFFF8000  }
.LBB2_22:
0x275: {  	v32 =	vld [tilespmem:s5+$0x4450];
	_ =	sdelay $0x1  }
0x276: {  	v33 =	vld [tilespmem:s5+$0x45D0];
	_ =	sdelay $0x2  }
0x277: {  	(v2sf) =	vpush v32, $0x0;
	_ =	sdelay $0x1  }
0x278: {  	(v2sf) =	vpush v33, $0x0;
	_ =	sdelay $0xc  }
0x279: {  	s6 =	spop (v2sf)  }
0x27a: {  	s6 =	sshll.u32 s6, $0x2  }
0x27b: {  	s7 =	spop (v2sf);
	s6 =	sshra.s32 s6, $0x2  }
0x27c: {  	v32 =	vld.msk [tilespmem:s5+$0x4750 ss:$0x0], $0xffff;
	s7 =	sshll.u32 s7, $0x2;
	s8 =	sadd.s32 $0x20, s6  }
0x27d: {  	s12 =	sshra.s32 s7, $0x2;
	v34 =	vld [tilespmem:s8+$0x0]  }
0x27e: {  	s7 =	sadd.s32 $0x20, s12;
	v39 =	vld [tilespmem:s8+$0xFFFFFFE0]  }
0x27f: {  	v35 =	vld [tilespmem:s7+$0x0]  }
0x280: {  	v33 =	vld.msk [tilespmem:s5+$0x48D0 ss:$0x0], $0xffff;
	_ =	sdelay $0x1  }
0x281: {  	s10 =	sadd.s32 $0x40, s8;
	v38 =	vld [tilespmem:s7+$0xFFFFFFE0]  }
0x282: {  	v55 =	vld [tilespmem:s10+$0x0];
	v36 =	vunpack.i.u.bf16.f32 v34  }
0x283: {  	s13 =	sshll.u32 s3, $0x2;
	s9 =	sand.u32 $0x7, s1;
	s11 =	sadd.s32 $0x40, s7;
	v60 =	vld [tilespmem:s10+$0xFFFFFFE0];
	v34 =	vunpack.i.l.bf16.f32 v34;
	v56 =	vunpack.i.u.bf16.f32 v39;
	v37 =	vunpack.i.l.bf16.f32 v35  }
0x284: {  	s9 =	sshll.u32 s9, $0x9;
	s6 =	sand.u32 $0xFFFF0000, s13;
	v41 =	vld [tilespmem:s11+$0x0];
	v35 =	vunpack.i.u.bf16.f32 v35;
	v34 =	vmul.f32 v34, v32;
	v37 =	vmul.f32 v37, v33  }
0x285: {  	s6 =	sor.u32 s9, s6;
	v43 =	vld [tilespmem:s11+$0xFFFFFFE0];
	v57 =	vunpack.i.l.bf16.f32 v39;
	v36 =	vmul.f32 v36, v32;
	v35 =	vmul.f32 v35, v33  }
0x286: {  	s6 =	sshrl.u32 s6, $0x2;
	v58 =	vunpack.i.l.bf16.f32 v38;
	v38 =	vunpack.i.u.bf16.f32 v38;
	v34 =	vadd.f32 v37, v34  }
0x287: {  	s6 =	sadd.s32 $0x14A40, s6;
	v39 =	vmul.f32 v58, v33;
	v35 =	vadd.f32 v35, v36;
	v37 =	vmul.f32 v57, v32  }
0x288: {  	s9 =	sadd.s32 $0x40, s11;
	v59 =	vunpack.i.u.bf16.f32 v55;
	v38 =	vmul.f32 v38, v33;
	v36 =	vmul.f32 v56, v32;
	[tilespmem:s6+$0x0] =	vst v34  }
0x289: {  	v63 =	vunpack.i.u.bf16.f32 v60;
	v62 =	vunpack.i.l.bf16.f32 v41;
	v57 =	vld [tilespmem:s9+$0x0];
	[tilespmem:s6+$0x10] =	vst v35;
	v37 =	vadd.f32 v39, v37  }
0x28a: {  	v41 =	vunpack.i.u.bf16.f32 v41;
	v47 =	vunpack.i.l.bf16.f32 v43;
	v36 =	vadd.f32 v38, v36;
	v35 =	vld [tilespmem:s8+$0x10]  }
0x28b: {  	v41 =	vmul.f32 v41, v33;
	v34 =	vunpack.i.l.bf16.f32 v55;
	v38 =	vmul.f32 v59, v32;
	v40 =	vld [tilespmem:s7+$0x10];
	[tilespmem:s6+$0xFFFFFFC0] =	vst v37  }
0x28c: {  	v34 =	vmul.f32 v34, v32;
	[tilespmem:s6+$0xFFFFFFD0] =	vst v36;
	v36 =	vmul.f32 v62, v33;
	v37 =	vunpack.i.l.bf16.f32 v60  }
0x28d: {  	v46 =	vunpack.i.u.bf16.f32 v43;
	v49 =	vmul.f32 v47, v33;
	v48 =	vmul.f32 v37, v32  }
0x28e: {  	v52 =	vmul.f32 v46, v33;
	v38 =	vadd.f32 v41, v38;
	v44 =	vld [tilespmem:s8+$0xFFFFFFF0];
	v34 =	vadd.f32 v36, v34  }
0x28f: {  	v45 =	vld [tilespmem:s7+$0xFFFFFFF0];
	s7 =	sadd.s32 $0x400, s6;
	v36 =	vmul.f32 v63, v32;
	v46 =	vadd.f32 v49, v48;
	v49 =	vunpack.i.l.bf16.f32 v57  }
0x290: {  	s8 =	sadd.s32 $0x40, s10;
	[tilespmem:s7+$0x10] =	vst v38;
	v61 =	vunpack.i.u.bf16.f32 v35;
	v42 =	vunpack.i.u.bf16.f32 v40;
	v35 =	vunpack.i.l.bf16.f32 v35  }
0x291: {  	v51 =	vld [tilespmem:s8+$0x0];
	[tilespmem:s7+$0x0] =	vst v34;
	v38 =	vadd.f32 v52, v36;
	v49 =	vmul.f32 v49, v33;
	v39 =	vmul.f32 v61, v32  }
0x292: {  	v40 =	vunpack.i.l.bf16.f32 v40;
	v42 =	vmul.f32 v42, v33;
	v54 =	vld [tilespmem:s10+$0x10];
	v35 =	vmul.f32 v35, v32  }
0x293: {  	v34 =	vld [tilespmem:s11+$0x10];
	v61 =	vunpack.i.u.bf16.f32 v57;
	v50 =	vunpack.i.u.bf16.f32 v44;
	v53 =	vunpack.i.l.bf16.f32 v44  }
0x294: {  	v55 =	vunpack.i.u.bf16.f32 v45;
	v45 =	vunpack.i.l.bf16.f32 v45;
	v56 =	vmul.f32 v53, v32  }
0x295: {  	v39 =	vadd.f32 v42, v39;
	v45 =	vmul.f32 v45, v33;
	v42 =	vmul.f32 v50, v32  }
0x296: {  	v58 =	vld [tilespmem:s8+$0xFFFFFFE0];
	[tilespmem:s7+$0xFFFFFFC0] =	vst v46;
	v47 =	vmul.f32 v55, v33;
	v59 =	vunpack.i.u.bf16.f32 v51;
	v43 =	vunpack.i.l.bf16.f32 v51  }
0x297: {  	v60 =	vld [tilespmem:s9+$0xFFFFFFE0];
	[tilespmem:s7+$0xFFFFFFD0] =	vst v38;
	v43 =	vmul.f32 v43, v32;
	v62 =	vmul.f32 v59, v32;
	v45 =	vadd.f32 v45, v56  }
0x298: {  	v38 =	vld [tilespmem:s10+$0xFFFFFFF0];
	[tilespmem:s6+$0x30] =	vst v39;
	v39 =	vmul.f32 v61, v33;
	v44 =	vunpack.i.u.bf16.f32 v54;
	v48 =	vunpack.i.u.bf16.f32 v34  }
0x299: {  	v42 =	vadd.f32 v47, v42;
	v44 =	vmul.f32 v44, v32;
	v48 =	vmul.f32 v48, v33  }
0x29a: {  	v37 =	vmul.f32 v40, v33;
	v63 =	vadd.f32 v49, v43;
	[tilespmem:s6+$0xFFFFFFE0] =	vst v45;
	v43 =	vadd.f32 v39, v62;
	v39 =	vld [tilespmem:s11+$0xFFFFFFF0]  }
0x29b: {  	v41 =	vunpack.i.u.bf16.f32 v58;
	v40 =	vunpack.i.l.bf16.f32 v58;
	s10 =	sadd.s32 $0x400, s7;
	[tilespmem:s6+$0xFFFFFFF0] =	vst v42;
	v44 =	vadd.f32 v48, v44  }
0x29c: {  	v47 =	vunpack.i.l.bf16.f32 v60;
	v36 =	vunpack.i.l.bf16.f32 v54;
	v42 =	vunpack.i.u.bf16.f32 v60;
	[tilespmem:s10+$0x0] =	vst v63  }
0x29d: {  	s12 =	simm.s32 $0x80;
	s13 =	smov.u32 s9;
	v45 =	vmul.f32 v47, v33;
	s11 =	sadd.s32 $0x40, s8;
	[tilespmem:s7+$0x30] =	vst v44;
	v44 =	vmul.f32 v40, v32;
	v40 =	vunpack.i.u.bf16.f32 v38  }
.LBB2_23:
0x29e: {  	v46 =	vld [tilespmem:s11+$0x0];
	v41 =	vmul.f32 v41, v32;
	v42 =	vmul.f32 v42, v33;
	[tilespmem:s10+$0x10] =	vst v43;
	v38 =	vunpack.i.l.bf16.f32 v38  }
0x29f: {  	v43 =	vadd.f32 v45, v44;
	v44 =	vld [tilespmem:s8+$0x10];
	v45 =	vunpack.i.u.bf16.f32 v39;
	v39 =	vunpack.i.l.bf16.f32 v39  }
0x2a0: {  	s13 =	sadd.s32 $0x40, s13;
	v38 =	vmul.f32 v38, v32;
	v41 =	vadd.f32 v42, v41;
	v42 =	vunpack.i.l.bf16.f32 v34;
	v34 =	vld [tilespmem:s9+$0x10]  }
0x2a1: {  	v40 =	vmul.f32 v40, v32;
	v39 =	vmul.f32 v39, v33;
	v47 =	vld [tilespmem:s13+$0x0];
	[tilespmem:s10+$0xFFFFFFC0] =	vst v43;
	v43 =	vadd.f32 v37, v35  }
0x2a2: {  	v35 =	vmul.f32 v36, v32;
	v48 =	vld [tilespmem:s13+$0xFFFFFFE0];
	[tilespmem:s10+$0xFFFFFFD0] =	vst v41;
	v41 =	vmul.f32 v45, v33  }
0x2a3: {  	s12 =	sadd.s32 $0x40, s12;
	v37 =	vmul.f32 v42, v33;
	v49 =	vadd.f32 v39, v38;
	v45 =	vld [tilespmem:s11+$0xFFFFFFE0];
	[tilespmem:s6+$0x20] =	vst v43;
	s6 =	smov.u32 s7;
	s7 =	smov.u32 s10  }
0x2a4: {  	p0 =	slt.u32 s12, $0x3C0;
	v42 =	vunpack.i.u.bf16.f32 v46;
	v38 =	vld [tilespmem:s8+$0xFFFFFFF0];
	v36 =	vunpack.i.l.bf16.f32 v44;
	v40 =	vadd.f32 v41, v40;
	s8 =	smov.u32 s11  }
0x2a5: {  	v41 =	vunpack.i.l.bf16.f32 v46;
	v43 =	vunpack.i.u.bf16.f32 v44;
	v39 =	vld [tilespmem:s9+$0xFFFFFFF0];
	v44 =	vunpack.i.u.bf16.f32 v34;
	[tilespmem:s6+$0xFFFFFFE0] =	vst v49;
	s9 =	smov.u32 s13  }
0x2a6: {  	v43 =	vmul.f32 v43, v32;
	v46 =	vunpack.i.l.bf16.f32 v47;
	v44 =	vmul.f32 v44, v33;
	[tilespmem:s6+$0xFFFFFFF0] =	vst v40  }
.Ltmp10:
0x2a7: {  	v40 =	vunpack.i.u.bf16.f32 v47;
	v47 =	vmul.f32 v41, v32;
	v46 =	vmul.f32 v46, v33;
	(pc) =	sbr.rel @p0 .LBB2_23-.Ltmp10, $4  }
0x2a8: {  	v49 =	vmul.f32 v42, v32;
	v40 =	vmul.f32 v40, v33;
	v44 =	vadd.f32 v44, v43  }
0x2a9: {  	v41 =	vunpack.i.u.bf16.f32 v45;
	v45 =	vunpack.i.l.bf16.f32 v45;
	v46 =	vadd.f32 v46, v47  }
0x2aa: {  	s10 =	sadd.s32 $0x400, s10;
	v42 =	vunpack.i.u.bf16.f32 v48;
	v47 =	vunpack.i.l.bf16.f32 v48;
	v43 =	vadd.f32 v40, v49;
	[tilespmem:s7+$0x30] =	vst v44  }
0x2ab: {  	s11 =	sadd.s32 $0x40, s11;
	v40 =	vunpack.i.u.bf16.f32 v38;
	v44 =	vmul.f32 v45, v32;
	v45 =	vmul.f32 v47, v33;
	[tilespmem:s10+$0x0] =	vst v46  }
0x2ac: {  	v41 =	vmul.f32 v41, v32;
	v42 =	vmul.f32 v42, v33;
	[tilespmem:s10+$0x10] =	vst v43  }
0x2ad: {  	v61 =	vadd.f32 v45, v44;
	v62 =	vld [tilespmem:s8+$0x10]  }
0x2ae: {  	v63 =	vld [tilespmem:s9+$0x10];
	v41 =	vadd.f32 v42, v41  }
0x2af: {  	v38 =	vunpack.i.l.bf16.f32 v38;
	v46 =	vunpack.i.l.bf16.f32 v39;
	[tilespmem:s10+$0xFFFFFFC0] =	vst v61  }
0x2b0: {  	v47 =	vunpack.i.u.bf16.f32 v39;
	v40 =	vmul.f32 v40, v32;
	v36 =	vmul.f32 v36, v32;
	[tilespmem:s10+$0xFFFFFFD0] =	vst v41  }
0x2b1: {  	v34 =	vunpack.i.l.bf16.f32 v34;
	v38 =	vmul.f32 v38, v32;
	v48 =	vmul.f32 v46, v33;
	v49 =	vld [tilespmem:s8+$0xFFFFFFF0]  }
0x2b2: {  	v35 =	vadd.f32 v37, v35;
	v50 =	vmul.f32 v47, v33;
	v34 =	vmul.f32 v34, v33;
	v51 =	vld [tilespmem:s9+$0xFFFFFFF0]  }
0x2b3: {  	v38 =	vadd.f32 v48, v38;
	v52 =	vunpack.i.u.bf16.f32 v62;
	v53 =	vunpack.i.u.bf16.f32 v63  }
0x2b4: {  	v37 =	vadd.f32 v50, v40;
	v41 =	vmul.f32 v52, v32;
	v45 =	vmul.f32 v53, v33  }
0x2b5: {  	v34 =	vadd.f32 v34, v36;
	v44 =	vunpack.i.l.bf16.f32 v62;
	v58 =	vunpack.i.l.bf16.f32 v63  }
0x2b6: {  	[tilespmem:s6+$0x20] =	vst v35;
	v61 =	vmul.f32 v44, v32;
	v62 =	vmul.f32 v58, v33;
	v54 =	vadd.f32 v45, v41  }
0x2b7: {  	s5 =	sadd.s32 $0x1, s5;
	[tilespmem:s7+$0xFFFFFFE0] =	vst v38;
	v55 =	vunpack.i.u.bf16.f32 v49;
	v56 =	vunpack.i.l.bf16.f32 v49;
	v39 =	vunpack.i.l.bf16.f32 v51  }
0x2b8: {  	p0 =	sne.s32 s5, $0x10;
	[tilespmem:s7+$0xFFFFFFF0] =	vst v37;
	v57 =	vunpack.i.u.bf16.f32 v51;
	v35 =	vmul.f32 v56, v32;
	v39 =	vmul.f32 v39, v33  }
.Ltmp11:
0x2b9: {  	[tilespmem:s7+$0x20] =	vst v34;
	v59 =	vmul.f32 v55, v32;
	v60 =	vmul.f32 v57, v33;
	v32 =	vadd.f32 v62, v61;
	(pc) =	sbr.rel @p0 .LBB2_22-.Ltmp11, $4  }
0x2ba: {  	[tilespmem:s10+$0x30] =	vst v54;
	v35 =	vadd.f32 v39, v35  }
0x2bb: {  	v63 =	vadd.f32 v60, v59;
	[tilespmem:s10+$0x20] =	vst v32  }
0x2bc: {  	[tilespmem:s10+$0xFFFFFFE0] =	vst v35  }
0x2bd: {  	s3 =	sadd.s32 $0x800, s3;
	s1 =	sadd.s32 $0x1, s1;
	[tilespmem:s10+$0xFFFFFFF0] =	vst v63  }
0x2be: {  	s1 =	simm.s32 $0x0;
	s3 =	rddreg [dreg:$0xa]  }
0x2bf: {  	[hbm4b:s3+s1] =	stream.linear.scatter [tilespmem:s30], [sflag:$0x3], $0x8000, $0x38;
	[tilespmem:$0x1CA00] =	vst v63  }
0x2c0: {  	_ =	swait.ge [sflag:s26], $0x8000  }
0x2c1: {  	[sflag:s26] =	ssyncset.done $0x0  }
0x2c2: {  	s5 =	simm.s32 $0x0;
	s3 =	simm.s32 $0x0;
	[sflag:s26] =	ssyncadd.s32 $0xFFFF8000  }
.LBB2_26:
0x2c3: {  	v32 =	vld [tilespmem:s5+$0x4460];
	_ =	sdelay $0x1  }
0x2c4: {  	v33 =	vld [tilespmem:s5+$0x45E0];
	_ =	sdelay $0x2  }
0x2c5: {  	(v2sf) =	vpush v32, $0x0;
	_ =	sdelay $0x1  }
0x2c6: {  	(v2sf) =	vpush v33, $0x0;
	_ =	sdelay $0xc  }
0x2c7: {  	s6 =	spop (v2sf)  }
0x2c8: {  	s6 =	sshll.u32 s6, $0x2  }
0x2c9: {  	s7 =	spop (v2sf);
	s6 =	sshra.s32 s6, $0x2  }
0x2ca: {  	v32 =	vld.msk [tilespmem:s5+$0x4760 ss:$0x0], $0xffff;
	s7 =	sshll.u32 s7, $0x2;
	s8 =	sadd.s32 $0x20, s6  }
0x2cb: {  	s12 =	sshra.s32 s7, $0x2;
	v34 =	vld [tilespmem:s8+$0x0]  }
0x2cc: {  	s7 =	sadd.s32 $0x20, s12;
	v39 =	vld [tilespmem:s8+$0xFFFFFFE0]  }
0x2cd: {  	v35 =	vld [tilespmem:s7+$0x0]  }
0x2ce: {  	v33 =	vld.msk [tilespmem:s5+$0x48E0 ss:$0x0], $0xffff;
	_ =	sdelay $0x1  }
0x2cf: {  	s10 =	sadd.s32 $0x40, s8;
	v38 =	vld [tilespmem:s7+$0xFFFFFFE0]  }
0x2d0: {  	v55 =	vld [tilespmem:s10+$0x0];
	v36 =	vunpack.i.u.bf16.f32 v34  }
0x2d1: {  	s13 =	sshll.u32 s3, $0x2;
	s9 =	sand.u32 $0x7, s1;
	s11 =	sadd.s32 $0x40, s7;
	v60 =	vld [tilespmem:s10+$0xFFFFFFE0];
	v34 =	vunpack.i.l.bf16.f32 v34;
	v56 =	vunpack.i.u.bf16.f32 v39;
	v37 =	vunpack.i.l.bf16.f32 v35  }
0x2d2: {  	s9 =	sshll.u32 s9, $0x9;
	s6 =	sand.u32 $0xFFFF0000, s13;
	v41 =	vld [tilespmem:s11+$0x0];
	v35 =	vunpack.i.u.bf16.f32 v35;
	v34 =	vmul.f32 v34, v32;
	v37 =	vmul.f32 v37, v33  }
0x2d3: {  	s6 =	sor.u32 s9, s6;
	v43 =	vld [tilespmem:s11+$0xFFFFFFE0];
	v57 =	vunpack.i.l.bf16.f32 v39;
	v36 =	vmul.f32 v36, v32;
	v35 =	vmul.f32 v35, v33  }
0x2d4: {  	s6 =	sshrl.u32 s6, $0x2;
	v58 =	vunpack.i.l.bf16.f32 v38;
	v38 =	vunpack.i.u.bf16.f32 v38;
	v34 =	vadd.f32 v37, v34  }
0x2d5: {  	s6 =	sadd.s32 $0x4A40, s6;
	v39 =	vmul.f32 v58, v33;
	v35 =	vadd.f32 v35, v36;
	v37 =	vmul.f32 v57, v32  }
0x2d6: {  	s9 =	sadd.s32 $0x40, s11;
	v59 =	vunpack.i.u.bf16.f32 v55;
	v38 =	vmul.f32 v38, v33;
	v36 =	vmul.f32 v56, v32;
	[tilespmem:s6+$0x0] =	vst v34  }
0x2d7: {  	v63 =	vunpack.i.u.bf16.f32 v60;
	v62 =	vunpack.i.l.bf16.f32 v41;
	v57 =	vld [tilespmem:s9+$0x0];
	[tilespmem:s6+$0x10] =	vst v35;
	v37 =	vadd.f32 v39, v37  }
0x2d8: {  	v41 =	vunpack.i.u.bf16.f32 v41;
	v47 =	vunpack.i.l.bf16.f32 v43;
	v36 =	vadd.f32 v38, v36;
	v35 =	vld [tilespmem:s8+$0x10]  }
0x2d9: {  	v41 =	vmul.f32 v41, v33;
	v34 =	vunpack.i.l.bf16.f32 v55;
	v38 =	vmul.f32 v59, v32;
	v40 =	vld [tilespmem:s7+$0x10];
	[tilespmem:s6+$0xFFFFFFC0] =	vst v37  }
0x2da: {  	v34 =	vmul.f32 v34, v32;
	[tilespmem:s6+$0xFFFFFFD0] =	vst v36;
	v36 =	vmul.f32 v62, v33;
	v37 =	vunpack.i.l.bf16.f32 v60  }
0x2db: {  	v46 =	vunpack.i.u.bf16.f32 v43;
	v49 =	vmul.f32 v47, v33;
	v48 =	vmul.f32 v37, v32  }
0x2dc: {  	v52 =	vmul.f32 v46, v33;
	v38 =	vadd.f32 v41, v38;
	v44 =	vld [tilespmem:s8+$0xFFFFFFF0];
	v34 =	vadd.f32 v36, v34  }
0x2dd: {  	v45 =	vld [tilespmem:s7+$0xFFFFFFF0];
	s7 =	sadd.s32 $0x400, s6;
	v36 =	vmul.f32 v63, v32;
	v46 =	vadd.f32 v49, v48;
	v49 =	vunpack.i.l.bf16.f32 v57  }
0x2de: {  	s8 =	sadd.s32 $0x40, s10;
	[tilespmem:s7+$0x10] =	vst v38;
	v61 =	vunpack.i.u.bf16.f32 v35;
	v42 =	vunpack.i.u.bf16.f32 v40;
	v35 =	vunpack.i.l.bf16.f32 v35  }
0x2df: {  	v51 =	vld [tilespmem:s8+$0x0];
	[tilespmem:s7+$0x0] =	vst v34;
	v38 =	vadd.f32 v52, v36;
	v49 =	vmul.f32 v49, v33;
	v39 =	vmul.f32 v61, v32  }
0x2e0: {  	v40 =	vunpack.i.l.bf16.f32 v40;
	v42 =	vmul.f32 v42, v33;
	v54 =	vld [tilespmem:s10+$0x10];
	v35 =	vmul.f32 v35, v32  }
0x2e1: {  	v34 =	vld [tilespmem:s11+$0x10];
	v61 =	vunpack.i.u.bf16.f32 v57;
	v50 =	vunpack.i.u.bf16.f32 v44;
	v53 =	vunpack.i.l.bf16.f32 v44  }
0x2e2: {  	v55 =	vunpack.i.u.bf16.f32 v45;
	v45 =	vunpack.i.l.bf16.f32 v45;
	v56 =	vmul.f32 v53, v32  }
0x2e3: {  	v39 =	vadd.f32 v42, v39;
	v45 =	vmul.f32 v45, v33;
	v42 =	vmul.f32 v50, v32  }
0x2e4: {  	v58 =	vld [tilespmem:s8+$0xFFFFFFE0];
	[tilespmem:s7+$0xFFFFFFC0] =	vst v46;
	v47 =	vmul.f32 v55, v33;
	v59 =	vunpack.i.u.bf16.f32 v51;
	v43 =	vunpack.i.l.bf16.f32 v51  }
0x2e5: {  	v60 =	vld [tilespmem:s9+$0xFFFFFFE0];
	[tilespmem:s7+$0xFFFFFFD0] =	vst v38;
	v43 =	vmul.f32 v43, v32;
	v62 =	vmul.f32 v59, v32;
	v45 =	vadd.f32 v45, v56  }
0x2e6: {  	v38 =	vld [tilespmem:s10+$0xFFFFFFF0];
	[tilespmem:s6+$0x30] =	vst v39;
	v39 =	vmul.f32 v61, v33;
	v44 =	vunpack.i.u.bf16.f32 v54;
	v48 =	vunpack.i.u.bf16.f32 v34  }
0x2e7: {  	v42 =	vadd.f32 v47, v42;
	v44 =	vmul.f32 v44, v32;
	v48 =	vmul.f32 v48, v33  }
0x2e8: {  	v37 =	vmul.f32 v40, v33;
	v63 =	vadd.f32 v49, v43;
	[tilespmem:s6+$0xFFFFFFE0] =	vst v45;
	v43 =	vadd.f32 v39, v62;
	v39 =	vld [tilespmem:s11+$0xFFFFFFF0]  }
0x2e9: {  	v41 =	vunpack.i.u.bf16.f32 v58;
	v40 =	vunpack.i.l.bf16.f32 v58;
	s10 =	sadd.s32 $0x400, s7;
	[tilespmem:s6+$0xFFFFFFF0] =	vst v42;
	v44 =	vadd.f32 v48, v44  }
0x2ea: {  	v47 =	vunpack.i.l.bf16.f32 v60;
	v36 =	vunpack.i.l.bf16.f32 v54;
	v42 =	vunpack.i.u.bf16.f32 v60;
	[tilespmem:s10+$0x0] =	vst v63  }
0x2eb: {  	s12 =	simm.s32 $0x80;
	s13 =	smov.u32 s9;
	v45 =	vmul.f32 v47, v33;
	s11 =	sadd.s32 $0x40, s8;
	[tilespmem:s7+$0x30] =	vst v44;
	v44 =	vmul.f32 v40, v32;
	v40 =	vunpack.i.u.bf16.f32 v38  }
.LBB2_27:
0x2ec: {  	v46 =	vld [tilespmem:s11+$0x0];
	v41 =	vmul.f32 v41, v32;
	v42 =	vmul.f32 v42, v33;
	[tilespmem:s10+$0x10] =	vst v43;
	v38 =	vunpack.i.l.bf16.f32 v38  }
0x2ed: {  	v43 =	vadd.f32 v45, v44;
	v44 =	vld [tilespmem:s8+$0x10];
	v45 =	vunpack.i.u.bf16.f32 v39;
	v39 =	vunpack.i.l.bf16.f32 v39  }
0x2ee: {  	s13 =	sadd.s32 $0x40, s13;
	v38 =	vmul.f32 v38, v32;
	v41 =	vadd.f32 v42, v41;
	v42 =	vunpack.i.l.bf16.f32 v34;
	v34 =	vld [tilespmem:s9+$0x10]  }
0x2ef: {  	v40 =	vmul.f32 v40, v32;
	v39 =	vmul.f32 v39, v33;
	v47 =	vld [tilespmem:s13+$0x0];
	[tilespmem:s10+$0xFFFFFFC0] =	vst v43;
	v43 =	vadd.f32 v37, v35  }
0x2f0: {  	v35 =	vmul.f32 v36, v32;
	v48 =	vld [tilespmem:s13+$0xFFFFFFE0];
	[tilespmem:s10+$0xFFFFFFD0] =	vst v41;
	v41 =	vmul.f32 v45, v33  }
0x2f1: {  	s12 =	sadd.s32 $0x40, s12;
	v37 =	vmul.f32 v42, v33;
	v49 =	vadd.f32 v39, v38;
	v45 =	vld [tilespmem:s11+$0xFFFFFFE0];
	[tilespmem:s6+$0x20] =	vst v43;
	s6 =	smov.u32 s7;
	s7 =	smov.u32 s10  }
0x2f2: {  	p0 =	slt.u32 s12, $0x3C0;
	v42 =	vunpack.i.u.bf16.f32 v46;
	v38 =	vld [tilespmem:s8+$0xFFFFFFF0];
	v36 =	vunpack.i.l.bf16.f32 v44;
	v40 =	vadd.f32 v41, v40;
	s8 =	smov.u32 s11  }
0x2f3: {  	v41 =	vunpack.i.l.bf16.f32 v46;
	v43 =	vunpack.i.u.bf16.f32 v44;
	v39 =	vld [tilespmem:s9+$0xFFFFFFF0];
	v44 =	vunpack.i.u.bf16.f32 v34;
	[tilespmem:s6+$0xFFFFFFE0] =	vst v49;
	s9 =	smov.u32 s13  }
0x2f4: {  	v43 =	vmul.f32 v43, v32;
	v46 =	vunpack.i.l.bf16.f32 v47;
	v44 =	vmul.f32 v44, v33;
	[tilespmem:s6+$0xFFFFFFF0] =	vst v40  }
.Ltmp12:
0x2f5: {  	v40 =	vunpack.i.u.bf16.f32 v47;
	v47 =	vmul.f32 v41, v32;
	v46 =	vmul.f32 v46, v33;
	(pc) =	sbr.rel @p0 .LBB2_27-.Ltmp12, $4  }
0x2f6: {  	v49 =	vmul.f32 v42, v32;
	v40 =	vmul.f32 v40, v33;
	v44 =	vadd.f32 v44, v43  }
0x2f7: {  	v41 =	vunpack.i.u.bf16.f32 v45;
	v45 =	vunpack.i.l.bf16.f32 v45;
	v46 =	vadd.f32 v46, v47  }
0x2f8: {  	s10 =	sadd.s32 $0x400, s10;
	v42 =	vunpack.i.u.bf16.f32 v48;
	v47 =	vunpack.i.l.bf16.f32 v48;
	v43 =	vadd.f32 v40, v49;
	[tilespmem:s7+$0x30] =	vst v44  }
0x2f9: {  	s11 =	sadd.s32 $0x40, s11;
	v40 =	vunpack.i.u.bf16.f32 v38;
	v44 =	vmul.f32 v45, v32;
	v45 =	vmul.f32 v47, v33;
	[tilespmem:s10+$0x0] =	vst v46  }
0x2fa: {  	v41 =	vmul.f32 v41, v32;
	v42 =	vmul.f32 v42, v33;
	[tilespmem:s10+$0x10] =	vst v43  }
0x2fb: {  	v61 =	vadd.f32 v45, v44;
	v62 =	vld [tilespmem:s8+$0x10]  }
0x2fc: {  	v63 =	vld [tilespmem:s9+$0x10];
	v41 =	vadd.f32 v42, v41  }
0x2fd: {  	v38 =	vunpack.i.l.bf16.f32 v38;
	v46 =	vunpack.i.l.bf16.f32 v39;
	[tilespmem:s10+$0xFFFFFFC0] =	vst v61  }
0x2fe: {  	v47 =	vunpack.i.u.bf16.f32 v39;
	v40 =	vmul.f32 v40, v32;
	v36 =	vmul.f32 v36, v32;
	[tilespmem:s10+$0xFFFFFFD0] =	vst v41  }
0x2ff: {  	v34 =	vunpack.i.l.bf16.f32 v34;
	v38 =	vmul.f32 v38, v32;
	v48 =	vmul.f32 v46, v33;
	v49 =	vld [tilespmem:s8+$0xFFFFFFF0]  }
0x300: {  	v35 =	vadd.f32 v37, v35;
	v50 =	vmul.f32 v47, v33;
	v34 =	vmul.f32 v34, v33;
	v51 =	vld [tilespmem:s9+$0xFFFFFFF0]  }
0x301: {  	v38 =	vadd.f32 v48, v38;
	v52 =	vunpack.i.u.bf16.f32 v62;
	v53 =	vunpack.i.u.bf16.f32 v63  }
0x302: {  	v37 =	vadd.f32 v50, v40;
	v41 =	vmul.f32 v52, v32;
	v45 =	vmul.f32 v53, v33  }
0x303: {  	v34 =	vadd.f32 v34, v36;
	v44 =	vunpack.i.l.bf16.f32 v62;
	v58 =	vunpack.i.l.bf16.f32 v63  }
0x304: {  	[tilespmem:s6+$0x20] =	vst v35;
	v61 =	vmul.f32 v44, v32;
	v62 =	vmul.f32 v58, v33;
	v54 =	vadd.f32 v45, v41  }
0x305: {  	s5 =	sadd.s32 $0x1, s5;
	[tilespmem:s7+$0xFFFFFFE0] =	vst v38;
	v55 =	vunpack.i.u.bf16.f32 v49;
	v56 =	vunpack.i.l.bf16.f32 v49;
	v39 =	vunpack.i.l.bf16.f32 v51  }
0x306: {  	p0 =	sne.s32 s5, $0x10;
	[tilespmem:s7+$0xFFFFFFF0] =	vst v37;
	v57 =	vunpack.i.u.bf16.f32 v51;
	v35 =	vmul.f32 v56, v32;
	v39 =	vmul.f32 v39, v33  }
.Ltmp13:
0x307: {  	[tilespmem:s7+$0x20] =	vst v34;
	v59 =	vmul.f32 v55, v32;
	v60 =	vmul.f32 v57, v33;
	v32 =	vadd.f32 v62, v61;
	(pc) =	sbr.rel @p0 .LBB2_26-.Ltmp13, $4  }
0x308: {  	[tilespmem:s10+$0x30] =	vst v54;
	v35 =	vadd.f32 v39, v35  }
0x309: {  	v63 =	vadd.f32 v60, v59;
	[tilespmem:s10+$0x20] =	vst v32  }
0x30a: {  	[tilespmem:s10+$0xFFFFFFE0] =	vst v35  }
0x30b: {  	s3 =	sadd.s32 $0x800, s3;
	s1 =	sadd.s32 $0x1, s1;
	[tilespmem:s10+$0xFFFFFFF0] =	vst v63  }
0x30c: {  	s1 =	simm.s32 $0x0;
	s3 =	rddreg [dreg:$0xb]  }
0x30d: {  	[hbm4b:s3+s1] =	stream.linear.scatter [tilespmem:s28], [sflag:$0x1], $0x8000, $0x38;
	[tilespmem:$0x1CA00] =	vst v63  }
0x30e: {  	_ =	swait.ge [sflag:s25], $0x8000  }
0x30f: {  	[sflag:s25] =	ssyncset.done $0x0  }
0x310: {  	s5 =	simm.s32 $0x0;
	s3 =	simm.s32 $0x0;
	[sflag:s25] =	ssyncadd.s32 $0xFFFF8000  }
.LBB2_30:
0x311: {  	v32 =	vld [tilespmem:s5+$0x4470];
	_ =	sdelay $0x1  }
0x312: {  	v33 =	vld [tilespmem:s5+$0x45F0];
	_ =	sdelay $0x2  }
0x313: {  	(v2sf) =	vpush v32, $0x0;
	_ =	sdelay $0x1  }
0x314: {  	(v2sf) =	vpush v33, $0x0;
	_ =	sdelay $0xc  }
0x315: {  	s6 =	spop (v2sf)  }
0x316: {  	s6 =	sshll.u32 s6, $0x2  }
0x317: {  	s7 =	spop (v2sf);
	s6 =	sshra.s32 s6, $0x2  }
0x318: {  	v32 =	vld.msk [tilespmem:s5+$0x4770 ss:$0x0], $0xffff;
	s7 =	sshll.u32 s7, $0x2;
	s8 =	sadd.s32 $0x20, s6  }
0x319: {  	s12 =	sshra.s32 s7, $0x2;
	v34 =	vld [tilespmem:s8+$0x0]  }
0x31a: {  	s7 =	sadd.s32 $0x20, s12;
	v39 =	vld [tilespmem:s8+$0xFFFFFFE0]  }
0x31b: {  	v35 =	vld [tilespmem:s7+$0x0]  }
0x31c: {  	v33 =	vld.msk [tilespmem:s5+$0x48F0 ss:$0x0], $0xffff;
	_ =	sdelay $0x1  }
0x31d: {  	s10 =	sadd.s32 $0x40, s8;
	v38 =	vld [tilespmem:s7+$0xFFFFFFE0]  }
0x31e: {  	v55 =	vld [tilespmem:s10+$0x0];
	v36 =	vunpack.i.u.bf16.f32 v34  }
0x31f: {  	s13 =	sshll.u32 s3, $0x2;
	s9 =	sand.u32 $0x7, s1;
	s11 =	sadd.s32 $0x40, s7;
	v60 =	vld [tilespmem:s10+$0xFFFFFFE0];
	v34 =	vunpack.i.l.bf16.f32 v34;
	v56 =	vunpack.i.u.bf16.f32 v39;
	v37 =	vunpack.i.l.bf16.f32 v35  }
0x320: {  	s9 =	sshll.u32 s9, $0x9;
	s6 =	sand.u32 $0xFFFF0000, s13;
	v41 =	vld [tilespmem:s11+$0x0];
	v35 =	vunpack.i.u.bf16.f32 v35;
	v34 =	vmul.f32 v34, v32;
	v37 =	vmul.f32 v37, v33  }
0x321: {  	s6 =	sor.u32 s9, s6;
	v43 =	vld [tilespmem:s11+$0xFFFFFFE0];
	v57 =	vunpack.i.l.bf16.f32 v39;
	v36 =	vmul.f32 v36, v32;
	v35 =	vmul.f32 v35, v33  }
0x322: {  	s6 =	sshrl.u32 s6, $0x2;
	v58 =	vunpack.i.l.bf16.f32 v38;
	v38 =	vunpack.i.u.bf16.f32 v38;
	v34 =	vadd.f32 v37, v34  }
0x323: {  	s6 =	sadd.s32 $0xCA40, s6;
	v39 =	vmul.f32 v58, v33;
	v35 =	vadd.f32 v35, v36;
	v37 =	vmul.f32 v57, v32  }
0x324: {  	s9 =	sadd.s32 $0x40, s11;
	v59 =	vunpack.i.u.bf16.f32 v55;
	v38 =	vmul.f32 v38, v33;
	v36 =	vmul.f32 v56, v32;
	[tilespmem:s6+$0x0] =	vst v34  }
0x325: {  	v63 =	vunpack.i.u.bf16.f32 v60;
	v62 =	vunpack.i.l.bf16.f32 v41;
	v57 =	vld [tilespmem:s9+$0x0];
	[tilespmem:s6+$0x10] =	vst v35;
	v37 =	vadd.f32 v39, v37  }
0x326: {  	v41 =	vunpack.i.u.bf16.f32 v41;
	v47 =	vunpack.i.l.bf16.f32 v43;
	v36 =	vadd.f32 v38, v36;
	v35 =	vld [tilespmem:s8+$0x10]  }
0x327: {  	v41 =	vmul.f32 v41, v33;
	v34 =	vunpack.i.l.bf16.f32 v55;
	v38 =	vmul.f32 v59, v32;
	v40 =	vld [tilespmem:s7+$0x10];
	[tilespmem:s6+$0xFFFFFFC0] =	vst v37  }
0x328: {  	v34 =	vmul.f32 v34, v32;
	[tilespmem:s6+$0xFFFFFFD0] =	vst v36;
	v36 =	vmul.f32 v62, v33;
	v37 =	vunpack.i.l.bf16.f32 v60  }
0x329: {  	v46 =	vunpack.i.u.bf16.f32 v43;
	v49 =	vmul.f32 v47, v33;
	v48 =	vmul.f32 v37, v32  }
0x32a: {  	v52 =	vmul.f32 v46, v33;
	v38 =	vadd.f32 v41, v38;
	v44 =	vld [tilespmem:s8+$0xFFFFFFF0];
	v34 =	vadd.f32 v36, v34  }
0x32b: {  	v45 =	vld [tilespmem:s7+$0xFFFFFFF0];
	s7 =	sadd.s32 $0x400, s6;
	v36 =	vmul.f32 v63, v32;
	v46 =	vadd.f32 v49, v48;
	v49 =	vunpack.i.l.bf16.f32 v57  }
0x32c: {  	s8 =	sadd.s32 $0x40, s10;
	[tilespmem:s7+$0x10] =	vst v38;
	v61 =	vunpack.i.u.bf16.f32 v35;
	v42 =	vunpack.i.u.bf16.f32 v40;
	v35 =	vunpack.i.l.bf16.f32 v35  }
0x32d: {  	v51 =	vld [tilespmem:s8+$0x0];
	[tilespmem:s7+$0x0] =	vst v34;
	v38 =	vadd.f32 v52, v36;
	v49 =	vmul.f32 v49, v33;
	v39 =	vmul.f32 v61, v32  }
0x32e: {  	v40 =	vunpack.i.l.bf16.f32 v40;
	v42 =	vmul.f32 v42, v33;
	v54 =	vld [tilespmem:s10+$0x10];
	v35 =	vmul.f32 v35, v32  }
0x32f: {  	v34 =	vld [tilespmem:s11+$0x10];
	v61 =	vunpack.i.u.bf16.f32 v57;
	v50 =	vunpack.i.u.bf16.f32 v44;
	v53 =	vunpack.i.l.bf16.f32 v44  }
0x330: {  	v55 =	vunpack.i.u.bf16.f32 v45;
	v45 =	vunpack.i.l.bf16.f32 v45;
	v56 =	vmul.f32 v53, v32  }
0x331: {  	v39 =	vadd.f32 v42, v39;
	v45 =	vmul.f32 v45, v33;
	v42 =	vmul.f32 v50, v32  }
0x332: {  	v58 =	vld [tilespmem:s8+$0xFFFFFFE0];
	[tilespmem:s7+$0xFFFFFFC0] =	vst v46;
	v47 =	vmul.f32 v55, v33;
	v59 =	vunpack.i.u.bf16.f32 v51;
	v43 =	vunpack.i.l.bf16.f32 v51  }
0x333: {  	v60 =	vld [tilespmem:s9+$0xFFFFFFE0];
	[tilespmem:s7+$0xFFFFFFD0] =	vst v38;
	v43 =	vmul.f32 v43, v32;
	v62 =	vmul.f32 v59, v32;
	v45 =	vadd.f32 v45, v56  }
0x334: {  	v38 =	vld [tilespmem:s10+$0xFFFFFFF0];
	[tilespmem:s6+$0x30] =	vst v39;
	v39 =	vmul.f32 v61, v33;
	v44 =	vunpack.i.u.bf16.f32 v54;
	v48 =	vunpack.i.u.bf16.f32 v34  }
0x335: {  	v42 =	vadd.f32 v47, v42;
	v44 =	vmul.f32 v44, v32;
	v48 =	vmul.f32 v48, v33  }
0x336: {  	v37 =	vmul.f32 v40, v33;
	v63 =	vadd.f32 v49, v43;
	[tilespmem:s6+$0xFFFFFFE0] =	vst v45;
	v43 =	vadd.f32 v39, v62;
	v39 =	vld [tilespmem:s11+$0xFFFFFFF0]  }
0x337: {  	v41 =	vunpack.i.u.bf16.f32 v58;
	v40 =	vunpack.i.l.bf16.f32 v58;
	s10 =	sadd.s32 $0x400, s7;
	[tilespmem:s6+$0xFFFFFFF0] =	vst v42;
	v44 =	vadd.f32 v48, v44  }
0x338: {  	v47 =	vunpack.i.l.bf16.f32 v60;
	v36 =	vunpack.i.l.bf16.f32 v54;
	v42 =	vunpack.i.u.bf16.f32 v60;
	[tilespmem:s10+$0x0] =	vst v63  }
0x339: {  	s12 =	simm.s32 $0x80;
	s13 =	smov.u32 s9;
	v45 =	vmul.f32 v47, v33;
	s11 =	sadd.s32 $0x40, s8;
	[tilespmem:s7+$0x30] =	vst v44;
	v44 =	vmul.f32 v40, v32;
	v40 =	vunpack.i.u.bf16.f32 v38  }
.LBB2_31:
0x33a: {  	v46 =	vld [tilespmem:s11+$0x0];
	v41 =	vmul.f32 v41, v32;
	v42 =	vmul.f32 v42, v33;
	[tilespmem:s10+$0x10] =	vst v43;
	v38 =	vunpack.i.l.bf16.f32 v38  }
0x33b: {  	v43 =	vadd.f32 v45, v44;
	v44 =	vld [tilespmem:s8+$0x10];
	v45 =	vunpack.i.u.bf16.f32 v39;
	v39 =	vunpack.i.l.bf16.f32 v39  }
0x33c: {  	s13 =	sadd.s32 $0x40, s13;
	v38 =	vmul.f32 v38, v32;
	v41 =	vadd.f32 v42, v41;
	v42 =	vunpack.i.l.bf16.f32 v34;
	v34 =	vld [tilespmem:s9+$0x10]  }
0x33d: {  	v40 =	vmul.f32 v40, v32;
	v39 =	vmul.f32 v39, v33;
	v47 =	vld [tilespmem:s13+$0x0];
	[tilespmem:s10+$0xFFFFFFC0] =	vst v43;
	v43 =	vadd.f32 v37, v35  }
0x33e: {  	v35 =	vmul.f32 v36, v32;
	v48 =	vld [tilespmem:s13+$0xFFFFFFE0];
	[tilespmem:s10+$0xFFFFFFD0] =	vst v41;
	v41 =	vmul.f32 v45, v33  }
0x33f: {  	s12 =	sadd.s32 $0x40, s12;
	v37 =	vmul.f32 v42, v33;
	v49 =	vadd.f32 v39, v38;
	v45 =	vld [tilespmem:s11+$0xFFFFFFE0];
	[tilespmem:s6+$0x20] =	vst v43;
	s6 =	smov.u32 s7;
	s7 =	smov.u32 s10  }
0x340: {  	p0 =	slt.u32 s12, $0x3C0;
	v42 =	vunpack.i.u.bf16.f32 v46;
	v38 =	vld [tilespmem:s8+$0xFFFFFFF0];
	v36 =	vunpack.i.l.bf16.f32 v44;
	v40 =	vadd.f32 v41, v40;
	s8 =	smov.u32 s11  }
0x341: {  	v41 =	vunpack.i.l.bf16.f32 v46;
	v43 =	vunpack.i.u.bf16.f32 v44;
	v39 =	vld [tilespmem:s9+$0xFFFFFFF0];
	v44 =	vunpack.i.u.bf16.f32 v34;
	[tilespmem:s6+$0xFFFFFFE0] =	vst v49;
	s9 =	smov.u32 s13  }
0x342: {  	v43 =	vmul.f32 v43, v32;
	v46 =	vunpack.i.l.bf16.f32 v47;
	v44 =	vmul.f32 v44, v33;
	[tilespmem:s6+$0xFFFFFFF0] =	vst v40  }
.Ltmp14:
0x343: {  	v40 =	vunpack.i.u.bf16.f32 v47;
	v47 =	vmul.f32 v41, v32;
	v46 =	vmul.f32 v46, v33;
	(pc) =	sbr.rel @p0 .LBB2_31-.Ltmp14, $4  }
0x344: {  	v49 =	vmul.f32 v42, v32;
	v40 =	vmul.f32 v40, v33;
	v44 =	vadd.f32 v44, v43  }
0x345: {  	v41 =	vunpack.i.u.bf16.f32 v45;
	v45 =	vunpack.i.l.bf16.f32 v45;
	v46 =	vadd.f32 v46, v47  }
0x346: {  	s10 =	sadd.s32 $0x400, s10;
	v42 =	vunpack.i.u.bf16.f32 v48;
	v47 =	vunpack.i.l.bf16.f32 v48;
	v43 =	vadd.f32 v40, v49;
	[tilespmem:s7+$0x30] =	vst v44  }
0x347: {  	s11 =	sadd.s32 $0x40, s11;
	v40 =	vunpack.i.u.bf16.f32 v38;
	v44 =	vmul.f32 v45, v32;
	v45 =	vmul.f32 v47, v33;
	[tilespmem:s10+$0x0] =	vst v46  }
0x348: {  	v41 =	vmul.f32 v41, v32;
	v42 =	vmul.f32 v42, v33;
	[tilespmem:s10+$0x10] =	vst v43  }
0x349: {  	v61 =	vadd.f32 v45, v44;
	v62 =	vld [tilespmem:s8+$0x10]  }
0x34a: {  	v63 =	vld [tilespmem:s9+$0x10];
	v41 =	vadd.f32 v42, v41  }
0x34b: {  	v38 =	vunpack.i.l.bf16.f32 v38;
	v46 =	vunpack.i.l.bf16.f32 v39;
	[tilespmem:s10+$0xFFFFFFC0] =	vst v61  }
0x34c: {  	v47 =	vunpack.i.u.bf16.f32 v39;
	v40 =	vmul.f32 v40, v32;
	v36 =	vmul.f32 v36, v32;
	[tilespmem:s10+$0xFFFFFFD0] =	vst v41  }
0x34d: {  	v34 =	vunpack.i.l.bf16.f32 v34;
	v38 =	vmul.f32 v38, v32;
	v48 =	vmul.f32 v46, v33;
	v49 =	vld [tilespmem:s8+$0xFFFFFFF0]  }
0x34e: {  	v35 =	vadd.f32 v37, v35;
	v50 =	vmul.f32 v47, v33;
	v34 =	vmul.f32 v34, v33;
	v51 =	vld [tilespmem:s9+$0xFFFFFFF0]  }
0x34f: {  	v38 =	vadd.f32 v48, v38;
	v52 =	vunpack.i.u.bf16.f32 v62;
	v53 =	vunpack.i.u.bf16.f32 v63  }
0x350: {  	v37 =	vadd.f32 v50, v40;
	v41 =	vmul.f32 v52, v32;
	v45 =	vmul.f32 v53, v33  }
0x351: {  	v34 =	vadd.f32 v34, v36;
	v44 =	vunpack.i.l.bf16.f32 v62;
	v58 =	vunpack.i.l.bf16.f32 v63  }
0x352: {  	[tilespmem:s6+$0x20] =	vst v35;
	v61 =	vmul.f32 v44, v32;
	v62 =	vmul.f32 v58, v33;
	v54 =	vadd.f32 v45, v41  }
0x353: {  	s5 =	sadd.s32 $0x1, s5;
	[tilespmem:s7+$0xFFFFFFE0] =	vst v38;
	v55 =	vunpack.i.u.bf16.f32 v49;
	v56 =	vunpack.i.l.bf16.f32 v49;
	v39 =	vunpack.i.l.bf16.f32 v51  }
0x354: {  	p0 =	sne.s32 s5, $0x10;
	[tilespmem:s7+$0xFFFFFFF0] =	vst v37;
	v57 =	vunpack.i.u.bf16.f32 v51;
	v35 =	vmul.f32 v56, v32;
	v39 =	vmul.f32 v39, v33  }
.Ltmp15:
0x355: {  	[tilespmem:s7+$0x20] =	vst v34;
	v59 =	vmul.f32 v55, v32;
	v60 =	vmul.f32 v57, v33;
	v32 =	vadd.f32 v62, v61;
	(pc) =	sbr.rel @p0 .LBB2_30-.Ltmp15, $4  }
0x356: {  	[tilespmem:s10+$0x30] =	vst v54;
	v35 =	vadd.f32 v39, v35  }
0x357: {  	v63 =	vadd.f32 v60, v59;
	[tilespmem:s10+$0x20] =	vst v32  }
0x358: {  	[tilespmem:s10+$0xFFFFFFE0] =	vst v35  }
0x359: {  	s3 =	sadd.s32 $0x800, s3;
	s1 =	sadd.s32 $0x1, s1;
	[tilespmem:s10+$0xFFFFFFF0] =	vst v63  }
0x35a: {  	s1 =	simm.s32 $0x0;
	s3 =	rddreg [dreg:$0xc]  }
0x35b: {  	[hbm4b:s3+s1] =	stream.linear.scatter [tilespmem:s29], [sflag:$0x2], $0x8000, $0x38;
	[tilespmem:$0x1CA00] =	vst v63  }
0x35c: {  	_ =	swait.ge [sflag:s31], $0x8000  }
0x35d: {  	[sflag:s31] =	ssyncset.done $0x0  }
0x35e: {  	s5 =	simm.s32 $0x0;
	s3 =	simm.s32 $0x0;
	[sflag:s31] =	ssyncadd.s32 $0xFFFF8000  }
.LBB2_34:
0x35f: {  	v32 =	vld [tilespmem:s5+$0x4480];
	_ =	sdelay $0x1  }
0x360: {  	v33 =	vld [tilespmem:s5+$0x4600];
	_ =	sdelay $0x2  }
0x361: {  	(v2sf) =	vpush v32, $0x0;
	_ =	sdelay $0x1  }
0x362: {  	(v2sf) =	vpush v33, $0x0;
	_ =	sdelay $0xc  }
0x363: {  	s6 =	spop (v2sf)  }
0x364: {  	s6 =	sshll.u32 s6, $0x2  }
0x365: {  	s7 =	spop (v2sf);
	s6 =	sshra.s32 s6, $0x2  }
0x366: {  	v32 =	vld.msk [tilespmem:s5+$0x4780 ss:$0x0], $0xffff;
	s7 =	sshll.u32 s7, $0x2;
	s8 =	sadd.s32 $0x20, s6  }
0x367: {  	s12 =	sshra.s32 s7, $0x2;
	v34 =	vld [tilespmem:s8+$0x0]  }
0x368: {  	s7 =	sadd.s32 $0x20, s12;
	v39 =	vld [tilespmem:s8+$0xFFFFFFE0]  }
0x369: {  	v35 =	vld [tilespmem:s7+$0x0]  }
0x36a: {  	v33 =	vld.msk [tilespmem:s5+$0x4900 ss:$0x0], $0xffff;
	_ =	sdelay $0x1  }
0x36b: {  	s10 =	sadd.s32 $0x40, s8;
	v38 =	vld [tilespmem:s7+$0xFFFFFFE0]  }
0x36c: {  	v55 =	vld [tilespmem:s10+$0x0];
	v36 =	vunpack.i.u.bf16.f32 v34  }
0x36d: {  	s13 =	sshll.u32 s3, $0x2;
	s9 =	sand.u32 $0x7, s1;
	s11 =	sadd.s32 $0x40, s7;
	v60 =	vld [tilespmem:s10+$0xFFFFFFE0];
	v34 =	vunpack.i.l.bf16.f32 v34;
	v56 =	vunpack.i.u.bf16.f32 v39;
	v37 =	vunpack.i.l.bf16.f32 v35  }
0x36e: {  	s9 =	sshll.u32 s9, $0x9;
	s6 =	sand.u32 $0xFFFF0000, s13;
	v41 =	vld [tilespmem:s11+$0x0];
	v35 =	vunpack.i.u.bf16.f32 v35;
	v34 =	vmul.f32 v34, v32;
	v37 =	vmul.f32 v37, v33  }
0x36f: {  	s6 =	sor.u32 s9, s6;
	v43 =	vld [tilespmem:s11+$0xFFFFFFE0];
	v57 =	vunpack.i.l.bf16.f32 v39;
	v36 =	vmul.f32 v36, v32;
	v35 =	vmul.f32 v35, v33  }
0x370: {  	s6 =	sshrl.u32 s6, $0x2;
	v58 =	vunpack.i.l.bf16.f32 v38;
	v38 =	vunpack.i.u.bf16.f32 v38;
	v34 =	vadd.f32 v37, v34  }
0x371: {  	s6 =	sadd.s32 $0x14A40, s6;
	v39 =	vmul.f32 v58, v33;
	v35 =	vadd.f32 v35, v36;
	v37 =	vmul.f32 v57, v32  }
0x372: {  	s9 =	sadd.s32 $0x40, s11;
	v59 =	vunpack.i.u.bf16.f32 v55;
	v38 =	vmul.f32 v38, v33;
	v36 =	vmul.f32 v56, v32;
	[tilespmem:s6+$0x0] =	vst v34  }
0x373: {  	v63 =	vunpack.i.u.bf16.f32 v60;
	v62 =	vunpack.i.l.bf16.f32 v41;
	v57 =	vld [tilespmem:s9+$0x0];
	[tilespmem:s6+$0x10] =	vst v35;
	v37 =	vadd.f32 v39, v37  }
0x374: {  	v41 =	vunpack.i.u.bf16.f32 v41;
	v47 =	vunpack.i.l.bf16.f32 v43;
	v36 =	vadd.f32 v38, v36;
	v35 =	vld [tilespmem:s8+$0x10]  }
0x375: {  	v41 =	vmul.f32 v41, v33;
	v34 =	vunpack.i.l.bf16.f32 v55;
	v38 =	vmul.f32 v59, v32;
	v40 =	vld [tilespmem:s7+$0x10];
	[tilespmem:s6+$0xFFFFFFC0] =	vst v37  }
0x376: {  	v34 =	vmul.f32 v34, v32;
	[tilespmem:s6+$0xFFFFFFD0] =	vst v36;
	v36 =	vmul.f32 v62, v33;
	v37 =	vunpack.i.l.bf16.f32 v60  }
0x377: {  	v46 =	vunpack.i.u.bf16.f32 v43;
	v49 =	vmul.f32 v47, v33;
	v48 =	vmul.f32 v37, v32  }
0x378: {  	v52 =	vmul.f32 v46, v33;
	v38 =	vadd.f32 v41, v38;
	v44 =	vld [tilespmem:s8+$0xFFFFFFF0];
	v34 =	vadd.f32 v36, v34  }
0x379: {  	v45 =	vld [tilespmem:s7+$0xFFFFFFF0];
	s7 =	sadd.s32 $0x400, s6;
	v36 =	vmul.f32 v63, v32;
	v46 =	vadd.f32 v49, v48;
	v49 =	vunpack.i.l.bf16.f32 v57  }
0x37a: {  	s8 =	sadd.s32 $0x40, s10;
	[tilespmem:s7+$0x10] =	vst v38;
	v61 =	vunpack.i.u.bf16.f32 v35;
	v42 =	vunpack.i.u.bf16.f32 v40;
	v35 =	vunpack.i.l.bf16.f32 v35  }
0x37b: {  	v51 =	vld [tilespmem:s8+$0x0];
	[tilespmem:s7+$0x0] =	vst v34;
	v38 =	vadd.f32 v52, v36;
	v49 =	vmul.f32 v49, v33;
	v39 =	vmul.f32 v61, v32  }
0x37c: {  	v40 =	vunpack.i.l.bf16.f32 v40;
	v42 =	vmul.f32 v42, v33;
	v54 =	vld [tilespmem:s10+$0x10];
	v35 =	vmul.f32 v35, v32  }
0x37d: {  	v34 =	vld [tilespmem:s11+$0x10];
	v61 =	vunpack.i.u.bf16.f32 v57;
	v50 =	vunpack.i.u.bf16.f32 v44;
	v53 =	vunpack.i.l.bf16.f32 v44  }
0x37e: {  	v55 =	vunpack.i.u.bf16.f32 v45;
	v45 =	vunpack.i.l.bf16.f32 v45;
	v56 =	vmul.f32 v53, v32  }
0x37f: {  	v39 =	vadd.f32 v42, v39;
	v45 =	vmul.f32 v45, v33;
	v42 =	vmul.f32 v50, v32  }
0x380: {  	v58 =	vld [tilespmem:s8+$0xFFFFFFE0];
	[tilespmem:s7+$0xFFFFFFC0] =	vst v46;
	v47 =	vmul.f32 v55, v33;
	v59 =	vunpack.i.u.bf16.f32 v51;
	v43 =	vunpack.i.l.bf16.f32 v51  }
0x381: {  	v60 =	vld [tilespmem:s9+$0xFFFFFFE0];
	[tilespmem:s7+$0xFFFFFFD0] =	vst v38;
	v43 =	vmul.f32 v43, v32;
	v62 =	vmul.f32 v59, v32;
	v45 =	vadd.f32 v45, v56  }
0x382: {  	v38 =	vld [tilespmem:s10+$0xFFFFFFF0];
	[tilespmem:s6+$0x30] =	vst v39;
	v39 =	vmul.f32 v61, v33;
	v44 =	vunpack.i.u.bf16.f32 v54;
	v48 =	vunpack.i.u.bf16.f32 v34  }
0x383: {  	v42 =	vadd.f32 v47, v42;
	v44 =	vmul.f32 v44, v32;
	v48 =	vmul.f32 v48, v33  }
0x384: {  	v37 =	vmul.f32 v40, v33;
	v63 =	vadd.f32 v49, v43;
	[tilespmem:s6+$0xFFFFFFE0] =	vst v45;
	v43 =	vadd.f32 v39, v62;
	v39 =	vld [tilespmem:s11+$0xFFFFFFF0]  }
0x385: {  	v41 =	vunpack.i.u.bf16.f32 v58;
	v40 =	vunpack.i.l.bf16.f32 v58;
	s10 =	sadd.s32 $0x400, s7;
	[tilespmem:s6+$0xFFFFFFF0] =	vst v42;
	v44 =	vadd.f32 v48, v44  }
0x386: {  	v47 =	vunpack.i.l.bf16.f32 v60;
	v36 =	vunpack.i.l.bf16.f32 v54;
	v42 =	vunpack.i.u.bf16.f32 v60;
	[tilespmem:s10+$0x0] =	vst v63  }
0x387: {  	s12 =	simm.s32 $0x80;
	s13 =	smov.u32 s9;
	v45 =	vmul.f32 v47, v33;
	s11 =	sadd.s32 $0x40, s8;
	[tilespmem:s7+$0x30] =	vst v44;
	v44 =	vmul.f32 v40, v32;
	v40 =	vunpack.i.u.bf16.f32 v38  }
.LBB2_35:
0x388: {  	v46 =	vld [tilespmem:s11+$0x0];
	v41 =	vmul.f32 v41, v32;
	v42 =	vmul.f32 v42, v33;
	[tilespmem:s10+$0x10] =	vst v43;
	v38 =	vunpack.i.l.bf16.f32 v38  }
0x389: {  	v43 =	vadd.f32 v45, v44;
	v44 =	vld [tilespmem:s8+$0x10];
	v45 =	vunpack.i.u.bf16.f32 v39;
	v39 =	vunpack.i.l.bf16.f32 v39  }
0x38a: {  	s13 =	sadd.s32 $0x40, s13;
	v38 =	vmul.f32 v38, v32;
	v41 =	vadd.f32 v42, v41;
	v42 =	vunpack.i.l.bf16.f32 v34;
	v34 =	vld [tilespmem:s9+$0x10]  }
0x38b: {  	v40 =	vmul.f32 v40, v32;
	v39 =	vmul.f32 v39, v33;
	v47 =	vld [tilespmem:s13+$0x0];
	[tilespmem:s10+$0xFFFFFFC0] =	vst v43;
	v43 =	vadd.f32 v37, v35  }
0x38c: {  	v35 =	vmul.f32 v36, v32;
	v48 =	vld [tilespmem:s13+$0xFFFFFFE0];
	[tilespmem:s10+$0xFFFFFFD0] =	vst v41;
	v41 =	vmul.f32 v45, v33  }
0x38d: {  	s12 =	sadd.s32 $0x40, s12;
	v37 =	vmul.f32 v42, v33;
	v49 =	vadd.f32 v39, v38;
	v45 =	vld [tilespmem:s11+$0xFFFFFFE0];
	[tilespmem:s6+$0x20] =	vst v43;
	s6 =	smov.u32 s7;
	s7 =	smov.u32 s10  }
0x38e: {  	p0 =	slt.u32 s12, $0x3C0;
	v42 =	vunpack.i.u.bf16.f32 v46;
	v38 =	vld [tilespmem:s8+$0xFFFFFFF0];
	v36 =	vunpack.i.l.bf16.f32 v44;
	v40 =	vadd.f32 v41, v40;
	s8 =	smov.u32 s11  }
0x38f: {  	v41 =	vunpack.i.l.bf16.f32 v46;
	v43 =	vunpack.i.u.bf16.f32 v44;
	v39 =	vld [tilespmem:s9+$0xFFFFFFF0];
	v44 =	vunpack.i.u.bf16.f32 v34;
	[tilespmem:s6+$0xFFFFFFE0] =	vst v49;
	s9 =	smov.u32 s13  }
0x390: {  	v43 =	vmul.f32 v43, v32;
	v46 =	vunpack.i.l.bf16.f32 v47;
	v44 =	vmul.f32 v44, v33;
	[tilespmem:s6+$0xFFFFFFF0] =	vst v40  }
.Ltmp16:
0x391: {  	v40 =	vunpack.i.u.bf16.f32 v47;
	v47 =	vmul.f32 v41, v32;
	v46 =	vmul.f32 v46, v33;
	(pc) =	sbr.rel @p0 .LBB2_35-.Ltmp16, $4  }
0x392: {  	v49 =	vmul.f32 v42, v32;
	v40 =	vmul.f32 v40, v33;
	v44 =	vadd.f32 v44, v43  }
0x393: {  	v41 =	vunpack.i.u.bf16.f32 v45;
	v45 =	vunpack.i.l.bf16.f32 v45;
	v46 =	vadd.f32 v46, v47  }
0x394: {  	s10 =	sadd.s32 $0x400, s10;
	v42 =	vunpack.i.u.bf16.f32 v48;
	v47 =	vunpack.i.l.bf16.f32 v48;
	v43 =	vadd.f32 v40, v49;
	[tilespmem:s7+$0x30] =	vst v44  }
0x395: {  	s11 =	sadd.s32 $0x40, s11;
	v40 =	vunpack.i.u.bf16.f32 v38;
	v44 =	vmul.f32 v45, v32;
	v45 =	vmul.f32 v47, v33;
	[tilespmem:s10+$0x0] =	vst v46  }
0x396: {  	v41 =	vmul.f32 v41, v32;
	v42 =	vmul.f32 v42, v33;
	[tilespmem:s10+$0x10] =	vst v43  }
0x397: {  	v61 =	vadd.f32 v45, v44;
	v62 =	vld [tilespmem:s8+$0x10]  }
0x398: {  	v63 =	vld [tilespmem:s9+$0x10];
	v41 =	vadd.f32 v42, v41  }
0x399: {  	v38 =	vunpack.i.l.bf16.f32 v38;
	v46 =	vunpack.i.l.bf16.f32 v39;
	[tilespmem:s10+$0xFFFFFFC0] =	vst v61  }
0x39a: {  	v47 =	vunpack.i.u.bf16.f32 v39;
	v40 =	vmul.f32 v40, v32;
	v36 =	vmul.f32 v36, v32;
	[tilespmem:s10+$0xFFFFFFD0] =	vst v41  }
0x39b: {  	v34 =	vunpack.i.l.bf16.f32 v34;
	v38 =	vmul.f32 v38, v32;
	v48 =	vmul.f32 v46, v33;
	v49 =	vld [tilespmem:s8+$0xFFFFFFF0]  }
0x39c: {  	v35 =	vadd.f32 v37, v35;
	v50 =	vmul.f32 v47, v33;
	v34 =	vmul.f32 v34, v33;
	v51 =	vld [tilespmem:s9+$0xFFFFFFF0]  }
0x39d: {  	v38 =	vadd.f32 v48, v38;
	v52 =	vunpack.i.u.bf16.f32 v62;
	v53 =	vunpack.i.u.bf16.f32 v63  }
0x39e: {  	v37 =	vadd.f32 v50, v40;
	v41 =	vmul.f32 v52, v32;
	v45 =	vmul.f32 v53, v33  }
0x39f: {  	v34 =	vadd.f32 v34, v36;
	v44 =	vunpack.i.l.bf16.f32 v62;
	v58 =	vunpack.i.l.bf16.f32 v63  }
0x3a0: {  	[tilespmem:s6+$0x20] =	vst v35;
	v61 =	vmul.f32 v44, v32;
	v62 =	vmul.f32 v58, v33;
	v54 =	vadd.f32 v45, v41  }
0x3a1: {  	s5 =	sadd.s32 $0x1, s5;
	[tilespmem:s7+$0xFFFFFFE0] =	vst v38;
	v55 =	vunpack.i.u.bf16.f32 v49;
	v56 =	vunpack.i.l.bf16.f32 v49;
	v39 =	vunpack.i.l.bf16.f32 v51  }
0x3a2: {  	p0 =	sne.s32 s5, $0x10;
	[tilespmem:s7+$0xFFFFFFF0] =	vst v37;
	v57 =	vunpack.i.u.bf16.f32 v51;
	v35 =	vmul.f32 v56, v32;
	v39 =	vmul.f32 v39, v33  }
.Ltmp17:
0x3a3: {  	[tilespmem:s7+$0x20] =	vst v34;
	v59 =	vmul.f32 v55, v32;
	v60 =	vmul.f32 v57, v33;
	v32 =	vadd.f32 v62, v61;
	(pc) =	sbr.rel @p0 .LBB2_34-.Ltmp17, $4  }
0x3a4: {  	[tilespmem:s10+$0x30] =	vst v54;
	v35 =	vadd.f32 v39, v35  }
0x3a5: {  	v63 =	vadd.f32 v60, v59;
	[tilespmem:s10+$0x20] =	vst v32  }
0x3a6: {  	[tilespmem:s10+$0xFFFFFFE0] =	vst v35  }
0x3a7: {  	s3 =	sadd.s32 $0x800, s3;
	s1 =	sadd.s32 $0x1, s1;
	[tilespmem:s10+$0xFFFFFFF0] =	vst v63  }
0x3a8: {  	s1 =	simm.s32 $0x0  }
0x3a9: {  	[hbm4b:s14+s1] =	stream.linear.scatter [tilespmem:s30], [sflag:$0x3], $0x8000, $0x38;
	[tilespmem:$0x1CA00] =	vst v63  }
0x3aa: {  	_ =	swait.ge [sflag:s26], $0x8000  }
0x3ab: {  	[sflag:s26] =	ssyncset.done $0x0  }
0x3ac: {  	s3 =	simm.s32 $0x0;
	s5 =	simm.s32 $0x0;
	[sflag:s26] =	ssyncadd.s32 $0xFFFF8000  }
.LBB2_38:
0x3ad: {  	v32 =	vld [tilespmem:s5+$0x4490];
	_ =	sdelay $0x1  }
0x3ae: {  	v33 =	vld [tilespmem:s5+$0x4610];
	_ =	sdelay $0x2  }
0x3af: {  	(v2sf) =	vpush v32, $0x0;
	_ =	sdelay $0x1  }
0x3b0: {  	(v2sf) =	vpush v33, $0x0;
	_ =	sdelay $0xc  }
0x3b1: {  	s6 =	spop (v2sf)  }
0x3b2: {  	s6 =	sshll.u32 s6, $0x2  }
0x3b3: {  	s7 =	spop (v2sf);
	s6 =	sshra.s32 s6, $0x2  }
0x3b4: {  	v32 =	vld.msk [tilespmem:s5+$0x4790 ss:$0x0], $0xffff;
	s7 =	sshll.u32 s7, $0x2;
	s8 =	sadd.s32 $0x20, s6  }
0x3b5: {  	s12 =	sshra.s32 s7, $0x2;
	v34 =	vld [tilespmem:s8+$0x0]  }
0x3b6: {  	s7 =	sadd.s32 $0x20, s12;
	v39 =	vld [tilespmem:s8+$0xFFFFFFE0]  }
0x3b7: {  	v35 =	vld [tilespmem:s7+$0x0]  }
0x3b8: {  	v33 =	vld.msk [tilespmem:s5+$0x4910 ss:$0x0], $0xffff;
	_ =	sdelay $0x1  }
0x3b9: {  	s10 =	sadd.s32 $0x40, s8;
	v38 =	vld [tilespmem:s7+$0xFFFFFFE0]  }
0x3ba: {  	v55 =	vld [tilespmem:s10+$0x0];
	v36 =	vunpack.i.u.bf16.f32 v34  }
0x3bb: {  	s13 =	sshll.u32 s3, $0x2;
	s9 =	sand.u32 $0x7, s1;
	s11 =	sadd.s32 $0x40, s7;
	v60 =	vld [tilespmem:s10+$0xFFFFFFE0];
	v34 =	vunpack.i.l.bf16.f32 v34;
	v56 =	vunpack.i.u.bf16.f32 v39;
	v37 =	vunpack.i.l.bf16.f32 v35  }
0x3bc: {  	s9 =	sshll.u32 s9, $0x9;
	s6 =	sand.u32 $0xFFFF0000, s13;
	v41 =	vld [tilespmem:s11+$0x0];
	v35 =	vunpack.i.u.bf16.f32 v35;
	v34 =	vmul.f32 v34, v32;
	v37 =	vmul.f32 v37, v33  }
0x3bd: {  	s6 =	sor.u32 s9, s6;
	v43 =	vld [tilespmem:s11+$0xFFFFFFE0];
	v57 =	vunpack.i.l.bf16.f32 v39;
	v36 =	vmul.f32 v36, v32;
	v35 =	vmul.f32 v35, v33  }
0x3be: {  	s6 =	sshrl.u32 s6, $0x2;
	v58 =	vunpack.i.l.bf16.f32 v38;
	v38 =	vunpack.i.u.bf16.f32 v38;
	v34 =	vadd.f32 v37, v34  }
0x3bf: {  	s6 =	sadd.s32 $0x4A40, s6;
	v39 =	vmul.f32 v58, v33;
	v35 =	vadd.f32 v35, v36;
	v37 =	vmul.f32 v57, v32  }
0x3c0: {  	s9 =	sadd.s32 $0x40, s11;
	v59 =	vunpack.i.u.bf16.f32 v55;
	v38 =	vmul.f32 v38, v33;
	v36 =	vmul.f32 v56, v32;
	[tilespmem:s6+$0x0] =	vst v34  }
0x3c1: {  	v63 =	vunpack.i.u.bf16.f32 v60;
	v62 =	vunpack.i.l.bf16.f32 v41;
	v57 =	vld [tilespmem:s9+$0x0];
	[tilespmem:s6+$0x10] =	vst v35;
	v37 =	vadd.f32 v39, v37  }
0x3c2: {  	v41 =	vunpack.i.u.bf16.f32 v41;
	v47 =	vunpack.i.l.bf16.f32 v43;
	v36 =	vadd.f32 v38, v36;
	v35 =	vld [tilespmem:s8+$0x10]  }
0x3c3: {  	v41 =	vmul.f32 v41, v33;
	v34 =	vunpack.i.l.bf16.f32 v55;
	v38 =	vmul.f32 v59, v32;
	v40 =	vld [tilespmem:s7+$0x10];
	[tilespmem:s6+$0xFFFFFFC0] =	vst v37  }
0x3c4: {  	v34 =	vmul.f32 v34, v32;
	[tilespmem:s6+$0xFFFFFFD0] =	vst v36;
	v36 =	vmul.f32 v62, v33;
	v37 =	vunpack.i.l.bf16.f32 v60  }
0x3c5: {  	v46 =	vunpack.i.u.bf16.f32 v43;
	v49 =	vmul.f32 v47, v33;
	v48 =	vmul.f32 v37, v32  }
0x3c6: {  	v52 =	vmul.f32 v46, v33;
	v38 =	vadd.f32 v41, v38;
	v44 =	vld [tilespmem:s8+$0xFFFFFFF0];
	v34 =	vadd.f32 v36, v34  }
0x3c7: {  	v45 =	vld [tilespmem:s7+$0xFFFFFFF0];
	s7 =	sadd.s32 $0x400, s6;
	v36 =	vmul.f32 v63, v32;
	v46 =	vadd.f32 v49, v48;
	v49 =	vunpack.i.l.bf16.f32 v57  }
0x3c8: {  	s8 =	sadd.s32 $0x40, s10;
	[tilespmem:s7+$0x10] =	vst v38;
	v61 =	vunpack.i.u.bf16.f32 v35;
	v42 =	vunpack.i.u.bf16.f32 v40;
	v35 =	vunpack.i.l.bf16.f32 v35  }
0x3c9: {  	v51 =	vld [tilespmem:s8+$0x0];
	[tilespmem:s7+$0x0] =	vst v34;
	v38 =	vadd.f32 v52, v36;
	v49 =	vmul.f32 v49, v33;
	v39 =	vmul.f32 v61, v32  }
0x3ca: {  	v40 =	vunpack.i.l.bf16.f32 v40;
	v42 =	vmul.f32 v42, v33;
	v54 =	vld [tilespmem:s10+$0x10];
	v35 =	vmul.f32 v35, v32  }
0x3cb: {  	v34 =	vld [tilespmem:s11+$0x10];
	v61 =	vunpack.i.u.bf16.f32 v57;
	v50 =	vunpack.i.u.bf16.f32 v44;
	v53 =	vunpack.i.l.bf16.f32 v44  }
0x3cc: {  	v55 =	vunpack.i.u.bf16.f32 v45;
	v45 =	vunpack.i.l.bf16.f32 v45;
	v56 =	vmul.f32 v53, v32  }
0x3cd: {  	v39 =	vadd.f32 v42, v39;
	v45 =	vmul.f32 v45, v33;
	v42 =	vmul.f32 v50, v32  }
0x3ce: {  	v58 =	vld [tilespmem:s8+$0xFFFFFFE0];
	[tilespmem:s7+$0xFFFFFFC0] =	vst v46;
	v47 =	vmul.f32 v55, v33;
	v59 =	vunpack.i.u.bf16.f32 v51;
	v43 =	vunpack.i.l.bf16.f32 v51  }
0x3cf: {  	v60 =	vld [tilespmem:s9+$0xFFFFFFE0];
	[tilespmem:s7+$0xFFFFFFD0] =	vst v38;
	v43 =	vmul.f32 v43, v32;
	v62 =	vmul.f32 v59, v32;
	v45 =	vadd.f32 v45, v56  }
0x3d0: {  	v38 =	vld [tilespmem:s10+$0xFFFFFFF0];
	[tilespmem:s6+$0x30] =	vst v39;
	v39 =	vmul.f32 v61, v33;
	v44 =	vunpack.i.u.bf16.f32 v54;
	v48 =	vunpack.i.u.bf16.f32 v34  }
0x3d1: {  	v42 =	vadd.f32 v47, v42;
	v44 =	vmul.f32 v44, v32;
	v48 =	vmul.f32 v48, v33  }
0x3d2: {  	v37 =	vmul.f32 v40, v33;
	v63 =	vadd.f32 v49, v43;
	[tilespmem:s6+$0xFFFFFFE0] =	vst v45;
	v43 =	vadd.f32 v39, v62;
	v39 =	vld [tilespmem:s11+$0xFFFFFFF0]  }
0x3d3: {  	v41 =	vunpack.i.u.bf16.f32 v58;
	v40 =	vunpack.i.l.bf16.f32 v58;
	s10 =	sadd.s32 $0x400, s7;
	[tilespmem:s6+$0xFFFFFFF0] =	vst v42;
	v44 =	vadd.f32 v48, v44  }
0x3d4: {  	v47 =	vunpack.i.l.bf16.f32 v60;
	v36 =	vunpack.i.l.bf16.f32 v54;
	v42 =	vunpack.i.u.bf16.f32 v60;
	[tilespmem:s10+$0x0] =	vst v63  }
0x3d5: {  	s12 =	simm.s32 $0x80;
	s13 =	smov.u32 s9;
	v45 =	vmul.f32 v47, v33;
	s11 =	sadd.s32 $0x40, s8;
	[tilespmem:s7+$0x30] =	vst v44;
	v44 =	vmul.f32 v40, v32;
	v40 =	vunpack.i.u.bf16.f32 v38  }
.LBB2_39:
0x3d6: {  	v46 =	vld [tilespmem:s11+$0x0];
	v41 =	vmul.f32 v41, v32;
	v42 =	vmul.f32 v42, v33;
	[tilespmem:s10+$0x10] =	vst v43;
	v38 =	vunpack.i.l.bf16.f32 v38  }
0x3d7: {  	v43 =	vadd.f32 v45, v44;
	v44 =	vld [tilespmem:s8+$0x10];
	v45 =	vunpack.i.u.bf16.f32 v39;
	v39 =	vunpack.i.l.bf16.f32 v39  }
0x3d8: {  	s13 =	sadd.s32 $0x40, s13;
	v38 =	vmul.f32 v38, v32;
	v41 =	vadd.f32 v42, v41;
	v42 =	vunpack.i.l.bf16.f32 v34;
	v34 =	vld [tilespmem:s9+$0x10]  }
0x3d9: {  	v40 =	vmul.f32 v40, v32;
	v39 =	vmul.f32 v39, v33;
	v47 =	vld [tilespmem:s13+$0x0];
	[tilespmem:s10+$0xFFFFFFC0] =	vst v43;
	v43 =	vadd.f32 v37, v35  }
0x3da: {  	v35 =	vmul.f32 v36, v32;
	v48 =	vld [tilespmem:s13+$0xFFFFFFE0];
	[tilespmem:s10+$0xFFFFFFD0] =	vst v41;
	v41 =	vmul.f32 v45, v33  }
0x3db: {  	s12 =	sadd.s32 $0x40, s12;
	v37 =	vmul.f32 v42, v33;
	v49 =	vadd.f32 v39, v38;
	v45 =	vld [tilespmem:s11+$0xFFFFFFE0];
	[tilespmem:s6+$0x20] =	vst v43;
	s6 =	smov.u32 s7;
	s7 =	smov.u32 s10  }
0x3dc: {  	p0 =	slt.u32 s12, $0x3C0;
	v42 =	vunpack.i.u.bf16.f32 v46;
	v38 =	vld [tilespmem:s8+$0xFFFFFFF0];
	v36 =	vunpack.i.l.bf16.f32 v44;
	v40 =	vadd.f32 v41, v40;
	s8 =	smov.u32 s11  }
0x3dd: {  	v41 =	vunpack.i.l.bf16.f32 v46;
	v43 =	vunpack.i.u.bf16.f32 v44;
	v39 =	vld [tilespmem:s9+$0xFFFFFFF0];
	v44 =	vunpack.i.u.bf16.f32 v34;
	[tilespmem:s6+$0xFFFFFFE0] =	vst v49;
	s9 =	smov.u32 s13  }
0x3de: {  	v43 =	vmul.f32 v43, v32;
	v46 =	vunpack.i.l.bf16.f32 v47;
	v44 =	vmul.f32 v44, v33;
	[tilespmem:s6+$0xFFFFFFF0] =	vst v40  }
.Ltmp18:
0x3df: {  	v40 =	vunpack.i.u.bf16.f32 v47;
	v47 =	vmul.f32 v41, v32;
	v46 =	vmul.f32 v46, v33;
	(pc) =	sbr.rel @p0 .LBB2_39-.Ltmp18, $4  }
0x3e0: {  	v49 =	vmul.f32 v42, v32;
	v40 =	vmul.f32 v40, v33;
	v44 =	vadd.f32 v44, v43  }
0x3e1: {  	v41 =	vunpack.i.u.bf16.f32 v45;
	v45 =	vunpack.i.l.bf16.f32 v45;
	v46 =	vadd.f32 v46, v47  }
0x3e2: {  	s10 =	sadd.s32 $0x400, s10;
	v42 =	vunpack.i.u.bf16.f32 v48;
	v47 =	vunpack.i.l.bf16.f32 v48;
	v43 =	vadd.f32 v40, v49;
	[tilespmem:s7+$0x30] =	vst v44  }
0x3e3: {  	s11 =	sadd.s32 $0x40, s11;
	v40 =	vunpack.i.u.bf16.f32 v38;
	v44 =	vmul.f32 v45, v32;
	v45 =	vmul.f32 v47, v33;
	[tilespmem:s10+$0x0] =	vst v46  }
0x3e4: {  	v41 =	vmul.f32 v41, v32;
	v42 =	vmul.f32 v42, v33;
	[tilespmem:s10+$0x10] =	vst v43  }
0x3e5: {  	v61 =	vadd.f32 v45, v44;
	v62 =	vld [tilespmem:s8+$0x10]  }
0x3e6: {  	v63 =	vld [tilespmem:s9+$0x10];
	v41 =	vadd.f32 v42, v41  }
0x3e7: {  	v38 =	vunpack.i.l.bf16.f32 v38;
	v46 =	vunpack.i.l.bf16.f32 v39;
	[tilespmem:s10+$0xFFFFFFC0] =	vst v61  }
0x3e8: {  	v47 =	vunpack.i.u.bf16.f32 v39;
	v40 =	vmul.f32 v40, v32;
	v36 =	vmul.f32 v36, v32;
	[tilespmem:s10+$0xFFFFFFD0] =	vst v41  }
0x3e9: {  	v34 =	vunpack.i.l.bf16.f32 v34;
	v38 =	vmul.f32 v38, v32;
	v48 =	vmul.f32 v46, v33;
	v49 =	vld [tilespmem:s8+$0xFFFFFFF0]  }
0x3ea: {  	v35 =	vadd.f32 v37, v35;
	v50 =	vmul.f32 v47, v33;
	v34 =	vmul.f32 v34, v33;
	v51 =	vld [tilespmem:s9+$0xFFFFFFF0]  }
0x3eb: {  	v38 =	vadd.f32 v48, v38;
	v52 =	vunpack.i.u.bf16.f32 v62;
	v53 =	vunpack.i.u.bf16.f32 v63  }
0x3ec: {  	v37 =	vadd.f32 v50, v40;
	v41 =	vmul.f32 v52, v32;
	v45 =	vmul.f32 v53, v33  }
0x3ed: {  	v34 =	vadd.f32 v34, v36;
	v44 =	vunpack.i.l.bf16.f32 v62;
	v58 =	vunpack.i.l.bf16.f32 v63  }
0x3ee: {  	[tilespmem:s6+$0x20] =	vst v35;
	v61 =	vmul.f32 v44, v32;
	v62 =	vmul.f32 v58, v33;
	v54 =	vadd.f32 v45, v41  }
0x3ef: {  	s5 =	sadd.s32 $0x1, s5;
	[tilespmem:s7+$0xFFFFFFE0] =	vst v38;
	v55 =	vunpack.i.u.bf16.f32 v49;
	v56 =	vunpack.i.l.bf16.f32 v49;
	v39 =	vunpack.i.l.bf16.f32 v51  }
0x3f0: {  	p0 =	sne.s32 s5, $0x10;
	[tilespmem:s7+$0xFFFFFFF0] =	vst v37;
	v57 =	vunpack.i.u.bf16.f32 v51;
	v35 =	vmul.f32 v56, v32;
	v39 =	vmul.f32 v39, v33  }
.Ltmp19:
0x3f1: {  	[tilespmem:s7+$0x20] =	vst v34;
	v59 =	vmul.f32 v55, v32;
	v60 =	vmul.f32 v57, v33;
	v32 =	vadd.f32 v62, v61;
	(pc) =	sbr.rel @p0 .LBB2_38-.Ltmp19, $4  }
0x3f2: {  	[tilespmem:s10+$0x30] =	vst v54;
	v35 =	vadd.f32 v39, v35  }
0x3f3: {  	v63 =	vadd.f32 v60, v59;
	[tilespmem:s10+$0x20] =	vst v32  }
0x3f4: {  	[tilespmem:s10+$0xFFFFFFE0] =	vst v35  }
0x3f5: {  	s3 =	sadd.s32 $0x800, s3;
	s1 =	sadd.s32 $0x1, s1;
	[tilespmem:s10+$0xFFFFFFF0] =	vst v63  }
0x3f6: {  	s1 =	simm.s32 $0x0  }
0x3f7: {  	[hbm4b:s15+s1] =	stream.linear.scatter [tilespmem:s28], [sflag:$0x1], $0x8000, $0x38;
	[tilespmem:$0x1CA00] =	vst v63  }
0x3f8: {  	_ =	swait.ge [sflag:s25], $0x8000  }
0x3f9: {  	[sflag:s25] =	ssyncset.done $0x0  }
0x3fa: {  	s3 =	simm.s32 $0x0;
	s5 =	simm.s32 $0x0;
	[sflag:s25] =	ssyncadd.s32 $0xFFFF8000  }
.LBB2_42:
0x3fb: {  	v32 =	vld [tilespmem:s5+$0x44A0];
	_ =	sdelay $0x1  }
0x3fc: {  	v33 =	vld [tilespmem:s5+$0x4620];
	_ =	sdelay $0x2  }
0x3fd: {  	(v2sf) =	vpush v32, $0x0;
	_ =	sdelay $0x1  }
0x3fe: {  	(v2sf) =	vpush v33, $0x0;
	_ =	sdelay $0xc  }
0x3ff: {  	s6 =	spop (v2sf)  }
0x400: {  	s6 =	sshll.u32 s6, $0x2  }
0x401: {  	s7 =	spop (v2sf);
	s6 =	sshra.s32 s6, $0x2  }
0x402: {  	v32 =	vld.msk [tilespmem:s5+$0x47A0 ss:$0x0], $0xffff;
	s7 =	sshll.u32 s7, $0x2;
	s8 =	sadd.s32 $0x20, s6  }
0x403: {  	s12 =	sshra.s32 s7, $0x2;
	v34 =	vld [tilespmem:s8+$0x0]  }
0x404: {  	s7 =	sadd.s32 $0x20, s12;
	v39 =	vld [tilespmem:s8+$0xFFFFFFE0]  }
0x405: {  	v35 =	vld [tilespmem:s7+$0x0]  }
0x406: {  	v33 =	vld.msk [tilespmem:s5+$0x4920 ss:$0x0], $0xffff;
	_ =	sdelay $0x1  }
0x407: {  	s10 =	sadd.s32 $0x40, s8;
	v38 =	vld [tilespmem:s7+$0xFFFFFFE0]  }
0x408: {  	v55 =	vld [tilespmem:s10+$0x0];
	v36 =	vunpack.i.u.bf16.f32 v34  }
0x409: {  	s13 =	sshll.u32 s3, $0x2;
	s9 =	sand.u32 $0x7, s1;
	s11 =	sadd.s32 $0x40, s7;
	v60 =	vld [tilespmem:s10+$0xFFFFFFE0];
	v34 =	vunpack.i.l.bf16.f32 v34;
	v56 =	vunpack.i.u.bf16.f32 v39;
	v37 =	vunpack.i.l.bf16.f32 v35  }
0x40a: {  	s9 =	sshll.u32 s9, $0x9;
	s6 =	sand.u32 $0xFFFF0000, s13;
	v41 =	vld [tilespmem:s11+$0x0];
	v35 =	vunpack.i.u.bf16.f32 v35;
	v34 =	vmul.f32 v34, v32;
	v37 =	vmul.f32 v37, v33  }
0x40b: {  	s6 =	sor.u32 s9, s6;
	v43 =	vld [tilespmem:s11+$0xFFFFFFE0];
	v57 =	vunpack.i.l.bf16.f32 v39;
	v36 =	vmul.f32 v36, v32;
	v35 =	vmul.f32 v35, v33  }
0x40c: {  	s6 =	sshrl.u32 s6, $0x2;
	v58 =	vunpack.i.l.bf16.f32 v38;
	v38 =	vunpack.i.u.bf16.f32 v38;
	v34 =	vadd.f32 v37, v34  }
0x40d: {  	s6 =	sadd.s32 $0xCA40, s6;
	v39 =	vmul.f32 v58, v33;
	v35 =	vadd.f32 v35, v36;
	v37 =	vmul.f32 v57, v32  }
0x40e: {  	s9 =	sadd.s32 $0x40, s11;
	v59 =	vunpack.i.u.bf16.f32 v55;
	v38 =	vmul.f32 v38, v33;
	v36 =	vmul.f32 v56, v32;
	[tilespmem:s6+$0x0] =	vst v34  }
0x40f: {  	v63 =	vunpack.i.u.bf16.f32 v60;
	v62 =	vunpack.i.l.bf16.f32 v41;
	v57 =	vld [tilespmem:s9+$0x0];
	[tilespmem:s6+$0x10] =	vst v35;
	v37 =	vadd.f32 v39, v37  }
0x410: {  	v41 =	vunpack.i.u.bf16.f32 v41;
	v47 =	vunpack.i.l.bf16.f32 v43;
	v36 =	vadd.f32 v38, v36;
	v35 =	vld [tilespmem:s8+$0x10]  }
0x411: {  	v41 =	vmul.f32 v41, v33;
	v34 =	vunpack.i.l.bf16.f32 v55;
	v38 =	vmul.f32 v59, v32;
	v40 =	vld [tilespmem:s7+$0x10];
	[tilespmem:s6+$0xFFFFFFC0] =	vst v37  }
0x412: {  	v34 =	vmul.f32 v34, v32;
	[tilespmem:s6+$0xFFFFFFD0] =	vst v36;
	v36 =	vmul.f32 v62, v33;
	v37 =	vunpack.i.l.bf16.f32 v60  }
0x413: {  	v46 =	vunpack.i.u.bf16.f32 v43;
	v49 =	vmul.f32 v47, v33;
	v48 =	vmul.f32 v37, v32  }
0x414: {  	v52 =	vmul.f32 v46, v33;
	v38 =	vadd.f32 v41, v38;
	v44 =	vld [tilespmem:s8+$0xFFFFFFF0];
	v34 =	vadd.f32 v36, v34  }
0x415: {  	v45 =	vld [tilespmem:s7+$0xFFFFFFF0];
	s7 =	sadd.s32 $0x400, s6;
	v36 =	vmul.f32 v63, v32;
	v46 =	vadd.f32 v49, v48;
	v49 =	vunpack.i.l.bf16.f32 v57  }
0x416: {  	s8 =	sadd.s32 $0x40, s10;
	[tilespmem:s7+$0x10] =	vst v38;
	v61 =	vunpack.i.u.bf16.f32 v35;
	v42 =	vunpack.i.u.bf16.f32 v40;
	v35 =	vunpack.i.l.bf16.f32 v35  }
0x417: {  	v51 =	vld [tilespmem:s8+$0x0];
	[tilespmem:s7+$0x0] =	vst v34;
	v38 =	vadd.f32 v52, v36;
	v49 =	vmul.f32 v49, v33;
	v39 =	vmul.f32 v61, v32  }
0x418: {  	v40 =	vunpack.i.l.bf16.f32 v40;
	v42 =	vmul.f32 v42, v33;
	v54 =	vld [tilespmem:s10+$0x10];
	v35 =	vmul.f32 v35, v32  }
0x419: {  	v34 =	vld [tilespmem:s11+$0x10];
	v61 =	vunpack.i.u.bf16.f32 v57;
	v50 =	vunpack.i.u.bf16.f32 v44;
	v53 =	vunpack.i.l.bf16.f32 v44  }
0x41a: {  	v55 =	vunpack.i.u.bf16.f32 v45;
	v45 =	vunpack.i.l.bf16.f32 v45;
	v56 =	vmul.f32 v53, v32  }
0x41b: {  	v39 =	vadd.f32 v42, v39;
	v45 =	vmul.f32 v45, v33;
	v42 =	vmul.f32 v50, v32  }
0x41c: {  	v58 =	vld [tilespmem:s8+$0xFFFFFFE0];
	[tilespmem:s7+$0xFFFFFFC0] =	vst v46;
	v47 =	vmul.f32 v55, v33;
	v59 =	vunpack.i.u.bf16.f32 v51;
	v43 =	vunpack.i.l.bf16.f32 v51  }
0x41d: {  	v60 =	vld [tilespmem:s9+$0xFFFFFFE0];
	[tilespmem:s7+$0xFFFFFFD0] =	vst v38;
	v43 =	vmul.f32 v43, v32;
	v62 =	vmul.f32 v59, v32;
	v45 =	vadd.f32 v45, v56  }
0x41e: {  	v38 =	vld [tilespmem:s10+$0xFFFFFFF0];
	[tilespmem:s6+$0x30] =	vst v39;
	v39 =	vmul.f32 v61, v33;
	v44 =	vunpack.i.u.bf16.f32 v54;
	v48 =	vunpack.i.u.bf16.f32 v34  }
0x41f: {  	v42 =	vadd.f32 v47, v42;
	v44 =	vmul.f32 v44, v32;
	v48 =	vmul.f32 v48, v33  }
0x420: {  	v37 =	vmul.f32 v40, v33;
	v63 =	vadd.f32 v49, v43;
	[tilespmem:s6+$0xFFFFFFE0] =	vst v45;
	v43 =	vadd.f32 v39, v62;
	v39 =	vld [tilespmem:s11+$0xFFFFFFF0]  }
0x421: {  	v41 =	vunpack.i.u.bf16.f32 v58;
	v40 =	vunpack.i.l.bf16.f32 v58;
	s10 =	sadd.s32 $0x400, s7;
	[tilespmem:s6+$0xFFFFFFF0] =	vst v42;
	v44 =	vadd.f32 v48, v44  }
0x422: {  	v47 =	vunpack.i.l.bf16.f32 v60;
	v36 =	vunpack.i.l.bf16.f32 v54;
	v42 =	vunpack.i.u.bf16.f32 v60;
	[tilespmem:s10+$0x0] =	vst v63  }
0x423: {  	s12 =	simm.s32 $0x80;
	s13 =	smov.u32 s9;
	v45 =	vmul.f32 v47, v33;
	s11 =	sadd.s32 $0x40, s8;
	[tilespmem:s7+$0x30] =	vst v44;
	v44 =	vmul.f32 v40, v32;
	v40 =	vunpack.i.u.bf16.f32 v38  }
.LBB2_43:
0x424: {  	v46 =	vld [tilespmem:s11+$0x0];
	v41 =	vmul.f32 v41, v32;
	v42 =	vmul.f32 v42, v33;
	[tilespmem:s10+$0x10] =	vst v43;
	v38 =	vunpack.i.l.bf16.f32 v38  }
0x425: {  	v43 =	vadd.f32 v45, v44;
	v44 =	vld [tilespmem:s8+$0x10];
	v45 =	vunpack.i.u.bf16.f32 v39;
	v39 =	vunpack.i.l.bf16.f32 v39  }
0x426: {  	s13 =	sadd.s32 $0x40, s13;
	v38 =	vmul.f32 v38, v32;
	v41 =	vadd.f32 v42, v41;
	v42 =	vunpack.i.l.bf16.f32 v34;
	v34 =	vld [tilespmem:s9+$0x10]  }
0x427: {  	v40 =	vmul.f32 v40, v32;
	v39 =	vmul.f32 v39, v33;
	v47 =	vld [tilespmem:s13+$0x0];
	[tilespmem:s10+$0xFFFFFFC0] =	vst v43;
	v43 =	vadd.f32 v37, v35  }
0x428: {  	v35 =	vmul.f32 v36, v32;
	v48 =	vld [tilespmem:s13+$0xFFFFFFE0];
	[tilespmem:s10+$0xFFFFFFD0] =	vst v41;
	v41 =	vmul.f32 v45, v33  }
0x429: {  	s12 =	sadd.s32 $0x40, s12;
	v37 =	vmul.f32 v42, v33;
	v49 =	vadd.f32 v39, v38;
	v45 =	vld [tilespmem:s11+$0xFFFFFFE0];
	[tilespmem:s6+$0x20] =	vst v43;
	s6 =	smov.u32 s7;
	s7 =	smov.u32 s10  }
0x42a: {  	p0 =	slt.u32 s12, $0x3C0;
	v42 =	vunpack.i.u.bf16.f32 v46;
	v38 =	vld [tilespmem:s8+$0xFFFFFFF0];
	v36 =	vunpack.i.l.bf16.f32 v44;
	v40 =	vadd.f32 v41, v40;
	s8 =	smov.u32 s11  }
0x42b: {  	v41 =	vunpack.i.l.bf16.f32 v46;
	v43 =	vunpack.i.u.bf16.f32 v44;
	v39 =	vld [tilespmem:s9+$0xFFFFFFF0];
	v44 =	vunpack.i.u.bf16.f32 v34;
	[tilespmem:s6+$0xFFFFFFE0] =	vst v49;
	s9 =	smov.u32 s13  }
0x42c: {  	v43 =	vmul.f32 v43, v32;
	v46 =	vunpack.i.l.bf16.f32 v47;
	v44 =	vmul.f32 v44, v33;
	[tilespmem:s6+$0xFFFFFFF0] =	vst v40  }
.Ltmp20:
0x42d: {  	v40 =	vunpack.i.u.bf16.f32 v47;
	v47 =	vmul.f32 v41, v32;
	v46 =	vmul.f32 v46, v33;
	(pc) =	sbr.rel @p0 .LBB2_43-.Ltmp20, $4  }
0x42e: {  	v49 =	vmul.f32 v42, v32;
	v40 =	vmul.f32 v40, v33;
	v44 =	vadd.f32 v44, v43  }
0x42f: {  	v41 =	vunpack.i.u.bf16.f32 v45;
	v45 =	vunpack.i.l.bf16.f32 v45;
	v46 =	vadd.f32 v46, v47  }
0x430: {  	s10 =	sadd.s32 $0x400, s10;
	v42 =	vunpack.i.u.bf16.f32 v48;
	v47 =	vunpack.i.l.bf16.f32 v48;
	v43 =	vadd.f32 v40, v49;
	[tilespmem:s7+$0x30] =	vst v44  }
0x431: {  	s11 =	sadd.s32 $0x40, s11;
	v40 =	vunpack.i.u.bf16.f32 v38;
	v44 =	vmul.f32 v45, v32;
	v45 =	vmul.f32 v47, v33;
	[tilespmem:s10+$0x0] =	vst v46  }
0x432: {  	v41 =	vmul.f32 v41, v32;
	v42 =	vmul.f32 v42, v33;
	[tilespmem:s10+$0x10] =	vst v43  }
0x433: {  	v61 =	vadd.f32 v45, v44;
	v62 =	vld [tilespmem:s8+$0x10]  }
0x434: {  	v63 =	vld [tilespmem:s9+$0x10];
	v41 =	vadd.f32 v42, v41  }
0x435: {  	v38 =	vunpack.i.l.bf16.f32 v38;
	v46 =	vunpack.i.l.bf16.f32 v39;
	[tilespmem:s10+$0xFFFFFFC0] =	vst v61  }
0x436: {  	v47 =	vunpack.i.u.bf16.f32 v39;
	v40 =	vmul.f32 v40, v32;
	v36 =	vmul.f32 v36, v32;
	[tilespmem:s10+$0xFFFFFFD0] =	vst v41  }
0x437: {  	v34 =	vunpack.i.l.bf16.f32 v34;
	v38 =	vmul.f32 v38, v32;
	v48 =	vmul.f32 v46, v33;
	v49 =	vld [tilespmem:s8+$0xFFFFFFF0]  }
0x438: {  	v35 =	vadd.f32 v37, v35;
	v50 =	vmul.f32 v47, v33;
	v34 =	vmul.f32 v34, v33;
	v51 =	vld [tilespmem:s9+$0xFFFFFFF0]  }
0x439: {  	v38 =	vadd.f32 v48, v38;
	v52 =	vunpack.i.u.bf16.f32 v62;
	v53 =	vunpack.i.u.bf16.f32 v63  }
0x43a: {  	v37 =	vadd.f32 v50, v40;
	v41 =	vmul.f32 v52, v32;
	v45 =	vmul.f32 v53, v33  }
0x43b: {  	v34 =	vadd.f32 v34, v36;
	v44 =	vunpack.i.l.bf16.f32 v62;
	v58 =	vunpack.i.l.bf16.f32 v63  }
0x43c: {  	[tilespmem:s6+$0x20] =	vst v35;
	v61 =	vmul.f32 v44, v32;
	v62 =	vmul.f32 v58, v33;
	v54 =	vadd.f32 v45, v41  }
0x43d: {  	s5 =	sadd.s32 $0x1, s5;
	[tilespmem:s7+$0xFFFFFFE0] =	vst v38;
	v55 =	vunpack.i.u.bf16.f32 v49;
	v56 =	vunpack.i.l.bf16.f32 v49;
	v39 =	vunpack.i.l.bf16.f32 v51  }
0x43e: {  	p0 =	sne.s32 s5, $0x10;
	[tilespmem:s7+$0xFFFFFFF0] =	vst v37;
	v57 =	vunpack.i.u.bf16.f32 v51;
	v35 =	vmul.f32 v56, v32;
	v39 =	vmul.f32 v39, v33  }
.Ltmp21:
0x43f: {  	[tilespmem:s7+$0x20] =	vst v34;
	v59 =	vmul.f32 v55, v32;
	v60 =	vmul.f32 v57, v33;
	v32 =	vadd.f32 v62, v61;
	(pc) =	sbr.rel @p0 .LBB2_42-.Ltmp21, $4  }
0x440: {  	[tilespmem:s10+$0x30] =	vst v54;
	v35 =	vadd.f32 v39, v35  }
0x441: {  	v63 =	vadd.f32 v60, v59;
	[tilespmem:s10+$0x20] =	vst v32  }
0x442: {  	[tilespmem:s10+$0xFFFFFFE0] =	vst v35  }
0x443: {  	s3 =	sadd.s32 $0x800, s3;
	s1 =	sadd.s32 $0x1, s1;
	[tilespmem:s10+$0xFFFFFFF0] =	vst v63  }
0x444: {  	s1 =	simm.s32 $0x0  }
0x445: {  	[hbm4b:s16+s1] =	stream.linear.scatter [tilespmem:s29], [sflag:$0x2], $0x8000, $0x38;
	[tilespmem:$0x1CA00] =	vst v63  }
0x446: {  	_ =	swait.ge [sflag:s31], $0x8000  }
0x447: {  	[sflag:s31] =	ssyncset.done $0x0  }
0x448: {  	s3 =	simm.s32 $0x0;
	s5 =	simm.s32 $0x0;
	[sflag:s31] =	ssyncadd.s32 $0xFFFF8000  }
.LBB2_46:
0x449: {  	v32 =	vld [tilespmem:s5+$0x44B0];
	_ =	sdelay $0x1  }
0x44a: {  	v33 =	vld [tilespmem:s5+$0x4630];
	_ =	sdelay $0x2  }
0x44b: {  	(v2sf) =	vpush v32, $0x0;
	_ =	sdelay $0x1  }
0x44c: {  	(v2sf) =	vpush v33, $0x0;
	_ =	sdelay $0xc  }
0x44d: {  	s6 =	spop (v2sf)  }
0x44e: {  	s6 =	sshll.u32 s6, $0x2  }
0x44f: {  	s7 =	spop (v2sf);
	s6 =	sshra.s32 s6, $0x2  }
0x450: {  	v32 =	vld.msk [tilespmem:s5+$0x47B0 ss:$0x0], $0xffff;
	s7 =	sshll.u32 s7, $0x2;
	s8 =	sadd.s32 $0x20, s6  }
0x451: {  	s12 =	sshra.s32 s7, $0x2;
	v34 =	vld [tilespmem:s8+$0x0]  }
0x452: {  	s7 =	sadd.s32 $0x20, s12;
	v39 =	vld [tilespmem:s8+$0xFFFFFFE0]  }
0x453: {  	v35 =	vld [tilespmem:s7+$0x0]  }
0x454: {  	v33 =	vld.msk [tilespmem:s5+$0x4930 ss:$0x0], $0xffff;
	_ =	sdelay $0x1  }
0x455: {  	s10 =	sadd.s32 $0x40, s8;
	v38 =	vld [tilespmem:s7+$0xFFFFFFE0]  }
0x456: {  	v55 =	vld [tilespmem:s10+$0x0];
	v36 =	vunpack.i.u.bf16.f32 v34  }
0x457: {  	s13 =	sshll.u32 s3, $0x2;
	s9 =	sand.u32 $0x7, s1;
	s11 =	sadd.s32 $0x40, s7;
	v60 =	vld [tilespmem:s10+$0xFFFFFFE0];
	v34 =	vunpack.i.l.bf16.f32 v34;
	v56 =	vunpack.i.u.bf16.f32 v39;
	v37 =	vunpack.i.l.bf16.f32 v35  }
0x458: {  	s9 =	sshll.u32 s9, $0x9;
	s6 =	sand.u32 $0xFFFF0000, s13;
	v41 =	vld [tilespmem:s11+$0x0];
	v35 =	vunpack.i.u.bf16.f32 v35;
	v34 =	vmul.f32 v34, v32;
	v37 =	vmul.f32 v37, v33  }
0x459: {  	s6 =	sor.u32 s9, s6;
	v43 =	vld [tilespmem:s11+$0xFFFFFFE0];
	v57 =	vunpack.i.l.bf16.f32 v39;
	v36 =	vmul.f32 v36, v32;
	v35 =	vmul.f32 v35, v33  }
0x45a: {  	s6 =	sshrl.u32 s6, $0x2;
	v58 =	vunpack.i.l.bf16.f32 v38;
	v38 =	vunpack.i.u.bf16.f32 v38;
	v34 =	vadd.f32 v37, v34  }
0x45b: {  	s6 =	sadd.s32 $0x14A40, s6;
	v39 =	vmul.f32 v58, v33;
	v35 =	vadd.f32 v35, v36;
	v37 =	vmul.f32 v57, v32  }
0x45c: {  	s9 =	sadd.s32 $0x40, s11;
	v59 =	vunpack.i.u.bf16.f32 v55;
	v38 =	vmul.f32 v38, v33;
	v36 =	vmul.f32 v56, v32;
	[tilespmem:s6+$0x0] =	vst v34  }
0x45d: {  	v63 =	vunpack.i.u.bf16.f32 v60;
	v62 =	vunpack.i.l.bf16.f32 v41;
	v57 =	vld [tilespmem:s9+$0x0];
	[tilespmem:s6+$0x10] =	vst v35;
	v37 =	vadd.f32 v39, v37  }
0x45e: {  	v41 =	vunpack.i.u.bf16.f32 v41;
	v47 =	vunpack.i.l.bf16.f32 v43;
	v36 =	vadd.f32 v38, v36;
	v35 =	vld [tilespmem:s8+$0x10]  }
0x45f: {  	v41 =	vmul.f32 v41, v33;
	v34 =	vunpack.i.l.bf16.f32 v55;
	v38 =	vmul.f32 v59, v32;
	v40 =	vld [tilespmem:s7+$0x10];
	[tilespmem:s6+$0xFFFFFFC0] =	vst v37  }
0x460: {  	v34 =	vmul.f32 v34, v32;
	[tilespmem:s6+$0xFFFFFFD0] =	vst v36;
	v36 =	vmul.f32 v62, v33;
	v37 =	vunpack.i.l.bf16.f32 v60  }
0x461: {  	v46 =	vunpack.i.u.bf16.f32 v43;
	v49 =	vmul.f32 v47, v33;
	v48 =	vmul.f32 v37, v32  }
0x462: {  	v52 =	vmul.f32 v46, v33;
	v38 =	vadd.f32 v41, v38;
	v44 =	vld [tilespmem:s8+$0xFFFFFFF0];
	v34 =	vadd.f32 v36, v34  }
0x463: {  	v45 =	vld [tilespmem:s7+$0xFFFFFFF0];
	s7 =	sadd.s32 $0x400, s6;
	v36 =	vmul.f32 v63, v32;
	v46 =	vadd.f32 v49, v48;
	v49 =	vunpack.i.l.bf16.f32 v57  }
0x464: {  	s8 =	sadd.s32 $0x40, s10;
	[tilespmem:s7+$0x10] =	vst v38;
	v61 =	vunpack.i.u.bf16.f32 v35;
	v42 =	vunpack.i.u.bf16.f32 v40;
	v35 =	vunpack.i.l.bf16.f32 v35  }
0x465: {  	v51 =	vld [tilespmem:s8+$0x0];
	[tilespmem:s7+$0x0] =	vst v34;
	v38 =	vadd.f32 v52, v36;
	v49 =	vmul.f32 v49, v33;
	v39 =	vmul.f32 v61, v32  }
0x466: {  	v40 =	vunpack.i.l.bf16.f32 v40;
	v42 =	vmul.f32 v42, v33;
	v54 =	vld [tilespmem:s10+$0x10];
	v35 =	vmul.f32 v35, v32  }
0x467: {  	v34 =	vld [tilespmem:s11+$0x10];
	v61 =	vunpack.i.u.bf16.f32 v57;
	v50 =	vunpack.i.u.bf16.f32 v44;
	v53 =	vunpack.i.l.bf16.f32 v44  }
0x468: {  	v55 =	vunpack.i.u.bf16.f32 v45;
	v45 =	vunpack.i.l.bf16.f32 v45;
	v56 =	vmul.f32 v53, v32  }
0x469: {  	v39 =	vadd.f32 v42, v39;
	v45 =	vmul.f32 v45, v33;
	v42 =	vmul.f32 v50, v32  }
0x46a: {  	v58 =	vld [tilespmem:s8+$0xFFFFFFE0];
	[tilespmem:s7+$0xFFFFFFC0] =	vst v46;
	v47 =	vmul.f32 v55, v33;
	v59 =	vunpack.i.u.bf16.f32 v51;
	v43 =	vunpack.i.l.bf16.f32 v51  }
0x46b: {  	v60 =	vld [tilespmem:s9+$0xFFFFFFE0];
	[tilespmem:s7+$0xFFFFFFD0] =	vst v38;
	v43 =	vmul.f32 v43, v32;
	v62 =	vmul.f32 v59, v32;
	v45 =	vadd.f32 v45, v56  }
0x46c: {  	v38 =	vld [tilespmem:s10+$0xFFFFFFF0];
	[tilespmem:s6+$0x30] =	vst v39;
	v39 =	vmul.f32 v61, v33;
	v44 =	vunpack.i.u.bf16.f32 v54;
	v48 =	vunpack.i.u.bf16.f32 v34  }
0x46d: {  	v42 =	vadd.f32 v47, v42;
	v44 =	vmul.f32 v44, v32;
	v48 =	vmul.f32 v48, v33  }
0x46e: {  	v37 =	vmul.f32 v40, v33;
	v63 =	vadd.f32 v49, v43;
	[tilespmem:s6+$0xFFFFFFE0] =	vst v45;
	v43 =	vadd.f32 v39, v62;
	v39 =	vld [tilespmem:s11+$0xFFFFFFF0]  }
0x46f: {  	v41 =	vunpack.i.u.bf16.f32 v58;
	v40 =	vunpack.i.l.bf16.f32 v58;
	s10 =	sadd.s32 $0x400, s7;
	[tilespmem:s6+$0xFFFFFFF0] =	vst v42;
	v44 =	vadd.f32 v48, v44  }
0x470: {  	v47 =	vunpack.i.l.bf16.f32 v60;
	v36 =	vunpack.i.l.bf16.f32 v54;
	v42 =	vunpack.i.u.bf16.f32 v60;
	[tilespmem:s10+$0x0] =	vst v63  }
0x471: {  	s12 =	simm.s32 $0x80;
	s13 =	smov.u32 s9;
	v45 =	vmul.f32 v47, v33;
	s11 =	sadd.s32 $0x40, s8;
	[tilespmem:s7+$0x30] =	vst v44;
	v44 =	vmul.f32 v40, v32;
	v40 =	vunpack.i.u.bf16.f32 v38  }
.LBB2_47:
0x472: {  	v46 =	vld [tilespmem:s11+$0x0];
	v41 =	vmul.f32 v41, v32;
	v42 =	vmul.f32 v42, v33;
	[tilespmem:s10+$0x10] =	vst v43;
	v38 =	vunpack.i.l.bf16.f32 v38  }
0x473: {  	v43 =	vadd.f32 v45, v44;
	v44 =	vld [tilespmem:s8+$0x10];
	v45 =	vunpack.i.u.bf16.f32 v39;
	v39 =	vunpack.i.l.bf16.f32 v39  }
0x474: {  	s13 =	sadd.s32 $0x40, s13;
	v38 =	vmul.f32 v38, v32;
	v41 =	vadd.f32 v42, v41;
	v42 =	vunpack.i.l.bf16.f32 v34;
	v34 =	vld [tilespmem:s9+$0x10]  }
0x475: {  	v40 =	vmul.f32 v40, v32;
	v39 =	vmul.f32 v39, v33;
	v47 =	vld [tilespmem:s13+$0x0];
	[tilespmem:s10+$0xFFFFFFC0] =	vst v43;
	v43 =	vadd.f32 v37, v35  }
0x476: {  	v35 =	vmul.f32 v36, v32;
	v48 =	vld [tilespmem:s13+$0xFFFFFFE0];
	[tilespmem:s10+$0xFFFFFFD0] =	vst v41;
	v41 =	vmul.f32 v45, v33  }
0x477: {  	s12 =	sadd.s32 $0x40, s12;
	v37 =	vmul.f32 v42, v33;
	v49 =	vadd.f32 v39, v38;
	v45 =	vld [tilespmem:s11+$0xFFFFFFE0];
	[tilespmem:s6+$0x20] =	vst v43;
	s6 =	smov.u32 s7;
	s7 =	smov.u32 s10  }
0x478: {  	p0 =	slt.u32 s12, $0x3C0;
	v42 =	vunpack.i.u.bf16.f32 v46;
	v38 =	vld [tilespmem:s8+$0xFFFFFFF0];
	v36 =	vunpack.i.l.bf16.f32 v44;
	v40 =	vadd.f32 v41, v40;
	s8 =	smov.u32 s11  }
0x479: {  	v41 =	vunpack.i.l.bf16.f32 v46;
	v43 =	vunpack.i.u.bf16.f32 v44;
	v39 =	vld [tilespmem:s9+$0xFFFFFFF0];
	v44 =	vunpack.i.u.bf16.f32 v34;
	[tilespmem:s6+$0xFFFFFFE0] =	vst v49;
	s9 =	smov.u32 s13  }
0x47a: {  	v43 =	vmul.f32 v43, v32;
	v46 =	vunpack.i.l.bf16.f32 v47;
	v44 =	vmul.f32 v44, v33;
	[tilespmem:s6+$0xFFFFFFF0] =	vst v40  }
.Ltmp22:
0x47b: {  	v40 =	vunpack.i.u.bf16.f32 v47;
	v47 =	vmul.f32 v41, v32;
	v46 =	vmul.f32 v46, v33;
	(pc) =	sbr.rel @p0 .LBB2_47-.Ltmp22, $4  }
0x47c: {  	v49 =	vmul.f32 v42, v32;
	v40 =	vmul.f32 v40, v33;
	v44 =	vadd.f32 v44, v43  }
0x47d: {  	v41 =	vunpack.i.u.bf16.f32 v45;
	v45 =	vunpack.i.l.bf16.f32 v45;
	v46 =	vadd.f32 v46, v47  }
0x47e: {  	s10 =	sadd.s32 $0x400, s10;
	v42 =	vunpack.i.u.bf16.f32 v48;
	v47 =	vunpack.i.l.bf16.f32 v48;
	v43 =	vadd.f32 v40, v49;
	[tilespmem:s7+$0x30] =	vst v44  }
0x47f: {  	s11 =	sadd.s32 $0x40, s11;
	v40 =	vunpack.i.u.bf16.f32 v38;
	v44 =	vmul.f32 v45, v32;
	v45 =	vmul.f32 v47, v33;
	[tilespmem:s10+$0x0] =	vst v46  }
0x480: {  	v41 =	vmul.f32 v41, v32;
	v42 =	vmul.f32 v42, v33;
	[tilespmem:s10+$0x10] =	vst v43  }
0x481: {  	v61 =	vadd.f32 v45, v44;
	v62 =	vld [tilespmem:s8+$0x10]  }
0x482: {  	v63 =	vld [tilespmem:s9+$0x10];
	v41 =	vadd.f32 v42, v41  }
0x483: {  	v38 =	vunpack.i.l.bf16.f32 v38;
	v46 =	vunpack.i.l.bf16.f32 v39;
	[tilespmem:s10+$0xFFFFFFC0] =	vst v61  }
0x484: {  	v47 =	vunpack.i.u.bf16.f32 v39;
	v40 =	vmul.f32 v40, v32;
	v36 =	vmul.f32 v36, v32;
	[tilespmem:s10+$0xFFFFFFD0] =	vst v41  }
0x485: {  	v34 =	vunpack.i.l.bf16.f32 v34;
	v38 =	vmul.f32 v38, v32;
	v48 =	vmul.f32 v46, v33;
	v49 =	vld [tilespmem:s8+$0xFFFFFFF0]  }
0x486: {  	v35 =	vadd.f32 v37, v35;
	v50 =	vmul.f32 v47, v33;
	v34 =	vmul.f32 v34, v33;
	v51 =	vld [tilespmem:s9+$0xFFFFFFF0]  }
0x487: {  	v38 =	vadd.f32 v48, v38;
	v52 =	vunpack.i.u.bf16.f32 v62;
	v53 =	vunpack.i.u.bf16.f32 v63  }
0x488: {  	v37 =	vadd.f32 v50, v40;
	v41 =	vmul.f32 v52, v32;
	v45 =	vmul.f32 v53, v33  }
0x489: {  	v34 =	vadd.f32 v34, v36;
	v44 =	vunpack.i.l.bf16.f32 v62;
	v58 =	vunpack.i.l.bf16.f32 v63  }
0x48a: {  	[tilespmem:s6+$0x20] =	vst v35;
	v61 =	vmul.f32 v44, v32;
	v62 =	vmul.f32 v58, v33;
	v54 =	vadd.f32 v45, v41  }
0x48b: {  	s5 =	sadd.s32 $0x1, s5;
	[tilespmem:s7+$0xFFFFFFE0] =	vst v38;
	v55 =	vunpack.i.u.bf16.f32 v49;
	v56 =	vunpack.i.l.bf16.f32 v49;
	v39 =	vunpack.i.l.bf16.f32 v51  }
0x48c: {  	p0 =	sne.s32 s5, $0x10;
	[tilespmem:s7+$0xFFFFFFF0] =	vst v37;
	v57 =	vunpack.i.u.bf16.f32 v51;
	v35 =	vmul.f32 v56, v32;
	v39 =	vmul.f32 v39, v33  }
.Ltmp23:
0x48d: {  	[tilespmem:s7+$0x20] =	vst v34;
	v59 =	vmul.f32 v55, v32;
	v60 =	vmul.f32 v57, v33;
	v32 =	vadd.f32 v62, v61;
	(pc) =	sbr.rel @p0 .LBB2_46-.Ltmp23, $4  }
0x48e: {  	[tilespmem:s10+$0x30] =	vst v54;
	v35 =	vadd.f32 v39, v35  }
0x48f: {  	v63 =	vadd.f32 v60, v59;
	[tilespmem:s10+$0x20] =	vst v32  }
0x490: {  	[tilespmem:s10+$0xFFFFFFE0] =	vst v35  }
0x491: {  	s3 =	sadd.s32 $0x800, s3;
	s1 =	sadd.s32 $0x1, s1;
	[tilespmem:s10+$0xFFFFFFF0] =	vst v63  }
0x492: {  	s1 =	simm.s32 $0x0  }
0x493: {  	[hbm4b:s17+s1] =	stream.linear.scatter [tilespmem:s30], [sflag:$0x3], $0x8000, $0x38;
	[tilespmem:$0x1CA00] =	vst v63  }
0x494: {  	_ =	swait.ge [sflag:s26], $0x8000  }
0x495: {  	[sflag:s26] =	ssyncset.done $0x0  }
0x496: {  	s3 =	simm.s32 $0x0;
	s5 =	simm.s32 $0x0;
	[sflag:s26] =	ssyncadd.s32 $0xFFFF8000  }
.LBB2_50:
0x497: {  	v32 =	vld [tilespmem:s5+$0x44C0];
	_ =	sdelay $0x1  }
0x498: {  	v33 =	vld [tilespmem:s5+$0x4640];
	_ =	sdelay $0x2  }
0x499: {  	(v2sf) =	vpush v32, $0x0;
	_ =	sdelay $0x1  }
0x49a: {  	(v2sf) =	vpush v33, $0x0;
	_ =	sdelay $0xc  }
0x49b: {  	s6 =	spop (v2sf)  }
0x49c: {  	s6 =	sshll.u32 s6, $0x2  }
0x49d: {  	s7 =	spop (v2sf);
	s6 =	sshra.s32 s6, $0x2  }
0x49e: {  	v32 =	vld.msk [tilespmem:s5+$0x47C0 ss:$0x0], $0xffff;
	s7 =	sshll.u32 s7, $0x2;
	s8 =	sadd.s32 $0x20, s6  }
0x49f: {  	s12 =	sshra.s32 s7, $0x2;
	v34 =	vld [tilespmem:s8+$0x0]  }
0x4a0: {  	s7 =	sadd.s32 $0x20, s12;
	v39 =	vld [tilespmem:s8+$0xFFFFFFE0]  }
0x4a1: {  	v35 =	vld [tilespmem:s7+$0x0]  }
0x4a2: {  	v33 =	vld.msk [tilespmem:s5+$0x4940 ss:$0x0], $0xffff;
	_ =	sdelay $0x1  }
0x4a3: {  	s10 =	sadd.s32 $0x40, s8;
	v38 =	vld [tilespmem:s7+$0xFFFFFFE0]  }
0x4a4: {  	v55 =	vld [tilespmem:s10+$0x0];
	v36 =	vunpack.i.u.bf16.f32 v34  }
0x4a5: {  	s13 =	sshll.u32 s3, $0x2;
	s9 =	sand.u32 $0x7, s1;
	s11 =	sadd.s32 $0x40, s7;
	v60 =	vld [tilespmem:s10+$0xFFFFFFE0];
	v34 =	vunpack.i.l.bf16.f32 v34;
	v56 =	vunpack.i.u.bf16.f32 v39;
	v37 =	vunpack.i.l.bf16.f32 v35  }
0x4a6: {  	s9 =	sshll.u32 s9, $0x9;
	s6 =	sand.u32 $0xFFFF0000, s13;
	v41 =	vld [tilespmem:s11+$0x0];
	v35 =	vunpack.i.u.bf16.f32 v35;
	v34 =	vmul.f32 v34, v32;
	v37 =	vmul.f32 v37, v33  }
0x4a7: {  	s6 =	sor.u32 s9, s6;
	v43 =	vld [tilespmem:s11+$0xFFFFFFE0];
	v57 =	vunpack.i.l.bf16.f32 v39;
	v36 =	vmul.f32 v36, v32;
	v35 =	vmul.f32 v35, v33  }
0x4a8: {  	s6 =	sshrl.u32 s6, $0x2;
	v58 =	vunpack.i.l.bf16.f32 v38;
	v38 =	vunpack.i.u.bf16.f32 v38;
	v34 =	vadd.f32 v37, v34  }
0x4a9: {  	s6 =	sadd.s32 $0x4A40, s6;
	v39 =	vmul.f32 v58, v33;
	v35 =	vadd.f32 v35, v36;
	v37 =	vmul.f32 v57, v32  }
0x4aa: {  	s9 =	sadd.s32 $0x40, s11;
	v59 =	vunpack.i.u.bf16.f32 v55;
	v38 =	vmul.f32 v38, v33;
	v36 =	vmul.f32 v56, v32;
	[tilespmem:s6+$0x0] =	vst v34  }
0x4ab: {  	v63 =	vunpack.i.u.bf16.f32 v60;
	v62 =	vunpack.i.l.bf16.f32 v41;
	v57 =	vld [tilespmem:s9+$0x0];
	[tilespmem:s6+$0x10] =	vst v35;
	v37 =	vadd.f32 v39, v37  }
0x4ac: {  	v41 =	vunpack.i.u.bf16.f32 v41;
	v47 =	vunpack.i.l.bf16.f32 v43;
	v36 =	vadd.f32 v38, v36;
	v35 =	vld [tilespmem:s8+$0x10]  }
0x4ad: {  	v41 =	vmul.f32 v41, v33;
	v34 =	vunpack.i.l.bf16.f32 v55;
	v38 =	vmul.f32 v59, v32;
	v40 =	vld [tilespmem:s7+$0x10];
	[tilespmem:s6+$0xFFFFFFC0] =	vst v37  }
0x4ae: {  	v34 =	vmul.f32 v34, v32;
	[tilespmem:s6+$0xFFFFFFD0] =	vst v36;
	v36 =	vmul.f32 v62, v33;
	v37 =	vunpack.i.l.bf16.f32 v60  }
0x4af: {  	v46 =	vunpack.i.u.bf16.f32 v43;
	v49 =	vmul.f32 v47, v33;
	v48 =	vmul.f32 v37, v32  }
0x4b0: {  	v52 =	vmul.f32 v46, v33;
	v38 =	vadd.f32 v41, v38;
	v44 =	vld [tilespmem:s8+$0xFFFFFFF0];
	v34 =	vadd.f32 v36, v34  }
0x4b1: {  	v45 =	vld [tilespmem:s7+$0xFFFFFFF0];
	s7 =	sadd.s32 $0x400, s6;
	v36 =	vmul.f32 v63, v32;
	v46 =	vadd.f32 v49, v48;
	v49 =	vunpack.i.l.bf16.f32 v57  }
0x4b2: {  	s8 =	sadd.s32 $0x40, s10;
	[tilespmem:s7+$0x10] =	vst v38;
	v61 =	vunpack.i.u.bf16.f32 v35;
	v42 =	vunpack.i.u.bf16.f32 v40;
	v35 =	vunpack.i.l.bf16.f32 v35  }
0x4b3: {  	v51 =	vld [tilespmem:s8+$0x0];
	[tilespmem:s7+$0x0] =	vst v34;
	v38 =	vadd.f32 v52, v36;
	v49 =	vmul.f32 v49, v33;
	v39 =	vmul.f32 v61, v32  }
0x4b4: {  	v40 =	vunpack.i.l.bf16.f32 v40;
	v42 =	vmul.f32 v42, v33;
	v54 =	vld [tilespmem:s10+$0x10];
	v35 =	vmul.f32 v35, v32  }
0x4b5: {  	v34 =	vld [tilespmem:s11+$0x10];
	v61 =	vunpack.i.u.bf16.f32 v57;
	v50 =	vunpack.i.u.bf16.f32 v44;
	v53 =	vunpack.i.l.bf16.f32 v44  }
0x4b6: {  	v55 =	vunpack.i.u.bf16.f32 v45;
	v45 =	vunpack.i.l.bf16.f32 v45;
	v56 =	vmul.f32 v53, v32  }
0x4b7: {  	v39 =	vadd.f32 v42, v39;
	v45 =	vmul.f32 v45, v33;
	v42 =	vmul.f32 v50, v32  }
0x4b8: {  	v58 =	vld [tilespmem:s8+$0xFFFFFFE0];
	[tilespmem:s7+$0xFFFFFFC0] =	vst v46;
	v47 =	vmul.f32 v55, v33;
	v59 =	vunpack.i.u.bf16.f32 v51;
	v43 =	vunpack.i.l.bf16.f32 v51  }
0x4b9: {  	v60 =	vld [tilespmem:s9+$0xFFFFFFE0];
	[tilespmem:s7+$0xFFFFFFD0] =	vst v38;
	v43 =	vmul.f32 v43, v32;
	v62 =	vmul.f32 v59, v32;
	v45 =	vadd.f32 v45, v56  }
0x4ba: {  	v38 =	vld [tilespmem:s10+$0xFFFFFFF0];
	[tilespmem:s6+$0x30] =	vst v39;
	v39 =	vmul.f32 v61, v33;
	v44 =	vunpack.i.u.bf16.f32 v54;
	v48 =	vunpack.i.u.bf16.f32 v34  }
0x4bb: {  	v42 =	vadd.f32 v47, v42;
	v44 =	vmul.f32 v44, v32;
	v48 =	vmul.f32 v48, v33  }
0x4bc: {  	v37 =	vmul.f32 v40, v33;
	v63 =	vadd.f32 v49, v43;
	[tilespmem:s6+$0xFFFFFFE0] =	vst v45;
	v43 =	vadd.f32 v39, v62;
	v39 =	vld [tilespmem:s11+$0xFFFFFFF0]  }
0x4bd: {  	v41 =	vunpack.i.u.bf16.f32 v58;
	v40 =	vunpack.i.l.bf16.f32 v58;
	s10 =	sadd.s32 $0x400, s7;
	[tilespmem:s6+$0xFFFFFFF0] =	vst v42;
	v44 =	vadd.f32 v48, v44  }
0x4be: {  	v47 =	vunpack.i.l.bf16.f32 v60;
	v36 =	vunpack.i.l.bf16.f32 v54;
	v42 =	vunpack.i.u.bf16.f32 v60;
	[tilespmem:s10+$0x0] =	vst v63  }
0x4bf: {  	s12 =	simm.s32 $0x80;
	s13 =	smov.u32 s9;
	v45 =	vmul.f32 v47, v33;
	s11 =	sadd.s32 $0x40, s8;
	[tilespmem:s7+$0x30] =	vst v44;
	v44 =	vmul.f32 v40, v32;
	v40 =	vunpack.i.u.bf16.f32 v38  }
.LBB2_51:
0x4c0: {  	v46 =	vld [tilespmem:s11+$0x0];
	v41 =	vmul.f32 v41, v32;
	v42 =	vmul.f32 v42, v33;
	[tilespmem:s10+$0x10] =	vst v43;
	v38 =	vunpack.i.l.bf16.f32 v38  }
0x4c1: {  	v43 =	vadd.f32 v45, v44;
	v44 =	vld [tilespmem:s8+$0x10];
	v45 =	vunpack.i.u.bf16.f32 v39;
	v39 =	vunpack.i.l.bf16.f32 v39  }
0x4c2: {  	s13 =	sadd.s32 $0x40, s13;
	v38 =	vmul.f32 v38, v32;
	v41 =	vadd.f32 v42, v41;
	v42 =	vunpack.i.l.bf16.f32 v34;
	v34 =	vld [tilespmem:s9+$0x10]  }
0x4c3: {  	v40 =	vmul.f32 v40, v32;
	v39 =	vmul.f32 v39, v33;
	v47 =	vld [tilespmem:s13+$0x0];
	[tilespmem:s10+$0xFFFFFFC0] =	vst v43;
	v43 =	vadd.f32 v37, v35  }
0x4c4: {  	v35 =	vmul.f32 v36, v32;
	v48 =	vld [tilespmem:s13+$0xFFFFFFE0];
	[tilespmem:s10+$0xFFFFFFD0] =	vst v41;
	v41 =	vmul.f32 v45, v33  }
0x4c5: {  	s12 =	sadd.s32 $0x40, s12;
	v37 =	vmul.f32 v42, v33;
	v49 =	vadd.f32 v39, v38;
	v45 =	vld [tilespmem:s11+$0xFFFFFFE0];
	[tilespmem:s6+$0x20] =	vst v43;
	s6 =	smov.u32 s7;
	s7 =	smov.u32 s10  }
0x4c6: {  	p0 =	slt.u32 s12, $0x3C0;
	v42 =	vunpack.i.u.bf16.f32 v46;
	v38 =	vld [tilespmem:s8+$0xFFFFFFF0];
	v36 =	vunpack.i.l.bf16.f32 v44;
	v40 =	vadd.f32 v41, v40;
	s8 =	smov.u32 s11  }
0x4c7: {  	v41 =	vunpack.i.l.bf16.f32 v46;
	v43 =	vunpack.i.u.bf16.f32 v44;
	v39 =	vld [tilespmem:s9+$0xFFFFFFF0];
	v44 =	vunpack.i.u.bf16.f32 v34;
	[tilespmem:s6+$0xFFFFFFE0] =	vst v49;
	s9 =	smov.u32 s13  }
0x4c8: {  	v43 =	vmul.f32 v43, v32;
	v46 =	vunpack.i.l.bf16.f32 v47;
	v44 =	vmul.f32 v44, v33;
	[tilespmem:s6+$0xFFFFFFF0] =	vst v40  }
.Ltmp24:
0x4c9: {  	v40 =	vunpack.i.u.bf16.f32 v47;
	v47 =	vmul.f32 v41, v32;
	v46 =	vmul.f32 v46, v33;
	(pc) =	sbr.rel @p0 .LBB2_51-.Ltmp24, $4  }
0x4ca: {  	v49 =	vmul.f32 v42, v32;
	v40 =	vmul.f32 v40, v33;
	v44 =	vadd.f32 v44, v43  }
0x4cb: {  	v41 =	vunpack.i.u.bf16.f32 v45;
	v45 =	vunpack.i.l.bf16.f32 v45;
	v46 =	vadd.f32 v46, v47  }
0x4cc: {  	s10 =	sadd.s32 $0x400, s10;
	v42 =	vunpack.i.u.bf16.f32 v48;
	v47 =	vunpack.i.l.bf16.f32 v48;
	v43 =	vadd.f32 v40, v49;
	[tilespmem:s7+$0x30] =	vst v44  }
0x4cd: {  	s11 =	sadd.s32 $0x40, s11;
	v40 =	vunpack.i.u.bf16.f32 v38;
	v44 =	vmul.f32 v45, v32;
	v45 =	vmul.f32 v47, v33;
	[tilespmem:s10+$0x0] =	vst v46  }
0x4ce: {  	v41 =	vmul.f32 v41, v32;
	v42 =	vmul.f32 v42, v33;
	[tilespmem:s10+$0x10] =	vst v43  }
0x4cf: {  	v61 =	vadd.f32 v45, v44;
	v62 =	vld [tilespmem:s8+$0x10]  }
0x4d0: {  	v63 =	vld [tilespmem:s9+$0x10];
	v41 =	vadd.f32 v42, v41  }
0x4d1: {  	v38 =	vunpack.i.l.bf16.f32 v38;
	v46 =	vunpack.i.l.bf16.f32 v39;
	[tilespmem:s10+$0xFFFFFFC0] =	vst v61  }
0x4d2: {  	v47 =	vunpack.i.u.bf16.f32 v39;
	v40 =	vmul.f32 v40, v32;
	v36 =	vmul.f32 v36, v32;
	[tilespmem:s10+$0xFFFFFFD0] =	vst v41  }
0x4d3: {  	v34 =	vunpack.i.l.bf16.f32 v34;
	v38 =	vmul.f32 v38, v32;
	v48 =	vmul.f32 v46, v33;
	v49 =	vld [tilespmem:s8+$0xFFFFFFF0]  }
0x4d4: {  	v35 =	vadd.f32 v37, v35;
	v50 =	vmul.f32 v47, v33;
	v34 =	vmul.f32 v34, v33;
	v51 =	vld [tilespmem:s9+$0xFFFFFFF0]  }
0x4d5: {  	v38 =	vadd.f32 v48, v38;
	v52 =	vunpack.i.u.bf16.f32 v62;
	v53 =	vunpack.i.u.bf16.f32 v63  }
0x4d6: {  	v37 =	vadd.f32 v50, v40;
	v41 =	vmul.f32 v52, v32;
	v45 =	vmul.f32 v53, v33  }
0x4d7: {  	v34 =	vadd.f32 v34, v36;
	v44 =	vunpack.i.l.bf16.f32 v62;
	v58 =	vunpack.i.l.bf16.f32 v63  }
0x4d8: {  	[tilespmem:s6+$0x20] =	vst v35;
	v61 =	vmul.f32 v44, v32;
	v62 =	vmul.f32 v58, v33;
	v54 =	vadd.f32 v45, v41  }
0x4d9: {  	s5 =	sadd.s32 $0x1, s5;
	[tilespmem:s7+$0xFFFFFFE0] =	vst v38;
	v55 =	vunpack.i.u.bf16.f32 v49;
	v56 =	vunpack.i.l.bf16.f32 v49;
	v39 =	vunpack.i.l.bf16.f32 v51  }
0x4da: {  	p0 =	sne.s32 s5, $0x10;
	[tilespmem:s7+$0xFFFFFFF0] =	vst v37;
	v57 =	vunpack.i.u.bf16.f32 v51;
	v35 =	vmul.f32 v56, v32;
	v39 =	vmul.f32 v39, v33  }
.Ltmp25:
0x4db: {  	[tilespmem:s7+$0x20] =	vst v34;
	v59 =	vmul.f32 v55, v32;
	v60 =	vmul.f32 v57, v33;
	v32 =	vadd.f32 v62, v61;
	(pc) =	sbr.rel @p0 .LBB2_50-.Ltmp25, $4  }
0x4dc: {  	[tilespmem:s10+$0x30] =	vst v54;
	v35 =	vadd.f32 v39, v35  }
0x4dd: {  	v63 =	vadd.f32 v60, v59;
	[tilespmem:s10+$0x20] =	vst v32  }
0x4de: {  	[tilespmem:s10+$0xFFFFFFE0] =	vst v35  }
0x4df: {  	s3 =	sadd.s32 $0x800, s3;
	s1 =	sadd.s32 $0x1, s1;
	[tilespmem:s10+$0xFFFFFFF0] =	vst v63  }
0x4e0: {  	s1 =	simm.s32 $0x0  }
0x4e1: {  	[hbm4b:s18+s1] =	stream.linear.scatter [tilespmem:s28], [sflag:$0x1], $0x8000, $0x38;
	[tilespmem:$0x1CA00] =	vst v63  }
0x4e2: {  	_ =	swait.ge [sflag:s25], $0x8000  }
0x4e3: {  	[sflag:s25] =	ssyncset.done $0x0  }
0x4e4: {  	s3 =	simm.s32 $0x0;
	s5 =	simm.s32 $0x0;
	[sflag:s25] =	ssyncadd.s32 $0xFFFF8000  }
.LBB2_54:
0x4e5: {  	v32 =	vld [tilespmem:s5+$0x44D0];
	_ =	sdelay $0x1  }
0x4e6: {  	v33 =	vld [tilespmem:s5+$0x4650];
	_ =	sdelay $0x2  }
0x4e7: {  	(v2sf) =	vpush v32, $0x0;
	_ =	sdelay $0x1  }
0x4e8: {  	(v2sf) =	vpush v33, $0x0;
	_ =	sdelay $0xc  }
0x4e9: {  	s6 =	spop (v2sf)  }
0x4ea: {  	s6 =	sshll.u32 s6, $0x2  }
0x4eb: {  	s7 =	spop (v2sf);
	s6 =	sshra.s32 s6, $0x2  }
0x4ec: {  	v32 =	vld.msk [tilespmem:s5+$0x47D0 ss:$0x0], $0xffff;
	s7 =	sshll.u32 s7, $0x2;
	s8 =	sadd.s32 $0x20, s6  }
0x4ed: {  	s12 =	sshra.s32 s7, $0x2;
	v34 =	vld [tilespmem:s8+$0x0]  }
0x4ee: {  	s7 =	sadd.s32 $0x20, s12;
	v39 =	vld [tilespmem:s8+$0xFFFFFFE0]  }
0x4ef: {  	v35 =	vld [tilespmem:s7+$0x0]  }
0x4f0: {  	v33 =	vld.msk [tilespmem:s5+$0x4950 ss:$0x0], $0xffff;
	_ =	sdelay $0x1  }
0x4f1: {  	s10 =	sadd.s32 $0x40, s8;
	v38 =	vld [tilespmem:s7+$0xFFFFFFE0]  }
0x4f2: {  	v55 =	vld [tilespmem:s10+$0x0];
	v36 =	vunpack.i.u.bf16.f32 v34  }
0x4f3: {  	s13 =	sshll.u32 s3, $0x2;
	s9 =	sand.u32 $0x7, s1;
	s11 =	sadd.s32 $0x40, s7;
	v60 =	vld [tilespmem:s10+$0xFFFFFFE0];
	v34 =	vunpack.i.l.bf16.f32 v34;
	v56 =	vunpack.i.u.bf16.f32 v39;
	v37 =	vunpack.i.l.bf16.f32 v35  }
0x4f4: {  	s9 =	sshll.u32 s9, $0x9;
	s6 =	sand.u32 $0xFFFF0000, s13;
	v41 =	vld [tilespmem:s11+$0x0];
	v35 =	vunpack.i.u.bf16.f32 v35;
	v34 =	vmul.f32 v34, v32;
	v37 =	vmul.f32 v37, v33  }
0x4f5: {  	s6 =	sor.u32 s9, s6;
	v43 =	vld [tilespmem:s11+$0xFFFFFFE0];
	v57 =	vunpack.i.l.bf16.f32 v39;
	v36 =	vmul.f32 v36, v32;
	v35 =	vmul.f32 v35, v33  }
0x4f6: {  	s6 =	sshrl.u32 s6, $0x2;
	v58 =	vunpack.i.l.bf16.f32 v38;
	v38 =	vunpack.i.u.bf16.f32 v38;
	v34 =	vadd.f32 v37, v34  }
0x4f7: {  	s6 =	sadd.s32 $0xCA40, s6;
	v39 =	vmul.f32 v58, v33;
	v35 =	vadd.f32 v35, v36;
	v37 =	vmul.f32 v57, v32  }
0x4f8: {  	s9 =	sadd.s32 $0x40, s11;
	v59 =	vunpack.i.u.bf16.f32 v55;
	v38 =	vmul.f32 v38, v33;
	v36 =	vmul.f32 v56, v32;
	[tilespmem:s6+$0x0] =	vst v34  }
0x4f9: {  	v63 =	vunpack.i.u.bf16.f32 v60;
	v62 =	vunpack.i.l.bf16.f32 v41;
	v57 =	vld [tilespmem:s9+$0x0];
	[tilespmem:s6+$0x10] =	vst v35;
	v37 =	vadd.f32 v39, v37  }
0x4fa: {  	v41 =	vunpack.i.u.bf16.f32 v41;
	v47 =	vunpack.i.l.bf16.f32 v43;
	v36 =	vadd.f32 v38, v36;
	v35 =	vld [tilespmem:s8+$0x10]  }
0x4fb: {  	v41 =	vmul.f32 v41, v33;
	v34 =	vunpack.i.l.bf16.f32 v55;
	v38 =	vmul.f32 v59, v32;
	v40 =	vld [tilespmem:s7+$0x10];
	[tilespmem:s6+$0xFFFFFFC0] =	vst v37  }
0x4fc: {  	v34 =	vmul.f32 v34, v32;
	[tilespmem:s6+$0xFFFFFFD0] =	vst v36;
	v36 =	vmul.f32 v62, v33;
	v37 =	vunpack.i.l.bf16.f32 v60  }
0x4fd: {  	v46 =	vunpack.i.u.bf16.f32 v43;
	v49 =	vmul.f32 v47, v33;
	v48 =	vmul.f32 v37, v32  }
0x4fe: {  	v52 =	vmul.f32 v46, v33;
	v38 =	vadd.f32 v41, v38;
	v44 =	vld [tilespmem:s8+$0xFFFFFFF0];
	v34 =	vadd.f32 v36, v34  }
0x4ff: {  	v45 =	vld [tilespmem:s7+$0xFFFFFFF0];
	s7 =	sadd.s32 $0x400, s6;
	v36 =	vmul.f32 v63, v32;
	v46 =	vadd.f32 v49, v48;
	v49 =	vunpack.i.l.bf16.f32 v57  }
0x500: {  	s8 =	sadd.s32 $0x40, s10;
	[tilespmem:s7+$0x10] =	vst v38;
	v61 =	vunpack.i.u.bf16.f32 v35;
	v42 =	vunpack.i.u.bf16.f32 v40;
	v35 =	vunpack.i.l.bf16.f32 v35  }
0x501: {  	v51 =	vld [tilespmem:s8+$0x0];
	[tilespmem:s7+$0x0] =	vst v34;
	v38 =	vadd.f32 v52, v36;
	v49 =	vmul.f32 v49, v33;
	v39 =	vmul.f32 v61, v32  }
0x502: {  	v40 =	vunpack.i.l.bf16.f32 v40;
	v42 =	vmul.f32 v42, v33;
	v54 =	vld [tilespmem:s10+$0x10];
	v35 =	vmul.f32 v35, v32  }
0x503: {  	v34 =	vld [tilespmem:s11+$0x10];
	v61 =	vunpack.i.u.bf16.f32 v57;
	v50 =	vunpack.i.u.bf16.f32 v44;
	v53 =	vunpack.i.l.bf16.f32 v44  }
0x504: {  	v55 =	vunpack.i.u.bf16.f32 v45;
	v45 =	vunpack.i.l.bf16.f32 v45;
	v56 =	vmul.f32 v53, v32  }
0x505: {  	v39 =	vadd.f32 v42, v39;
	v45 =	vmul.f32 v45, v33;
	v42 =	vmul.f32 v50, v32  }
0x506: {  	v58 =	vld [tilespmem:s8+$0xFFFFFFE0];
	[tilespmem:s7+$0xFFFFFFC0] =	vst v46;
	v47 =	vmul.f32 v55, v33;
	v59 =	vunpack.i.u.bf16.f32 v51;
	v43 =	vunpack.i.l.bf16.f32 v51  }
0x507: {  	v60 =	vld [tilespmem:s9+$0xFFFFFFE0];
	[tilespmem:s7+$0xFFFFFFD0] =	vst v38;
	v43 =	vmul.f32 v43, v32;
	v62 =	vmul.f32 v59, v32;
	v45 =	vadd.f32 v45, v56  }
0x508: {  	v38 =	vld [tilespmem:s10+$0xFFFFFFF0];
	[tilespmem:s6+$0x30] =	vst v39;
	v39 =	vmul.f32 v61, v33;
	v44 =	vunpack.i.u.bf16.f32 v54;
	v48 =	vunpack.i.u.bf16.f32 v34  }
0x509: {  	v42 =	vadd.f32 v47, v42;
	v44 =	vmul.f32 v44, v32;
	v48 =	vmul.f32 v48, v33  }
0x50a: {  	v37 =	vmul.f32 v40, v33;
	v63 =	vadd.f32 v49, v43;
	[tilespmem:s6+$0xFFFFFFE0] =	vst v45;
	v43 =	vadd.f32 v39, v62;
	v39 =	vld [tilespmem:s11+$0xFFFFFFF0]  }
0x50b: {  	v41 =	vunpack.i.u.bf16.f32 v58;
	v40 =	vunpack.i.l.bf16.f32 v58;
	s10 =	sadd.s32 $0x400, s7;
	[tilespmem:s6+$0xFFFFFFF0] =	vst v42;
	v44 =	vadd.f32 v48, v44  }
0x50c: {  	v47 =	vunpack.i.l.bf16.f32 v60;
	v36 =	vunpack.i.l.bf16.f32 v54;
	v42 =	vunpack.i.u.bf16.f32 v60;
	[tilespmem:s10+$0x0] =	vst v63  }
0x50d: {  	s12 =	simm.s32 $0x80;
	s13 =	smov.u32 s9;
	v45 =	vmul.f32 v47, v33;
	s11 =	sadd.s32 $0x40, s8;
	[tilespmem:s7+$0x30] =	vst v44;
	v44 =	vmul.f32 v40, v32;
	v40 =	vunpack.i.u.bf16.f32 v38  }
.LBB2_55:
0x50e: {  	v46 =	vld [tilespmem:s11+$0x0];
	v41 =	vmul.f32 v41, v32;
	v42 =	vmul.f32 v42, v33;
	[tilespmem:s10+$0x10] =	vst v43;
	v38 =	vunpack.i.l.bf16.f32 v38  }
0x50f: {  	v43 =	vadd.f32 v45, v44;
	v44 =	vld [tilespmem:s8+$0x10];
	v45 =	vunpack.i.u.bf16.f32 v39;
	v39 =	vunpack.i.l.bf16.f32 v39  }
0x510: {  	s13 =	sadd.s32 $0x40, s13;
	v38 =	vmul.f32 v38, v32;
	v41 =	vadd.f32 v42, v41;
	v42 =	vunpack.i.l.bf16.f32 v34;
	v34 =	vld [tilespmem:s9+$0x10]  }
0x511: {  	v40 =	vmul.f32 v40, v32;
	v39 =	vmul.f32 v39, v33;
	v47 =	vld [tilespmem:s13+$0x0];
	[tilespmem:s10+$0xFFFFFFC0] =	vst v43;
	v43 =	vadd.f32 v37, v35  }
0x512: {  	v35 =	vmul.f32 v36, v32;
	v48 =	vld [tilespmem:s13+$0xFFFFFFE0];
	[tilespmem:s10+$0xFFFFFFD0] =	vst v41;
	v41 =	vmul.f32 v45, v33  }
0x513: {  	s12 =	sadd.s32 $0x40, s12;
	v37 =	vmul.f32 v42, v33;
	v49 =	vadd.f32 v39, v38;
	v45 =	vld [tilespmem:s11+$0xFFFFFFE0];
	[tilespmem:s6+$0x20] =	vst v43;
	s6 =	smov.u32 s7;
	s7 =	smov.u32 s10  }
0x514: {  	p0 =	slt.u32 s12, $0x3C0;
	v42 =	vunpack.i.u.bf16.f32 v46;
	v38 =	vld [tilespmem:s8+$0xFFFFFFF0];
	v36 =	vunpack.i.l.bf16.f32 v44;
	v40 =	vadd.f32 v41, v40;
	s8 =	smov.u32 s11  }
0x515: {  	v41 =	vunpack.i.l.bf16.f32 v46;
	v43 =	vunpack.i.u.bf16.f32 v44;
	v39 =	vld [tilespmem:s9+$0xFFFFFFF0];
	v44 =	vunpack.i.u.bf16.f32 v34;
	[tilespmem:s6+$0xFFFFFFE0] =	vst v49;
	s9 =	smov.u32 s13  }
0x516: {  	v43 =	vmul.f32 v43, v32;
	v46 =	vunpack.i.l.bf16.f32 v47;
	v44 =	vmul.f32 v44, v33;
	[tilespmem:s6+$0xFFFFFFF0] =	vst v40  }
.Ltmp26:
0x517: {  	v40 =	vunpack.i.u.bf16.f32 v47;
	v47 =	vmul.f32 v41, v32;
	v46 =	vmul.f32 v46, v33;
	(pc) =	sbr.rel @p0 .LBB2_55-.Ltmp26, $4  }
0x518: {  	v49 =	vmul.f32 v42, v32;
	v40 =	vmul.f32 v40, v33;
	v44 =	vadd.f32 v44, v43  }
0x519: {  	v41 =	vunpack.i.u.bf16.f32 v45;
	v45 =	vunpack.i.l.bf16.f32 v45;
	v46 =	vadd.f32 v46, v47  }
0x51a: {  	s10 =	sadd.s32 $0x400, s10;
	v42 =	vunpack.i.u.bf16.f32 v48;
	v47 =	vunpack.i.l.bf16.f32 v48;
	v43 =	vadd.f32 v40, v49;
	[tilespmem:s7+$0x30] =	vst v44  }
0x51b: {  	s11 =	sadd.s32 $0x40, s11;
	v40 =	vunpack.i.u.bf16.f32 v38;
	v44 =	vmul.f32 v45, v32;
	v45 =	vmul.f32 v47, v33;
	[tilespmem:s10+$0x0] =	vst v46  }
0x51c: {  	v41 =	vmul.f32 v41, v32;
	v42 =	vmul.f32 v42, v33;
	[tilespmem:s10+$0x10] =	vst v43  }
0x51d: {  	v61 =	vadd.f32 v45, v44;
	v62 =	vld [tilespmem:s8+$0x10]  }
0x51e: {  	v63 =	vld [tilespmem:s9+$0x10];
	v41 =	vadd.f32 v42, v41  }
0x51f: {  	v38 =	vunpack.i.l.bf16.f32 v38;
	v46 =	vunpack.i.l.bf16.f32 v39;
	[tilespmem:s10+$0xFFFFFFC0] =	vst v61  }
0x520: {  	v47 =	vunpack.i.u.bf16.f32 v39;
	v40 =	vmul.f32 v40, v32;
	v36 =	vmul.f32 v36, v32;
	[tilespmem:s10+$0xFFFFFFD0] =	vst v41  }
0x521: {  	v34 =	vunpack.i.l.bf16.f32 v34;
	v38 =	vmul.f32 v38, v32;
	v48 =	vmul.f32 v46, v33;
	v49 =	vld [tilespmem:s8+$0xFFFFFFF0]  }
0x522: {  	v35 =	vadd.f32 v37, v35;
	v50 =	vmul.f32 v47, v33;
	v34 =	vmul.f32 v34, v33;
	v51 =	vld [tilespmem:s9+$0xFFFFFFF0]  }
0x523: {  	v38 =	vadd.f32 v48, v38;
	v52 =	vunpack.i.u.bf16.f32 v62;
	v53 =	vunpack.i.u.bf16.f32 v63  }
0x524: {  	v37 =	vadd.f32 v50, v40;
	v41 =	vmul.f32 v52, v32;
	v45 =	vmul.f32 v53, v33  }
0x525: {  	v34 =	vadd.f32 v34, v36;
	v44 =	vunpack.i.l.bf16.f32 v62;
	v58 =	vunpack.i.l.bf16.f32 v63  }
0x526: {  	[tilespmem:s6+$0x20] =	vst v35;
	v61 =	vmul.f32 v44, v32;
	v62 =	vmul.f32 v58, v33;
	v54 =	vadd.f32 v45, v41  }
0x527: {  	s5 =	sadd.s32 $0x1, s5;
	[tilespmem:s7+$0xFFFFFFE0] =	vst v38;
	v55 =	vunpack.i.u.bf16.f32 v49;
	v56 =	vunpack.i.l.bf16.f32 v49;
	v39 =	vunpack.i.l.bf16.f32 v51  }
0x528: {  	p0 =	sne.s32 s5, $0x10;
	[tilespmem:s7+$0xFFFFFFF0] =	vst v37;
	v57 =	vunpack.i.u.bf16.f32 v51;
	v35 =	vmul.f32 v56, v32;
	v39 =	vmul.f32 v39, v33  }
.Ltmp27:
0x529: {  	[tilespmem:s7+$0x20] =	vst v34;
	v59 =	vmul.f32 v55, v32;
	v60 =	vmul.f32 v57, v33;
	v32 =	vadd.f32 v62, v61;
	(pc) =	sbr.rel @p0 .LBB2_54-.Ltmp27, $4  }
0x52a: {  	[tilespmem:s10+$0x30] =	vst v54;
	v35 =	vadd.f32 v39, v35  }
0x52b: {  	v63 =	vadd.f32 v60, v59;
	[tilespmem:s10+$0x20] =	vst v32  }
0x52c: {  	[tilespmem:s10+$0xFFFFFFE0] =	vst v35  }
0x52d: {  	s3 =	sadd.s32 $0x800, s3;
	s1 =	sadd.s32 $0x1, s1;
	[tilespmem:s10+$0xFFFFFFF0] =	vst v63  }
0x52e: {  	s1 =	simm.s32 $0x0  }
0x52f: {  	[hbm4b:s19+s1] =	stream.linear.scatter [tilespmem:s29], [sflag:$0x2], $0x8000, $0x38;
	[tilespmem:$0x1CA00] =	vst v63  }
0x530: {  	_ =	swait.ge [sflag:s31], $0x8000  }
0x531: {  	[sflag:s31] =	ssyncset.done $0x0  }
0x532: {  	s3 =	simm.s32 $0x0;
	s5 =	simm.s32 $0x0;
	[sflag:s31] =	ssyncadd.s32 $0xFFFF8000  }
.LBB2_58:
0x533: {  	v32 =	vld [tilespmem:s5+$0x44E0];
	_ =	sdelay $0x1  }
0x534: {  	v33 =	vld [tilespmem:s5+$0x4660];
	_ =	sdelay $0x2  }
0x535: {  	(v2sf) =	vpush v32, $0x0;
	_ =	sdelay $0x1  }
0x536: {  	(v2sf) =	vpush v33, $0x0;
	_ =	sdelay $0xc  }
0x537: {  	s6 =	spop (v2sf)  }
0x538: {  	s6 =	sshll.u32 s6, $0x2  }
0x539: {  	s7 =	spop (v2sf);
	s6 =	sshra.s32 s6, $0x2  }
0x53a: {  	v32 =	vld.msk [tilespmem:s5+$0x47E0 ss:$0x0], $0xffff;
	s7 =	sshll.u32 s7, $0x2;
	s8 =	sadd.s32 $0x20, s6  }
0x53b: {  	s12 =	sshra.s32 s7, $0x2;
	v34 =	vld [tilespmem:s8+$0x0]  }
0x53c: {  	s7 =	sadd.s32 $0x20, s12;
	v39 =	vld [tilespmem:s8+$0xFFFFFFE0]  }
0x53d: {  	v35 =	vld [tilespmem:s7+$0x0]  }
0x53e: {  	v33 =	vld.msk [tilespmem:s5+$0x4960 ss:$0x0], $0xffff;
	_ =	sdelay $0x1  }
0x53f: {  	s10 =	sadd.s32 $0x40, s8;
	v38 =	vld [tilespmem:s7+$0xFFFFFFE0]  }
0x540: {  	v55 =	vld [tilespmem:s10+$0x0];
	v36 =	vunpack.i.u.bf16.f32 v34  }
0x541: {  	s13 =	sshll.u32 s3, $0x2;
	s9 =	sand.u32 $0x7, s1;
	s11 =	sadd.s32 $0x40, s7;
	v60 =	vld [tilespmem:s10+$0xFFFFFFE0];
	v34 =	vunpack.i.l.bf16.f32 v34;
	v56 =	vunpack.i.u.bf16.f32 v39;
	v37 =	vunpack.i.l.bf16.f32 v35  }
0x542: {  	s9 =	sshll.u32 s9, $0x9;
	s6 =	sand.u32 $0xFFFF0000, s13;
	v41 =	vld [tilespmem:s11+$0x0];
	v35 =	vunpack.i.u.bf16.f32 v35;
	v34 =	vmul.f32 v34, v32;
	v37 =	vmul.f32 v37, v33  }
0x543: {  	s6 =	sor.u32 s9, s6;
	v43 =	vld [tilespmem:s11+$0xFFFFFFE0];
	v57 =	vunpack.i.l.bf16.f32 v39;
	v36 =	vmul.f32 v36, v32;
	v35 =	vmul.f32 v35, v33  }
0x544: {  	s6 =	sshrl.u32 s6, $0x2;
	v58 =	vunpack.i.l.bf16.f32 v38;
	v38 =	vunpack.i.u.bf16.f32 v38;
	v34 =	vadd.f32 v37, v34  }
0x545: {  	s6 =	sadd.s32 $0x14A40, s6;
	v39 =	vmul.f32 v58, v33;
	v35 =	vadd.f32 v35, v36;
	v37 =	vmul.f32 v57, v32  }
0x546: {  	s9 =	sadd.s32 $0x40, s11;
	v59 =	vunpack.i.u.bf16.f32 v55;
	v38 =	vmul.f32 v38, v33;
	v36 =	vmul.f32 v56, v32;
	[tilespmem:s6+$0x0] =	vst v34  }
0x547: {  	v63 =	vunpack.i.u.bf16.f32 v60;
	v62 =	vunpack.i.l.bf16.f32 v41;
	v57 =	vld [tilespmem:s9+$0x0];
	[tilespmem:s6+$0x10] =	vst v35;
	v37 =	vadd.f32 v39, v37  }
0x548: {  	v41 =	vunpack.i.u.bf16.f32 v41;
	v47 =	vunpack.i.l.bf16.f32 v43;
	v36 =	vadd.f32 v38, v36;
	v35 =	vld [tilespmem:s8+$0x10]  }
0x549: {  	v41 =	vmul.f32 v41, v33;
	v34 =	vunpack.i.l.bf16.f32 v55;
	v38 =	vmul.f32 v59, v32;
	v40 =	vld [tilespmem:s7+$0x10];
	[tilespmem:s6+$0xFFFFFFC0] =	vst v37  }
0x54a: {  	v34 =	vmul.f32 v34, v32;
	[tilespmem:s6+$0xFFFFFFD0] =	vst v36;
	v36 =	vmul.f32 v62, v33;
	v37 =	vunpack.i.l.bf16.f32 v60  }
0x54b: {  	v46 =	vunpack.i.u.bf16.f32 v43;
	v49 =	vmul.f32 v47, v33;
	v48 =	vmul.f32 v37, v32  }
0x54c: {  	v52 =	vmul.f32 v46, v33;
	v38 =	vadd.f32 v41, v38;
	v44 =	vld [tilespmem:s8+$0xFFFFFFF0];
	v34 =	vadd.f32 v36, v34  }
0x54d: {  	v45 =	vld [tilespmem:s7+$0xFFFFFFF0];
	s7 =	sadd.s32 $0x400, s6;
	v36 =	vmul.f32 v63, v32;
	v46 =	vadd.f32 v49, v48;
	v49 =	vunpack.i.l.bf16.f32 v57  }
0x54e: {  	s8 =	sadd.s32 $0x40, s10;
	[tilespmem:s7+$0x10] =	vst v38;
	v61 =	vunpack.i.u.bf16.f32 v35;
	v42 =	vunpack.i.u.bf16.f32 v40;
	v35 =	vunpack.i.l.bf16.f32 v35  }
0x54f: {  	v51 =	vld [tilespmem:s8+$0x0];
	[tilespmem:s7+$0x0] =	vst v34;
	v38 =	vadd.f32 v52, v36;
	v49 =	vmul.f32 v49, v33;
	v39 =	vmul.f32 v61, v32  }
0x550: {  	v40 =	vunpack.i.l.bf16.f32 v40;
	v42 =	vmul.f32 v42, v33;
	v54 =	vld [tilespmem:s10+$0x10];
	v35 =	vmul.f32 v35, v32  }
0x551: {  	v34 =	vld [tilespmem:s11+$0x10];
	v61 =	vunpack.i.u.bf16.f32 v57;
	v50 =	vunpack.i.u.bf16.f32 v44;
	v53 =	vunpack.i.l.bf16.f32 v44  }
0x552: {  	v55 =	vunpack.i.u.bf16.f32 v45;
	v45 =	vunpack.i.l.bf16.f32 v45;
	v56 =	vmul.f32 v53, v32  }
0x553: {  	v39 =	vadd.f32 v42, v39;
	v45 =	vmul.f32 v45, v33;
	v42 =	vmul.f32 v50, v32  }
0x554: {  	v58 =	vld [tilespmem:s8+$0xFFFFFFE0];
	[tilespmem:s7+$0xFFFFFFC0] =	vst v46;
	v47 =	vmul.f32 v55, v33;
	v59 =	vunpack.i.u.bf16.f32 v51;
	v43 =	vunpack.i.l.bf16.f32 v51  }
0x555: {  	v60 =	vld [tilespmem:s9+$0xFFFFFFE0];
	[tilespmem:s7+$0xFFFFFFD0] =	vst v38;
	v43 =	vmul.f32 v43, v32;
	v62 =	vmul.f32 v59, v32;
	v45 =	vadd.f32 v45, v56  }
0x556: {  	v38 =	vld [tilespmem:s10+$0xFFFFFFF0];
	[tilespmem:s6+$0x30] =	vst v39;
	v39 =	vmul.f32 v61, v33;
	v44 =	vunpack.i.u.bf16.f32 v54;
	v48 =	vunpack.i.u.bf16.f32 v34  }
0x557: {  	v42 =	vadd.f32 v47, v42;
	v44 =	vmul.f32 v44, v32;
	v48 =	vmul.f32 v48, v33  }
0x558: {  	v37 =	vmul.f32 v40, v33;
	v63 =	vadd.f32 v49, v43;
	[tilespmem:s6+$0xFFFFFFE0] =	vst v45;
	v43 =	vadd.f32 v39, v62;
	v39 =	vld [tilespmem:s11+$0xFFFFFFF0]  }
0x559: {  	v41 =	vunpack.i.u.bf16.f32 v58;
	v40 =	vunpack.i.l.bf16.f32 v58;
	s10 =	sadd.s32 $0x400, s7;
	[tilespmem:s6+$0xFFFFFFF0] =	vst v42;
	v44 =	vadd.f32 v48, v44  }
0x55a: {  	v47 =	vunpack.i.l.bf16.f32 v60;
	v36 =	vunpack.i.l.bf16.f32 v54;
	v42 =	vunpack.i.u.bf16.f32 v60;
	[tilespmem:s10+$0x0] =	vst v63  }
0x55b: {  	s12 =	simm.s32 $0x80;
	s13 =	smov.u32 s9;
	v45 =	vmul.f32 v47, v33;
	s11 =	sadd.s32 $0x40, s8;
	[tilespmem:s7+$0x30] =	vst v44;
	v44 =	vmul.f32 v40, v32;
	v40 =	vunpack.i.u.bf16.f32 v38  }
.LBB2_59:
0x55c: {  	v46 =	vld [tilespmem:s11+$0x0];
	v41 =	vmul.f32 v41, v32;
	v42 =	vmul.f32 v42, v33;
	[tilespmem:s10+$0x10] =	vst v43;
	v38 =	vunpack.i.l.bf16.f32 v38  }
0x55d: {  	v43 =	vadd.f32 v45, v44;
	v44 =	vld [tilespmem:s8+$0x10];
	v45 =	vunpack.i.u.bf16.f32 v39;
	v39 =	vunpack.i.l.bf16.f32 v39  }
0x55e: {  	s13 =	sadd.s32 $0x40, s13;
	v38 =	vmul.f32 v38, v32;
	v41 =	vadd.f32 v42, v41;
	v42 =	vunpack.i.l.bf16.f32 v34;
	v34 =	vld [tilespmem:s9+$0x10]  }
0x55f: {  	v40 =	vmul.f32 v40, v32;
	v39 =	vmul.f32 v39, v33;
	v47 =	vld [tilespmem:s13+$0x0];
	[tilespmem:s10+$0xFFFFFFC0] =	vst v43;
	v43 =	vadd.f32 v37, v35  }
0x560: {  	v35 =	vmul.f32 v36, v32;
	v48 =	vld [tilespmem:s13+$0xFFFFFFE0];
	[tilespmem:s10+$0xFFFFFFD0] =	vst v41;
	v41 =	vmul.f32 v45, v33  }
0x561: {  	s12 =	sadd.s32 $0x40, s12;
	v37 =	vmul.f32 v42, v33;
	v49 =	vadd.f32 v39, v38;
	v45 =	vld [tilespmem:s11+$0xFFFFFFE0];
	[tilespmem:s6+$0x20] =	vst v43;
	s6 =	smov.u32 s7;
	s7 =	smov.u32 s10  }
0x562: {  	p0 =	slt.u32 s12, $0x3C0;
	v42 =	vunpack.i.u.bf16.f32 v46;
	v38 =	vld [tilespmem:s8+$0xFFFFFFF0];
	v36 =	vunpack.i.l.bf16.f32 v44;
	v40 =	vadd.f32 v41, v40;
	s8 =	smov.u32 s11  }
0x563: {  	v41 =	vunpack.i.l.bf16.f32 v46;
	v43 =	vunpack.i.u.bf16.f32 v44;
	v39 =	vld [tilespmem:s9+$0xFFFFFFF0];
	v44 =	vunpack.i.u.bf16.f32 v34;
	[tilespmem:s6+$0xFFFFFFE0] =	vst v49;
	s9 =	smov.u32 s13  }
0x564: {  	v43 =	vmul.f32 v43, v32;
	v46 =	vunpack.i.l.bf16.f32 v47;
	v44 =	vmul.f32 v44, v33;
	[tilespmem:s6+$0xFFFFFFF0] =	vst v40  }
.Ltmp28:
0x565: {  	v40 =	vunpack.i.u.bf16.f32 v47;
	v47 =	vmul.f32 v41, v32;
	v46 =	vmul.f32 v46, v33;
	(pc) =	sbr.rel @p0 .LBB2_59-.Ltmp28, $4  }
0x566: {  	v49 =	vmul.f32 v42, v32;
	v40 =	vmul.f32 v40, v33;
	v44 =	vadd.f32 v44, v43  }
0x567: {  	v41 =	vunpack.i.u.bf16.f32 v45;
	v45 =	vunpack.i.l.bf16.f32 v45;
	v46 =	vadd.f32 v46, v47  }
0x568: {  	s10 =	sadd.s32 $0x400, s10;
	v42 =	vunpack.i.u.bf16.f32 v48;
	v47 =	vunpack.i.l.bf16.f32 v48;
	v43 =	vadd.f32 v40, v49;
	[tilespmem:s7+$0x30] =	vst v44  }
0x569: {  	s11 =	sadd.s32 $0x40, s11;
	v40 =	vunpack.i.u.bf16.f32 v38;
	v44 =	vmul.f32 v45, v32;
	v45 =	vmul.f32 v47, v33;
	[tilespmem:s10+$0x0] =	vst v46  }
0x56a: {  	v41 =	vmul.f32 v41, v32;
	v42 =	vmul.f32 v42, v33;
	[tilespmem:s10+$0x10] =	vst v43  }
0x56b: {  	v61 =	vadd.f32 v45, v44;
	v62 =	vld [tilespmem:s8+$0x10]  }
0x56c: {  	v63 =	vld [tilespmem:s9+$0x10];
	v41 =	vadd.f32 v42, v41  }
0x56d: {  	v38 =	vunpack.i.l.bf16.f32 v38;
	v46 =	vunpack.i.l.bf16.f32 v39;
	[tilespmem:s10+$0xFFFFFFC0] =	vst v61  }
0x56e: {  	v47 =	vunpack.i.u.bf16.f32 v39;
	v40 =	vmul.f32 v40, v32;
	v36 =	vmul.f32 v36, v32;
	[tilespmem:s10+$0xFFFFFFD0] =	vst v41  }
0x56f: {  	v34 =	vunpack.i.l.bf16.f32 v34;
	v38 =	vmul.f32 v38, v32;
	v48 =	vmul.f32 v46, v33;
	v49 =	vld [tilespmem:s8+$0xFFFFFFF0]  }
0x570: {  	v35 =	vadd.f32 v37, v35;
	v50 =	vmul.f32 v47, v33;
	v34 =	vmul.f32 v34, v33;
	v51 =	vld [tilespmem:s9+$0xFFFFFFF0]  }
0x571: {  	v38 =	vadd.f32 v48, v38;
	v52 =	vunpack.i.u.bf16.f32 v62;
	v53 =	vunpack.i.u.bf16.f32 v63  }
0x572: {  	v37 =	vadd.f32 v50, v40;
	v41 =	vmul.f32 v52, v32;
	v45 =	vmul.f32 v53, v33  }
0x573: {  	v34 =	vadd.f32 v34, v36;
	v44 =	vunpack.i.l.bf16.f32 v62;
	v58 =	vunpack.i.l.bf16.f32 v63  }
0x574: {  	[tilespmem:s6+$0x20] =	vst v35;
	v61 =	vmul.f32 v44, v32;
	v62 =	vmul.f32 v58, v33;
	v54 =	vadd.f32 v45, v41  }
0x575: {  	s5 =	sadd.s32 $0x1, s5;
	[tilespmem:s7+$0xFFFFFFE0] =	vst v38;
	v55 =	vunpack.i.u.bf16.f32 v49;
	v56 =	vunpack.i.l.bf16.f32 v49;
	v39 =	vunpack.i.l.bf16.f32 v51  }
0x576: {  	p0 =	sne.s32 s5, $0x10;
	[tilespmem:s7+$0xFFFFFFF0] =	vst v37;
	v57 =	vunpack.i.u.bf16.f32 v51;
	v35 =	vmul.f32 v56, v32;
	v39 =	vmul.f32 v39, v33  }
.Ltmp29:
0x577: {  	[tilespmem:s7+$0x20] =	vst v34;
	v59 =	vmul.f32 v55, v32;
	v60 =	vmul.f32 v57, v33;
	v32 =	vadd.f32 v62, v61;
	(pc) =	sbr.rel @p0 .LBB2_58-.Ltmp29, $4  }
0x578: {  	[tilespmem:s10+$0x30] =	vst v54;
	v35 =	vadd.f32 v39, v35  }
0x579: {  	v63 =	vadd.f32 v60, v59;
	[tilespmem:s10+$0x20] =	vst v32  }
0x57a: {  	[tilespmem:s10+$0xFFFFFFE0] =	vst v35  }
0x57b: {  	s3 =	sadd.s32 $0x800, s3;
	s1 =	sadd.s32 $0x1, s1;
	[tilespmem:s10+$0xFFFFFFF0] =	vst v63  }
0x57c: {  	s1 =	simm.s32 $0x0  }
0x57d: {  	[hbm4b:s20+s1] =	stream.linear.scatter [tilespmem:s30], [sflag:$0x3], $0x8000, $0x38;
	[tilespmem:$0x1CA00] =	vst v63  }
0x57e: {  	_ =	swait.ge [sflag:s26], $0x8000  }
0x57f: {  	[sflag:s26] =	ssyncset.done $0x0  }
0x580: {  	s3 =	simm.s32 $0x0;
	s5 =	simm.s32 $0x0;
	[sflag:s26] =	ssyncadd.s32 $0xFFFF8000  }
.LBB2_62:
0x581: {  	v32 =	vld [tilespmem:s5+$0x44F0];
	_ =	sdelay $0x1  }
0x582: {  	v33 =	vld [tilespmem:s5+$0x4670];
	_ =	sdelay $0x2  }
0x583: {  	(v2sf) =	vpush v32, $0x0;
	_ =	sdelay $0x1  }
0x584: {  	(v2sf) =	vpush v33, $0x0;
	_ =	sdelay $0xc  }
0x585: {  	s6 =	spop (v2sf)  }
0x586: {  	s6 =	sshll.u32 s6, $0x2  }
0x587: {  	s7 =	spop (v2sf);
	s6 =	sshra.s32 s6, $0x2  }
0x588: {  	v32 =	vld.msk [tilespmem:s5+$0x47F0 ss:$0x0], $0xffff;
	s7 =	sshll.u32 s7, $0x2;
	s8 =	sadd.s32 $0x20, s6  }
0x589: {  	s12 =	sshra.s32 s7, $0x2;
	v34 =	vld [tilespmem:s8+$0x0]  }
0x58a: {  	s7 =	sadd.s32 $0x20, s12;
	v39 =	vld [tilespmem:s8+$0xFFFFFFE0]  }
0x58b: {  	v35 =	vld [tilespmem:s7+$0x0]  }
0x58c: {  	v33 =	vld.msk [tilespmem:s5+$0x4970 ss:$0x0], $0xffff;
	_ =	sdelay $0x1  }
0x58d: {  	s10 =	sadd.s32 $0x40, s8;
	v38 =	vld [tilespmem:s7+$0xFFFFFFE0]  }
0x58e: {  	v55 =	vld [tilespmem:s10+$0x0];
	v36 =	vunpack.i.u.bf16.f32 v34  }
0x58f: {  	s13 =	sshll.u32 s3, $0x2;
	s9 =	sand.u32 $0x7, s1;
	s11 =	sadd.s32 $0x40, s7;
	v60 =	vld [tilespmem:s10+$0xFFFFFFE0];
	v34 =	vunpack.i.l.bf16.f32 v34;
	v56 =	vunpack.i.u.bf16.f32 v39;
	v37 =	vunpack.i.l.bf16.f32 v35  }
0x590: {  	s9 =	sshll.u32 s9, $0x9;
	s6 =	sand.u32 $0xFFFF0000, s13;
	v41 =	vld [tilespmem:s11+$0x0];
	v35 =	vunpack.i.u.bf16.f32 v35;
	v34 =	vmul.f32 v34, v32;
	v37 =	vmul.f32 v37, v33  }
0x591: {  	s6 =	sor.u32 s9, s6;
	v43 =	vld [tilespmem:s11+$0xFFFFFFE0];
	v57 =	vunpack.i.l.bf16.f32 v39;
	v36 =	vmul.f32 v36, v32;
	v35 =	vmul.f32 v35, v33  }
0x592: {  	s6 =	sshrl.u32 s6, $0x2;
	v58 =	vunpack.i.l.bf16.f32 v38;
	v38 =	vunpack.i.u.bf16.f32 v38;
	v34 =	vadd.f32 v37, v34  }
0x593: {  	s6 =	sadd.s32 $0x4A40, s6;
	v39 =	vmul.f32 v58, v33;
	v35 =	vadd.f32 v35, v36;
	v37 =	vmul.f32 v57, v32  }
0x594: {  	s9 =	sadd.s32 $0x40, s11;
	v59 =	vunpack.i.u.bf16.f32 v55;
	v38 =	vmul.f32 v38, v33;
	v36 =	vmul.f32 v56, v32;
	[tilespmem:s6+$0x0] =	vst v34  }
0x595: {  	v63 =	vunpack.i.u.bf16.f32 v60;
	v62 =	vunpack.i.l.bf16.f32 v41;
	v57 =	vld [tilespmem:s9+$0x0];
	[tilespmem:s6+$0x10] =	vst v35;
	v37 =	vadd.f32 v39, v37  }
0x596: {  	v41 =	vunpack.i.u.bf16.f32 v41;
	v47 =	vunpack.i.l.bf16.f32 v43;
	v36 =	vadd.f32 v38, v36;
	v35 =	vld [tilespmem:s8+$0x10]  }
0x597: {  	v41 =	vmul.f32 v41, v33;
	v34 =	vunpack.i.l.bf16.f32 v55;
	v38 =	vmul.f32 v59, v32;
	v40 =	vld [tilespmem:s7+$0x10];
	[tilespmem:s6+$0xFFFFFFC0] =	vst v37  }
0x598: {  	v34 =	vmul.f32 v34, v32;
	[tilespmem:s6+$0xFFFFFFD0] =	vst v36;
	v36 =	vmul.f32 v62, v33;
	v37 =	vunpack.i.l.bf16.f32 v60  }
0x599: {  	v46 =	vunpack.i.u.bf16.f32 v43;
	v49 =	vmul.f32 v47, v33;
	v48 =	vmul.f32 v37, v32  }
0x59a: {  	v52 =	vmul.f32 v46, v33;
	v38 =	vadd.f32 v41, v38;
	v44 =	vld [tilespmem:s8+$0xFFFFFFF0];
	v34 =	vadd.f32 v36, v34  }
0x59b: {  	v45 =	vld [tilespmem:s7+$0xFFFFFFF0];
	s7 =	sadd.s32 $0x400, s6;
	v36 =	vmul.f32 v63, v32;
	v46 =	vadd.f32 v49, v48;
	v49 =	vunpack.i.l.bf16.f32 v57  }
0x59c: {  	s8 =	sadd.s32 $0x40, s10;
	[tilespmem:s7+$0x10] =	vst v38;
	v61 =	vunpack.i.u.bf16.f32 v35;
	v42 =	vunpack.i.u.bf16.f32 v40;
	v35 =	vunpack.i.l.bf16.f32 v35  }
0x59d: {  	v51 =	vld [tilespmem:s8+$0x0];
	[tilespmem:s7+$0x0] =	vst v34;
	v38 =	vadd.f32 v52, v36;
	v49 =	vmul.f32 v49, v33;
	v39 =	vmul.f32 v61, v32  }
0x59e: {  	v40 =	vunpack.i.l.bf16.f32 v40;
	v42 =	vmul.f32 v42, v33;
	v54 =	vld [tilespmem:s10+$0x10];
	v35 =	vmul.f32 v35, v32  }
0x59f: {  	v34 =	vld [tilespmem:s11+$0x10];
	v61 =	vunpack.i.u.bf16.f32 v57;
	v50 =	vunpack.i.u.bf16.f32 v44;
	v53 =	vunpack.i.l.bf16.f32 v44  }
0x5a0: {  	v55 =	vunpack.i.u.bf16.f32 v45;
	v45 =	vunpack.i.l.bf16.f32 v45;
	v56 =	vmul.f32 v53, v32  }
0x5a1: {  	v39 =	vadd.f32 v42, v39;
	v45 =	vmul.f32 v45, v33;
	v42 =	vmul.f32 v50, v32  }
0x5a2: {  	v58 =	vld [tilespmem:s8+$0xFFFFFFE0];
	[tilespmem:s7+$0xFFFFFFC0] =	vst v46;
	v47 =	vmul.f32 v55, v33;
	v59 =	vunpack.i.u.bf16.f32 v51;
	v43 =	vunpack.i.l.bf16.f32 v51  }
0x5a3: {  	v60 =	vld [tilespmem:s9+$0xFFFFFFE0];
	[tilespmem:s7+$0xFFFFFFD0] =	vst v38;
	v43 =	vmul.f32 v43, v32;
	v62 =	vmul.f32 v59, v32;
	v45 =	vadd.f32 v45, v56  }
0x5a4: {  	v38 =	vld [tilespmem:s10+$0xFFFFFFF0];
	[tilespmem:s6+$0x30] =	vst v39;
	v39 =	vmul.f32 v61, v33;
	v44 =	vunpack.i.u.bf16.f32 v54;
	v48 =	vunpack.i.u.bf16.f32 v34  }
0x5a5: {  	v42 =	vadd.f32 v47, v42;
	v44 =	vmul.f32 v44, v32;
	v48 =	vmul.f32 v48, v33  }
0x5a6: {  	v37 =	vmul.f32 v40, v33;
	v63 =	vadd.f32 v49, v43;
	[tilespmem:s6+$0xFFFFFFE0] =	vst v45;
	v43 =	vadd.f32 v39, v62;
	v39 =	vld [tilespmem:s11+$0xFFFFFFF0]  }
0x5a7: {  	v41 =	vunpack.i.u.bf16.f32 v58;
	v40 =	vunpack.i.l.bf16.f32 v58;
	s10 =	sadd.s32 $0x400, s7;
	[tilespmem:s6+$0xFFFFFFF0] =	vst v42;
	v44 =	vadd.f32 v48, v44  }
0x5a8: {  	v47 =	vunpack.i.l.bf16.f32 v60;
	v36 =	vunpack.i.l.bf16.f32 v54;
	v42 =	vunpack.i.u.bf16.f32 v60;
	[tilespmem:s10+$0x0] =	vst v63  }
0x5a9: {  	s12 =	simm.s32 $0x80;
	s13 =	smov.u32 s9;
	v45 =	vmul.f32 v47, v33;
	s11 =	sadd.s32 $0x40, s8;
	[tilespmem:s7+$0x30] =	vst v44;
	v44 =	vmul.f32 v40, v32;
	v40 =	vunpack.i.u.bf16.f32 v38  }
.LBB2_63:
0x5aa: {  	v46 =	vld [tilespmem:s11+$0x0];
	v41 =	vmul.f32 v41, v32;
	v42 =	vmul.f32 v42, v33;
	[tilespmem:s10+$0x10] =	vst v43;
	v38 =	vunpack.i.l.bf16.f32 v38  }
0x5ab: {  	v43 =	vadd.f32 v45, v44;
	v44 =	vld [tilespmem:s8+$0x10];
	v45 =	vunpack.i.u.bf16.f32 v39;
	v39 =	vunpack.i.l.bf16.f32 v39  }
0x5ac: {  	s13 =	sadd.s32 $0x40, s13;
	v38 =	vmul.f32 v38, v32;
	v41 =	vadd.f32 v42, v41;
	v42 =	vunpack.i.l.bf16.f32 v34;
	v34 =	vld [tilespmem:s9+$0x10]  }
0x5ad: {  	v40 =	vmul.f32 v40, v32;
	v39 =	vmul.f32 v39, v33;
	v47 =	vld [tilespmem:s13+$0x0];
	[tilespmem:s10+$0xFFFFFFC0] =	vst v43;
	v43 =	vadd.f32 v37, v35  }
0x5ae: {  	v35 =	vmul.f32 v36, v32;
	v48 =	vld [tilespmem:s13+$0xFFFFFFE0];
	[tilespmem:s10+$0xFFFFFFD0] =	vst v41;
	v41 =	vmul.f32 v45, v33  }
0x5af: {  	s12 =	sadd.s32 $0x40, s12;
	v37 =	vmul.f32 v42, v33;
	v49 =	vadd.f32 v39, v38;
	v45 =	vld [tilespmem:s11+$0xFFFFFFE0];
	[tilespmem:s6+$0x20] =	vst v43;
	s6 =	smov.u32 s7;
	s7 =	smov.u32 s10  }
0x5b0: {  	p0 =	slt.u32 s12, $0x3C0;
	v42 =	vunpack.i.u.bf16.f32 v46;
	v38 =	vld [tilespmem:s8+$0xFFFFFFF0];
	v36 =	vunpack.i.l.bf16.f32 v44;
	v40 =	vadd.f32 v41, v40;
	s8 =	smov.u32 s11  }
0x5b1: {  	v41 =	vunpack.i.l.bf16.f32 v46;
	v43 =	vunpack.i.u.bf16.f32 v44;
	v39 =	vld [tilespmem:s9+$0xFFFFFFF0];
	v44 =	vunpack.i.u.bf16.f32 v34;
	[tilespmem:s6+$0xFFFFFFE0] =	vst v49;
	s9 =	smov.u32 s13  }
0x5b2: {  	v43 =	vmul.f32 v43, v32;
	v46 =	vunpack.i.l.bf16.f32 v47;
	v44 =	vmul.f32 v44, v33;
	[tilespmem:s6+$0xFFFFFFF0] =	vst v40  }
.Ltmp30:
0x5b3: {  	v40 =	vunpack.i.u.bf16.f32 v47;
	v47 =	vmul.f32 v41, v32;
	v46 =	vmul.f32 v46, v33;
	(pc) =	sbr.rel @p0 .LBB2_63-.Ltmp30, $4  }
0x5b4: {  	v49 =	vmul.f32 v42, v32;
	v40 =	vmul.f32 v40, v33;
	v44 =	vadd.f32 v44, v43  }
0x5b5: {  	v41 =	vunpack.i.u.bf16.f32 v45;
	v45 =	vunpack.i.l.bf16.f32 v45;
	v46 =	vadd.f32 v46, v47  }
0x5b6: {  	s10 =	sadd.s32 $0x400, s10;
	v42 =	vunpack.i.u.bf16.f32 v48;
	v47 =	vunpack.i.l.bf16.f32 v48;
	v43 =	vadd.f32 v40, v49;
	[tilespmem:s7+$0x30] =	vst v44  }
0x5b7: {  	s11 =	sadd.s32 $0x40, s11;
	v40 =	vunpack.i.u.bf16.f32 v38;
	v44 =	vmul.f32 v45, v32;
	v45 =	vmul.f32 v47, v33;
	[tilespmem:s10+$0x0] =	vst v46  }
0x5b8: {  	v41 =	vmul.f32 v41, v32;
	v42 =	vmul.f32 v42, v33;
	[tilespmem:s10+$0x10] =	vst v43  }
0x5b9: {  	v61 =	vadd.f32 v45, v44;
	v62 =	vld [tilespmem:s8+$0x10]  }
0x5ba: {  	v63 =	vld [tilespmem:s9+$0x10];
	v41 =	vadd.f32 v42, v41  }
0x5bb: {  	v38 =	vunpack.i.l.bf16.f32 v38;
	v46 =	vunpack.i.l.bf16.f32 v39;
	[tilespmem:s10+$0xFFFFFFC0] =	vst v61  }
0x5bc: {  	v47 =	vunpack.i.u.bf16.f32 v39;
	v40 =	vmul.f32 v40, v32;
	v36 =	vmul.f32 v36, v32;
	[tilespmem:s10+$0xFFFFFFD0] =	vst v41  }
0x5bd: {  	v34 =	vunpack.i.l.bf16.f32 v34;
	v38 =	vmul.f32 v38, v32;
	v48 =	vmul.f32 v46, v33;
	v49 =	vld [tilespmem:s8+$0xFFFFFFF0]  }
0x5be: {  	v35 =	vadd.f32 v37, v35;
	v50 =	vmul.f32 v47, v33;
	v34 =	vmul.f32 v34, v33;
	v51 =	vld [tilespmem:s9+$0xFFFFFFF0]  }
0x5bf: {  	v38 =	vadd.f32 v48, v38;
	v52 =	vunpack.i.u.bf16.f32 v62;
	v53 =	vunpack.i.u.bf16.f32 v63  }
0x5c0: {  	v37 =	vadd.f32 v50, v40;
	v41 =	vmul.f32 v52, v32;
	v45 =	vmul.f32 v53, v33  }
0x5c1: {  	v34 =	vadd.f32 v34, v36;
	v44 =	vunpack.i.l.bf16.f32 v62;
	v58 =	vunpack.i.l.bf16.f32 v63  }
0x5c2: {  	[tilespmem:s6+$0x20] =	vst v35;
	v61 =	vmul.f32 v44, v32;
	v62 =	vmul.f32 v58, v33;
	v54 =	vadd.f32 v45, v41  }
0x5c3: {  	s5 =	sadd.s32 $0x1, s5;
	[tilespmem:s7+$0xFFFFFFE0] =	vst v38;
	v55 =	vunpack.i.u.bf16.f32 v49;
	v56 =	vunpack.i.l.bf16.f32 v49;
	v39 =	vunpack.i.l.bf16.f32 v51  }
0x5c4: {  	p0 =	sne.s32 s5, $0x10;
	[tilespmem:s7+$0xFFFFFFF0] =	vst v37;
	v57 =	vunpack.i.u.bf16.f32 v51;
	v35 =	vmul.f32 v56, v32;
	v39 =	vmul.f32 v39, v33  }
.Ltmp31:
0x5c5: {  	[tilespmem:s7+$0x20] =	vst v34;
	v59 =	vmul.f32 v55, v32;
	v60 =	vmul.f32 v57, v33;
	v32 =	vadd.f32 v62, v61;
	(pc) =	sbr.rel @p0 .LBB2_62-.Ltmp31, $4  }
0x5c6: {  	[tilespmem:s10+$0x30] =	vst v54;
	v35 =	vadd.f32 v39, v35  }
0x5c7: {  	v63 =	vadd.f32 v60, v59;
	[tilespmem:s10+$0x20] =	vst v32  }
0x5c8: {  	[tilespmem:s10+$0xFFFFFFE0] =	vst v35  }
0x5c9: {  	s3 =	sadd.s32 $0x800, s3;
	s1 =	sadd.s32 $0x1, s1;
	[tilespmem:s10+$0xFFFFFFF0] =	vst v63  }
0x5ca: {  	[hbm4b:s21+s2] =	stream.linear.scatter [tilespmem:s28], [sflag:$0x1], $0x8000, $0x38;
	[tilespmem:$0x1CA00] =	vst v63  }
0x5cb: {  	_ =	swait.ge [sflag:s26], $0x8000  }
0x5cc: {  	[sflag:s26] =	ssyncset.done $0x0  }
0x5cd: {  	s0 =	sadd.s32 $0x1, s0;
	[sflag:s26] =	ssyncadd.s32 $0xFFFF8000  }
0x5ce: {  	p0 =	sne.s32 s0, s22;
	_ =	swait.ge [sflag:s25], $0x8000  }
.Ltmp32:
0x5cf: {  	[sflag:s25] =	ssyncset.done $0x0;
	(pc) =	sbr.rel @p0 .LBB2_1-.Ltmp32, $4  }
0x5d0: {  	[sflag:s25] =	ssyncadd.s32 $0xFFFF8000  }
0x5d1: {  	_ =	swait.ge [sflag:s31], $0x8000  }
0x5d2: {  	[sflag:s31] =	ssyncset.done $0x0  }
0x5d3: {  	[sflag:s31] =	ssyncadd.s32 $0xFFFF8000  }
0x5d4: {  	_ =	sfence.sel $0x180000  }
0x5d5: {  	[bflag:$0x0] =	sbarrier.arrive $0xFFFF  }
0x5d6: {  	_ =	strace $0x90000047  }
0x5d7: {  	s0 =	stileid.u32;
	[bflag:$0x2] =	sbarrier.arrive $0xFFFF  }
0x5d8: {  	p0 =	sne.s32 s0, $0x0;
	s0 =	rddreg [dreg:$0x2]  }
0x5d9: {  	s0 =	sadd.s32 @!p0 $0x100000, s0  }
0x5da: {  	[sflag:s0] =	ssyncadd.tile.s32 @!p0 $0x1;
	_ =	shalt  }
.Lfunc_end2:
_tile_overlayer_lowered:
.L_overlay_start_2:
0x5db: {  	(tag) =	ssettag $0x2  }
0x5dc: {  	s0 =	rddreg [dreg:$0x0];
	s2 =	stileid.u32  }
0x5dd: {  	s1 =	rddreg [dreg:$0x1];
	p0 =	sne.s32 s2, $0x0  }
0x5de: {  	s3 =	rddreg [dreg:$0x2];
	[bflag:$0x3] =	sbarrier.arrive $0xFFFF;
	s2 =	simm.s32 @!p0 $0x1C04  }
0x5df: {  	[timem:s3], [sflag:s2] =	dma.local @!p0 [hbm:s0], s1  }
0x5e0: {  	s0 =	simm.s32 @!p0 $0x4  }
0x5e1: {  	_ =	swait.ge @!p0 [sflag:s0], s1  }
0x5e2: {  	s1 =	ssub.s32 @!p0 $0x0, s1;
	[sflag:s0] =	ssyncset.done @!p0 $0x0  }
0x5e3: {  	[sflag:s0] =	ssyncadd.s32 @!p0 s1  }
0x5e4: {  	[bflag:$0x3] =	sbarrier.arrive $0xFFFF  }
0x5e5: {  	_ =	shalt  }

</sc_bundles>
